<compile_context>
chip_gen: v7x
topology: tpu7x:2x2x1
jax: 0.10.2.dev20260603
libtpu: 0.0.44.dev20260713+nightly
codegen_flags: <defaults>
</compile_context>

<pallas_src>
import functools

import jax
import jax.numpy as jnp
from jax import lax
from jax.experimental import pallas as pl
from jax.experimental.pallas import tpu as pltpu
from jax.experimental.pallas import tpu_sc as plsc

_B, _N, _C = 8, 5000, 80
_SCORE_T = 0.05
_NMS_T = 0.5
_MAXDET = 300
_NSORT = 8192
_BR = 64
_SR, _SC = 512, 128
_N16 = 5008
_NS = 5024
_KCAP = 320

_NEG_INF = float("-inf")


def _partner(x, j, axis):
    lo = jnp.roll(x, -j, axis=axis)
    hi = jnp.roll(x, j, axis=axis)
    idx = lax.broadcasted_iota(jnp.int32, (_SR, _SC), axis)
    return jnp.where((idx & j) == 0, lo, hi), (idx & j) == 0


def _reduce_body(cls_ref, cen_ref, rank_ref, lab_ref):
    cls = cls_ref[...]
    raw = jnp.max(cls, axis=0)
    iota_c = lax.broadcasted_iota(jnp.int32, (_C, _N), 0)
    lab = jnp.min(jnp.where(cls == raw[None, :], iota_c, _C), axis=0)
    cen = cen_ref[0, :]
    comb = jnp.sqrt(raw * cen)
    valid = raw > _SCORE_T
    rank_ref[0, :] = jnp.where(valid, comb, _NEG_INF)
    lab_ref[0, :] = lab


def _sort_body(rank_ref, skey_ref, sidx_ref):
    kneg = lax.bitcast_convert_type(jnp.float32(_NEG_INF), jnp.int32)
    krows = []
    for b in range(_B):
        k = lax.bitcast_convert_type(rank_ref[b], jnp.int32)
        krows.append(jnp.concatenate(
            [k, jnp.full((_NSORT - _N,), kneg, jnp.int32)]).reshape(_BR, _SC))

    K = jnp.concatenate(krows, axis=0)
    row_i = lax.broadcasted_iota(jnp.int32, (_SR, _SC), 0)
    lane_i = lax.broadcasted_iota(jnp.int32, (_SR, _SC), 1)
    brow_i = row_i & (_BR - 1)
    I = brow_i * _SC + lane_i

    kk = 2
    while kk <= _NSORT:
        if kk >= _SC:
            up = (brow_i & (kk // _SC)) == 0
        else:
            up = (lane_i & kk) == 0
        jj = kk // 2
        while jj >= 1:
            if jj >= _SC:
                pK, lower = _partner(K, jj // _SC, 0)
                pI, _ = _partner(I, jj // _SC, 0)
            else:
                pK, lower = _partner(K, jj, 1)
                pI, _ = _partner(I, jj, 1)
            a_lt_b = (K > pK) | ((K == pK) & (I < pI))
            keep_small = lower == up
            take_self = a_lt_b == keep_small
            K = jnp.where(take_self, K, pK)
            I = jnp.where(take_self, I, pI)
            jj //= 2
        kk *= 2

    skey_ref[...] = lax.bitcast_convert_type(K, jnp.float32)
    sidx_ref[...] = I


def _prep(classification, centerness):
    rank, lab = pl.pallas_call(
        _reduce_body,
        grid=(_B,),
        in_specs=[
            pl.BlockSpec((None, _C, _N), lambda b: (b, 0, 0)),
            pl.BlockSpec((None, 1, _N), lambda b: (b, 0, 0)),
        ],
        out_specs=[
            pl.BlockSpec((None, 1, _N), lambda b: (b, 0, 0)),
            pl.BlockSpec((None, 1, _N), lambda b: (b, 0, 0)),
        ],
        out_shape=[
            jax.ShapeDtypeStruct((_B, 1, _N), jnp.float32),
            jax.ShapeDtypeStruct((_B, 1, _N), jnp.int32),
        ],
    )(jnp.transpose(classification, (0, 2, 1)), centerness[:, None, :])
    rank = rank.reshape(_B, _N)
    skey, sidx = pl.pallas_call(
        _sort_body,
        out_shape=[
            jax.ShapeDtypeStruct((_SR, _SC), jnp.float32),
            jax.ShapeDtypeStruct((_SR, _SC), jnp.int32),
        ],
    )(rank)
    return (skey.reshape(_B, _NSORT), sidx.reshape(_B, _NSORT),
            lab.reshape(_B, _N))


def _sc_body(skey_h, sidx_h, lab_h, boxt_h,
             ob_h, os_h, ol_h,
             in_sidx, in_lab, in_box,
             sr, slb, sx1, sy1, sx2, sy2, sar,
             kx1, ky1, kx2, ky2, kar,
             obox, oscr, olab):
    bb = lax.axis_index("c") + 2 * lax.axis_index("s")

    @pl.when(bb < _B)
    def _work():
        pltpu.sync_copy(skey_h.at[bb, pl.ds(0, _NS)], sr)
        pltpu.sync_copy(sidx_h.at[bb, pl.ds(0, _N16)], in_sidx)
        pltpu.sync_copy(lab_h.at[bb], in_lab.at[pl.ds(0, _N)])
        pltpu.sync_copy(boxt_h.at[bb], in_box)

        lanes = lax.iota(jnp.int32, 16)
        lane0 = lanes == 0
        neg1f = jnp.full((16,), -1.0, jnp.float32)
        neg1i = jnp.full((16,), -1, jnp.int32)

        def init_k(m, carry):
            ms = pl.ds(m * 16, 16)
            kx1[ms] = neg1f
            ky1[ms] = neg1f
            kx2[ms] = neg1f
            ky2[ms] = neg1f
            kar[ms] = jnp.zeros((16,), jnp.float32)
            return carry

        lax.fori_loop(0, _KCAP // 16, init_k, 0)

        def init_o(m, carry):
            ms = pl.ds(m * 16, 16)
            oscr[ms] = neg1f
            olab[ms] = neg1i
            return carry

        lax.fori_loop(0, _KCAP // 16, init_o, 0)

        def init_ob(m, carry):
            obox[pl.ds(m * 16, 16)] = neg1f
            return carry

        lax.fori_loop(0, (_KCAP * 4) // 16, init_ob, 0)

        row0 = jnp.zeros((16,), jnp.int32)

        def gather_chunk(k, carry):
            ms = pl.ds(k * 16, 16)
            idx = in_sidx[ms]
            slb[ms] = plsc.load_gather(in_lab, [idx])
            x1 = plsc.load_gather(in_box, [row0, idx])
            y1 = plsc.load_gather(in_box, [row0 + 1, idx])
            x2 = plsc.load_gather(in_box, [row0 + 2, idx])
            y2 = plsc.load_gather(in_box, [row0 + 3, idx])
            sx1[ms] = x1
            sy1[ms] = y1
            sx2[ms] = x2
            sy2[ms] = y2
            sar[ms] = (x2 - x1) * (y2 - y1)
            return carry

        lax.fori_loop(0, _N16 // 16, gather_chunk, 0)

        def nms_cond(st):
            return st[2]

        def nms_body(st):
            ci, nk, _go = st
            cs = pl.ds(ci, 16)
            csc = sr[cs][0]
            clb = slb[cs][0]
            cx1 = sx1[cs][0]
            cy1 = sy1[cs][0]
            cx2 = sx2[cs][0]
            cy2 = sy2[cs][0]
            car = sar[cs][0]

            def ch_half(ms, supv):
                ix1 = jnp.maximum(kx1[ms], cx1)
                iy1 = jnp.maximum(ky1[ms], cy1)
                ix2 = jnp.minimum(kx2[ms], cx2)
                iy2 = jnp.minimum(ky2[ms], cy2)
                inter = (jnp.maximum(ix2 - ix1, 0.0)
                         * jnp.maximum(iy2 - iy1, 0.0))
                union = kar[ms] + car - inter
                iou = inter / union
                return supv | (iou > _NMS_T)

            def ch_body(m, supv):
                supv = ch_half(pl.ds(m * 32, 16), supv)
                return ch_half(pl.ds(m * 32 + 16, 16), supv)

            nchunks = (nk + 31) // 32
            supv = lax.fori_loop(0, nchunks, ch_body,
                                 jnp.zeros((16,), jnp.bool_))
            sup = jnp.any(supv)

            @pl.when(jnp.logical_not(sup))
            def _append():
                nkv = jnp.full((16,), nk, jnp.int32)
                plsc.store_scatter(kx1, [nkv], jnp.full((16,), cx1), mask=lane0)
                plsc.store_scatter(ky1, [nkv], jnp.full((16,), cy1), mask=lane0)
                plsc.store_scatter(kx2, [nkv], jnp.full((16,), cx2), mask=lane0)
                plsc.store_scatter(ky2, [nkv], jnp.full((16,), cy2), mask=lane0)
                plsc.store_scatter(kar, [nkv], jnp.full((16,), car), mask=lane0)
                plsc.store_scatter(oscr, [nkv], jnp.full((16,), csc), mask=lane0)
                plsc.store_scatter(olab, [nkv], jnp.full((16,), clb), mask=lane0)
                bv = jnp.where(lanes == 0, cx1,
                               jnp.where(lanes == 1, cy1,
                                         jnp.where(lanes == 2, cx2, cy2)))
                plsc.store_scatter(obox, [nk * 4 + lanes], bv, mask=lanes < 4)

            nk2 = nk + jnp.where(sup, 0, 1)
            ci2 = ci + 1
            go2 = (ci2 < _N) & (nk2 < _MAXDET) & (sr[pl.ds(ci2, 16)][0] > _NEG_INF)
            return ci2, nk2, go2

        go0 = sr[pl.ds(0, 16)][0] > _NEG_INF
        lax.while_loop(nms_cond, nms_body,
                       (jnp.int32(0), jnp.int32(0), go0))

        pltpu.sync_copy(obox, ob_h.at[bb])
        pltpu.sync_copy(oscr, os_h.at[bb])
        pltpu.sync_copy(olab, ol_h.at[bb])


def _sc_nms(skey, sidx, lab, boxt):
    mesh = plsc.VectorSubcoreMesh(core_axis_name="c", subcore_axis_name="s")
    f = pl.kernel(
        _sc_body,
        out_type=[
            jax.ShapeDtypeStruct((_B, _KCAP * 4), jnp.float32),
            jax.ShapeDtypeStruct((_B, _KCAP), jnp.float32),
            jax.ShapeDtypeStruct((_B, _KCAP), jnp.int32),
        ],
        mesh=mesh,
        compiler_params=pltpu.CompilerParams(needs_layout_passes=False,
                                             use_tc_tiling_on_sc=False),
        scratch_types=[
            pltpu.VMEM((_N16,), jnp.int32),
            pltpu.VMEM((_N16,), jnp.int32),
            pltpu.VMEM((4, _N16), jnp.float32),
            pltpu.VMEM((_NS,), jnp.float32),
            pltpu.VMEM((_NS,), jnp.int32),
            pltpu.VMEM((_NS,), jnp.float32),
            pltpu.VMEM((_NS,), jnp.float32),
            pltpu.VMEM((_NS,), jnp.float32),
            pltpu.VMEM((_NS,), jnp.float32),
            pltpu.VMEM((_NS,), jnp.float32),
            pltpu.VMEM((_KCAP,), jnp.float32),
            pltpu.VMEM((_KCAP,), jnp.float32),
            pltpu.VMEM((_KCAP,), jnp.float32),
            pltpu.VMEM((_KCAP,), jnp.float32),
            pltpu.VMEM((_KCAP,), jnp.float32),
            pltpu.VMEM((_KCAP * 4,), jnp.float32),
            pltpu.VMEM((_KCAP,), jnp.float32),
            pltpu.VMEM((_KCAP,), jnp.int32),
        ],
    )
    return f(skey, sidx, lab, boxt)


def kernel(boxes, classification, centerness):
    boxt = jnp.transpose(boxes, (0, 2, 1))
    boxt = jnp.concatenate(
        [boxt, jnp.zeros((_B, 4, _N16 - _N), jnp.float32)], axis=2)
    cen = centerness[..., 0]
    skey, sidx, lab = _prep(classification, cen)
    ob, osr, olb = _sc_nms(skey, sidx, lab, boxt)
    boxes_out = ob.reshape(_B, _KCAP, 4)[:, :_MAXDET, :]
    scores_out = osr[:, :_MAXDET]
    labels_out = olb[:, :_MAXDET]
    return boxes_out, scores_out, labels_out

# --- scband reference (transcript-rebuilt; emitter-appended) ---
"""Pipeline reference for scband-filter-detections-27247272525892 (READ-ONLY COPY).

The authoritative reference and input builder live on the scoring server;
editing this copy changes nothing except your own understanding.
"""

import jax, jax.numpy as jnp
import numpy as np

B, N, C = 8, 5000, 80
SCORE_THRESHOLD = 0.05
NMS_THRESHOLD = 0.5
MAX_DETECTIONS = 300


def setup_inputs(seed: int = 0) -> dict:
    key = jax.random.key(seed)
    k1, k2, k3 = jax.random.split(key, 3)
    # boxes: well-formed (x1, y1, x2, y2) corner boxes on a 512x512 canvas
    r = jax.random.uniform(k1, (B, N, 4), dtype=jnp.float32)
    x1 = r[..., 0] * 512.0
    y1 = r[..., 1] * 512.0
    w = r[..., 2] * 64.0 + 1.0
    h = r[..., 3] * 64.0 + 1.0
    boxes = jnp.stack([x1, y1, x1 + w, y1 + h], axis=-1)
    classification = jax.random.uniform(k2, (B, N, C), dtype=jnp.float32)
    centerness = jax.random.uniform(k3, (B, N, 1), dtype=jnp.float32)
    return {"boxes": boxes, "classification": classification, "centerness": centerness}


def _iou_matrix(b):
    x1, y1, x2, y2 = b[:, 0], b[:, 1], b[:, 2], b[:, 3]
    area = (x2 - x1) * (y2 - y1)
    ix1 = jnp.maximum(x1[:, None], x1[None, :])
    iy1 = jnp.maximum(y1[:, None], y1[None, :])
    ix2 = jnp.minimum(x2[:, None], x2[None, :])
    iy2 = jnp.minimum(y2[:, None], y2[None, :])
    inter = jnp.maximum(ix2 - ix1, 0.0) * jnp.maximum(iy2 - iy1, 0.0)
    union = area[:, None] + area[None, :] - inter
    iou = jnp.where(union > 0.0, inter / union, 0.0)
    iou = jnp.where((area[:, None] <= 0.0) | (area[None, :] <= 0.0), 0.0, iou)
    return iou


def _greedy_nms(iou, valid):
    # Exact greedy NMS on score-descending-sorted boxes: a box is suppressed
    # if any higher-ranked kept box overlaps it with IoU > threshold.
    n = iou.shape[0]
    idxs = jnp.arange(n)

    def body(keep, i):
        sup = keep[i] & (iou[i] > NMS_THRESHOLD) & (idxs > i)
        keep = keep & (~sup)
        return keep, None

    keep, _ = jax.lax.scan(body, valid, idxs)
    return keep


def _filter_one(args):
    boxes_, cls_, cen_ = args
    # class_specific_filter=False path: best class per anchor
    raw = jnp.max(cls_, axis=1)
    labels = jnp.argmax(cls_, axis=1)
    cen = cen_[:, 0]
    comb = jnp.sqrt(raw * cen)  # sqrt(score * centerness), as in the TF layer
    valid = raw > SCORE_THRESHOLD  # threshold applied to raw class score
    rank = jnp.where(valid, comb, -jnp.inf)
    order = jnp.argsort(-rank)
    b_s = boxes_[order]
    s_s = comb[order]
    l_s = labels[order]
    v_s = valid[order]
    iou = _iou_matrix(jax.lax.stop_gradient(b_s))
    keep = _greedy_nms(iou, v_s)
    keep = jax.lax.stop_gradient(keep)
    kept_scores = jnp.where(keep, s_s, -jnp.inf)
    top_s, top_i = jax.lax.top_k(kept_scores, MAX_DETECTIONS)
    k_top = keep[top_i]
    boxes_out = jnp.where(k_top[:, None], b_s[top_i], -1.0)
    scores_out = jnp.where(k_top, top_s, -1.0)
    labels_out = jnp.where(k_top, l_s[top_i], -1).astype(jnp.int32)
    return boxes_out, scores_out, labels_out


def reference(boxes, classification, centerness):
    # Sequential over the batch (mirrors tf.map_fn) to bound peak memory.
    return jax.lax.map(_filter_one, (boxes, classification, centerness))

if __name__ == "__main__":
    import jax
    _d = setup_inputs()
    print(jax.jit(kernel)(*tuple(_d.values())))

</pallas_src>

<mosaic_0001>
#map = affine_map<(d0, d1) -> (0, 0)>
#map1 = affine_map<(d0, d1) -> (0, 0, 0)>
module attributes {stable_mosaic.version = 14 : i64} {
  func.func @_sc_body(%arg0: i32, %arg1: i32, %arg2: memref<8x8192xf32, #tpu.memory_space<hbm>>, %arg3: memref<8x8192xi32, #tpu.memory_space<hbm>>, %arg4: memref<8x5000xi32, #tpu.memory_space<hbm>>, %arg5: memref<8x4x5008xf32, #tpu.memory_space<hbm>>, %arg6: memref<8x1280xf32, #tpu.memory_space<hbm>>, %arg7: memref<8x320xf32, #tpu.memory_space<hbm>>, %arg8: memref<8x320xi32, #tpu.memory_space<hbm>>, %arg9: memref<5008xi32, #tpu.memory_space<vmem>>, %arg10: memref<5008xi32, #tpu.memory_space<vmem>>, %arg11: memref<4x5008xf32, #tpu.memory_space<vmem>>, %arg12: memref<5024xf32, #tpu.memory_space<vmem>>, %arg13: memref<5024xi32, #tpu.memory_space<vmem>>, %arg14: memref<5024xf32, #tpu.memory_space<vmem>>, %arg15: memref<5024xf32, #tpu.memory_space<vmem>>, %arg16: memref<5024xf32, #tpu.memory_space<vmem>>, %arg17: memref<5024xf32, #tpu.memory_space<vmem>>, %arg18: memref<5024xf32, #tpu.memory_space<vmem>>, %arg19: memref<320xf32, #tpu.memory_space<vmem>>, %arg20: memref<320xf32, #tpu.memory_space<vmem>>, %arg21: memref<320xf32, #tpu.memory_space<vmem>>, %arg22: memref<320xf32, #tpu.memory_space<vmem>>, %arg23: memref<320xf32, #tpu.memory_space<vmem>>, %arg24: memref<1280xf32, #tpu.memory_space<vmem>>, %arg25: memref<320xf32, #tpu.memory_space<vmem>>, %arg26: memref<320xi32, #tpu.memory_space<vmem>>) attributes {dimension_semantics = [#tpu.dimension_semantics<core_parallel>, #tpu.dimension_semantics<subcore_parallel>], iteration_bounds = array<i64: 2, 16>, scalar_prefetch = 0 : i64, scratch_operands = 18 : i64, tpu.core_type = #tpu.core_type<sc_vector_subcore>, window_params = [{transform_indices = #map}, {transform_indices = #map}, {transform_indices = #map}, {transform_indices = #map1}, {transform_indices = #map}, {transform_indices = #map}, {transform_indices = #map}]} {
    %mul3A = arith.constant 2 : i32
    %mul3A_0 = arith.muli %mul3A, %arg1 : i32
    %add3A = arith.addi %arg0, %mul3A_0 : i32
    %lt3A = arith.constant 8 : i32
    %lt3A_1 = arith.cmpi slt, %add3A, %lt3A : i32
    %convert_element_type3A = arith.extui %lt3A_1 : i1 to i32
    %cond3A = arith.constant 0 : i32
    %cond3A_2 = arith.cmpi ne, %convert_element_type3A, %cond3A : i32
    scf.if %cond3A_2 {
      "tpu.region"() ({
        %run_scoped3A = tpu.sem_alloc : memref<!tpu.dma_semaphore, #tpu.memory_space<semaphore_mem>>
        %dma_start3A = arith.constant 0 : i32
        %dma_start3A_37 = tpu.memref_slice %arg2[%add3A, %dma_start3A] : memref<8x8192xf32, #tpu.memory_space<hbm>> -> memref<1x5024xf32, #tpu.memory_space<hbm>>
        %dma_start3A_38 = tpu.memref_squeeze %dma_start3A_37 : memref<1x5024xf32, #tpu.memory_space<hbm>> -> memref<5024xf32, #tpu.memory_space<hbm>>
        %dma_start3A_39 = arith.constant 0 : i32
        %dma_start3A_40 = tpu.memref_slice %arg2[%add3A, %dma_start3A_39] : memref<8x8192xf32, #tpu.memory_space<hbm>> -> memref<1x5024xf32, #tpu.memory_space<hbm>>
        %dma_start3A_41 = tpu.memref_squeeze %dma_start3A_40 : memref<1x5024xf32, #tpu.memory_space<hbm>> -> memref<5024xf32, #tpu.memory_space<hbm>>
        tpu.enqueue_dma source(%dma_start3A_41 : memref<5024xf32, #tpu.memory_space<hbm>>) target(%arg12 : memref<5024xf32, #tpu.memory_space<vmem>>) target_semaphore(%run_scoped3A : memref<!tpu.dma_semaphore, #tpu.memory_space<semaphore_mem>>)
        %dma_wait3A = arith.constant 0 : i32
        %dma_wait3A_42 = tpu.memref_slice %arg2[%add3A, %dma_wait3A] : memref<8x8192xf32, #tpu.memory_space<hbm>> -> memref<1x5024xf32, #tpu.memory_space<hbm>>
        %dma_wait3A_43 = tpu.memref_squeeze %dma_wait3A_42 : memref<1x5024xf32, #tpu.memory_space<hbm>> -> memref<5024xf32, #tpu.memory_space<hbm>>
        %dma_wait3A_44 = arith.constant 0 : i32
        %dma_wait3A_45 = tpu.memref_slice %arg2[%add3A, %dma_wait3A_44] : memref<8x8192xf32, #tpu.memory_space<hbm>> -> memref<1x5024xf32, #tpu.memory_space<hbm>>
        %dma_wait3A_46 = tpu.memref_squeeze %dma_wait3A_45 : memref<1x5024xf32, #tpu.memory_space<hbm>> -> memref<5024xf32, #tpu.memory_space<hbm>>
        tpu.wait_dma2 semaphore(%run_scoped3A : memref<!tpu.dma_semaphore, #tpu.memory_space<semaphore_mem>>) src(%dma_wait3A_46 : memref<5024xf32, #tpu.memory_space<hbm>>) dst(%arg12 : memref<5024xf32, #tpu.memory_space<vmem>>)
        tpu.yield
      }) : () -> ()
      "tpu.region"() ({
        %run_scoped3A = tpu.sem_alloc : memref<!tpu.dma_semaphore, #tpu.memory_space<semaphore_mem>>
        %dma_start3A = arith.constant 0 : i32
        %dma_start3A_37 = tpu.memref_slice %arg3[%add3A, %dma_start3A] : memref<8x8192xi32, #tpu.memory_space<hbm>> -> memref<1x5008xi32, #tpu.memory_space<hbm>>
        %dma_start3A_38 = tpu.memref_squeeze %dma_start3A_37 : memref<1x5008xi32, #tpu.memory_space<hbm>> -> memref<5008xi32, #tpu.memory_space<hbm>>
        %dma_start3A_39 = arith.constant 0 : i32
        %dma_start3A_40 = tpu.memref_slice %arg3[%add3A, %dma_start3A_39] : memref<8x8192xi32, #tpu.memory_space<hbm>> -> memref<1x5008xi32, #tpu.memory_space<hbm>>
        %dma_start3A_41 = tpu.memref_squeeze %dma_start3A_40 : memref<1x5008xi32, #tpu.memory_space<hbm>> -> memref<5008xi32, #tpu.memory_space<hbm>>
        tpu.enqueue_dma source(%dma_start3A_41 : memref<5008xi32, #tpu.memory_space<hbm>>) target(%arg9 : memref<5008xi32, #tpu.memory_space<vmem>>) target_semaphore(%run_scoped3A : memref<!tpu.dma_semaphore, #tpu.memory_space<semaphore_mem>>)
        %dma_wait3A = arith.constant 0 : i32
        %dma_wait3A_42 = tpu.memref_slice %arg3[%add3A, %dma_wait3A] : memref<8x8192xi32, #tpu.memory_space<hbm>> -> memref<1x5008xi32, #tpu.memory_space<hbm>>
        %dma_wait3A_43 = tpu.memref_squeeze %dma_wait3A_42 : memref<1x5008xi32, #tpu.memory_space<hbm>> -> memref<5008xi32, #tpu.memory_space<hbm>>
        %dma_wait3A_44 = arith.constant 0 : i32
        %dma_wait3A_45 = tpu.memref_slice %arg3[%add3A, %dma_wait3A_44] : memref<8x8192xi32, #tpu.memory_space<hbm>> -> memref<1x5008xi32, #tpu.memory_space<hbm>>
        %dma_wait3A_46 = tpu.memref_squeeze %dma_wait3A_45 : memref<1x5008xi32, #tpu.memory_space<hbm>> -> memref<5008xi32, #tpu.memory_space<hbm>>
        tpu.wait_dma2 semaphore(%run_scoped3A : memref<!tpu.dma_semaphore, #tpu.memory_space<semaphore_mem>>) src(%dma_wait3A_46 : memref<5008xi32, #tpu.memory_space<hbm>>) dst(%arg9 : memref<5008xi32, #tpu.memory_space<vmem>>)
        tpu.yield
      }) : () -> ()
      "tpu.region"() ({
        %run_scoped3A = tpu.sem_alloc : memref<!tpu.dma_semaphore, #tpu.memory_space<semaphore_mem>>
        %dma_start3A = arith.constant 0 : i32
        %dma_start3A_37 = tpu.memref_slice %arg10[%dma_start3A] : memref<5008xi32, #tpu.memory_space<vmem>> -> memref<5000xi32, #tpu.memory_space<vmem>>
        %dma_start3A_38 = arith.constant 0 : i32
        %dma_start3A_39 = tpu.memref_slice %arg4[%add3A, %dma_start3A_38] : memref<8x5000xi32, #tpu.memory_space<hbm>> -> memref<1x5000xi32, #tpu.memory_space<hbm>>
        %dma_start3A_40 = tpu.memref_squeeze %dma_start3A_39 : memref<1x5000xi32, #tpu.memory_space<hbm>> -> memref<5000xi32, #tpu.memory_space<hbm>>
        %dma_start3A_41 = arith.constant 0 : i32
        %dma_start3A_42 = tpu.memref_slice %arg10[%dma_start3A_41] : memref<5008xi32, #tpu.memory_space<vmem>> -> memref<5000xi32, #tpu.memory_space<vmem>>
        %dma_start3A_43 = arith.constant 0 : i32
        %dma_start3A_44 = tpu.memref_slice %arg4[%add3A, %dma_start3A_43] : memref<8x5000xi32, #tpu.memory_space<hbm>> -> memref<1x5000xi32, #tpu.memory_space<hbm>>
        %dma_start3A_45 = tpu.memref_squeeze %dma_start3A_44 : memref<1x5000xi32, #tpu.memory_space<hbm>> -> memref<5000xi32, #tpu.memory_space<hbm>>
        tpu.enqueue_dma source(%dma_start3A_45 : memref<5000xi32, #tpu.memory_space<hbm>>) target(%dma_start3A_42 : memref<5000xi32, #tpu.memory_space<vmem>>) target_semaphore(%run_scoped3A : memref<!tpu.dma_semaphore, #tpu.memory_space<semaphore_mem>>)
        %dma_wait3A = arith.constant 0 : i32
        %dma_wait3A_46 = tpu.memref_slice %arg10[%dma_wait3A] : memref<5008xi32, #tpu.memory_space<vmem>> -> memref<5000xi32, #tpu.memory_space<vmem>>
        %dma_wait3A_47 = arith.constant 0 : i32
        %dma_wait3A_48 = tpu.memref_slice %arg4[%add3A, %dma_wait3A_47] : memref<8x5000xi32, #tpu.memory_space<hbm>> -> memref<1x5000xi32, #tpu.memory_space<hbm>>
        %dma_wait3A_49 = tpu.memref_squeeze %dma_wait3A_48 : memref<1x5000xi32, #tpu.memory_space<hbm>> -> memref<5000xi32, #tpu.memory_space<hbm>>
        %dma_wait3A_50 = arith.constant 0 : i32
        %dma_wait3A_51 = tpu.memref_slice %arg10[%dma_wait3A_50] : memref<5008xi32, #tpu.memory_space<vmem>> -> memref<5000xi32, #tpu.memory_space<vmem>>
        %dma_wait3A_52 = arith.constant 0 : i32
        %dma_wait3A_53 = tpu.memref_slice %arg4[%add3A, %dma_wait3A_52] : memref<8x5000xi32, #tpu.memory_space<hbm>> -> memref<1x5000xi32, #tpu.memory_space<hbm>>
        %dma_wait3A_54 = tpu.memref_squeeze %dma_wait3A_53 : memref<1x5000xi32, #tpu.memory_space<hbm>> -> memref<5000xi32, #tpu.memory_space<hbm>>
        tpu.wait_dma2 semaphore(%run_scoped3A : memref<!tpu.dma_semaphore, #tpu.memory_space<semaphore_mem>>) src(%dma_wait3A_54 : memref<5000xi32, #tpu.memory_space<hbm>>) dst(%dma_wait3A_51 : memref<5000xi32, #tpu.memory_space<vmem>>)
        tpu.yield
      }) : () -> ()
      "tpu.region"() ({
        %run_scoped3A = tpu.sem_alloc : memref<!tpu.dma_semaphore, #tpu.memory_space<semaphore_mem>>
        %dma_start3A = arith.constant 0 : i32
        %dma_start3A_37 = arith.constant 0 : i32
        %dma_start3A_38 = tpu.memref_slice %arg5[%add3A, %dma_start3A, %dma_start3A_37] : memref<8x4x5008xf32, #tpu.memory_space<hbm>> -> memref<1x4x5008xf32, #tpu.memory_space<hbm>>
        %dma_start3A_39 = tpu.memref_squeeze %dma_start3A_38 : memref<1x4x5008xf32, #tpu.memory_space<hbm>> -> memref<4x5008xf32, #tpu.memory_space<hbm>>
        %dma_start3A_40 = arith.constant 0 : i32
        %dma_start3A_41 = arith.constant 0 : i32
        %dma_start3A_42 = tpu.memref_slice %arg5[%add3A, %dma_start3A_40, %dma_start3A_41] : memref<8x4x5008xf32, #tpu.memory_space<hbm>> -> memref<1x4x5008xf32, #tpu.memory_space<hbm>>
        %dma_start3A_43 = tpu.memref_squeeze %dma_start3A_42 : memref<1x4x5008xf32, #tpu.memory_space<hbm>> -> memref<4x5008xf32, #tpu.memory_space<hbm>>
        tpu.enqueue_dma source(%dma_start3A_43 : memref<4x5008xf32, #tpu.memory_space<hbm>>) target(%arg11 : memref<4x5008xf32, #tpu.memory_space<vmem>>) target_semaphore(%run_scoped3A : memref<!tpu.dma_semaphore, #tpu.memory_space<semaphore_mem>>)
        %dma_wait3A = arith.constant 0 : i32
        %dma_wait3A_44 = arith.constant 0 : i32
        %dma_wait3A_45 = tpu.memref_slice %arg5[%add3A, %dma_wait3A, %dma_wait3A_44] : memref<8x4x5008xf32, #tpu.memory_space<hbm>> -> memref<1x4x5008xf32, #tpu.memory_space<hbm>>
        %dma_wait3A_46 = tpu.memref_squeeze %dma_wait3A_45 : memref<1x4x5008xf32, #tpu.memory_space<hbm>> -> memref<4x5008xf32, #tpu.memory_space<hbm>>
        %dma_wait3A_47 = arith.constant 0 : i32
        %dma_wait3A_48 = arith.constant 0 : i32
        %dma_wait3A_49 = tpu.memref_slice %arg5[%add3A, %dma_wait3A_47, %dma_wait3A_48] : memref<8x4x5008xf32, #tpu.memory_space<hbm>> -> memref<1x4x5008xf32, #tpu.memory_space<hbm>>
        %dma_wait3A_50 = tpu.memref_squeeze %dma_wait3A_49 : memref<1x4x5008xf32, #tpu.memory_space<hbm>> -> memref<4x5008xf32, #tpu.memory_space<hbm>>
        tpu.wait_dma2 semaphore(%run_scoped3A : memref<!tpu.dma_semaphore, #tpu.memory_space<semaphore_mem>>) src(%dma_wait3A_50 : memref<4x5008xf32, #tpu.memory_space<hbm>>) dst(%arg11 : memref<4x5008xf32, #tpu.memory_space<vmem>>)
        tpu.yield
      }) : () -> ()
      %iota3A = tpu.iota {dimensions = array<i32: 0>} : vector<16xi32>
      %eq3A = arith.constant 0 : i32
      %eq3A_3 = vector.broadcast %eq3A : i32 to vector<16xi32>
      %eq3A_4 = arith.cmpi eq, %iota3A, %eq3A_3 : vector<16xi32>
      %broadcast_in_dim3A = arith.constant -1.000000e+00 : f32
      %broadcast_in_dim3A_5 = vector.broadcast %broadcast_in_dim3A : f32 to vector<16xf32>
      %broadcast_in_dim3A_6 = arith.constant -1 : i32
      %broadcast_in_dim3A_7 = vector.broadcast %broadcast_in_dim3A_6 : i32 to vector<16xi32>
      %scan3A = arith.constant 0 : i32
      %scan3A_8 = arith.constant 0 : i32
      %scan3A_9 = arith.constant 20 : i32
      %scan3A_10 = arith.addi %scan3A_8, %scan3A_9 : i32
      %scan3A_11 = arith.constant 1 : i32
      scf.for %scan3A_37 = %scan3A_8 to %scan3A_10 step %scan3A_11  : i32 {
        %mul3A_38 = arith.constant 16 : i32
        %mul3A_39 = arith.muli %scan3A_37, %mul3A_38 : i32
        %swap3A = arith.index_cast %mul3A_39 : i32 to index
        %swap3A_40 = tpu.vector_load %arg19[%swap3A] {strides = array<i32>} : memref<320xf32, #tpu.memory_space<vmem>>, vector<16xf32>,
        tpu.vector_store %arg19[%swap3A], %broadcast_in_dim3A_5 {strides = array<i32>} : memref<320xf32, #tpu.memory_space<vmem>>, vector<16xf32>,
        %swap3A_41 = arith.index_cast %mul3A_39 : i32 to index
        %swap3A_42 = tpu.vector_load %arg20[%swap3A_41] {strides = array<i32>} : memref<320xf32, #tpu.memory_space<vmem>>, vector<16xf32>,
        tpu.vector_store %arg20[%swap3A_41], %broadcast_in_dim3A_5 {strides = array<i32>} : memref<320xf32, #tpu.memory_space<vmem>>, vector<16xf32>,
        %swap3A_43 = arith.index_cast %mul3A_39 : i32 to index
        %swap3A_44 = tpu.vector_load %arg21[%swap3A_43] {strides = array<i32>} : memref<320xf32, #tpu.memory_space<vmem>>, vector<16xf32>,
        tpu.vector_store %arg21[%swap3A_43], %broadcast_in_dim3A_5 {strides = array<i32>} : memref<320xf32, #tpu.memory_space<vmem>>, vector<16xf32>,
        %swap3A_45 = arith.index_cast %mul3A_39 : i32 to index
        %swap3A_46 = tpu.vector_load %arg22[%swap3A_45] {strides = array<i32>} : memref<320xf32, #tpu.memory_space<vmem>>, vector<16xf32>,
        tpu.vector_store %arg22[%swap3A_45], %broadcast_in_dim3A_5 {strides = array<i32>} : memref<320xf32, #tpu.memory_space<vmem>>, vector<16xf32>,
        %broadcast_in_dim3A_47 = arith.constant 0.000000e+00 : f32
        %broadcast_in_dim3A_48 = vector.broadcast %broadcast_in_dim3A_47 : f32 to vector<16xf32>
        %swap3A_49 = arith.index_cast %mul3A_39 : i32 to index
        %swap3A_50 = tpu.vector_load %arg23[%swap3A_49] {strides = array<i32>} : memref<320xf32, #tpu.memory_space<vmem>>, vector<16xf32>,
        tpu.vector_store %arg23[%swap3A_49], %broadcast_in_dim3A_48 {strides = array<i32>} : memref<320xf32, #tpu.memory_space<vmem>>, vector<16xf32>,
      }
      %scan3A_12 = arith.constant 20 : i32
      %scan3A_13 = arith.constant 0 : i32
      %scan3A_14 = arith.constant 0 : i32
      %scan3A_15 = arith.constant 20 : i32
      %scan3A_16 = arith.addi %scan3A_14, %scan3A_15 : i32
      %scan3A_17 = arith.constant 1 : i32
      scf.for %scan3A_37 = %scan3A_14 to %scan3A_16 step %scan3A_17  : i32 {
        %mul3A_38 = arith.constant 16 : i32
        %mul3A_39 = arith.muli %scan3A_37, %mul3A_38 : i32
        %swap3A = arith.index_cast %mul3A_39 : i32 to index
        %swap3A_40 = tpu.vector_load %arg25[%swap3A] {strides = array<i32>} : memref<320xf32, #tpu.memory_space<vmem>>, vector<16xf32>,
        tpu.vector_store %arg25[%swap3A], %broadcast_in_dim3A_5 {strides = array<i32>} : memref<320xf32, #tpu.memory_space<vmem>>, vector<16xf32>,
        %swap3A_41 = arith.index_cast %mul3A_39 : i32 to index
        %swap3A_42 = tpu.vector_load %arg26[%swap3A_41] {strides = array<i32>} : memref<320xi32, #tpu.memory_space<vmem>>, vector<16xi32>,
        tpu.vector_store %arg26[%swap3A_41], %broadcast_in_dim3A_7 {strides = array<i32>} : memref<320xi32, #tpu.memory_space<vmem>>, vector<16xi32>,
      }
      %scan3A_18 = arith.constant 20 : i32
      %scan3A_19 = arith.constant 0 : i32
      %scan3A_20 = arith.constant 0 : i32
      %scan3A_21 = arith.constant 80 : i32
      %scan3A_22 = arith.addi %scan3A_20, %scan3A_21 : i32
      %scan3A_23 = arith.constant 1 : i32
      scf.for %scan3A_37 = %scan3A_20 to %scan3A_22 step %scan3A_23  : i32 {
        %mul3A_38 = arith.constant 16 : i32
        %mul3A_39 = arith.muli %scan3A_37, %mul3A_38 : i32
        %swap3A = arith.index_cast %mul3A_39 : i32 to index
        %swap3A_40 = tpu.vector_load %arg24[%swap3A] {strides = array<i32>} : memref<1280xf32, #tpu.memory_space<vmem>>, vector<16xf32>,
        tpu.vector_store %arg24[%swap3A], %broadcast_in_dim3A_5 {strides = array<i32>} : memref<1280xf32, #tpu.memory_space<vmem>>, vector<16xf32>,
      }
      %scan3A_24 = arith.constant 80 : i32
      %broadcast_in_dim3A_25 = arith.constant 0 : i32
      %broadcast_in_dim3A_26 = vector.broadcast %broadcast_in_dim3A_25 : i32 to vector<16xi32>
      %scan3A_27 = arith.constant 0 : i32
      %scan3A_28 = arith.constant 0 : i32
      %scan3A_29 = arith.constant 313 : i32
      %scan3A_30 = arith.addi %scan3A_28, %scan3A_29 : i32
      %scan3A_31 = arith.constant 1 : i32
      scf.for %scan3A_37 = %scan3A_28 to %scan3A_30 step %scan3A_31  : i32 {
        %mul3A_38 = arith.constant 16 : i32
        %mul3A_39 = arith.muli %scan3A_37, %mul3A_38 : i32
        %get3A_40 = arith.index_cast %mul3A_39 : i32 to index
        %get3A_41 = tpu.vector_load %arg9[%get3A_40] {strides = array<i32>} : memref<5008xi32, #tpu.memory_space<vmem>>, vector<16xi32>,
        %gather3A = tpu.vector_load_idx %arg10[%get3A_41] : memref<5008xi32, #tpu.memory_space<vmem>>[vector<16xi32>], vector<16xi32>,
        %swap3A = arith.index_cast %mul3A_39 : i32 to index
        %swap3A_42 = tpu.vector_load %arg13[%swap3A] {strides = array<i32>} : memref<5024xi32, #tpu.memory_space<vmem>>, vector<16xi32>,
        tpu.vector_store %arg13[%swap3A], %gather3A {strides = array<i32>} : memref<5024xi32, #tpu.memory_space<vmem>>, vector<16xi32>,
        %gather3A_43 = tpu.vector_load_idx %arg11[%broadcast_in_dim3A_26, %get3A_41] : memref<4x5008xf32, #tpu.memory_space<vmem>>[vector<16xi32>, vector<16xi32>], vector<16xf32>,
        %add3A_44 = arith.constant 1 : i32
        %add3A_45 = vector.broadcast %add3A_44 : i32 to vector<16xi32>
        %add3A_46 = arith.addi %broadcast_in_dim3A_26, %add3A_45 : vector<16xi32>
        %gather3A_47 = tpu.vector_load_idx %arg11[%add3A_46, %get3A_41] : memref<4x5008xf32, #tpu.memory_space<vmem>>[vector<16xi32>, vector<16xi32>], vector<16xf32>,
        %add3A_48 = arith.constant 2 : i32
        %add3A_49 = vector.broadcast %add3A_48 : i32 to vector<16xi32>
        %add3A_50 = arith.addi %broadcast_in_dim3A_26, %add3A_49 : vector<16xi32>
        %gather3A_51 = tpu.vector_load_idx %arg11[%add3A_50, %get3A_41] : memref<4x5008xf32, #tpu.memory_space<vmem>>[vector<16xi32>, vector<16xi32>], vector<16xf32>,
        %add3A_52 = arith.constant 3 : i32
        %add3A_53 = vector.broadcast %add3A_52 : i32 to vector<16xi32>
        %add3A_54 = arith.addi %broadcast_in_dim3A_26, %add3A_53 : vector<16xi32>
        %gather3A_55 = tpu.vector_load_idx %arg11[%add3A_54, %get3A_41] : memref<4x5008xf32, #tpu.memory_space<vmem>>[vector<16xi32>, vector<16xi32>], vector<16xf32>,
        %swap3A_56 = arith.index_cast %mul3A_39 : i32 to index
        %swap3A_57 = tpu.vector_load %arg14[%swap3A_56] {strides = array<i32>} : memref<5024xf32, #tpu.memory_space<vmem>>, vector<16xf32>,
        tpu.vector_store %arg14[%swap3A_56], %gather3A_43 {strides = array<i32>} : memref<5024xf32, #tpu.memory_space<vmem>>, vector<16xf32>,
        %swap3A_58 = arith.index_cast %mul3A_39 : i32 to index
        %swap3A_59 = tpu.vector_load %arg15[%swap3A_58] {strides = array<i32>} : memref<5024xf32, #tpu.memory_space<vmem>>, vector<16xf32>,
        tpu.vector_store %arg15[%swap3A_58], %gather3A_47 {strides = array<i32>} : memref<5024xf32, #tpu.memory_space<vmem>>, vector<16xf32>,
        %swap3A_60 = arith.index_cast %mul3A_39 : i32 to index
        %swap3A_61 = tpu.vector_load %arg16[%swap3A_60] {strides = array<i32>} : memref<5024xf32, #tpu.memory_space<vmem>>, vector<16xf32>,
        tpu.vector_store %arg16[%swap3A_60], %gather3A_51 {strides = array<i32>} : memref<5024xf32, #tpu.memory_space<vmem>>, vector<16xf32>,
        %swap3A_62 = arith.index_cast %mul3A_39 : i32 to index
        %swap3A_63 = tpu.vector_load %arg17[%swap3A_62] {strides = array<i32>} : memref<5024xf32, #tpu.memory_space<vmem>>, vector<16xf32>,
        tpu.vector_store %arg17[%swap3A_62], %gather3A_55 {strides = array<i32>} : memref<5024xf32, #tpu.memory_space<vmem>>, vector<16xf32>,
        %sub3A = arith.subf %gather3A_51, %gather3A_43 : vector<16xf32>
        %sub3A_64 = arith.subf %gather3A_55, %gather3A_47 : vector<16xf32>
        %mul3A_65 = arith.mulf %sub3A, %sub3A_64 : vector<16xf32>
        %swap3A_66 = arith.index_cast %mul3A_39 : i32 to index
        %swap3A_67 = tpu.vector_load %arg18[%swap3A_66] {strides = array<i32>} : memref<5024xf32, #tpu.memory_space<vmem>>, vector<16xf32>,
        tpu.vector_store %arg18[%swap3A_66], %mul3A_65 {strides = array<i32>} : memref<5024xf32, #tpu.memory_space<vmem>>, vector<16xf32>,
      }
      %scan3A_32 = arith.constant 313 : i32
      %get3A = arith.constant 0 : index
      %get3A_33 = tpu.vector_load %arg12[%get3A] {strides = array<i32>} : memref<5024xf32, #tpu.memory_space<vmem>>, vector<16xf32>,
      %slice3A = vector.extract_strided_slice %get3A_33 {offsets = [0], sizes = [1], strides = [1]} : vector<16xf32> to vector<1xf32>
      %squeeze3A = vector.extract %slice3A[0] : f32 from vector<1xf32>
      %gt3A = arith.constant 0xFF800000 : f32
      %gt3A_34 = arith.cmpf ogt, %squeeze3A, %gt3A : f32
      %while3A = arith.constant 0 : i32
      %while3A_35 = arith.constant 0 : i32
      %while3A_36:3 = scf.while (%while3A_37 = %while3A, %while3A_38 = %while3A_35, %while3A_39 = %gt3A_34) : (i32, i32, i1) -> (i32, i32, i1) {
        scf.condition(%while3A_39) %while3A_37, %while3A_38, %while3A_39 : i32, i32, i1
      } do {
      ^bb0(%while3A_37: i32, %while3A_38: i32, %while3A_39: i1):
        %get3A_40 = arith.index_cast %while3A_37 : i32 to index
        %get3A_41 = tpu.vector_load %arg12[%get3A_40] {strides = array<i32>} : memref<5024xf32, #tpu.memory_space<vmem>>, vector<16xf32>,
        %slice3A_42 = vector.extract_strided_slice %get3A_41 {offsets = [0], sizes = [1], strides = [1]} : vector<16xf32> to vector<1xf32>
        %squeeze3A_43 = vector.extract %slice3A_42[0] : f32 from vector<1xf32>
        %get3A_44 = arith.index_cast %while3A_37 : i32 to index
        %get3A_45 = tpu.vector_load %arg13[%get3A_44] {strides = array<i32>} : memref<5024xi32, #tpu.memory_space<vmem>>, vector<16xi32>,
        %slice3A_46 = vector.extract_strided_slice %get3A_45 {offsets = [0], sizes = [1], strides = [1]} : vector<16xi32> to vector<1xi32>
        %squeeze3A_47 = vector.extract %slice3A_46[0] : i32 from vector<1xi32>
        %get3A_48 = arith.index_cast %while3A_37 : i32 to index
        %get3A_49 = tpu.vector_load %arg14[%get3A_48] {strides = array<i32>} : memref<5024xf32, #tpu.memory_space<vmem>>, vector<16xf32>,
        %slice3A_50 = vector.extract_strided_slice %get3A_49 {offsets = [0], sizes = [1], strides = [1]} : vector<16xf32> to vector<1xf32>
        %squeeze3A_51 = vector.extract %slice3A_50[0] : f32 from vector<1xf32>
        %get3A_52 = arith.index_cast %while3A_37 : i32 to index
        %get3A_53 = tpu.vector_load %arg15[%get3A_52] {strides = array<i32>} : memref<5024xf32, #tpu.memory_space<vmem>>, vector<16xf32>,
        %slice3A_54 = vector.extract_strided_slice %get3A_53 {offsets = [0], sizes = [1], strides = [1]} : vector<16xf32> to vector<1xf32>
        %squeeze3A_55 = vector.extract %slice3A_54[0] : f32 from vector<1xf32>
        %get3A_56 = arith.index_cast %while3A_37 : i32 to index
        %get3A_57 = tpu.vector_load %arg16[%get3A_56] {strides = array<i32>} : memref<5024xf32, #tpu.memory_space<vmem>>, vector<16xf32>,
        %slice3A_58 = vector.extract_strided_slice %get3A_57 {offsets = [0], sizes = [1], strides = [1]} : vector<16xf32> to vector<1xf32>
        %squeeze3A_59 = vector.extract %slice3A_58[0] : f32 from vector<1xf32>
        %get3A_60 = arith.index_cast %while3A_37 : i32 to index
        %get3A_61 = tpu.vector_load %arg17[%get3A_60] {strides = array<i32>} : memref<5024xf32, #tpu.memory_space<vmem>>, vector<16xf32>,
        %slice3A_62 = vector.extract_strided_slice %get3A_61 {offsets = [0], sizes = [1], strides = [1]} : vector<16xf32> to vector<1xf32>
        %squeeze3A_63 = vector.extract %slice3A_62[0] : f32 from vector<1xf32>
        %get3A_64 = arith.index_cast %while3A_37 : i32 to index
        %get3A_65 = tpu.vector_load %arg18[%get3A_64] {strides = array<i32>} : memref<5024xf32, #tpu.memory_space<vmem>>, vector<16xf32>,
        %slice3A_66 = vector.extract_strided_slice %get3A_65 {offsets = [0], sizes = [1], strides = [1]} : vector<16xf32> to vector<1xf32>
        %squeeze3A_67 = vector.extract %slice3A_66[0] : f32 from vector<1xf32>
        %add3A_68 = arith.constant 31 : i32
        %add3A_69 = arith.addi %while3A_38, %add3A_68 : i32
        %jit3A = arith.constant 32 : i32
        %div3A = arith.divsi %add3A_69, %jit3A : i32
        %sign3A = arith.constant 0 : i32
        %sign3A_70 = arith.cmpi sgt, %add3A_69, %sign3A : i32
        %sign3A_71 = arith.extui %sign3A_70 : i1 to i32
        %sign3A_72 = arith.constant 0 : i32
        %sign3A_73 = arith.cmpi slt, %add3A_69, %sign3A_72 : i32
        %sign3A_74 = arith.extui %sign3A_73 : i1 to i32
        %sign3A_75 = arith.subi %sign3A_71, %sign3A_74 : i32
        %sign3A_76 = arith.constant 0 : i32
        %sign3A_77 = arith.cmpi sgt, %jit3A, %sign3A_76 : i32
        %sign3A_78 = arith.extui %sign3A_77 : i1 to i32
        %sign3A_79 = arith.constant 0 : i32
        %sign3A_80 = arith.cmpi slt, %jit3A, %sign3A_79 : i32
        %sign3A_81 = arith.extui %sign3A_80 : i1 to i32
        %sign3A_82 = arith.subi %sign3A_78, %sign3A_81 : i32
        %ne3A = arith.cmpi ne, %sign3A_75, %sign3A_82 : i32
        %rem3A = arith.remsi %add3A_69, %jit3A : i32
        %ne3A_83 = arith.constant 0 : i32
        %ne3A_84 = arith.cmpi ne, %rem3A, %ne3A_83 : i32
        %and3A = arith.andi %ne3A, %ne3A_84 : i1
        %sub3A = arith.constant 1 : i32
        %sub3A_85 = arith.subi %div3A, %sub3A : i32
        %select_n3A = arith.select %and3A, %sub3A_85, %div3A : i32
        %broadcast_in_dim3A_86 = arith.constant false
        %broadcast_in_dim3A_87 = vector.broadcast %broadcast_in_dim3A_86 : i1 to vector<16xi1>
        %while3A_88 = arith.constant 0 : i32
        %while3A_89 = arith.subi %select_n3A, %while3A_88 : i32
        %while3A_90 = arith.addi %while3A_88, %while3A_89 : i32
        %while3A_91 = arith.constant 1 : i32
        %while3A_92 = arith.divsi %while3A_89, %while3A_91 : i32
        %while3A_93 = arith.muli %while3A_92, %while3A_91 : i32
        %while3A_94 = arith.addi %while3A_88, %while3A_93 : i32
        %while3A_95 = arith.constant 1 : i32
        %while3A_96 = scf.for %while3A_131 = %while3A_88 to %while3A_94 step %while3A_95 iter_args(%while3A_132 = %broadcast_in_dim3A_87) -> (vector<16xi1>)  : i32 {
          %mul3A_133 = arith.constant 32 : i32
          %mul3A_134 = arith.muli %while3A_131, %mul3A_133 : i32
          %get3A_135 = arith.index_cast %mul3A_134 : i32 to index
          %get3A_136 = tpu.vector_load %arg19[%get3A_135] {strides = array<i32>} : memref<320xf32, #tpu.memory_space<vmem>>, vector<16xf32>,
          %max3A = vector.broadcast %squeeze3A_51 : f32 to vector<16xf32>
          %max3A_137 = arith.maximumf %get3A_136, %max3A : vector<16xf32>
          %get3A_138 = arith.index_cast %mul3A_134 : i32 to index
          %get3A_139 = tpu.vector_load %arg20[%get3A_138] {strides = array<i32>} : memref<320xf32, #tpu.memory_space<vmem>>, vector<16xf32>,
          %max3A_140 = vector.broadcast %squeeze3A_55 : f32 to vector<16xf32>
          %max3A_141 = arith.maximumf %get3A_139, %max3A_140 : vector<16xf32>
          %get3A_142 = arith.index_cast %mul3A_134 : i32 to index
          %get3A_143 = tpu.vector_load %arg21[%get3A_142] {strides = array<i32>} : memref<320xf32, #tpu.memory_space<vmem>>, vector<16xf32>,
          %min3A = vector.broadcast %squeeze3A_59 : f32 to vector<16xf32>
          %min3A_144 = arith.minimumf %get3A_143, %min3A : vector<16xf32>
          %get3A_145 = arith.index_cast %mul3A_134 : i32 to index
          %get3A_146 = tpu.vector_load %arg22[%get3A_145] {strides = array<i32>} : memref<320xf32, #tpu.memory_space<vmem>>, vector<16xf32>,
          %min3A_147 = vector.broadcast %squeeze3A_63 : f32 to vector<16xf32>
          %min3A_148 = arith.minimumf %get3A_146, %min3A_147 : vector<16xf32>
          %sub3A_149 = arith.subf %min3A_144, %max3A_137 : vector<16xf32>
          %max3A_150 = arith.constant 0.000000e+00 : f32
          %max3A_151 = vector.broadcast %max3A_150 : f32 to vector<16xf32>
          %max3A_152 = arith.maximumf %sub3A_149, %max3A_151 : vector<16xf32>
          %sub3A_153 = arith.subf %min3A_148, %max3A_141 : vector<16xf32>
          %max3A_154 = arith.constant 0.000000e+00 : f32
          %max3A_155 = vector.broadcast %max3A_154 : f32 to vector<16xf32>
          %max3A_156 = arith.maximumf %sub3A_153, %max3A_155 : vector<16xf32>
          %mul3A_157 = arith.mulf %max3A_152, %max3A_156 : vector<16xf32>
          %get3A_158 = arith.index_cast %mul3A_134 : i32 to index
          %get3A_159 = tpu.vector_load %arg23[%get3A_158] {strides = array<i32>} : memref<320xf32, #tpu.memory_space<vmem>>, vector<16xf32>,
          %add3A_160 = vector.broadcast %squeeze3A_67 : f32 to vector<16xf32>
          %add3A_161 = arith.addf %get3A_159, %add3A_160 : vector<16xf32>
          %sub3A_162 = arith.subf %add3A_161, %mul3A_157 : vector<16xf32>
          %div3A_163 = arith.divf %mul3A_157, %sub3A_162 : vector<16xf32>
          %gt3A_164 = arith.constant 5.000000e-01 : f32
          %gt3A_165 = vector.broadcast %gt3A_164 : f32 to vector<16xf32>
          %gt3A_166 = arith.cmpf ogt, %div3A_163, %gt3A_165 : vector<16xf32>
          %or3A = arith.ori %while3A_132, %gt3A_166 : vector<16xi1>
          %mul3A_167 = arith.constant 32 : i32
          %mul3A_168 = arith.muli %while3A_131, %mul3A_167 : i32
          %add3A_169 = arith.constant 16 : i32
          %add3A_170 = arith.addi %mul3A_168, %add3A_169 : i32
          %get3A_171 = arith.index_cast %add3A_170 : i32 to index
          %get3A_172 = tpu.vector_load %arg19[%get3A_171] {strides = array<i32>} : memref<320xf32, #tpu.memory_space<vmem>>, vector<16xf32>,
          %max3A_173 = vector.broadcast %squeeze3A_51 : f32 to vector<16xf32>
          %max3A_174 = arith.maximumf %get3A_172, %max3A_173 : vector<16xf32>
          %get3A_175 = arith.index_cast %add3A_170 : i32 to index
          %get3A_176 = tpu.vector_load %arg20[%get3A_175] {strides = array<i32>} : memref<320xf32, #tpu.memory_space<vmem>>, vector<16xf32>,
          %max3A_177 = vector.broadcast %squeeze3A_55 : f32 to vector<16xf32>
          %max3A_178 = arith.maximumf %get3A_176, %max3A_177 : vector<16xf32>
          %get3A_179 = arith.index_cast %add3A_170 : i32 to index
          %get3A_180 = tpu.vector_load %arg21[%get3A_179] {strides = array<i32>} : memref<320xf32, #tpu.memory_space<vmem>>, vector<16xf32>,
          %min3A_181 = vector.broadcast %squeeze3A_59 : f32 to vector<16xf32>
          %min3A_182 = arith.minimumf %get3A_180, %min3A_181 : vector<16xf32>
          %get3A_183 = arith.index_cast %add3A_170 : i32 to index
          %get3A_184 = tpu.vector_load %arg22[%get3A_183] {strides = array<i32>} : memref<320xf32, #tpu.memory_space<vmem>>, vector<16xf32>,
          %min3A_185 = vector.broadcast %squeeze3A_63 : f32 to vector<16xf32>
          %min3A_186 = arith.minimumf %get3A_184, %min3A_185 : vector<16xf32>
          %sub3A_187 = arith.subf %min3A_182, %max3A_174 : vector<16xf32>
          %max3A_188 = arith.constant 0.000000e+00 : f32
          %max3A_189 = vector.broadcast %max3A_188 : f32 to vector<16xf32>
          %max3A_190 = arith.maximumf %sub3A_187, %max3A_189 : vector<16xf32>
          %sub3A_191 = arith.subf %min3A_186, %max3A_178 : vector<16xf32>
          %max3A_192 = arith.constant 0.000000e+00 : f32
          %max3A_193 = vector.broadcast %max3A_192 : f32 to vector<16xf32>
          %max3A_194 = arith.maximumf %sub3A_191, %max3A_193 : vector<16xf32>
          %mul3A_195 = arith.mulf %max3A_190, %max3A_194 : vector<16xf32>
          %get3A_196 = arith.index_cast %add3A_170 : i32 to index
          %get3A_197 = tpu.vector_load %arg23[%get3A_196] {strides = array<i32>} : memref<320xf32, #tpu.memory_space<vmem>>, vector<16xf32>,
          %add3A_198 = vector.broadcast %squeeze3A_67 : f32 to vector<16xf32>
          %add3A_199 = arith.addf %get3A_197, %add3A_198 : vector<16xf32>
          %sub3A_200 = arith.subf %add3A_199, %mul3A_195 : vector<16xf32>
          %div3A_201 = arith.divf %mul3A_195, %sub3A_200 : vector<16xf32>
          %gt3A_202 = arith.constant 5.000000e-01 : f32
          %gt3A_203 = vector.broadcast %gt3A_202 : f32 to vector<16xf32>
          %gt3A_204 = arith.cmpf ogt, %div3A_201, %gt3A_203 : vector<16xf32>
          %or3A_205 = arith.ori %or3A, %gt3A_204 : vector<16xi1>
          scf.yield %or3A_205 : vector<16xi1>
        }
        %while3A_97 = arith.constant 1 : i32
        %while3A_98 = scf.for %while3A_131 = %while3A_94 to %while3A_90 step %while3A_97 iter_args(%while3A_132 = %while3A_96) -> (vector<16xi1>)  : i32 {
          %mul3A_133 = arith.constant 32 : i32
          %mul3A_134 = arith.muli %while3A_131, %mul3A_133 : i32
          %get3A_135 = arith.index_cast %mul3A_134 : i32 to index
          %get3A_136 = tpu.vector_load %arg19[%get3A_135] {strides = array<i32>} : memref<320xf32, #tpu.memory_space<vmem>>, vector<16xf32>,
          %max3A = vector.broadcast %squeeze3A_51 : f32 to vector<16xf32>
          %max3A_137 = arith.maximumf %get3A_136, %max3A : vector<16xf32>
          %get3A_138 = arith.index_cast %mul3A_134 : i32 to index
          %get3A_139 = tpu.vector_load %arg20[%get3A_138] {strides = array<i32>} : memref<320xf32, #tpu.memory_space<vmem>>, vector<16xf32>,
          %max3A_140 = vector.broadcast %squeeze3A_55 : f32 to vector<16xf32>
          %max3A_141 = arith.maximumf %get3A_139, %max3A_140 : vector<16xf32>
          %get3A_142 = arith.index_cast %mul3A_134 : i32 to index
          %get3A_143 = tpu.vector_load %arg21[%get3A_142] {strides = array<i32>} : memref<320xf32, #tpu.memory_space<vmem>>, vector<16xf32>,
          %min3A = vector.broadcast %squeeze3A_59 : f32 to vector<16xf32>
          %min3A_144 = arith.minimumf %get3A_143, %min3A : vector<16xf32>
          %get3A_145 = arith.index_cast %mul3A_134 : i32 to index
          %get3A_146 = tpu.vector_load %arg22[%get3A_145] {strides = array<i32>} : memref<320xf32, #tpu.memory_space<vmem>>, vector<16xf32>,
          %min3A_147 = vector.broadcast %squeeze3A_63 : f32 to vector<16xf32>
          %min3A_148 = arith.minimumf %get3A_146, %min3A_147 : vector<16xf32>
          %sub3A_149 = arith.subf %min3A_144, %max3A_137 : vector<16xf32>
          %max3A_150 = arith.constant 0.000000e+00 : f32
          %max3A_151 = vector.broadcast %max3A_150 : f32 to vector<16xf32>
          %max3A_152 = arith.maximumf %sub3A_149, %max3A_151 : vector<16xf32>
          %sub3A_153 = arith.subf %min3A_148, %max3A_141 : vector<16xf32>
          %max3A_154 = arith.constant 0.000000e+00 : f32
          %max3A_155 = vector.broadcast %max3A_154 : f32 to vector<16xf32>
          %max3A_156 = arith.maximumf %sub3A_153, %max3A_155 : vector<16xf32>
          %mul3A_157 = arith.mulf %max3A_152, %max3A_156 : vector<16xf32>
          %get3A_158 = arith.index_cast %mul3A_134 : i32 to index
          %get3A_159 = tpu.vector_load %arg23[%get3A_158] {strides = array<i32>} : memref<320xf32, #tpu.memory_space<vmem>>, vector<16xf32>,
          %add3A_160 = vector.broadcast %squeeze3A_67 : f32 to vector<16xf32>
          %add3A_161 = arith.addf %get3A_159, %add3A_160 : vector<16xf32>
          %sub3A_162 = arith.subf %add3A_161, %mul3A_157 : vector<16xf32>
          %div3A_163 = arith.divf %mul3A_157, %sub3A_162 : vector<16xf32>
          %gt3A_164 = arith.constant 5.000000e-01 : f32
          %gt3A_165 = vector.broadcast %gt3A_164 : f32 to vector<16xf32>
          %gt3A_166 = arith.cmpf ogt, %div3A_163, %gt3A_165 : vector<16xf32>
          %or3A = arith.ori %while3A_132, %gt3A_166 : vector<16xi1>
          %mul3A_167 = arith.constant 32 : i32
          %mul3A_168 = arith.muli %while3A_131, %mul3A_167 : i32
          %add3A_169 = arith.constant 16 : i32
          %add3A_170 = arith.addi %mul3A_168, %add3A_169 : i32
          %get3A_171 = arith.index_cast %add3A_170 : i32 to index
          %get3A_172 = tpu.vector_load %arg19[%get3A_171] {strides = array<i32>} : memref<320xf32, #tpu.memory_space<vmem>>, vector<16xf32>,
          %max3A_173 = vector.broadcast %squeeze3A_51 : f32 to vector<16xf32>
          %max3A_174 = arith.maximumf %get3A_172, %max3A_173 : vector<16xf32>
          %get3A_175 = arith.index_cast %add3A_170 : i32 to index
          %get3A_176 = tpu.vector_load %arg20[%get3A_175] {strides = array<i32>} : memref<320xf32, #tpu.memory_space<vmem>>, vector<16xf32>,
          %max3A_177 = vector.broadcast %squeeze3A_55 : f32 to vector<16xf32>
          %max3A_178 = arith.maximumf %get3A_176, %max3A_177 : vector<16xf32>
          %get3A_179 = arith.index_cast %add3A_170 : i32 to index
          %get3A_180 = tpu.vector_load %arg21[%get3A_179] {strides = array<i32>} : memref<320xf32, #tpu.memory_space<vmem>>, vector<16xf32>,
          %min3A_181 = vector.broadcast %squeeze3A_59 : f32 to vector<16xf32>
          %min3A_182 = arith.minimumf %get3A_180, %min3A_181 : vector<16xf32>
          %get3A_183 = arith.index_cast %add3A_170 : i32 to index
          %get3A_184 = tpu.vector_load %arg22[%get3A_183] {strides = array<i32>} : memref<320xf32, #tpu.memory_space<vmem>>, vector<16xf32>,
          %min3A_185 = vector.broadcast %squeeze3A_63 : f32 to vector<16xf32>
          %min3A_186 = arith.minimumf %get3A_184, %min3A_185 : vector<16xf32>
          %sub3A_187 = arith.subf %min3A_182, %max3A_174 : vector<16xf32>
          %max3A_188 = arith.constant 0.000000e+00 : f32
          %max3A_189 = vector.broadcast %max3A_188 : f32 to vector<16xf32>
          %max3A_190 = arith.maximumf %sub3A_187, %max3A_189 : vector<16xf32>
          %sub3A_191 = arith.subf %min3A_186, %max3A_178 : vector<16xf32>
          %max3A_192 = arith.constant 0.000000e+00 : f32
          %max3A_193 = vector.broadcast %max3A_192 : f32 to vector<16xf32>
          %max3A_194 = arith.maximumf %sub3A_191, %max3A_193 : vector<16xf32>
          %mul3A_195 = arith.mulf %max3A_190, %max3A_194 : vector<16xf32>
          %get3A_196 = arith.index_cast %add3A_170 : i32 to index
          %get3A_197 = tpu.vector_load %arg23[%get3A_196] {strides = array<i32>} : memref<320xf32, #tpu.memory_space<vmem>>, vector<16xf32>,
          %add3A_198 = vector.broadcast %squeeze3A_67 : f32 to vector<16xf32>
          %add3A_199 = arith.addf %get3A_197, %add3A_198 : vector<16xf32>
          %sub3A_200 = arith.subf %add3A_199, %mul3A_195 : vector<16xf32>
          %div3A_201 = arith.divf %mul3A_195, %sub3A_200 : vector<16xf32>
          %gt3A_202 = arith.constant 5.000000e-01 : f32
          %gt3A_203 = vector.broadcast %gt3A_202 : f32 to vector<16xf32>
          %gt3A_204 = arith.cmpf ogt, %div3A_201, %gt3A_203 : vector<16xf32>
          %or3A_205 = arith.ori %or3A, %gt3A_204 : vector<16xi1>
          scf.yield %or3A_205 : vector<16xi1>
        }
        %reduce_or3A = arith.constant 1.000000e+00 : f32
        %reduce_or3A_99 = arith.constant 0.000000e+00 : f32
        %reduce_or3A_100 = vector.broadcast %reduce_or3A : f32 to vector<16xf32>
        %reduce_or3A_101 = vector.broadcast %reduce_or3A_99 : f32 to vector<16xf32>
        %reduce_or3A_102 = arith.select %while3A_98, %reduce_or3A_100, %reduce_or3A_101 : vector<16xi1>, vector<16xf32>
        %reduce_or3A_103 = arith.constant true
        %reduce_or3A_104 = vector.broadcast %reduce_or3A_103 : i1 to vector<16xi1>
        %reduce_or3A_105 = tpu.scan <max>, %reduce_or3A_102 masked %reduce_or3A_104 : vector<16xf32>, vector<16xi1> -> vector<16xf32>
        %reduce_or3A_106 = vector.extract %reduce_or3A_105[15] : f32 from vector<16xf32>
        %reduce_or3A_107 = arith.constant 0.000000e+00 : f32
        %reduce_or3A_108 = arith.cmpf ogt, %reduce_or3A_106, %reduce_or3A_107 : f32
        %not3A = arith.constant true
        %not3A_109 = arith.xori %reduce_or3A_108, %not3A : i1
        %convert_element_type3A_110 = arith.extui %not3A_109 : i1 to i32
        %cond3A_111 = arith.constant 0 : i32
        %cond3A_112 = arith.cmpi ne, %convert_element_type3A_110, %cond3A_111 : i32
        scf.if %cond3A_112 {
          %broadcast_in_dim3A_131 = vector.broadcast %while3A_38 : i32 to vector<16xi32>
          %broadcast_in_dim3A_132 = vector.broadcast %squeeze3A_51 : f32 to vector<16xf32>
          tpu.vector_store_idx %arg19[%broadcast_in_dim3A_131], %broadcast_in_dim3A_132 masked %eq3A_4 : memref<320xf32, #tpu.memory_space<vmem>>[vector<16xi32>], vector<16xf32>, vector<16xi1>
          %broadcast_in_dim3A_133 = vector.broadcast %squeeze3A_55 : f32 to vector<16xf32>
          tpu.vector_store_idx %arg20[%broadcast_in_dim3A_131], %broadcast_in_dim3A_133 masked %eq3A_4 : memref<320xf32, #tpu.memory_space<vmem>>[vector<16xi32>], vector<16xf32>, vector<16xi1>
          %broadcast_in_dim3A_134 = vector.broadcast %squeeze3A_59 : f32 to vector<16xf32>
          tpu.vector_store_idx %arg21[%broadcast_in_dim3A_131], %broadcast_in_dim3A_134 masked %eq3A_4 : memref<320xf32, #tpu.memory_space<vmem>>[vector<16xi32>], vector<16xf32>, vector<16xi1>
          %broadcast_in_dim3A_135 = vector.broadcast %squeeze3A_63 : f32 to vector<16xf32>
          tpu.vector_store_idx %arg22[%broadcast_in_dim3A_131], %broadcast_in_dim3A_135 masked %eq3A_4 : memref<320xf32, #tpu.memory_space<vmem>>[vector<16xi32>], vector<16xf32>, vector<16xi1>
          %broadcast_in_dim3A_136 = vector.broadcast %squeeze3A_67 : f32 to vector<16xf32>
          tpu.vector_store_idx %arg23[%broadcast_in_dim3A_131], %broadcast_in_dim3A_136 masked %eq3A_4 : memref<320xf32, #tpu.memory_space<vmem>>[vector<16xi32>], vector<16xf32>, vector<16xi1>
          %broadcast_in_dim3A_137 = vector.broadcast %squeeze3A_43 : f32 to vector<16xf32>
          tpu.vector_store_idx %arg25[%broadcast_in_dim3A_131], %broadcast_in_dim3A_137 masked %eq3A_4 : memref<320xf32, #tpu.memory_space<vmem>>[vector<16xi32>], vector<16xf32>, vector<16xi1>
          %broadcast_in_dim3A_138 = vector.broadcast %squeeze3A_47 : i32 to vector<16xi32>
          tpu.vector_store_idx %arg26[%broadcast_in_dim3A_131], %broadcast_in_dim3A_138 masked %eq3A_4 : memref<320xi32, #tpu.memory_space<vmem>>[vector<16xi32>], vector<16xi32>, vector<16xi1>
          %eq3A_139 = arith.constant 0 : i32
          %eq3A_140 = vector.broadcast %eq3A_139 : i32 to vector<16xi32>
          %eq3A_141 = arith.cmpi eq, %iota3A, %eq3A_140 : vector<16xi32>
          %eq3A_142 = arith.constant 1 : i32
          %eq3A_143 = vector.broadcast %eq3A_142 : i32 to vector<16xi32>
          %eq3A_144 = arith.cmpi eq, %iota3A, %eq3A_143 : vector<16xi32>
          %eq3A_145 = arith.constant 2 : i32
          %eq3A_146 = vector.broadcast %eq3A_145 : i32 to vector<16xi32>
          %eq3A_147 = arith.cmpi eq, %iota3A, %eq3A_146 : vector<16xi32>
          %broadcast_in_dim3A_148 = vector.broadcast %squeeze3A_59 : f32 to vector<16xf32>
          %broadcast_in_dim3A_149 = vector.broadcast %squeeze3A_63 : f32 to vector<16xf32>
          %select_n3A_150 = arith.select %eq3A_147, %broadcast_in_dim3A_148, %broadcast_in_dim3A_149 : vector<16xi1>, vector<16xf32>
          %broadcast_in_dim3A_151 = vector.broadcast %squeeze3A_55 : f32 to vector<16xf32>
          %select_n3A_152 = arith.select %eq3A_144, %broadcast_in_dim3A_151, %select_n3A_150 : vector<16xi1>, vector<16xf32>
          %broadcast_in_dim3A_153 = vector.broadcast %squeeze3A_51 : f32 to vector<16xf32>
          %select_n3A_154 = arith.select %eq3A_141, %broadcast_in_dim3A_153, %select_n3A_152 : vector<16xi1>, vector<16xf32>
          %mul3A_155 = arith.constant 4 : i32
          %mul3A_156 = arith.muli %while3A_38, %mul3A_155 : i32
          %add3A_157 = vector.broadcast %mul3A_156 : i32 to vector<16xi32>
          %add3A_158 = arith.addi %add3A_157, %iota3A : vector<16xi32>
          %lt3A_159 = arith.constant 4 : i32
          %lt3A_160 = vector.broadcast %lt3A_159 : i32 to vector<16xi32>
          %lt3A_161 = arith.cmpi slt, %iota3A, %lt3A_160 : vector<16xi32>
          tpu.vector_store_idx %arg24[%add3A_158], %select_n3A_154 masked %lt3A_161 : memref<1280xf32, #tpu.memory_space<vmem>>[vector<16xi32>], vector<16xf32>, vector<16xi1>
        } else {
        }
        %jit3A_113 = arith.constant 0 : i32
        %jit3A_114 = arith.constant 1 : i32
        %select_n3A_115 = arith.select %reduce_or3A_108, %jit3A_113, %jit3A_114 : i32
        %add3A_116 = arith.addi %while3A_38, %select_n3A_115 : i32
        %add3A_117 = arith.constant 1 : i32
        %add3A_118 = arith.addi %while3A_37, %add3A_117 : i32
        %lt3A_119 = arith.constant 5000 : i32
        %lt3A_120 = arith.cmpi slt, %add3A_118, %lt3A_119 : i32
        %lt3A_121 = arith.constant 300 : i32
        %lt3A_122 = arith.cmpi slt, %add3A_116, %lt3A_121 : i32
        %and3A_123 = arith.andi %lt3A_120, %lt3A_122 : i1
        %get3A_124 = arith.index_cast %add3A_118 : i32 to index
        %get3A_125 = tpu.vector_load %arg12[%get3A_124] {strides = array<i32>} : memref<5024xf32, #tpu.memory_space<vmem>>, vector<16xf32>,
        %slice3A_126 = vector.extract_strided_slice %get3A_125 {offsets = [0], sizes = [1], strides = [1]} : vector<16xf32> to vector<1xf32>
        %squeeze3A_127 = vector.extract %slice3A_126[0] : f32 from vector<1xf32>
        %gt3A_128 = arith.constant 0xFF800000 : f32
        %gt3A_129 = arith.cmpf ogt, %squeeze3A_127, %gt3A_128 : f32
        %and3A_130 = arith.andi %and3A_123, %gt3A_129 : i1
        scf.yield %add3A_118, %add3A_116, %and3A_130 : i32, i32, i1
      }
      "tpu.region"() ({
        %run_scoped3A = tpu.sem_alloc : memref<!tpu.dma_semaphore, #tpu.memory_space<semaphore_mem>>
        %dma_start3A = arith.constant 0 : i32
        %dma_start3A_37 = tpu.memref_slice %arg6[%add3A, %dma_start3A] : memref<8x1280xf32, #tpu.memory_space<hbm>> -> memref<1x1280xf32, #tpu.memory_space<hbm>>
        %dma_start3A_38 = tpu.memref_squeeze %dma_start3A_37 : memref<1x1280xf32, #tpu.memory_space<hbm>> -> memref<1280xf32, #tpu.memory_space<hbm>>
        %dma_start3A_39 = arith.constant 0 : i32
        %dma_start3A_40 = tpu.memref_slice %arg6[%add3A, %dma_start3A_39] : memref<8x1280xf32, #tpu.memory_space<hbm>> -> memref<1x1280xf32, #tpu.memory_space<hbm>>
        %dma_start3A_41 = tpu.memref_squeeze %dma_start3A_40 : memref<1x1280xf32, #tpu.memory_space<hbm>> -> memref<1280xf32, #tpu.memory_space<hbm>>
        tpu.enqueue_dma source(%arg24 : memref<1280xf32, #tpu.memory_space<vmem>>) target(%dma_start3A_41 : memref<1280xf32, #tpu.memory_space<hbm>>) target_semaphore(%run_scoped3A : memref<!tpu.dma_semaphore, #tpu.memory_space<semaphore_mem>>)
        %dma_wait3A = arith.constant 0 : i32
        %dma_wait3A_42 = tpu.memref_slice %arg6[%add3A, %dma_wait3A] : memref<8x1280xf32, #tpu.memory_space<hbm>> -> memref<1x1280xf32, #tpu.memory_space<hbm>>
        %dma_wait3A_43 = tpu.memref_squeeze %dma_wait3A_42 : memref<1x1280xf32, #tpu.memory_space<hbm>> -> memref<1280xf32, #tpu.memory_space<hbm>>
        %dma_wait3A_44 = arith.constant 0 : i32
        %dma_wait3A_45 = tpu.memref_slice %arg6[%add3A, %dma_wait3A_44] : memref<8x1280xf32, #tpu.memory_space<hbm>> -> memref<1x1280xf32, #tpu.memory_space<hbm>>
        %dma_wait3A_46 = tpu.memref_squeeze %dma_wait3A_45 : memref<1x1280xf32, #tpu.memory_space<hbm>> -> memref<1280xf32, #tpu.memory_space<hbm>>
        tpu.wait_dma2 semaphore(%run_scoped3A : memref<!tpu.dma_semaphore, #tpu.memory_space<semaphore_mem>>) src(%arg24 : memref<1280xf32, #tpu.memory_space<vmem>>) dst(%dma_wait3A_46 : memref<1280xf32, #tpu.memory_space<hbm>>)
        tpu.yield
      }) : () -> ()
      "tpu.region"() ({
        %run_scoped3A = tpu.sem_alloc : memref<!tpu.dma_semaphore, #tpu.memory_space<semaphore_mem>>
        %dma_start3A = arith.constant 0 : i32
        %dma_start3A_37 = tpu.memref_slice %arg7[%add3A, %dma_start3A] : memref<8x320xf32, #tpu.memory_space<hbm>> -> memref<1x320xf32, #tpu.memory_space<hbm>>
        %dma_start3A_38 = tpu.memref_squeeze %dma_start3A_37 : memref<1x320xf32, #tpu.memory_space<hbm>> -> memref<320xf32, #tpu.memory_space<hbm>>
        %dma_start3A_39 = arith.constant 0 : i32
        %dma_start3A_40 = tpu.memref_slice %arg7[%add3A, %dma_start3A_39] : memref<8x320xf32, #tpu.memory_space<hbm>> -> memref<1x320xf32, #tpu.memory_space<hbm>>
        %dma_start3A_41 = tpu.memref_squeeze %dma_start3A_40 : memref<1x320xf32, #tpu.memory_space<hbm>> -> memref<320xf32, #tpu.memory_space<hbm>>
        tpu.enqueue_dma source(%arg25 : memref<320xf32, #tpu.memory_space<vmem>>) target(%dma_start3A_41 : memref<320xf32, #tpu.memory_space<hbm>>) target_semaphore(%run_scoped3A : memref<!tpu.dma_semaphore, #tpu.memory_space<semaphore_mem>>)
        %dma_wait3A = arith.constant 0 : i32
        %dma_wait3A_42 = tpu.memref_slice %arg7[%add3A, %dma_wait3A] : memref<8x320xf32, #tpu.memory_space<hbm>> -> memref<1x320xf32, #tpu.memory_space<hbm>>
        %dma_wait3A_43 = tpu.memref_squeeze %dma_wait3A_42 : memref<1x320xf32, #tpu.memory_space<hbm>> -> memref<320xf32, #tpu.memory_space<hbm>>
        %dma_wait3A_44 = arith.constant 0 : i32
        %dma_wait3A_45 = tpu.memref_slice %arg7[%add3A, %dma_wait3A_44] : memref<8x320xf32, #tpu.memory_space<hbm>> -> memref<1x320xf32, #tpu.memory_space<hbm>>
        %dma_wait3A_46 = tpu.memref_squeeze %dma_wait3A_45 : memref<1x320xf32, #tpu.memory_space<hbm>> -> memref<320xf32, #tpu.memory_space<hbm>>
        tpu.wait_dma2 semaphore(%run_scoped3A : memref<!tpu.dma_semaphore, #tpu.memory_space<semaphore_mem>>) src(%arg25 : memref<320xf32, #tpu.memory_space<vmem>>) dst(%dma_wait3A_46 : memref<320xf32, #tpu.memory_space<hbm>>)
        tpu.yield
      }) : () -> ()
      "tpu.region"() ({
        %run_scoped3A = tpu.sem_alloc : memref<!tpu.dma_semaphore, #tpu.memory_space<semaphore_mem>>
        %dma_start3A = arith.constant 0 : i32
        %dma_start3A_37 = tpu.memref_slice %arg8[%add3A, %dma_start3A] : memref<8x320xi32, #tpu.memory_space<hbm>> -> memref<1x320xi32, #tpu.memory_space<hbm>>
        %dma_start3A_38 = tpu.memref_squeeze %dma_start3A_37 : memref<1x320xi32, #tpu.memory_space<hbm>> -> memref<320xi32, #tpu.memory_space<hbm>>
        %dma_start3A_39 = arith.constant 0 : i32
        %dma_start3A_40 = tpu.memref_slice %arg8[%add3A, %dma_start3A_39] : memref<8x320xi32, #tpu.memory_space<hbm>> -> memref<1x320xi32, #tpu.memory_space<hbm>>
        %dma_start3A_41 = tpu.memref_squeeze %dma_start3A_40 : memref<1x320xi32, #tpu.memory_space<hbm>> -> memref<320xi32, #tpu.memory_space<hbm>>
        tpu.enqueue_dma source(%arg26 : memref<320xi32, #tpu.memory_space<vmem>>) target(%dma_start3A_41 : memref<320xi32, #tpu.memory_space<hbm>>) target_semaphore(%run_scoped3A : memref<!tpu.dma_semaphore, #tpu.memory_space<semaphore_mem>>)
        %dma_wait3A = arith.constant 0 : i32
        %dma_wait3A_42 = tpu.memref_slice %arg8[%add3A, %dma_wait3A] : memref<8x320xi32, #tpu.memory_space<hbm>> -> memref<1x320xi32, #tpu.memory_space<hbm>>
        %dma_wait3A_43 = tpu.memref_squeeze %dma_wait3A_42 : memref<1x320xi32, #tpu.memory_space<hbm>> -> memref<320xi32, #tpu.memory_space<hbm>>
        %dma_wait3A_44 = arith.constant 0 : i32
        %dma_wait3A_45 = tpu.memref_slice %arg8[%add3A, %dma_wait3A_44] : memref<8x320xi32, #tpu.memory_space<hbm>> -> memref<1x320xi32, #tpu.memory_space<hbm>>
        %dma_wait3A_46 = tpu.memref_squeeze %dma_wait3A_45 : memref<1x320xi32, #tpu.memory_space<hbm>> -> memref<320xi32, #tpu.memory_space<hbm>>
        tpu.wait_dma2 semaphore(%run_scoped3A : memref<!tpu.dma_semaphore, #tpu.memory_space<semaphore_mem>>) src(%arg26 : memref<320xi32, #tpu.memory_space<vmem>>) dst(%dma_wait3A_46 : memref<320xi32, #tpu.memory_space<hbm>>)
        tpu.yield
      }) : () -> ()
    } else {
    }
    return
  }
}

module attributes {stable_mosaic.version = 14 : i64} {
  func.func @_reduce_body(%arg0: i32, %arg1: memref<1x80x5000xf32, #tpu.memory_space<vmem>>, %arg2: memref<1x1x5000xf32, #tpu.memory_space<vmem>>, %arg3: memref<1x1x5000xf32, #tpu.memory_space<vmem>>, %arg4: memref<1x1x5000xi32, #tpu.memory_space<vmem>>) attributes {dimension_semantics = [#tpu.dimension_semantics<arbitrary>], iteration_bounds = array<i64: 8>, scalar_prefetch = 0 : i64, scratch_operands = 0 : i64, tpu.core_type = #tpu.core_type<tc>, window_params = [{transform_indices = @transform_0, window_bounds = array<i64: 1, 80, 5000>}, {transform_indices = @transform_1, window_bounds = array<i64: 1, 1, 5000>}, {transform_indices = @transform_2, window_bounds = array<i64: 1, 1, 5000>}, {transform_indices = @transform_3, window_bounds = array<i64: 1, 1, 5000>}]} {
    %get3A = arith.constant 0 : index
    %get3A_0 = arith.constant 0 : index
    %get3A_1 = arith.constant 0 : index
    %get3A_2 = vector.load %arg1[%get3A, %get3A_0, %get3A_1] : memref<1x80x5000xf32, #tpu.memory_space<vmem>>, vector<1x80x5000xf32>
    %get3A_3 = vector.shape_cast %get3A_2 : vector<1x80x5000xf32> to vector<80x5000xf32>
    %reduce_max3A = arith.constant dense<0xFF800000> : vector<5000xf32>
    %reduce_max3A_4 = vector.multi_reduction <maximumf>, %get3A_3, %reduce_max3A [0] : vector<80x5000xf32> to vector<5000xf32>
    %iota3A = tpu.iota {dimensions = array<i32: 0>} : vector<80x5000xi32>
    %broadcast_in_dim3A = vector.shape_cast %reduce_max3A_4 : vector<5000xf32> to vector<1x5000xf32>
    %eq3A = vector.broadcast %broadcast_in_dim3A : vector<1x5000xf32> to vector<80x5000xf32>
    %eq3A_5 = arith.cmpf oeq, %get3A_3, %eq3A : vector<80x5000xf32>
    %jit3A = arith.constant 80 : i32
    %broadcast_in_dim3A_6 = vector.broadcast %jit3A : i32 to vector<80x5000xi32>
    %select_n3A = arith.select %eq3A_5, %iota3A, %broadcast_in_dim3A_6 : vector<80x5000xi1>, vector<80x5000xi32>
    %reduce_min3A = arith.constant dense<2147483647> : vector<5000xi32>
    %reduce_min3A_7 = vector.multi_reduction <minsi>, %select_n3A, %reduce_min3A [0] : vector<80x5000xi32> to vector<5000xi32>
    %get3A_8 = arith.constant 0 : index
    %get3A_9 = arith.constant 0 : index
    %get3A_10 = arith.constant 0 : index
    %get3A_11 = vector.load %arg2[%get3A_8, %get3A_9, %get3A_10] : memref<1x1x5000xf32, #tpu.memory_space<vmem>>, vector<1x1x5000xf32>
    %get3A_12 = vector.shape_cast %get3A_11 : vector<1x1x5000xf32> to vector<5000xf32>
    %mul3A = arith.mulf %reduce_max3A_4, %get3A_12 : vector<5000xf32>
    %sqrt3A = math.sqrt %mul3A : vector<5000xf32>
    %gt3A = arith.constant 5.000000e-02 : f32
    %gt3A_13 = vector.broadcast %gt3A : f32 to vector<5000xf32>
    %gt3A_14 = arith.cmpf ogt, %reduce_max3A_4, %gt3A_13 : vector<5000xf32>
    %jit3A_15 = arith.constant 0xFF800000 : f32
    %broadcast_in_dim3A_16 = vector.broadcast %jit3A_15 : f32 to vector<5000xf32>
    %select_n3A_17 = arith.select %gt3A_14, %sqrt3A, %broadcast_in_dim3A_16 : vector<5000xi1>, vector<5000xf32>
    %swap3A = arith.constant 0 : index
    %swap3A_18 = arith.constant 0 : index
    %swap3A_19 = arith.constant 0 : index
    %swap3A_20 = vector.load %arg3[%swap3A, %swap3A_18, %swap3A_19] : memref<1x1x5000xf32, #tpu.memory_space<vmem>>, vector<1x1x5000xf32>
    %swap3A_21 = vector.shape_cast %swap3A_20 : vector<1x1x5000xf32> to vector<5000xf32>
    %swap3A_22 = vector.shape_cast %select_n3A_17 : vector<5000xf32> to vector<1x1x5000xf32>
    tpu.vector_store %arg3[%swap3A, %swap3A_18, %swap3A_19], %swap3A_22 {strides = array<i32>} : memref<1x1x5000xf32, #tpu.memory_space<vmem>>, vector<1x1x5000xf32>,
    %swap3A_23 = arith.constant 0 : index
    %swap3A_24 = arith.constant 0 : index
    %swap3A_25 = arith.constant 0 : index
    %swap3A_26 = vector.load %arg4[%swap3A_23, %swap3A_24, %swap3A_25] : memref<1x1x5000xi32, #tpu.memory_space<vmem>>, vector<1x1x5000xi32>
    %swap3A_27 = vector.shape_cast %swap3A_26 : vector<1x1x5000xi32> to vector<5000xi32>
    %swap3A_28 = vector.shape_cast %reduce_min3A_7 : vector<5000xi32> to vector<1x1x5000xi32>
    tpu.vector_store %arg4[%swap3A_23, %swap3A_24, %swap3A_25], %swap3A_28 {strides = array<i32>} : memref<1x1x5000xi32, #tpu.memory_space<vmem>>, vector<1x1x5000xi32>,
    return
  }
  func.func @transform_0(%arg0: i32) -> (i32, i32, i32) {
    %c0_i32 = arith.constant 0 : i32
    %c0_i32_0 = arith.constant 0 : i32
    %c0_i32_1 = arith.constant 0 : i32
    return %arg0, %c0_i32, %c0_i32_0 : i32, i32, i32
  }
  func.func @transform_1(%arg0: i32) -> (i32, i32, i32) {
    %c0_i32 = arith.constant 0 : i32
    %c0_i32_0 = arith.constant 0 : i32
    %c0_i32_1 = arith.constant 0 : i32
    return %arg0, %c0_i32, %c0_i32_0 : i32, i32, i32
  }
  func.func @transform_2(%arg0: i32) -> (i32, i32, i32) {
    %c0_i32 = arith.constant 0 : i32
    %c0_i32_0 = arith.constant 0 : i32
    %c0_i32_1 = arith.constant 0 : i32
    return %arg0, %c0_i32, %c0_i32_0 : i32, i32, i32
  }
  func.func @transform_3(%arg0: i32) -> (i32, i32, i32) {
    %c0_i32 = arith.constant 0 : i32
    %c0_i32_0 = arith.constant 0 : i32
    %c0_i32_1 = arith.constant 0 : i32
    return %arg0, %c0_i32, %c0_i32_0 : i32, i32, i32
  }
}

module attributes {stable_mosaic.version = 14 : i64} {
  func.func @_sort_body(%arg0: memref<8x5000xf32, #tpu.memory_space<vmem>>, %arg1: memref<512x128xf32, #tpu.memory_space<vmem>>, %arg2: memref<512x128xi32, #tpu.memory_space<vmem>>) attributes {dimension_semantics = [], scalar_prefetch = 0 : i64, scratch_operands = 0 : i64, tpu.core_type = #tpu.core_type<tc>} {
    %bitcast_convert_type3A = arith.constant 0xFF800000 : f32
    %bitcast_convert_type3A_0 = arith.bitcast %bitcast_convert_type3A : f32 to i32
    %get3A = arith.constant 0 : index
    %get3A_1 = arith.constant 0 : index
    %get3A_2 = vector.load %arg0[%get3A, %get3A_1] : memref<8x5000xf32, #tpu.memory_space<vmem>>, vector<1x5000xf32>
    %get3A_3 = vector.shape_cast %get3A_2 : vector<1x5000xf32> to vector<5000xf32>
    %bitcast_convert_type3A_4 = tpu.bitcast %get3A_3 : vector<5000xf32> -> vector<5000xi32>
    %broadcast_in_dim3A = vector.broadcast %bitcast_convert_type3A_0 : i32 to vector<3192xi32>
    %concatenate3A = tpu.concatenate %bitcast_convert_type3A_4, %broadcast_in_dim3A in 0 : vector<5000xi32>, vector<3192xi32> -> vector<8192xi32>
    %reshape3A = vector.shape_cast %concatenate3A : vector<8192xi32> to vector<64x128xi32>
    %get3A_5 = arith.constant 1 : index
    %get3A_6 = arith.constant 0 : index
    %get3A_7 = vector.load %arg0[%get3A_5, %get3A_6] : memref<8x5000xf32, #tpu.memory_space<vmem>>, vector<1x5000xf32>
    %get3A_8 = vector.shape_cast %get3A_7 : vector<1x5000xf32> to vector<5000xf32>
    %bitcast_convert_type3A_9 = tpu.bitcast %get3A_8 : vector<5000xf32> -> vector<5000xi32>
    %broadcast_in_dim3A_10 = vector.broadcast %bitcast_convert_type3A_0 : i32 to vector<3192xi32>
    %concatenate3A_11 = tpu.concatenate %bitcast_convert_type3A_9, %broadcast_in_dim3A_10 in 0 : vector<5000xi32>, vector<3192xi32> -> vector<8192xi32>
    %reshape3A_12 = vector.shape_cast %concatenate3A_11 : vector<8192xi32> to vector<64x128xi32>
    %get3A_13 = arith.constant 2 : index
    %get3A_14 = arith.constant 0 : index
    %get3A_15 = vector.load %arg0[%get3A_13, %get3A_14] : memref<8x5000xf32, #tpu.memory_space<vmem>>, vector<1x5000xf32>
    %get3A_16 = vector.shape_cast %get3A_15 : vector<1x5000xf32> to vector<5000xf32>
    %bitcast_convert_type3A_17 = tpu.bitcast %get3A_16 : vector<5000xf32> -> vector<5000xi32>
    %broadcast_in_dim3A_18 = vector.broadcast %bitcast_convert_type3A_0 : i32 to vector<3192xi32>
    %concatenate3A_19 = tpu.concatenate %bitcast_convert_type3A_17, %broadcast_in_dim3A_18 in 0 : vector<5000xi32>, vector<3192xi32> -> vector<8192xi32>
    %reshape3A_20 = vector.shape_cast %concatenate3A_19 : vector<8192xi32> to vector<64x128xi32>
    %get3A_21 = arith.constant 3 : index
    %get3A_22 = arith.constant 0 : index
    %get3A_23 = vector.load %arg0[%get3A_21, %get3A_22] : memref<8x5000xf32, #tpu.memory_space<vmem>>, vector<1x5000xf32>
    %get3A_24 = vector.shape_cast %get3A_23 : vector<1x5000xf32> to vector<5000xf32>
    %bitcast_convert_type3A_25 = tpu.bitcast %get3A_24 : vector<5000xf32> -> vector<5000xi32>
    %broadcast_in_dim3A_26 = vector.broadcast %bitcast_convert_type3A_0 : i32 to vector<3192xi32>
    %concatenate3A_27 = tpu.concatenate %bitcast_convert_type3A_25, %broadcast_in_dim3A_26 in 0 : vector<5000xi32>, vector<3192xi32> -> vector<8192xi32>
    %reshape3A_28 = vector.shape_cast %concatenate3A_27 : vector<8192xi32> to vector<64x128xi32>
    %get3A_29 = arith.constant 4 : index
    %get3A_30 = arith.constant 0 : index
    %get3A_31 = vector.load %arg0[%get3A_29, %get3A_30] : memref<8x5000xf32, #tpu.memory_space<vmem>>, vector<1x5000xf32>
    %get3A_32 = vector.shape_cast %get3A_31 : vector<1x5000xf32> to vector<5000xf32>
    %bitcast_convert_type3A_33 = tpu.bitcast %get3A_32 : vector<5000xf32> -> vector<5000xi32>
    %broadcast_in_dim3A_34 = vector.broadcast %bitcast_convert_type3A_0 : i32 to vector<3192xi32>
    %concatenate3A_35 = tpu.concatenate %bitcast_convert_type3A_33, %broadcast_in_dim3A_34 in 0 : vector<5000xi32>, vector<3192xi32> -> vector<8192xi32>
    %reshape3A_36 = vector.shape_cast %concatenate3A_35 : vector<8192xi32> to vector<64x128xi32>
    %get3A_37 = arith.constant 5 : index
    %get3A_38 = arith.constant 0 : index
    %get3A_39 = vector.load %arg0[%get3A_37, %get3A_38] : memref<8x5000xf32, #tpu.memory_space<vmem>>, vector<1x5000xf32>
    %get3A_40 = vector.shape_cast %get3A_39 : vector<1x5000xf32> to vector<5000xf32>
    %bitcast_convert_type3A_41 = tpu.bitcast %get3A_40 : vector<5000xf32> -> vector<5000xi32>
    %broadcast_in_dim3A_42 = vector.broadcast %bitcast_convert_type3A_0 : i32 to vector<3192xi32>
    %concatenate3A_43 = tpu.concatenate %bitcast_convert_type3A_41, %broadcast_in_dim3A_42 in 0 : vector<5000xi32>, vector<3192xi32> -> vector<8192xi32>
    %reshape3A_44 = vector.shape_cast %concatenate3A_43 : vector<8192xi32> to vector<64x128xi32>
    %get3A_45 = arith.constant 6 : index
    %get3A_46 = arith.constant 0 : index
    %get3A_47 = vector.load %arg0[%get3A_45, %get3A_46] : memref<8x5000xf32, #tpu.memory_space<vmem>>, vector<1x5000xf32>
    %get3A_48 = vector.shape_cast %get3A_47 : vector<1x5000xf32> to vector<5000xf32>
    %bitcast_convert_type3A_49 = tpu.bitcast %get3A_48 : vector<5000xf32> -> vector<5000xi32>
    %broadcast_in_dim3A_50 = vector.broadcast %bitcast_convert_type3A_0 : i32 to vector<3192xi32>
    %concatenate3A_51 = tpu.concatenate %bitcast_convert_type3A_49, %broadcast_in_dim3A_50 in 0 : vector<5000xi32>, vector<3192xi32> -> vector<8192xi32>
    %reshape3A_52 = vector.shape_cast %concatenate3A_51 : vector<8192xi32> to vector<64x128xi32>
    %get3A_53 = arith.constant 7 : index
    %get3A_54 = arith.constant 0 : index
    %get3A_55 = vector.load %arg0[%get3A_53, %get3A_54] : memref<8x5000xf32, #tpu.memory_space<vmem>>, vector<1x5000xf32>
    %get3A_56 = vector.shape_cast %get3A_55 : vector<1x5000xf32> to vector<5000xf32>
    %bitcast_convert_type3A_57 = tpu.bitcast %get3A_56 : vector<5000xf32> -> vector<5000xi32>
    %broadcast_in_dim3A_58 = vector.broadcast %bitcast_convert_type3A_0 : i32 to vector<3192xi32>
    %concatenate3A_59 = tpu.concatenate %bitcast_convert_type3A_57, %broadcast_in_dim3A_58 in 0 : vector<5000xi32>, vector<3192xi32> -> vector<8192xi32>
    %reshape3A_60 = vector.shape_cast %concatenate3A_59 : vector<8192xi32> to vector<64x128xi32>
    %concatenate3A_61 = tpu.concatenate %reshape3A, %reshape3A_12, %reshape3A_20, %reshape3A_28, %reshape3A_36, %reshape3A_44, %reshape3A_52, %reshape3A_60 in 0 : vector<64x128xi32>, vector<64x128xi32>, vector<64x128xi32>, vector<64x128xi32>, vector<64x128xi32>, vector<64x128xi32>, vector<64x128xi32>, vector<64x128xi32> -> vector<512x128xi32>
    %iota3A = tpu.iota {dimensions = array<i32: 0>} : vector<512x128xi32>
    %iota3A_62 = tpu.iota {dimensions = array<i32: 1>} : vector<512x128xi32>
    %and3A = arith.constant 63 : i32
    %and3A_63 = vector.broadcast %and3A : i32 to vector<512x128xi32>
    %and3A_64 = arith.andi %iota3A, %and3A_63 : vector<512x128xi32>
    %mul3A = arith.constant 128 : i32
    %mul3A_65 = vector.broadcast %mul3A : i32 to vector<512x128xi32>
    %mul3A_66 = arith.muli %and3A_64, %mul3A_65 : vector<512x128xi32>
    %add3A = arith.addi %mul3A_66, %iota3A_62 : vector<512x128xi32>
    %and3A_67 = arith.constant 2 : i32
    %and3A_68 = vector.broadcast %and3A_67 : i32 to vector<512x128xi32>
    %and3A_69 = arith.andi %iota3A_62, %and3A_68 : vector<512x128xi32>
    %eq3A = arith.constant 0 : i32
    %eq3A_70 = vector.broadcast %eq3A : i32 to vector<512x128xi32>
    %eq3A_71 = arith.cmpi eq, %and3A_69, %eq3A_70 : vector<512x128xi32>
    %slice3A = vector.extract_strided_slice %concatenate3A_61 {offsets = [0, 1], sizes = [512, 127], strides = [1, 1]} : vector<512x128xi32> to vector<512x127xi32>
    %slice3A_72 = vector.extract_strided_slice %concatenate3A_61 {offsets = [0, 0], sizes = [512, 1], strides = [1, 1]} : vector<512x128xi32> to vector<512x1xi32>
    %concatenate3A_73 = tpu.concatenate %slice3A, %slice3A_72 in 1 : vector<512x127xi32>, vector<512x1xi32> -> vector<512x128xi32>
    %slice3A_74 = vector.extract_strided_slice %concatenate3A_61 {offsets = [0, 127], sizes = [512, 1], strides = [1, 1]} : vector<512x128xi32> to vector<512x1xi32>
    %slice3A_75 = vector.extract_strided_slice %concatenate3A_61 {offsets = [0, 0], sizes = [512, 127], strides = [1, 1]} : vector<512x128xi32> to vector<512x127xi32>
    %concatenate3A_76 = tpu.concatenate %slice3A_74, %slice3A_75 in 1 : vector<512x1xi32>, vector<512x127xi32> -> vector<512x128xi32>
    %iota3A_77 = tpu.iota {dimensions = array<i32: 1>} : vector<512x128xi32>
    %and3A_78 = arith.constant 1 : i32
    %and3A_79 = vector.broadcast %and3A_78 : i32 to vector<512x128xi32>
    %and3A_80 = arith.andi %iota3A_77, %and3A_79 : vector<512x128xi32>
    %eq3A_81 = arith.constant 0 : i32
    %eq3A_82 = vector.broadcast %eq3A_81 : i32 to vector<512x128xi32>
    %eq3A_83 = arith.cmpi eq, %and3A_80, %eq3A_82 : vector<512x128xi32>
    %select_n3A = arith.select %eq3A_83, %concatenate3A_73, %concatenate3A_76 : vector<512x128xi1>, vector<512x128xi32>
    %and3A_84 = arith.constant 1 : i32
    %and3A_85 = vector.broadcast %and3A_84 : i32 to vector<512x128xi32>
    %and3A_86 = arith.andi %iota3A_77, %and3A_85 : vector<512x128xi32>
    %eq3A_87 = arith.constant 0 : i32
    %eq3A_88 = vector.broadcast %eq3A_87 : i32 to vector<512x128xi32>
    %eq3A_89 = arith.cmpi eq, %and3A_86, %eq3A_88 : vector<512x128xi32>
    %slice3A_90 = vector.extract_strided_slice %add3A {offsets = [0, 1], sizes = [512, 127], strides = [1, 1]} : vector<512x128xi32> to vector<512x127xi32>
    %slice3A_91 = vector.extract_strided_slice %add3A {offsets = [0, 0], sizes = [512, 1], strides = [1, 1]} : vector<512x128xi32> to vector<512x1xi32>
    %concatenate3A_92 = tpu.concatenate %slice3A_90, %slice3A_91 in 1 : vector<512x127xi32>, vector<512x1xi32> -> vector<512x128xi32>
    %slice3A_93 = vector.extract_strided_slice %add3A {offsets = [0, 127], sizes = [512, 1], strides = [1, 1]} : vector<512x128xi32> to vector<512x1xi32>
    %slice3A_94 = vector.extract_strided_slice %add3A {offsets = [0, 0], sizes = [512, 127], strides = [1, 1]} : vector<512x128xi32> to vector<512x127xi32>
    %concatenate3A_95 = tpu.concatenate %slice3A_93, %slice3A_94 in 1 : vector<512x1xi32>, vector<512x127xi32> -> vector<512x128xi32>
    %iota3A_96 = tpu.iota {dimensions = array<i32: 1>} : vector<512x128xi32>
    %and3A_97 = arith.constant 1 : i32
    %and3A_98 = vector.broadcast %and3A_97 : i32 to vector<512x128xi32>
    %and3A_99 = arith.andi %iota3A_96, %and3A_98 : vector<512x128xi32>
    %eq3A_100 = arith.constant 0 : i32
    %eq3A_101 = vector.broadcast %eq3A_100 : i32 to vector<512x128xi32>
    %eq3A_102 = arith.cmpi eq, %and3A_99, %eq3A_101 : vector<512x128xi32>
    %select_n3A_103 = arith.select %eq3A_102, %concatenate3A_92, %concatenate3A_95 : vector<512x128xi1>, vector<512x128xi32>
    %gt3A = arith.cmpi sgt, %concatenate3A_61, %select_n3A : vector<512x128xi32>
    %eq3A_104 = arith.cmpi eq, %concatenate3A_61, %select_n3A : vector<512x128xi32>
    %lt3A = arith.cmpi slt, %add3A, %select_n3A_103 : vector<512x128xi32>
    %and3A_105 = arith.andi %eq3A_104, %lt3A : vector<512x128xi1>
    %or3A = arith.ori %gt3A, %and3A_105 : vector<512x128xi1>
    %eq3A_106 = arith.xori %eq3A_89, %eq3A_71 : vector<512x128xi1>
    %eq3A_107 = arith.constant dense<true> : vector<512x128xi1>
    %eq3A_108 = arith.xori %eq3A_106, %eq3A_107 : vector<512x128xi1>
    %eq3A_109 = arith.xori %or3A, %eq3A_108 : vector<512x128xi1>
    %eq3A_110 = arith.constant dense<true> : vector<512x128xi1>
    %eq3A_111 = arith.xori %eq3A_109, %eq3A_110 : vector<512x128xi1>
    %select_n3A_112 = arith.select %eq3A_111, %concatenate3A_61, %select_n3A : vector<512x128xi1>, vector<512x128xi32>
    %select_n3A_113 = arith.select %eq3A_111, %add3A, %select_n3A_103 : vector<512x128xi1>, vector<512x128xi32>
    %and3A_114 = arith.constant 4 : i32
    %and3A_115 = vector.broadcast %and3A_114 : i32 to vector<512x128xi32>
    %and3A_116 = arith.andi %iota3A_62, %and3A_115 : vector<512x128xi32>
    %eq3A_117 = arith.constant 0 : i32
    %eq3A_118 = vector.broadcast %eq3A_117 : i32 to vector<512x128xi32>
    %eq3A_119 = arith.cmpi eq, %and3A_116, %eq3A_118 : vector<512x128xi32>
    %slice3A_120 = vector.extract_strided_slice %select_n3A_112 {offsets = [0, 2], sizes = [512, 126], strides = [1, 1]} : vector<512x128xi32> to vector<512x126xi32>
    %slice3A_121 = vector.extract_strided_slice %select_n3A_112 {offsets = [0, 0], sizes = [512, 2], strides = [1, 1]} : vector<512x128xi32> to vector<512x2xi32>
    %concatenate3A_122 = tpu.concatenate %slice3A_120, %slice3A_121 in 1 : vector<512x126xi32>, vector<512x2xi32> -> vector<512x128xi32>
    %slice3A_123 = vector.extract_strided_slice %select_n3A_112 {offsets = [0, 126], sizes = [512, 2], strides = [1, 1]} : vector<512x128xi32> to vector<512x2xi32>
    %slice3A_124 = vector.extract_strided_slice %select_n3A_112 {offsets = [0, 0], sizes = [512, 126], strides = [1, 1]} : vector<512x128xi32> to vector<512x126xi32>
    %concatenate3A_125 = tpu.concatenate %slice3A_123, %slice3A_124 in 1 : vector<512x2xi32>, vector<512x126xi32> -> vector<512x128xi32>
    %iota3A_126 = tpu.iota {dimensions = array<i32: 1>} : vector<512x128xi32>
    %and3A_127 = arith.constant 2 : i32
    %and3A_128 = vector.broadcast %and3A_127 : i32 to vector<512x128xi32>
    %and3A_129 = arith.andi %iota3A_126, %and3A_128 : vector<512x128xi32>
    %eq3A_130 = arith.constant 0 : i32
    %eq3A_131 = vector.broadcast %eq3A_130 : i32 to vector<512x128xi32>
    %eq3A_132 = arith.cmpi eq, %and3A_129, %eq3A_131 : vector<512x128xi32>
    %select_n3A_133 = arith.select %eq3A_132, %concatenate3A_122, %concatenate3A_125 : vector<512x128xi1>, vector<512x128xi32>
    %and3A_134 = arith.constant 2 : i32
    %and3A_135 = vector.broadcast %and3A_134 : i32 to vector<512x128xi32>
    %and3A_136 = arith.andi %iota3A_126, %and3A_135 : vector<512x128xi32>
    %eq3A_137 = arith.constant 0 : i32
    %eq3A_138 = vector.broadcast %eq3A_137 : i32 to vector<512x128xi32>
    %eq3A_139 = arith.cmpi eq, %and3A_136, %eq3A_138 : vector<512x128xi32>
    %slice3A_140 = vector.extract_strided_slice %select_n3A_113 {offsets = [0, 2], sizes = [512, 126], strides = [1, 1]} : vector<512x128xi32> to vector<512x126xi32>
    %slice3A_141 = vector.extract_strided_slice %select_n3A_113 {offsets = [0, 0], sizes = [512, 2], strides = [1, 1]} : vector<512x128xi32> to vector<512x2xi32>
    %concatenate3A_142 = tpu.concatenate %slice3A_140, %slice3A_141 in 1 : vector<512x126xi32>, vector<512x2xi32> -> vector<512x128xi32>
    %slice3A_143 = vector.extract_strided_slice %select_n3A_113 {offsets = [0, 126], sizes = [512, 2], strides = [1, 1]} : vector<512x128xi32> to vector<512x2xi32>
    %slice3A_144 = vector.extract_strided_slice %select_n3A_113 {offsets = [0, 0], sizes = [512, 126], strides = [1, 1]} : vector<512x128xi32> to vector<512x126xi32>
    %concatenate3A_145 = tpu.concatenate %slice3A_143, %slice3A_144 in 1 : vector<512x2xi32>, vector<512x126xi32> -> vector<512x128xi32>
    %iota3A_146 = tpu.iota {dimensions = array<i32: 1>} : vector<512x128xi32>
    %and3A_147 = arith.constant 2 : i32
    %and3A_148 = vector.broadcast %and3A_147 : i32 to vector<512x128xi32>
    %and3A_149 = arith.andi %iota3A_146, %and3A_148 : vector<512x128xi32>
    %eq3A_150 = arith.constant 0 : i32
    %eq3A_151 = vector.broadcast %eq3A_150 : i32 to vector<512x128xi32>
    %eq3A_152 = arith.cmpi eq, %and3A_149, %eq3A_151 : vector<512x128xi32>
    %select_n3A_153 = arith.select %eq3A_152, %concatenate3A_142, %concatenate3A_145 : vector<512x128xi1>, vector<512x128xi32>
    %gt3A_154 = arith.cmpi sgt, %select_n3A_112, %select_n3A_133 : vector<512x128xi32>
    %eq3A_155 = arith.cmpi eq, %select_n3A_112, %select_n3A_133 : vector<512x128xi32>
    %lt3A_156 = arith.cmpi slt, %select_n3A_113, %select_n3A_153 : vector<512x128xi32>
    %and3A_157 = arith.andi %eq3A_155, %lt3A_156 : vector<512x128xi1>
    %or3A_158 = arith.ori %gt3A_154, %and3A_157 : vector<512x128xi1>
    %eq3A_159 = arith.xori %eq3A_139, %eq3A_119 : vector<512x128xi1>
    %eq3A_160 = arith.constant dense<true> : vector<512x128xi1>
    %eq3A_161 = arith.xori %eq3A_159, %eq3A_160 : vector<512x128xi1>
    %eq3A_162 = arith.xori %or3A_158, %eq3A_161 : vector<512x128xi1>
    %eq3A_163 = arith.constant dense<true> : vector<512x128xi1>
    %eq3A_164 = arith.xori %eq3A_162, %eq3A_163 : vector<512x128xi1>
    %select_n3A_165 = arith.select %eq3A_164, %select_n3A_112, %select_n3A_133 : vector<512x128xi1>, vector<512x128xi32>
    %select_n3A_166 = arith.select %eq3A_164, %select_n3A_113, %select_n3A_153 : vector<512x128xi1>, vector<512x128xi32>
    %slice3A_167 = vector.extract_strided_slice %select_n3A_165 {offsets = [0, 1], sizes = [512, 127], strides = [1, 1]} : vector<512x128xi32> to vector<512x127xi32>
    %slice3A_168 = vector.extract_strided_slice %select_n3A_165 {offsets = [0, 0], sizes = [512, 1], strides = [1, 1]} : vector<512x128xi32> to vector<512x1xi32>
    %concatenate3A_169 = tpu.concatenate %slice3A_167, %slice3A_168 in 1 : vector<512x127xi32>, vector<512x1xi32> -> vector<512x128xi32>
    %slice3A_170 = vector.extract_strided_slice %select_n3A_165 {offsets = [0, 127], sizes = [512, 1], strides = [1, 1]} : vector<512x128xi32> to vector<512x1xi32>
    %slice3A_171 = vector.extract_strided_slice %select_n3A_165 {offsets = [0, 0], sizes = [512, 127], strides = [1, 1]} : vector<512x128xi32> to vector<512x127xi32>
    %concatenate3A_172 = tpu.concatenate %slice3A_170, %slice3A_171 in 1 : vector<512x1xi32>, vector<512x127xi32> -> vector<512x128xi32>
    %iota3A_173 = tpu.iota {dimensions = array<i32: 1>} : vector<512x128xi32>
    %and3A_174 = arith.constant 1 : i32
    %and3A_175 = vector.broadcast %and3A_174 : i32 to vector<512x128xi32>
    %and3A_176 = arith.andi %iota3A_173, %and3A_175 : vector<512x128xi32>
    %eq3A_177 = arith.constant 0 : i32
    %eq3A_178 = vector.broadcast %eq3A_177 : i32 to vector<512x128xi32>
    %eq3A_179 = arith.cmpi eq, %and3A_176, %eq3A_178 : vector<512x128xi32>
    %select_n3A_180 = arith.select %eq3A_179, %concatenate3A_169, %concatenate3A_172 : vector<512x128xi1>, vector<512x128xi32>
    %and3A_181 = arith.constant 1 : i32
    %and3A_182 = vector.broadcast %and3A_181 : i32 to vector<512x128xi32>
    %and3A_183 = arith.andi %iota3A_173, %and3A_182 : vector<512x128xi32>
    %eq3A_184 = arith.constant 0 : i32
    %eq3A_185 = vector.broadcast %eq3A_184 : i32 to vector<512x128xi32>
    %eq3A_186 = arith.cmpi eq, %and3A_183, %eq3A_185 : vector<512x128xi32>
    %slice3A_187 = vector.extract_strided_slice %select_n3A_166 {offsets = [0, 1], sizes = [512, 127], strides = [1, 1]} : vector<512x128xi32> to vector<512x127xi32>
    %slice3A_188 = vector.extract_strided_slice %select_n3A_166 {offsets = [0, 0], sizes = [512, 1], strides = [1, 1]} : vector<512x128xi32> to vector<512x1xi32>
    %concatenate3A_189 = tpu.concatenate %slice3A_187, %slice3A_188 in 1 : vector<512x127xi32>, vector<512x1xi32> -> vector<512x128xi32>
    %slice3A_190 = vector.extract_strided_slice %select_n3A_166 {offsets = [0, 127], sizes = [512, 1], strides = [1, 1]} : vector<512x128xi32> to vector<512x1xi32>
    %slice3A_191 = vector.extract_strided_slice %select_n3A_166 {offsets = [0, 0], sizes = [512, 127], strides = [1, 1]} : vector<512x128xi32> to vector<512x127xi32>
    %concatenate3A_192 = tpu.concatenate %slice3A_190, %slice3A_191 in 1 : vector<512x1xi32>, vector<512x127xi32> -> vector<512x128xi32>
    %iota3A_193 = tpu.iota {dimensions = array<i32: 1>} : vector<512x128xi32>
    %and3A_194 = arith.constant 1 : i32
    %and3A_195 = vector.broadcast %and3A_194 : i32 to vector<512x128xi32>
    %and3A_196 = arith.andi %iota3A_193, %and3A_195 : vector<512x128xi32>
    %eq3A_197 = arith.constant 0 : i32
    %eq3A_198 = vector.broadcast %eq3A_197 : i32 to vector<512x128xi32>
    %eq3A_199 = arith.cmpi eq, %and3A_196, %eq3A_198 : vector<512x128xi32>
    %select_n3A_200 = arith.select %eq3A_199, %concatenate3A_189, %concatenate3A_192 : vector<512x128xi1>, vector<512x128xi32>
    %gt3A_201 = arith.cmpi sgt, %select_n3A_165, %select_n3A_180 : vector<512x128xi32>
    %eq3A_202 = arith.cmpi eq, %select_n3A_165, %select_n3A_180 : vector<512x128xi32>
    %lt3A_203 = arith.cmpi slt, %select_n3A_166, %select_n3A_200 : vector<512x128xi32>
    %and3A_204 = arith.andi %eq3A_202, %lt3A_203 : vector<512x128xi1>
    %or3A_205 = arith.ori %gt3A_201, %and3A_204 : vector<512x128xi1>
    %eq3A_206 = arith.xori %eq3A_186, %eq3A_119 : vector<512x128xi1>
    %eq3A_207 = arith.constant dense<true> : vector<512x128xi1>
    %eq3A_208 = arith.xori %eq3A_206, %eq3A_207 : vector<512x128xi1>
    %eq3A_209 = arith.xori %or3A_205, %eq3A_208 : vector<512x128xi1>
    %eq3A_210 = arith.constant dense<true> : vector<512x128xi1>
    %eq3A_211 = arith.xori %eq3A_209, %eq3A_210 : vector<512x128xi1>
    %select_n3A_212 = arith.select %eq3A_211, %select_n3A_165, %select_n3A_180 : vector<512x128xi1>, vector<512x128xi32>
    %select_n3A_213 = arith.select %eq3A_211, %select_n3A_166, %select_n3A_200 : vector<512x128xi1>, vector<512x128xi32>
    %and3A_214 = arith.constant 8 : i32
    %and3A_215 = vector.broadcast %and3A_214 : i32 to vector<512x128xi32>
    %and3A_216 = arith.andi %iota3A_62, %and3A_215 : vector<512x128xi32>
    %eq3A_217 = arith.constant 0 : i32
    %eq3A_218 = vector.broadcast %eq3A_217 : i32 to vector<512x128xi32>
    %eq3A_219 = arith.cmpi eq, %and3A_216, %eq3A_218 : vector<512x128xi32>
    %slice3A_220 = vector.extract_strided_slice %select_n3A_212 {offsets = [0, 4], sizes = [512, 124], strides = [1, 1]} : vector<512x128xi32> to vector<512x124xi32>
    %slice3A_221 = vector.extract_strided_slice %select_n3A_212 {offsets = [0, 0], sizes = [512, 4], strides = [1, 1]} : vector<512x128xi32> to vector<512x4xi32>
    %concatenate3A_222 = tpu.concatenate %slice3A_220, %slice3A_221 in 1 : vector<512x124xi32>, vector<512x4xi32> -> vector<512x128xi32>
    %slice3A_223 = vector.extract_strided_slice %select_n3A_212 {offsets = [0, 124], sizes = [512, 4], strides = [1, 1]} : vector<512x128xi32> to vector<512x4xi32>
    %slice3A_224 = vector.extract_strided_slice %select_n3A_212 {offsets = [0, 0], sizes = [512, 124], strides = [1, 1]} : vector<512x128xi32> to vector<512x124xi32>
    %concatenate3A_225 = tpu.concatenate %slice3A_223, %slice3A_224 in 1 : vector<512x4xi32>, vector<512x124xi32> -> vector<512x128xi32>
    %iota3A_226 = tpu.iota {dimensions = array<i32: 1>} : vector<512x128xi32>
    %and3A_227 = arith.constant 4 : i32
    %and3A_228 = vector.broadcast %and3A_227 : i32 to vector<512x128xi32>
    %and3A_229 = arith.andi %iota3A_226, %and3A_228 : vector<512x128xi32>
    %eq3A_230 = arith.constant 0 : i32
    %eq3A_231 = vector.broadcast %eq3A_230 : i32 to vector<512x128xi32>
    %eq3A_232 = arith.cmpi eq, %and3A_229, %eq3A_231 : vector<512x128xi32>
    %select_n3A_233 = arith.select %eq3A_232, %concatenate3A_222, %concatenate3A_225 : vector<512x128xi1>, vector<512x128xi32>
    %and3A_234 = arith.constant 4 : i32
    %and3A_235 = vector.broadcast %and3A_234 : i32 to vector<512x128xi32>
    %and3A_236 = arith.andi %iota3A_226, %and3A_235 : vector<512x128xi32>
    %eq3A_237 = arith.constant 0 : i32
    %eq3A_238 = vector.broadcast %eq3A_237 : i32 to vector<512x128xi32>
    %eq3A_239 = arith.cmpi eq, %and3A_236, %eq3A_238 : vector<512x128xi32>
    %slice3A_240 = vector.extract_strided_slice %select_n3A_213 {offsets = [0, 4], sizes = [512, 124], strides = [1, 1]} : vector<512x128xi32> to vector<512x124xi32>
    %slice3A_241 = vector.extract_strided_slice %select_n3A_213 {offsets = [0, 0], sizes = [512, 4], strides = [1, 1]} : vector<512x128xi32> to vector<512x4xi32>
    %concatenate3A_242 = tpu.concatenate %slice3A_240, %slice3A_241 in 1 : vector<512x124xi32>, vector<512x4xi32> -> vector<512x128xi32>
    %slice3A_243 = vector.extract_strided_slice %select_n3A_213 {offsets = [0, 124], sizes = [512, 4], strides = [1, 1]} : vector<512x128xi32> to vector<512x4xi32>
    %slice3A_244 = vector.extract_strided_slice %select_n3A_213 {offsets = [0, 0], sizes = [512, 124], strides = [1, 1]} : vector<512x128xi32> to vector<512x124xi32>
    %concatenate3A_245 = tpu.concatenate %slice3A_243, %slice3A_244 in 1 : vector<512x4xi32>, vector<512x124xi32> -> vector<512x128xi32>
    %iota3A_246 = tpu.iota {dimensions = array<i32: 1>} : vector<512x128xi32>
    %and3A_247 = arith.constant 4 : i32
    %and3A_248 = vector.broadcast %and3A_247 : i32 to vector<512x128xi32>
    %and3A_249 = arith.andi %iota3A_246, %and3A_248 : vector<512x128xi32>
    %eq3A_250 = arith.constant 0 : i32
    %eq3A_251 = vector.broadcast %eq3A_250 : i32 to vector<512x128xi32>
    %eq3A_252 = arith.cmpi eq, %and3A_249, %eq3A_251 : vector<512x128xi32>
    %select_n3A_253 = arith.select %eq3A_252, %concatenate3A_242, %concatenate3A_245 : vector<512x128xi1>, vector<512x128xi32>
    %gt3A_254 = arith.cmpi sgt, %select_n3A_212, %select_n3A_233 : vector<512x128xi32>
    %eq3A_255 = arith.cmpi eq, %select_n3A_212, %select_n3A_233 : vector<512x128xi32>
    %lt3A_256 = arith.cmpi slt, %select_n3A_213, %select_n3A_253 : vector<512x128xi32>
    %and3A_257 = arith.andi %eq3A_255, %lt3A_256 : vector<512x128xi1>
    %or3A_258 = arith.ori %gt3A_254, %and3A_257 : vector<512x128xi1>
    %eq3A_259 = arith.xori %eq3A_239, %eq3A_219 : vector<512x128xi1>
    %eq3A_260 = arith.constant dense<true> : vector<512x128xi1>
    %eq3A_261 = arith.xori %eq3A_259, %eq3A_260 : vector<512x128xi1>
    %eq3A_262 = arith.xori %or3A_258, %eq3A_261 : vector<512x128xi1>
    %eq3A_263 = arith.constant dense<true> : vector<512x128xi1>
    %eq3A_264 = arith.xori %eq3A_262, %eq3A_263 : vector<512x128xi1>
    %select_n3A_265 = arith.select %eq3A_264, %select_n3A_212, %select_n3A_233 : vector<512x128xi1>, vector<512x128xi32>
    %select_n3A_266 = arith.select %eq3A_264, %select_n3A_213, %select_n3A_253 : vector<512x128xi1>, vector<512x128xi32>
    %slice3A_267 = vector.extract_strided_slice %select_n3A_265 {offsets = [0, 2], sizes = [512, 126], strides = [1, 1]} : vector<512x128xi32> to vector<512x126xi32>
    %slice3A_268 = vector.extract_strided_slice %select_n3A_265 {offsets = [0, 0], sizes = [512, 2], strides = [1, 1]} : vector<512x128xi32> to vector<512x2xi32>
    %concatenate3A_269 = tpu.concatenate %slice3A_267, %slice3A_268 in 1 : vector<512x126xi32>, vector<512x2xi32> -> vector<512x128xi32>
    %slice3A_270 = vector.extract_strided_slice %select_n3A_265 {offsets = [0, 126], sizes = [512, 2], strides = [1, 1]} : vector<512x128xi32> to vector<512x2xi32>
    %slice3A_271 = vector.extract_strided_slice %select_n3A_265 {offsets = [0, 0], sizes = [512, 126], strides = [1, 1]} : vector<512x128xi32> to vector<512x126xi32>
    %concatenate3A_272 = tpu.concatenate %slice3A_270, %slice3A_271 in 1 : vector<512x2xi32>, vector<512x126xi32> -> vector<512x128xi32>
    %iota3A_273 = tpu.iota {dimensions = array<i32: 1>} : vector<512x128xi32>
    %and3A_274 = arith.constant 2 : i32
    %and3A_275 = vector.broadcast %and3A_274 : i32 to vector<512x128xi32>
    %and3A_276 = arith.andi %iota3A_273, %and3A_275 : vector<512x128xi32>
    %eq3A_277 = arith.constant 0 : i32
    %eq3A_278 = vector.broadcast %eq3A_277 : i32 to vector<512x128xi32>
    %eq3A_279 = arith.cmpi eq, %and3A_276, %eq3A_278 : vector<512x128xi32>
    %select_n3A_280 = arith.select %eq3A_279, %concatenate3A_269, %concatenate3A_272 : vector<512x128xi1>, vector<512x128xi32>
    %and3A_281 = arith.constant 2 : i32
    %and3A_282 = vector.broadcast %and3A_281 : i32 to vector<512x128xi32>
    %and3A_283 = arith.andi %iota3A_273, %and3A_282 : vector<512x128xi32>
    %eq3A_284 = arith.constant 0 : i32
    %eq3A_285 = vector.broadcast %eq3A_284 : i32 to vector<512x128xi32>
    %eq3A_286 = arith.cmpi eq, %and3A_283, %eq3A_285 : vector<512x128xi32>
    %slice3A_287 = vector.extract_strided_slice %select_n3A_266 {offsets = [0, 2], sizes = [512, 126], strides = [1, 1]} : vector<512x128xi32> to vector<512x126xi32>
    %slice3A_288 = vector.extract_strided_slice %select_n3A_266 {offsets = [0, 0], sizes = [512, 2], strides = [1, 1]} : vector<512x128xi32> to vector<512x2xi32>
    %concatenate3A_289 = tpu.concatenate %slice3A_287, %slice3A_288 in 1 : vector<512x126xi32>, vector<512x2xi32> -> vector<512x128xi32>
    %slice3A_290 = vector.extract_strided_slice %select_n3A_266 {offsets = [0, 126], sizes = [512, 2], strides = [1, 1]} : vector<512x128xi32> to vector<512x2xi32>
    %slice3A_291 = vector.extract_strided_slice %select_n3A_266 {offsets = [0, 0], sizes = [512, 126], strides = [1, 1]} : vector<512x128xi32> to vector<512x126xi32>
    %concatenate3A_292 = tpu.concatenate %slice3A_290, %slice3A_291 in 1 : vector<512x2xi32>, vector<512x126xi32> -> vector<512x128xi32>
    %iota3A_293 = tpu.iota {dimensions = array<i32: 1>} : vector<512x128xi32>
    %and3A_294 = arith.constant 2 : i32
    %and3A_295 = vector.broadcast %and3A_294 : i32 to vector<512x128xi32>
    %and3A_296 = arith.andi %iota3A_293, %and3A_295 : vector<512x128xi32>
    %eq3A_297 = arith.constant 0 : i32
    %eq3A_298 = vector.broadcast %eq3A_297 : i32 to vector<512x128xi32>
    %eq3A_299 = arith.cmpi eq, %and3A_296, %eq3A_298 : vector<512x128xi32>
    %select_n3A_300 = arith.select %eq3A_299, %concatenate3A_289, %concatenate3A_292 : vector<512x128xi1>, vector<512x128xi32>
    %gt3A_301 = arith.cmpi sgt, %select_n3A_265, %select_n3A_280 : vector<512x128xi32>
    %eq3A_302 = arith.cmpi eq, %select_n3A_265, %select_n3A_280 : vector<512x128xi32>
    %lt3A_303 = arith.cmpi slt, %select_n3A_266, %select_n3A_300 : vector<512x128xi32>
    %and3A_304 = arith.andi %eq3A_302, %lt3A_303 : vector<512x128xi1>
    %or3A_305 = arith.ori %gt3A_301, %and3A_304 : vector<512x128xi1>
    %eq3A_306 = arith.xori %eq3A_286, %eq3A_219 : vector<512x128xi1>
    %eq3A_307 = arith.constant dense<true> : vector<512x128xi1>
    %eq3A_308 = arith.xori %eq3A_306, %eq3A_307 : vector<512x128xi1>
    %eq3A_309 = arith.xori %or3A_305, %eq3A_308 : vector<512x128xi1>
    %eq3A_310 = arith.constant dense<true> : vector<512x128xi1>
    %eq3A_311 = arith.xori %eq3A_309, %eq3A_310 : vector<512x128xi1>
    %select_n3A_312 = arith.select %eq3A_311, %select_n3A_265, %select_n3A_280 : vector<512x128xi1>, vector<512x128xi32>
    %select_n3A_313 = arith.select %eq3A_311, %select_n3A_266, %select_n3A_300 : vector<512x128xi1>, vector<512x128xi32>
    %slice3A_314 = vector.extract_strided_slice %select_n3A_312 {offsets = [0, 1], sizes = [512, 127], strides = [1, 1]} : vector<512x128xi32> to vector<512x127xi32>
    %slice3A_315 = vector.extract_strided_slice %select_n3A_312 {offsets = [0, 0], sizes = [512, 1], strides = [1, 1]} : vector<512x128xi32> to vector<512x1xi32>
    %concatenate3A_316 = tpu.concatenate %slice3A_314, %slice3A_315 in 1 : vector<512x127xi32>, vector<512x1xi32> -> vector<512x128xi32>
    %slice3A_317 = vector.extract_strided_slice %select_n3A_312 {offsets = [0, 127], sizes = [512, 1], strides = [1, 1]} : vector<512x128xi32> to vector<512x1xi32>
    %slice3A_318 = vector.extract_strided_slice %select_n3A_312 {offsets = [0, 0], sizes = [512, 127], strides = [1, 1]} : vector<512x128xi32> to vector<512x127xi32>
    %concatenate3A_319 = tpu.concatenate %slice3A_317, %slice3A_318 in 1 : vector<512x1xi32>, vector<512x127xi32> -> vector<512x128xi32>
    %iota3A_320 = tpu.iota {dimensions = array<i32: 1>} : vector<512x128xi32>
    %and3A_321 = arith.constant 1 : i32
    %and3A_322 = vector.broadcast %and3A_321 : i32 to vector<512x128xi32>
    %and3A_323 = arith.andi %iota3A_320, %and3A_322 : vector<512x128xi32>
    %eq3A_324 = arith.constant 0 : i32
    %eq3A_325 = vector.broadcast %eq3A_324 : i32 to vector<512x128xi32>
    %eq3A_326 = arith.cmpi eq, %and3A_323, %eq3A_325 : vector<512x128xi32>
    %select_n3A_327 = arith.select %eq3A_326, %concatenate3A_316, %concatenate3A_319 : vector<512x128xi1>, vector<512x128xi32>
    %and3A_328 = arith.constant 1 : i32
    %and3A_329 = vector.broadcast %and3A_328 : i32 to vector<512x128xi32>
    %and3A_330 = arith.andi %iota3A_320, %and3A_329 : vector<512x128xi32>
    %eq3A_331 = arith.constant 0 : i32
    %eq3A_332 = vector.broadcast %eq3A_331 : i32 to vector<512x128xi32>
    %eq3A_333 = arith.cmpi eq, %and3A_330, %eq3A_332 : vector<512x128xi32>
    %slice3A_334 = vector.extract_strided_slice %select_n3A_313 {offsets = [0, 1], sizes = [512, 127], strides = [1, 1]} : vector<512x128xi32> to vector<512x127xi32>
    %slice3A_335 = vector.extract_strided_slice %select_n3A_313 {offsets = [0, 0], sizes = [512, 1], strides = [1, 1]} : vector<512x128xi32> to vector<512x1xi32>
    %concatenate3A_336 = tpu.concatenate %slice3A_334, %slice3A_335 in 1 : vector<512x127xi32>, vector<512x1xi32> -> vector<512x128xi32>
    %slice3A_337 = vector.extract_strided_slice %select_n3A_313 {offsets = [0, 127], sizes = [512, 1], strides = [1, 1]} : vector<512x128xi32> to vector<512x1xi32>
    %slice3A_338 = vector.extract_strided_slice %select_n3A_313 {offsets = [0, 0], sizes = [512, 127], strides = [1, 1]} : vector<512x128xi32> to vector<512x127xi32>
    %concatenate3A_339 = tpu.concatenate %slice3A_337, %slice3A_338 in 1 : vector<512x1xi32>, vector<512x127xi32> -> vector<512x128xi32>
    %iota3A_340 = tpu.iota {dimensions = array<i32: 1>} : vector<512x128xi32>
    %and3A_341 = arith.constant 1 : i32
    %and3A_342 = vector.broadcast %and3A_341 : i32 to vector<512x128xi32>
    %and3A_343 = arith.andi %iota3A_340, %and3A_342 : vector<512x128xi32>
    %eq3A_344 = arith.constant 0 : i32
    %eq3A_345 = vector.broadcast %eq3A_344 : i32 to vector<512x128xi32>
    %eq3A_346 = arith.cmpi eq, %and3A_343, %eq3A_345 : vector<512x128xi32>
    %select_n3A_347 = arith.select %eq3A_346, %concatenate3A_336, %concatenate3A_339 : vector<512x128xi1>, vector<512x128xi32>
    %gt3A_348 = arith.cmpi sgt, %select_n3A_312, %select_n3A_327 : vector<512x128xi32>
    %eq3A_349 = arith.cmpi eq, %select_n3A_312, %select_n3A_327 : vector<512x128xi32>
    %lt3A_350 = arith.cmpi slt, %select_n3A_313, %select_n3A_347 : vector<512x128xi32>
    %and3A_351 = arith.andi %eq3A_349, %lt3A_350 : vector<512x128xi1>
    %or3A_352 = arith.ori %gt3A_348, %and3A_351 : vector<512x128xi1>
    %eq3A_353 = arith.xori %eq3A_333, %eq3A_219 : vector<512x128xi1>
    %eq3A_354 = arith.constant dense<true> : vector<512x128xi1>
    %eq3A_355 = arith.xori %eq3A_353, %eq3A_354 : vector<512x128xi1>
    %eq3A_356 = arith.xori %or3A_352, %eq3A_355 : vector<512x128xi1>
    %eq3A_357 = arith.constant dense<true> : vector<512x128xi1>
    %eq3A_358 = arith.xori %eq3A_356, %eq3A_357 : vector<512x128xi1>
    %select_n3A_359 = arith.select %eq3A_358, %select_n3A_312, %select_n3A_327 : vector<512x128xi1>, vector<512x128xi32>
    %select_n3A_360 = arith.select %eq3A_358, %select_n3A_313, %select_n3A_347 : vector<512x128xi1>, vector<512x128xi32>
    %and3A_361 = arith.constant 16 : i32
    %and3A_362 = vector.broadcast %and3A_361 : i32 to vector<512x128xi32>
    %and3A_363 = arith.andi %iota3A_62, %and3A_362 : vector<512x128xi32>
    %eq3A_364 = arith.constant 0 : i32
    %eq3A_365 = vector.broadcast %eq3A_364 : i32 to vector<512x128xi32>
    %eq3A_366 = arith.cmpi eq, %and3A_363, %eq3A_365 : vector<512x128xi32>
    %slice3A_367 = vector.extract_strided_slice %select_n3A_359 {offsets = [0, 8], sizes = [512, 120], strides = [1, 1]} : vector<512x128xi32> to vector<512x120xi32>
    %slice3A_368 = vector.extract_strided_slice %select_n3A_359 {offsets = [0, 0], sizes = [512, 8], strides = [1, 1]} : vector<512x128xi32> to vector<512x8xi32>
    %concatenate3A_369 = tpu.concatenate %slice3A_367, %slice3A_368 in 1 : vector<512x120xi32>, vector<512x8xi32> -> vector<512x128xi32>
    %slice3A_370 = vector.extract_strided_slice %select_n3A_359 {offsets = [0, 120], sizes = [512, 8], strides = [1, 1]} : vector<512x128xi32> to vector<512x8xi32>
    %slice3A_371 = vector.extract_strided_slice %select_n3A_359 {offsets = [0, 0], sizes = [512, 120], strides = [1, 1]} : vector<512x128xi32> to vector<512x120xi32>
    %concatenate3A_372 = tpu.concatenate %slice3A_370, %slice3A_371 in 1 : vector<512x8xi32>, vector<512x120xi32> -> vector<512x128xi32>
    %iota3A_373 = tpu.iota {dimensions = array<i32: 1>} : vector<512x128xi32>
    %and3A_374 = arith.constant 8 : i32
    %and3A_375 = vector.broadcast %and3A_374 : i32 to vector<512x128xi32>
    %and3A_376 = arith.andi %iota3A_373, %and3A_375 : vector<512x128xi32>
    %eq3A_377 = arith.constant 0 : i32
    %eq3A_378 = vector.broadcast %eq3A_377 : i32 to vector<512x128xi32>
    %eq3A_379 = arith.cmpi eq, %and3A_376, %eq3A_378 : vector<512x128xi32>
    %select_n3A_380 = arith.select %eq3A_379, %concatenate3A_369, %concatenate3A_372 : vector<512x128xi1>, vector<512x128xi32>
    %and3A_381 = arith.constant 8 : i32
    %and3A_382 = vector.broadcast %and3A_381 : i32 to vector<512x128xi32>
    %and3A_383 = arith.andi %iota3A_373, %and3A_382 : vector<512x128xi32>
    %eq3A_384 = arith.constant 0 : i32
    %eq3A_385 = vector.broadcast %eq3A_384 : i32 to vector<512x128xi32>
    %eq3A_386 = arith.cmpi eq, %and3A_383, %eq3A_385 : vector<512x128xi32>
    %slice3A_387 = vector.extract_strided_slice %select_n3A_360 {offsets = [0, 8], sizes = [512, 120], strides = [1, 1]} : vector<512x128xi32> to vector<512x120xi32>
    %slice3A_388 = vector.extract_strided_slice %select_n3A_360 {offsets = [0, 0], sizes = [512, 8], strides = [1, 1]} : vector<512x128xi32> to vector<512x8xi32>
    %concatenate3A_389 = tpu.concatenate %slice3A_387, %slice3A_388 in 1 : vector<512x120xi32>, vector<512x8xi32> -> vector<512x128xi32>
    %slice3A_390 = vector.extract_strided_slice %select_n3A_360 {offsets = [0, 120], sizes = [512, 8], strides = [1, 1]} : vector<512x128xi32> to vector<512x8xi32>
    %slice3A_391 = vector.extract_strided_slice %select_n3A_360 {offsets = [0, 0], sizes = [512, 120], strides = [1, 1]} : vector<512x128xi32> to vector<512x120xi32>
    %concatenate3A_392 = tpu.concatenate %slice3A_390, %slice3A_391 in 1 : vector<512x8xi32>, vector<512x120xi32> -> vector<512x128xi32>
    %iota3A_393 = tpu.iota {dimensions = array<i32: 1>} : vector<512x128xi32>
    %and3A_394 = arith.constant 8 : i32
    %and3A_395 = vector.broadcast %and3A_394 : i32 to vector<512x128xi32>
    %and3A_396 = arith.andi %iota3A_393, %and3A_395 : vector<512x128xi32>
    %eq3A_397 = arith.constant 0 : i32
    %eq3A_398 = vector.broadcast %eq3A_397 : i32 to vector<512x128xi32>
    %eq3A_399 = arith.cmpi eq, %and3A_396, %eq3A_398 : vector<512x128xi32>
    %select_n3A_400 = arith.select %eq3A_399, %concatenate3A_389, %concatenate3A_392 : vector<512x128xi1>, vector<512x128xi32>
    %gt3A_401 = arith.cmpi sgt, %select_n3A_359, %select_n3A_380 : vector<512x128xi32>
    %eq3A_402 = arith.cmpi eq, %select_n3A_359, %select_n3A_380 : vector<512x128xi32>
    %lt3A_403 = arith.cmpi slt, %select_n3A_360, %select_n3A_400 : vector<512x128xi32>
    %and3A_404 = arith.andi %eq3A_402, %lt3A_403 : vector<512x128xi1>
    %or3A_405 = arith.ori %gt3A_401, %and3A_404 : vector<512x128xi1>
    %eq3A_406 = arith.xori %eq3A_386, %eq3A_366 : vector<512x128xi1>
    %eq3A_407 = arith.constant dense<true> : vector<512x128xi1>
    %eq3A_408 = arith.xori %eq3A_406, %eq3A_407 : vector<512x128xi1>
    %eq3A_409 = arith.xori %or3A_405, %eq3A_408 : vector<512x128xi1>
    %eq3A_410 = arith.constant dense<true> : vector<512x128xi1>
    %eq3A_411 = arith.xori %eq3A_409, %eq3A_410 : vector<512x128xi1>
    %select_n3A_412 = arith.select %eq3A_411, %select_n3A_359, %select_n3A_380 : vector<512x128xi1>, vector<512x128xi32>
    %select_n3A_413 = arith.select %eq3A_411, %select_n3A_360, %select_n3A_400 : vector<512x128xi1>, vector<512x128xi32>
    %slice3A_414 = vector.extract_strided_slice %select_n3A_412 {offsets = [0, 4], sizes = [512, 124], strides = [1, 1]} : vector<512x128xi32> to vector<512x124xi32>
    %slice3A_415 = vector.extract_strided_slice %select_n3A_412 {offsets = [0, 0], sizes = [512, 4], strides = [1, 1]} : vector<512x128xi32> to vector<512x4xi32>
    %concatenate3A_416 = tpu.concatenate %slice3A_414, %slice3A_415 in 1 : vector<512x124xi32>, vector<512x4xi32> -> vector<512x128xi32>
    %slice3A_417 = vector.extract_strided_slice %select_n3A_412 {offsets = [0, 124], sizes = [512, 4], strides = [1, 1]} : vector<512x128xi32> to vector<512x4xi32>
    %slice3A_418 = vector.extract_strided_slice %select_n3A_412 {offsets = [0, 0], sizes = [512, 124], strides = [1, 1]} : vector<512x128xi32> to vector<512x124xi32>
    %concatenate3A_419 = tpu.concatenate %slice3A_417, %slice3A_418 in 1 : vector<512x4xi32>, vector<512x124xi32> -> vector<512x128xi32>
    %iota3A_420 = tpu.iota {dimensions = array<i32: 1>} : vector<512x128xi32>
    %and3A_421 = arith.constant 4 : i32
    %and3A_422 = vector.broadcast %and3A_421 : i32 to vector<512x128xi32>
    %and3A_423 = arith.andi %iota3A_420, %and3A_422 : vector<512x128xi32>
    %eq3A_424 = arith.constant 0 : i32
    %eq3A_425 = vector.broadcast %eq3A_424 : i32 to vector<512x128xi32>
    %eq3A_426 = arith.cmpi eq, %and3A_423, %eq3A_425 : vector<512x128xi32>
    %select_n3A_427 = arith.select %eq3A_426, %concatenate3A_416, %concatenate3A_419 : vector<512x128xi1>, vector<512x128xi32>
    %and3A_428 = arith.constant 4 : i32
    %and3A_429 = vector.broadcast %and3A_428 : i32 to vector<512x128xi32>
    %and3A_430 = arith.andi %iota3A_420, %and3A_429 : vector<512x128xi32>
    %eq3A_431 = arith.constant 0 : i32
    %eq3A_432 = vector.broadcast %eq3A_431 : i32 to vector<512x128xi32>
    %eq3A_433 = arith.cmpi eq, %and3A_430, %eq3A_432 : vector<512x128xi32>
    %slice3A_434 = vector.extract_strided_slice %select_n3A_413 {offsets = [0, 4], sizes = [512, 124], strides = [1, 1]} : vector<512x128xi32> to vector<512x124xi32>
    %slice3A_435 = vector.extract_strided_slice %select_n3A_413 {offsets = [0, 0], sizes = [512, 4], strides = [1, 1]} : vector<512x128xi32> to vector<512x4xi32>
    %concatenate3A_436 = tpu.concatenate %slice3A_434, %slice3A_435 in 1 : vector<512x124xi32>, vector<512x4xi32> -> vector<512x128xi32>
    %slice3A_437 = vector.extract_strided_slice %select_n3A_413 {offsets = [0, 124], sizes = [512, 4], strides = [1, 1]} : vector<512x128xi32> to vector<512x4xi32>
    %slice3A_438 = vector.extract_strided_slice %select_n3A_413 {offsets = [0, 0], sizes = [512, 124], strides = [1, 1]} : vector<512x128xi32> to vector<512x124xi32>
    %concatenate3A_439 = tpu.concatenate %slice3A_437, %slice3A_438 in 1 : vector<512x4xi32>, vector<512x124xi32> -> vector<512x128xi32>
    %iota3A_440 = tpu.iota {dimensions = array<i32: 1>} : vector<512x128xi32>
    %and3A_441 = arith.constant 4 : i32
    %and3A_442 = vector.broadcast %and3A_441 : i32 to vector<512x128xi32>
    %and3A_443 = arith.andi %iota3A_440, %and3A_442 : vector<512x128xi32>
    %eq3A_444 = arith.constant 0 : i32
    %eq3A_445 = vector.broadcast %eq3A_444 : i32 to vector<512x128xi32>
    %eq3A_446 = arith.cmpi eq, %and3A_443, %eq3A_445 : vector<512x128xi32>
    %select_n3A_447 = arith.select %eq3A_446, %concatenate3A_436, %concatenate3A_439 : vector<512x128xi1>, vector<512x128xi32>
    %gt3A_448 = arith.cmpi sgt, %select_n3A_412, %select_n3A_427 : vector<512x128xi32>
    %eq3A_449 = arith.cmpi eq, %select_n3A_412, %select_n3A_427 : vector<512x128xi32>
    %lt3A_450 = arith.cmpi slt, %select_n3A_413, %select_n3A_447 : vector<512x128xi32>
    %and3A_451 = arith.andi %eq3A_449, %lt3A_450 : vector<512x128xi1>
    %or3A_452 = arith.ori %gt3A_448, %and3A_451 : vector<512x128xi1>
    %eq3A_453 = arith.xori %eq3A_433, %eq3A_366 : vector<512x128xi1>
    %eq3A_454 = arith.constant dense<true> : vector<512x128xi1>
    %eq3A_455 = arith.xori %eq3A_453, %eq3A_454 : vector<512x128xi1>
    %eq3A_456 = arith.xori %or3A_452, %eq3A_455 : vector<512x128xi1>
    %eq3A_457 = arith.constant dense<true> : vector<512x128xi1>
    %eq3A_458 = arith.xori %eq3A_456, %eq3A_457 : vector<512x128xi1>
    %select_n3A_459 = arith.select %eq3A_458, %select_n3A_412, %select_n3A_427 : vector<512x128xi1>, vector<512x128xi32>
    %select_n3A_460 = arith.select %eq3A_458, %select_n3A_413, %select_n3A_447 : vector<512x128xi1>, vector<512x128xi32>
    %slice3A_461 = vector.extract_strided_slice %select_n3A_459 {offsets = [0, 2], sizes = [512, 126], strides = [1, 1]} : vector<512x128xi32> to vector<512x126xi32>
    %slice3A_462 = vector.extract_strided_slice %select_n3A_459 {offsets = [0, 0], sizes = [512, 2], strides = [1, 1]} : vector<512x128xi32> to vector<512x2xi32>
    %concatenate3A_463 = tpu.concatenate %slice3A_461, %slice3A_462 in 1 : vector<512x126xi32>, vector<512x2xi32> -> vector<512x128xi32>
    %slice3A_464 = vector.extract_strided_slice %select_n3A_459 {offsets = [0, 126], sizes = [512, 2], strides = [1, 1]} : vector<512x128xi32> to vector<512x2xi32>
    %slice3A_465 = vector.extract_strided_slice %select_n3A_459 {offsets = [0, 0], sizes = [512, 126], strides = [1, 1]} : vector<512x128xi32> to vector<512x126xi32>
    %concatenate3A_466 = tpu.concatenate %slice3A_464, %slice3A_465 in 1 : vector<512x2xi32>, vector<512x126xi32> -> vector<512x128xi32>
    %iota3A_467 = tpu.iota {dimensions = array<i32: 1>} : vector<512x128xi32>
    %and3A_468 = arith.constant 2 : i32
    %and3A_469 = vector.broadcast %and3A_468 : i32 to vector<512x128xi32>
    %and3A_470 = arith.andi %iota3A_467, %and3A_469 : vector<512x128xi32>
    %eq3A_471 = arith.constant 0 : i32
    %eq3A_472 = vector.broadcast %eq3A_471 : i32 to vector<512x128xi32>
    %eq3A_473 = arith.cmpi eq, %and3A_470, %eq3A_472 : vector<512x128xi32>
    %select_n3A_474 = arith.select %eq3A_473, %concatenate3A_463, %concatenate3A_466 : vector<512x128xi1>, vector<512x128xi32>
    %and3A_475 = arith.constant 2 : i32
    %and3A_476 = vector.broadcast %and3A_475 : i32 to vector<512x128xi32>
    %and3A_477 = arith.andi %iota3A_467, %and3A_476 : vector<512x128xi32>
    %eq3A_478 = arith.constant 0 : i32
    %eq3A_479 = vector.broadcast %eq3A_478 : i32 to vector<512x128xi32>
    %eq3A_480 = arith.cmpi eq, %and3A_477, %eq3A_479 : vector<512x128xi32>
    %slice3A_481 = vector.extract_strided_slice %select_n3A_460 {offsets = [0, 2], sizes = [512, 126], strides = [1, 1]} : vector<512x128xi32> to vector<512x126xi32>
    %slice3A_482 = vector.extract_strided_slice %select_n3A_460 {offsets = [0, 0], sizes = [512, 2], strides = [1, 1]} : vector<512x128xi32> to vector<512x2xi32>
    %concatenate3A_483 = tpu.concatenate %slice3A_481, %slice3A_482 in 1 : vector<512x126xi32>, vector<512x2xi32> -> vector<512x128xi32>
    %slice3A_484 = vector.extract_strided_slice %select_n3A_460 {offsets = [0, 126], sizes = [512, 2], strides = [1, 1]} : vector<512x128xi32> to vector<512x2xi32>
    %slice3A_485 = vector.extract_strided_slice %select_n3A_460 {offsets = [0, 0], sizes = [512, 126], strides = [1, 1]} : vector<512x128xi32> to vector<512x126xi32>
    %concatenate3A_486 = tpu.concatenate %slice3A_484, %slice3A_485 in 1 : vector<512x2xi32>, vector<512x126xi32> -> vector<512x128xi32>
    %iota3A_487 = tpu.iota {dimensions = array<i32: 1>} : vector<512x128xi32>
    %and3A_488 = arith.constant 2 : i32
    %and3A_489 = vector.broadcast %and3A_488 : i32 to vector<512x128xi32>
    %and3A_490 = arith.andi %iota3A_487, %and3A_489 : vector<512x128xi32>
    %eq3A_491 = arith.constant 0 : i32
    %eq3A_492 = vector.broadcast %eq3A_491 : i32 to vector<512x128xi32>
    %eq3A_493 = arith.cmpi eq, %and3A_490, %eq3A_492 : vector<512x128xi32>
    %select_n3A_494 = arith.select %eq3A_493, %concatenate3A_483, %concatenate3A_486 : vector<512x128xi1>, vector<512x128xi32>
    %gt3A_495 = arith.cmpi sgt, %select_n3A_459, %select_n3A_474 : vector<512x128xi32>
    %eq3A_496 = arith.cmpi eq, %select_n3A_459, %select_n3A_474 : vector<512x128xi32>
    %lt3A_497 = arith.cmpi slt, %select_n3A_460, %select_n3A_494 : vector<512x128xi32>
    %and3A_498 = arith.andi %eq3A_496, %lt3A_497 : vector<512x128xi1>
    %or3A_499 = arith.ori %gt3A_495, %and3A_498 : vector<512x128xi1>
    %eq3A_500 = arith.xori %eq3A_480, %eq3A_366 : vector<512x128xi1>
    %eq3A_501 = arith.constant dense<true> : vector<512x128xi1>
    %eq3A_502 = arith.xori %eq3A_500, %eq3A_501 : vector<512x128xi1>
    %eq3A_503 = arith.xori %or3A_499, %eq3A_502 : vector<512x128xi1>
    %eq3A_504 = arith.constant dense<true> : vector<512x128xi1>
    %eq3A_505 = arith.xori %eq3A_503, %eq3A_504 : vector<512x128xi1>
    %select_n3A_506 = arith.select %eq3A_505, %select_n3A_459, %select_n3A_474 : vector<512x128xi1>, vector<512x128xi32>
    %select_n3A_507 = arith.select %eq3A_505, %select_n3A_460, %select_n3A_494 : vector<512x128xi1>, vector<512x128xi32>
    %slice3A_508 = vector.extract_strided_slice %select_n3A_506 {offsets = [0, 1], sizes = [512, 127], strides = [1, 1]} : vector<512x128xi32> to vector<512x127xi32>
    %slice3A_509 = vector.extract_strided_slice %select_n3A_506 {offsets = [0, 0], sizes = [512, 1], strides = [1, 1]} : vector<512x128xi32> to vector<512x1xi32>
    %concatenate3A_510 = tpu.concatenate %slice3A_508, %slice3A_509 in 1 : vector<512x127xi32>, vector<512x1xi32> -> vector<512x128xi32>
    %slice3A_511 = vector.extract_strided_slice %select_n3A_506 {offsets = [0, 127], sizes = [512, 1], strides = [1, 1]} : vector<512x128xi32> to vector<512x1xi32>
    %slice3A_512 = vector.extract_strided_slice %select_n3A_506 {offsets = [0, 0], sizes = [512, 127], strides = [1, 1]} : vector<512x128xi32> to vector<512x127xi32>
    %concatenate3A_513 = tpu.concatenate %slice3A_511, %slice3A_512 in 1 : vector<512x1xi32>, vector<512x127xi32> -> vector<512x128xi32>
    %iota3A_514 = tpu.iota {dimensions = array<i32: 1>} : vector<512x128xi32>
    %and3A_515 = arith.constant 1 : i32
    %and3A_516 = vector.broadcast %and3A_515 : i32 to vector<512x128xi32>
    %and3A_517 = arith.andi %iota3A_514, %and3A_516 : vector<512x128xi32>
    %eq3A_518 = arith.constant 0 : i32
    %eq3A_519 = vector.broadcast %eq3A_518 : i32 to vector<512x128xi32>
    %eq3A_520 = arith.cmpi eq, %and3A_517, %eq3A_519 : vector<512x128xi32>
    %select_n3A_521 = arith.select %eq3A_520, %concatenate3A_510, %concatenate3A_513 : vector<512x128xi1>, vector<512x128xi32>
    %and3A_522 = arith.constant 1 : i32
    %and3A_523 = vector.broadcast %and3A_522 : i32 to vector<512x128xi32>
    %and3A_524 = arith.andi %iota3A_514, %and3A_523 : vector<512x128xi32>
    %eq3A_525 = arith.constant 0 : i32
    %eq3A_526 = vector.broadcast %eq3A_525 : i32 to vector<512x128xi32>
    %eq3A_527 = arith.cmpi eq, %and3A_524, %eq3A_526 : vector<512x128xi32>
    %slice3A_528 = vector.extract_strided_slice %select_n3A_507 {offsets = [0, 1], sizes = [512, 127], strides = [1, 1]} : vector<512x128xi32> to vector<512x127xi32>
    %slice3A_529 = vector.extract_strided_slice %select_n3A_507 {offsets = [0, 0], sizes = [512, 1], strides = [1, 1]} : vector<512x128xi32> to vector<512x1xi32>
    %concatenate3A_530 = tpu.concatenate %slice3A_528, %slice3A_529 in 1 : vector<512x127xi32>, vector<512x1xi32> -> vector<512x128xi32>
    %slice3A_531 = vector.extract_strided_slice %select_n3A_507 {offsets = [0, 127], sizes = [512, 1], strides = [1, 1]} : vector<512x128xi32> to vector<512x1xi32>
    %slice3A_532 = vector.extract_strided_slice %select_n3A_507 {offsets = [0, 0], sizes = [512, 127], strides = [1, 1]} : vector<512x128xi32> to vector<512x127xi32>
    %concatenate3A_533 = tpu.concatenate %slice3A_531, %slice3A_532 in 1 : vector<512x1xi32>, vector<512x127xi32> -> vector<512x128xi32>
    %iota3A_534 = tpu.iota {dimensions = array<i32: 1>} : vector<512x128xi32>
    %and3A_535 = arith.constant 1 : i32
    %and3A_536 = vector.broadcast %and3A_535 : i32 to vector<512x128xi32>
    %and3A_537 = arith.andi %iota3A_534, %and3A_536 : vector<512x128xi32>
    %eq3A_538 = arith.constant 0 : i32
    %eq3A_539 = vector.broadcast %eq3A_538 : i32 to vector<512x128xi32>
    %eq3A_540 = arith.cmpi eq, %and3A_537, %eq3A_539 : vector<512x128xi32>
    %select_n3A_541 = arith.select %eq3A_540, %concatenate3A_530, %concatenate3A_533 : vector<512x128xi1>, vector<512x128xi32>
    %gt3A_542 = arith.cmpi sgt, %select_n3A_506, %select_n3A_521 : vector<512x128xi32>
    %eq3A_543 = arith.cmpi eq, %select_n3A_506, %select_n3A_521 : vector<512x128xi32>
    %lt3A_544 = arith.cmpi slt, %select_n3A_507, %select_n3A_541 : vector<512x128xi32>
    %and3A_545 = arith.andi %eq3A_543, %lt3A_544 : vector<512x128xi1>
    %or3A_546 = arith.ori %gt3A_542, %and3A_545 : vector<512x128xi1>
    %eq3A_547 = arith.xori %eq3A_527, %eq3A_366 : vector<512x128xi1>
    %eq3A_548 = arith.constant dense<true> : vector<512x128xi1>
    %eq3A_549 = arith.xori %eq3A_547, %eq3A_548 : vector<512x128xi1>
    %eq3A_550 = arith.xori %or3A_546, %eq3A_549 : vector<512x128xi1>
    %eq3A_551 = arith.constant dense<true> : vector<512x128xi1>
    %eq3A_552 = arith.xori %eq3A_550, %eq3A_551 : vector<512x128xi1>
    %select_n3A_553 = arith.select %eq3A_552, %select_n3A_506, %select_n3A_521 : vector<512x128xi1>, vector<512x128xi32>
    %select_n3A_554 = arith.select %eq3A_552, %select_n3A_507, %select_n3A_541 : vector<512x128xi1>, vector<512x128xi32>
    %and3A_555 = arith.constant 32 : i32
    %and3A_556 = vector.broadcast %and3A_555 : i32 to vector<512x128xi32>
    %and3A_557 = arith.andi %iota3A_62, %and3A_556 : vector<512x128xi32>
    %eq3A_558 = arith.constant 0 : i32
    %eq3A_559 = vector.broadcast %eq3A_558 : i32 to vector<512x128xi32>
    %eq3A_560 = arith.cmpi eq, %and3A_557, %eq3A_559 : vector<512x128xi32>
    %slice3A_561 = vector.extract_strided_slice %select_n3A_553 {offsets = [0, 16], sizes = [512, 112], strides = [1, 1]} : vector<512x128xi32> to vector<512x112xi32>
    %slice3A_562 = vector.extract_strided_slice %select_n3A_553 {offsets = [0, 0], sizes = [512, 16], strides = [1, 1]} : vector<512x128xi32> to vector<512x16xi32>
    %concatenate3A_563 = tpu.concatenate %slice3A_561, %slice3A_562 in 1 : vector<512x112xi32>, vector<512x16xi32> -> vector<512x128xi32>
    %slice3A_564 = vector.extract_strided_slice %select_n3A_553 {offsets = [0, 112], sizes = [512, 16], strides = [1, 1]} : vector<512x128xi32> to vector<512x16xi32>
    %slice3A_565 = vector.extract_strided_slice %select_n3A_553 {offsets = [0, 0], sizes = [512, 112], strides = [1, 1]} : vector<512x128xi32> to vector<512x112xi32>
    %concatenate3A_566 = tpu.concatenate %slice3A_564, %slice3A_565 in 1 : vector<512x16xi32>, vector<512x112xi32> -> vector<512x128xi32>
    %iota3A_567 = tpu.iota {dimensions = array<i32: 1>} : vector<512x128xi32>
    %and3A_568 = arith.constant 16 : i32
    %and3A_569 = vector.broadcast %and3A_568 : i32 to vector<512x128xi32>
    %and3A_570 = arith.andi %iota3A_567, %and3A_569 : vector<512x128xi32>
    %eq3A_571 = arith.constant 0 : i32
    %eq3A_572 = vector.broadcast %eq3A_571 : i32 to vector<512x128xi32>
    %eq3A_573 = arith.cmpi eq, %and3A_570, %eq3A_572 : vector<512x128xi32>
    %select_n3A_574 = arith.select %eq3A_573, %concatenate3A_563, %concatenate3A_566 : vector<512x128xi1>, vector<512x128xi32>
    %and3A_575 = arith.constant 16 : i32
    %and3A_576 = vector.broadcast %and3A_575 : i32 to vector<512x128xi32>
    %and3A_577 = arith.andi %iota3A_567, %and3A_576 : vector<512x128xi32>
    %eq3A_578 = arith.constant 0 : i32
    %eq3A_579 = vector.broadcast %eq3A_578 : i32 to vector<512x128xi32>
    %eq3A_580 = arith.cmpi eq, %and3A_577, %eq3A_579 : vector<512x128xi32>
    %slice3A_581 = vector.extract_strided_slice %select_n3A_554 {offsets = [0, 16], sizes = [512, 112], strides = [1, 1]} : vector<512x128xi32> to vector<512x112xi32>
    %slice3A_582 = vector.extract_strided_slice %select_n3A_554 {offsets = [0, 0], sizes = [512, 16], strides = [1, 1]} : vector<512x128xi32> to vector<512x16xi32>
    %concatenate3A_583 = tpu.concatenate %slice3A_581, %slice3A_582 in 1 : vector<512x112xi32>, vector<512x16xi32> -> vector<512x128xi32>
    %slice3A_584 = vector.extract_strided_slice %select_n3A_554 {offsets = [0, 112], sizes = [512, 16], strides = [1, 1]} : vector<512x128xi32> to vector<512x16xi32>
    %slice3A_585 = vector.extract_strided_slice %select_n3A_554 {offsets = [0, 0], sizes = [512, 112], strides = [1, 1]} : vector<512x128xi32> to vector<512x112xi32>
    %concatenate3A_586 = tpu.concatenate %slice3A_584, %slice3A_585 in 1 : vector<512x16xi32>, vector<512x112xi32> -> vector<512x128xi32>
    %iota3A_587 = tpu.iota {dimensions = array<i32: 1>} : vector<512x128xi32>
    %and3A_588 = arith.constant 16 : i32
    %and3A_589 = vector.broadcast %and3A_588 : i32 to vector<512x128xi32>
    %and3A_590 = arith.andi %iota3A_587, %and3A_589 : vector<512x128xi32>
    %eq3A_591 = arith.constant 0 : i32
    %eq3A_592 = vector.broadcast %eq3A_591 : i32 to vector<512x128xi32>
    %eq3A_593 = arith.cmpi eq, %and3A_590, %eq3A_592 : vector<512x128xi32>
    %select_n3A_594 = arith.select %eq3A_593, %concatenate3A_583, %concatenate3A_586 : vector<512x128xi1>, vector<512x128xi32>
    %gt3A_595 = arith.cmpi sgt, %select_n3A_553, %select_n3A_574 : vector<512x128xi32>
    %eq3A_596 = arith.cmpi eq, %select_n3A_553, %select_n3A_574 : vector<512x128xi32>
    %lt3A_597 = arith.cmpi slt, %select_n3A_554, %select_n3A_594 : vector<512x128xi32>
    %and3A_598 = arith.andi %eq3A_596, %lt3A_597 : vector<512x128xi1>
    %or3A_599 = arith.ori %gt3A_595, %and3A_598 : vector<512x128xi1>
    %eq3A_600 = arith.xori %eq3A_580, %eq3A_560 : vector<512x128xi1>
    %eq3A_601 = arith.constant dense<true> : vector<512x128xi1>
    %eq3A_602 = arith.xori %eq3A_600, %eq3A_601 : vector<512x128xi1>
    %eq3A_603 = arith.xori %or3A_599, %eq3A_602 : vector<512x128xi1>
    %eq3A_604 = arith.constant dense<true> : vector<512x128xi1>
    %eq3A_605 = arith.xori %eq3A_603, %eq3A_604 : vector<512x128xi1>
    %select_n3A_606 = arith.select %eq3A_605, %select_n3A_553, %select_n3A_574 : vector<512x128xi1>, vector<512x128xi32>
    %select_n3A_607 = arith.select %eq3A_605, %select_n3A_554, %select_n3A_594 : vector<512x128xi1>, vector<512x128xi32>
    %slice3A_608 = vector.extract_strided_slice %select_n3A_606 {offsets = [0, 8], sizes = [512, 120], strides = [1, 1]} : vector<512x128xi32> to vector<512x120xi32>
    %slice3A_609 = vector.extract_strided_slice %select_n3A_606 {offsets = [0, 0], sizes = [512, 8], strides = [1, 1]} : vector<512x128xi32> to vector<512x8xi32>
    %concatenate3A_610 = tpu.concatenate %slice3A_608, %slice3A_609 in 1 : vector<512x120xi32>, vector<512x8xi32> -> vector<512x128xi32>
    %slice3A_611 = vector.extract_strided_slice %select_n3A_606 {offsets = [0, 120], sizes = [512, 8], strides = [1, 1]} : vector<512x128xi32> to vector<512x8xi32>
    %slice3A_612 = vector.extract_strided_slice %select_n3A_606 {offsets = [0, 0], sizes = [512, 120], strides = [1, 1]} : vector<512x128xi32> to vector<512x120xi32>
    %concatenate3A_613 = tpu.concatenate %slice3A_611, %slice3A_612 in 1 : vector<512x8xi32>, vector<512x120xi32> -> vector<512x128xi32>
    %iota3A_614 = tpu.iota {dimensions = array<i32: 1>} : vector<512x128xi32>
    %and3A_615 = arith.constant 8 : i32
    %and3A_616 = vector.broadcast %and3A_615 : i32 to vector<512x128xi32>
    %and3A_617 = arith.andi %iota3A_614, %and3A_616 : vector<512x128xi32>
    %eq3A_618 = arith.constant 0 : i32
    %eq3A_619 = vector.broadcast %eq3A_618 : i32 to vector<512x128xi32>
    %eq3A_620 = arith.cmpi eq, %and3A_617, %eq3A_619 : vector<512x128xi32>
    %select_n3A_621 = arith.select %eq3A_620, %concatenate3A_610, %concatenate3A_613 : vector<512x128xi1>, vector<512x128xi32>
    %and3A_622 = arith.constant 8 : i32
    %and3A_623 = vector.broadcast %and3A_622 : i32 to vector<512x128xi32>
    %and3A_624 = arith.andi %iota3A_614, %and3A_623 : vector<512x128xi32>
    %eq3A_625 = arith.constant 0 : i32
    %eq3A_626 = vector.broadcast %eq3A_625 : i32 to vector<512x128xi32>
    %eq3A_627 = arith.cmpi eq, %and3A_624, %eq3A_626 : vector<512x128xi32>
    %slice3A_628 = vector.extract_strided_slice %select_n3A_607 {offsets = [0, 8], sizes = [512, 120], strides = [1, 1]} : vector<512x128xi32> to vector<512x120xi32>
    %slice3A_629 = vector.extract_strided_slice %select_n3A_607 {offsets = [0, 0], sizes = [512, 8], strides = [1, 1]} : vector<512x128xi32> to vector<512x8xi32>
    %concatenate3A_630 = tpu.concatenate %slice3A_628, %slice3A_629 in 1 : vector<512x120xi32>, vector<512x8xi32> -> vector<512x128xi32>
    %slice3A_631 = vector.extract_strided_slice %select_n3A_607 {offsets = [0, 120], sizes = [512, 8], strides = [1, 1]} : vector<512x128xi32> to vector<512x8xi32>
    %slice3A_632 = vector.extract_strided_slice %select_n3A_607 {offsets = [0, 0], sizes = [512, 120], strides = [1, 1]} : vector<512x128xi32> to vector<512x120xi32>
    %concatenate3A_633 = tpu.concatenate %slice3A_631, %slice3A_632 in 1 : vector<512x8xi32>, vector<512x120xi32> -> vector<512x128xi32>
    %iota3A_634 = tpu.iota {dimensions = array<i32: 1>} : vector<512x128xi32>
    %and3A_635 = arith.constant 8 : i32
    %and3A_636 = vector.broadcast %and3A_635 : i32 to vector<512x128xi32>
    %and3A_637 = arith.andi %iota3A_634, %and3A_636 : vector<512x128xi32>
    %eq3A_638 = arith.constant 0 : i32
    %eq3A_639 = vector.broadcast %eq3A_638 : i32 to vector<512x128xi32>
    %eq3A_640 = arith.cmpi eq, %and3A_637, %eq3A_639 : vector<512x128xi32>
    %select_n3A_641 = arith.select %eq3A_640, %concatenate3A_630, %concatenate3A_633 : vector<512x128xi1>, vector<512x128xi32>
    %gt3A_642 = arith.cmpi sgt, %select_n3A_606, %select_n3A_621 : vector<512x128xi32>
    %eq3A_643 = arith.cmpi eq, %select_n3A_606, %select_n3A_621 : vector<512x128xi32>
    %lt3A_644 = arith.cmpi slt, %select_n3A_607, %select_n3A_641 : vector<512x128xi32>
    %and3A_645 = arith.andi %eq3A_643, %lt3A_644 : vector<512x128xi1>
    %or3A_646 = arith.ori %gt3A_642, %and3A_645 : vector<512x128xi1>
    %eq3A_647 = arith.xori %eq3A_627, %eq3A_560 : vector<512x128xi1>
    %eq3A_648 = arith.constant dense<true> : vector<512x128xi1>
    %eq3A_649 = arith.xori %eq3A_647, %eq3A_648 : vector<512x128xi1>
    %eq3A_650 = arith.xori %or3A_646, %eq3A_649 : vector<512x128xi1>
    %eq3A_651 = arith.constant dense<true> : vector<512x128xi1>
    %eq3A_652 = arith.xori %eq3A_650, %eq3A_651 : vector<512x128xi1>
    %select_n3A_653 = arith.select %eq3A_652, %select_n3A_606, %select_n3A_621 : vector<512x128xi1>, vector<512x128xi32>
    %select_n3A_654 = arith.select %eq3A_652, %select_n3A_607, %select_n3A_641 : vector<512x128xi1>, vector<512x128xi32>
    %slice3A_655 = vector.extract_strided_slice %select_n3A_653 {offsets = [0, 4], sizes = [512, 124], strides = [1, 1]} : vector<512x128xi32> to vector<512x124xi32>
    %slice3A_656 = vector.extract_strided_slice %select_n3A_653 {offsets = [0, 0], sizes = [512, 4], strides = [1, 1]} : vector<512x128xi32> to vector<512x4xi32>
    %concatenate3A_657 = tpu.concatenate %slice3A_655, %slice3A_656 in 1 : vector<512x124xi32>, vector<512x4xi32> -> vector<512x128xi32>
    %slice3A_658 = vector.extract_strided_slice %select_n3A_653 {offsets = [0, 124], sizes = [512, 4], strides = [1, 1]} : vector<512x128xi32> to vector<512x4xi32>
    %slice3A_659 = vector.extract_strided_slice %select_n3A_653 {offsets = [0, 0], sizes = [512, 124], strides = [1, 1]} : vector<512x128xi32> to vector<512x124xi32>
    %concatenate3A_660 = tpu.concatenate %slice3A_658, %slice3A_659 in 1 : vector<512x4xi32>, vector<512x124xi32> -> vector<512x128xi32>
    %iota3A_661 = tpu.iota {dimensions = array<i32: 1>} : vector<512x128xi32>
    %and3A_662 = arith.constant 4 : i32
    %and3A_663 = vector.broadcast %and3A_662 : i32 to vector<512x128xi32>
    %and3A_664 = arith.andi %iota3A_661, %and3A_663 : vector<512x128xi32>
    %eq3A_665 = arith.constant 0 : i32
    %eq3A_666 = vector.broadcast %eq3A_665 : i32 to vector<512x128xi32>
    %eq3A_667 = arith.cmpi eq, %and3A_664, %eq3A_666 : vector<512x128xi32>
    %select_n3A_668 = arith.select %eq3A_667, %concatenate3A_657, %concatenate3A_660 : vector<512x128xi1>, vector<512x128xi32>
    %and3A_669 = arith.constant 4 : i32
    %and3A_670 = vector.broadcast %and3A_669 : i32 to vector<512x128xi32>
    %and3A_671 = arith.andi %iota3A_661, %and3A_670 : vector<512x128xi32>
    %eq3A_672 = arith.constant 0 : i32
    %eq3A_673 = vector.broadcast %eq3A_672 : i32 to vector<512x128xi32>
    %eq3A_674 = arith.cmpi eq, %and3A_671, %eq3A_673 : vector<512x128xi32>
    %slice3A_675 = vector.extract_strided_slice %select_n3A_654 {offsets = [0, 4], sizes = [512, 124], strides = [1, 1]} : vector<512x128xi32> to vector<512x124xi32>
    %slice3A_676 = vector.extract_strided_slice %select_n3A_654 {offsets = [0, 0], sizes = [512, 4], strides = [1, 1]} : vector<512x128xi32> to vector<512x4xi32>
    %concatenate3A_677 = tpu.concatenate %slice3A_675, %slice3A_676 in 1 : vector<512x124xi32>, vector<512x4xi32> -> vector<512x128xi32>
    %slice3A_678 = vector.extract_strided_slice %select_n3A_654 {offsets = [0, 124], sizes = [512, 4], strides = [1, 1]} : vector<512x128xi32> to vector<512x4xi32>
    %slice3A_679 = vector.extract_strided_slice %select_n3A_654 {offsets = [0, 0], sizes = [512, 124], strides = [1, 1]} : vector<512x128xi32> to vector<512x124xi32>
    %concatenate3A_680 = tpu.concatenate %slice3A_678, %slice3A_679 in 1 : vector<512x4xi32>, vector<512x124xi32> -> vector<512x128xi32>
    %iota3A_681 = tpu.iota {dimensions = array<i32: 1>} : vector<512x128xi32>
    %and3A_682 = arith.constant 4 : i32
    %and3A_683 = vector.broadcast %and3A_682 : i32 to vector<512x128xi32>
    %and3A_684 = arith.andi %iota3A_681, %and3A_683 : vector<512x128xi32>
    %eq3A_685 = arith.constant 0 : i32
    %eq3A_686 = vector.broadcast %eq3A_685 : i32 to vector<512x128xi32>
    %eq3A_687 = arith.cmpi eq, %and3A_684, %eq3A_686 : vector<512x128xi32>
    %select_n3A_688 = arith.select %eq3A_687, %concatenate3A_677, %concatenate3A_680 : vector<512x128xi1>, vector<512x128xi32>
    %gt3A_689 = arith.cmpi sgt, %select_n3A_653, %select_n3A_668 : vector<512x128xi32>
    %eq3A_690 = arith.cmpi eq, %select_n3A_653, %select_n3A_668 : vector<512x128xi32>
    %lt3A_691 = arith.cmpi slt, %select_n3A_654, %select_n3A_688 : vector<512x128xi32>
    %and3A_692 = arith.andi %eq3A_690, %lt3A_691 : vector<512x128xi1>
    %or3A_693 = arith.ori %gt3A_689, %and3A_692 : vector<512x128xi1>
    %eq3A_694 = arith.xori %eq3A_674, %eq3A_560 : vector<512x128xi1>
    %eq3A_695 = arith.constant dense<true> : vector<512x128xi1>
    %eq3A_696 = arith.xori %eq3A_694, %eq3A_695 : vector<512x128xi1>
    %eq3A_697 = arith.xori %or3A_693, %eq3A_696 : vector<512x128xi1>
    %eq3A_698 = arith.constant dense<true> : vector<512x128xi1>
    %eq3A_699 = arith.xori %eq3A_697, %eq3A_698 : vector<512x128xi1>
    %select_n3A_700 = arith.select %eq3A_699, %select_n3A_653, %select_n3A_668 : vector<512x128xi1>, vector<512x128xi32>
    %select_n3A_701 = arith.select %eq3A_699, %select_n3A_654, %select_n3A_688 : vector<512x128xi1>, vector<512x128xi32>
    %slice3A_702 = vector.extract_strided_slice %select_n3A_700 {offsets = [0, 2], sizes = [512, 126], strides = [1, 1]} : vector<512x128xi32> to vector<512x126xi32>
    %slice3A_703 = vector.extract_strided_slice %select_n3A_700 {offsets = [0, 0], sizes = [512, 2], strides = [1, 1]} : vector<512x128xi32> to vector<512x2xi32>
    %concatenate3A_704 = tpu.concatenate %slice3A_702, %slice3A_703 in 1 : vector<512x126xi32>, vector<512x2xi32> -> vector<512x128xi32>
    %slice3A_705 = vector.extract_strided_slice %select_n3A_700 {offsets = [0, 126], sizes = [512, 2], strides = [1, 1]} : vector<512x128xi32> to vector<512x2xi32>
    %slice3A_706 = vector.extract_strided_slice %select_n3A_700 {offsets = [0, 0], sizes = [512, 126], strides = [1, 1]} : vector<512x128xi32> to vector<512x126xi32>
    %concatenate3A_707 = tpu.concatenate %slice3A_705, %slice3A_706 in 1 : vector<512x2xi32>, vector<512x126xi32> -> vector<512x128xi32>
    %iota3A_708 = tpu.iota {dimensions = array<i32: 1>} : vector<512x128xi32>
    %and3A_709 = arith.constant 2 : i32
    %and3A_710 = vector.broadcast %and3A_709 : i32 to vector<512x128xi32>
    %and3A_711 = arith.andi %iota3A_708, %and3A_710 : vector<512x128xi32>
    %eq3A_712 = arith.constant 0 : i32
    %eq3A_713 = vector.broadcast %eq3A_712 : i32 to vector<512x128xi32>
    %eq3A_714 = arith.cmpi eq, %and3A_711, %eq3A_713 : vector<512x128xi32>
    %select_n3A_715 = arith.select %eq3A_714, %concatenate3A_704, %concatenate3A_707 : vector<512x128xi1>, vector<512x128xi32>
    %and3A_716 = arith.constant 2 : i32
    %and3A_717 = vector.broadcast %and3A_716 : i32 to vector<512x128xi32>
    %and3A_718 = arith.andi %iota3A_708, %and3A_717 : vector<512x128xi32>
    %eq3A_719 = arith.constant 0 : i32
    %eq3A_720 = vector.broadcast %eq3A_719 : i32 to vector<512x128xi32>
    %eq3A_721 = arith.cmpi eq, %and3A_718, %eq3A_720 : vector<512x128xi32>
    %slice3A_722 = vector.extract_strided_slice %select_n3A_701 {offsets = [0, 2], sizes = [512, 126], strides = [1, 1]} : vector<512x128xi32> to vector<512x126xi32>
    %slice3A_723 = vector.extract_strided_slice %select_n3A_701 {offsets = [0, 0], sizes = [512, 2], strides = [1, 1]} : vector<512x128xi32> to vector<512x2xi32>
    %concatenate3A_724 = tpu.concatenate %slice3A_722, %slice3A_723 in 1 : vector<512x126xi32>, vector<512x2xi32> -> vector<512x128xi32>
    %slice3A_725 = vector.extract_strided_slice %select_n3A_701 {offsets = [0, 126], sizes = [512, 2], strides = [1, 1]} : vector<512x128xi32> to vector<512x2xi32>
    %slice3A_726 = vector.extract_strided_slice %select_n3A_701 {offsets = [0, 0], sizes = [512, 126], strides = [1, 1]} : vector<512x128xi32> to vector<512x126xi32>
    %concatenate3A_727 = tpu.concatenate %slice3A_725, %slice3A_726 in 1 : vector<512x2xi32>, vector<512x126xi32> -> vector<512x128xi32>
    %iota3A_728 = tpu.iota {dimensions = array<i32: 1>} : vector<512x128xi32>
    %and3A_729 = arith.constant 2 : i32
    %and3A_730 = vector.broadcast %and3A_729 : i32 to vector<512x128xi32>
    %and3A_731 = arith.andi %iota3A_728, %and3A_730 : vector<512x128xi32>
    %eq3A_732 = arith.constant 0 : i32
    %eq3A_733 = vector.broadcast %eq3A_732 : i32 to vector<512x128xi32>
    %eq3A_734 = arith.cmpi eq, %and3A_731, %eq3A_733 : vector<512x128xi32>
    %select_n3A_735 = arith.select %eq3A_734, %concatenate3A_724, %concatenate3A_727 : vector<512x128xi1>, vector<512x128xi32>
    %gt3A_736 = arith.cmpi sgt, %select_n3A_700, %select_n3A_715 : vector<512x128xi32>
    %eq3A_737 = arith.cmpi eq, %select_n3A_700, %select_n3A_715 : vector<512x128xi32>
    %lt3A_738 = arith.cmpi slt, %select_n3A_701, %select_n3A_735 : vector<512x128xi32>
    %and3A_739 = arith.andi %eq3A_737, %lt3A_738 : vector<512x128xi1>
    %or3A_740 = arith.ori %gt3A_736, %and3A_739 : vector<512x128xi1>
    %eq3A_741 = arith.xori %eq3A_721, %eq3A_560 : vector<512x128xi1>
    %eq3A_742 = arith.constant dense<true> : vector<512x128xi1>
    %eq3A_743 = arith.xori %eq3A_741, %eq3A_742 : vector<512x128xi1>
    %eq3A_744 = arith.xori %or3A_740, %eq3A_743 : vector<512x128xi1>
    %eq3A_745 = arith.constant dense<true> : vector<512x128xi1>
    %eq3A_746 = arith.xori %eq3A_744, %eq3A_745 : vector<512x128xi1>
    %select_n3A_747 = arith.select %eq3A_746, %select_n3A_700, %select_n3A_715 : vector<512x128xi1>, vector<512x128xi32>
    %select_n3A_748 = arith.select %eq3A_746, %select_n3A_701, %select_n3A_735 : vector<512x128xi1>, vector<512x128xi32>
    %slice3A_749 = vector.extract_strided_slice %select_n3A_747 {offsets = [0, 1], sizes = [512, 127], strides = [1, 1]} : vector<512x128xi32> to vector<512x127xi32>
    %slice3A_750 = vector.extract_strided_slice %select_n3A_747 {offsets = [0, 0], sizes = [512, 1], strides = [1, 1]} : vector<512x128xi32> to vector<512x1xi32>
    %concatenate3A_751 = tpu.concatenate %slice3A_749, %slice3A_750 in 1 : vector<512x127xi32>, vector<512x1xi32> -> vector<512x128xi32>
    %slice3A_752 = vector.extract_strided_slice %select_n3A_747 {offsets = [0, 127], sizes = [512, 1], strides = [1, 1]} : vector<512x128xi32> to vector<512x1xi32>
    %slice3A_753 = vector.extract_strided_slice %select_n3A_747 {offsets = [0, 0], sizes = [512, 127], strides = [1, 1]} : vector<512x128xi32> to vector<512x127xi32>
    %concatenate3A_754 = tpu.concatenate %slice3A_752, %slice3A_753 in 1 : vector<512x1xi32>, vector<512x127xi32> -> vector<512x128xi32>
    %iota3A_755 = tpu.iota {dimensions = array<i32: 1>} : vector<512x128xi32>
    %and3A_756 = arith.constant 1 : i32
    %and3A_757 = vector.broadcast %and3A_756 : i32 to vector<512x128xi32>
    %and3A_758 = arith.andi %iota3A_755, %and3A_757 : vector<512x128xi32>
    %eq3A_759 = arith.constant 0 : i32
    %eq3A_760 = vector.broadcast %eq3A_759 : i32 to vector<512x128xi32>
    %eq3A_761 = arith.cmpi eq, %and3A_758, %eq3A_760 : vector<512x128xi32>
    %select_n3A_762 = arith.select %eq3A_761, %concatenate3A_751, %concatenate3A_754 : vector<512x128xi1>, vector<512x128xi32>
    %and3A_763 = arith.constant 1 : i32
    %and3A_764 = vector.broadcast %and3A_763 : i32 to vector<512x128xi32>
    %and3A_765 = arith.andi %iota3A_755, %and3A_764 : vector<512x128xi32>
    %eq3A_766 = arith.constant 0 : i32
    %eq3A_767 = vector.broadcast %eq3A_766 : i32 to vector<512x128xi32>
    %eq3A_768 = arith.cmpi eq, %and3A_765, %eq3A_767 : vector<512x128xi32>
    %slice3A_769 = vector.extract_strided_slice %select_n3A_748 {offsets = [0, 1], sizes = [512, 127], strides = [1, 1]} : vector<512x128xi32> to vector<512x127xi32>
    %slice3A_770 = vector.extract_strided_slice %select_n3A_748 {offsets = [0, 0], sizes = [512, 1], strides = [1, 1]} : vector<512x128xi32> to vector<512x1xi32>
    %concatenate3A_771 = tpu.concatenate %slice3A_769, %slice3A_770 in 1 : vector<512x127xi32>, vector<512x1xi32> -> vector<512x128xi32>
    %slice3A_772 = vector.extract_strided_slice %select_n3A_748 {offsets = [0, 127], sizes = [512, 1], strides = [1, 1]} : vector<512x128xi32> to vector<512x1xi32>
    %slice3A_773 = vector.extract_strided_slice %select_n3A_748 {offsets = [0, 0], sizes = [512, 127], strides = [1, 1]} : vector<512x128xi32> to vector<512x127xi32>
    %concatenate3A_774 = tpu.concatenate %slice3A_772, %slice3A_773 in 1 : vector<512x1xi32>, vector<512x127xi32> -> vector<512x128xi32>
    %iota3A_775 = tpu.iota {dimensions = array<i32: 1>} : vector<512x128xi32>
    %and3A_776 = arith.constant 1 : i32
    %and3A_777 = vector.broadcast %and3A_776 : i32 to vector<512x128xi32>
    %and3A_778 = arith.andi %iota3A_775, %and3A_777 : vector<512x128xi32>
    %eq3A_779 = arith.constant 0 : i32
    %eq3A_780 = vector.broadcast %eq3A_779 : i32 to vector<512x128xi32>
    %eq3A_781 = arith.cmpi eq, %and3A_778, %eq3A_780 : vector<512x128xi32>
    %select_n3A_782 = arith.select %eq3A_781, %concatenate3A_771, %concatenate3A_774 : vector<512x128xi1>, vector<512x128xi32>
    %gt3A_783 = arith.cmpi sgt, %select_n3A_747, %select_n3A_762 : vector<512x128xi32>
    %eq3A_784 = arith.cmpi eq, %select_n3A_747, %select_n3A_762 : vector<512x128xi32>
    %lt3A_785 = arith.cmpi slt, %select_n3A_748, %select_n3A_782 : vector<512x128xi32>
    %and3A_786 = arith.andi %eq3A_784, %lt3A_785 : vector<512x128xi1>
    %or3A_787 = arith.ori %gt3A_783, %and3A_786 : vector<512x128xi1>
    %eq3A_788 = arith.xori %eq3A_768, %eq3A_560 : vector<512x128xi1>
    %eq3A_789 = arith.constant dense<true> : vector<512x128xi1>
    %eq3A_790 = arith.xori %eq3A_788, %eq3A_789 : vector<512x128xi1>
    %eq3A_791 = arith.xori %or3A_787, %eq3A_790 : vector<512x128xi1>
    %eq3A_792 = arith.constant dense<true> : vector<512x128xi1>
    %eq3A_793 = arith.xori %eq3A_791, %eq3A_792 : vector<512x128xi1>
    %select_n3A_794 = arith.select %eq3A_793, %select_n3A_747, %select_n3A_762 : vector<512x128xi1>, vector<512x128xi32>
    %select_n3A_795 = arith.select %eq3A_793, %select_n3A_748, %select_n3A_782 : vector<512x128xi1>, vector<512x128xi32>
    %and3A_796 = arith.constant 64 : i32
    %and3A_797 = vector.broadcast %and3A_796 : i32 to vector<512x128xi32>
    %and3A_798 = arith.andi %iota3A_62, %and3A_797 : vector<512x128xi32>
    %eq3A_799 = arith.constant 0 : i32
    %eq3A_800 = vector.broadcast %eq3A_799 : i32 to vector<512x128xi32>
    %eq3A_801 = arith.cmpi eq, %and3A_798, %eq3A_800 : vector<512x128xi32>
    %slice3A_802 = vector.extract_strided_slice %select_n3A_794 {offsets = [0, 32], sizes = [512, 96], strides = [1, 1]} : vector<512x128xi32> to vector<512x96xi32>
    %slice3A_803 = vector.extract_strided_slice %select_n3A_794 {offsets = [0, 0], sizes = [512, 32], strides = [1, 1]} : vector<512x128xi32> to vector<512x32xi32>
    %concatenate3A_804 = tpu.concatenate %slice3A_802, %slice3A_803 in 1 : vector<512x96xi32>, vector<512x32xi32> -> vector<512x128xi32>
    %slice3A_805 = vector.extract_strided_slice %select_n3A_794 {offsets = [0, 96], sizes = [512, 32], strides = [1, 1]} : vector<512x128xi32> to vector<512x32xi32>
    %slice3A_806 = vector.extract_strided_slice %select_n3A_794 {offsets = [0, 0], sizes = [512, 96], strides = [1, 1]} : vector<512x128xi32> to vector<512x96xi32>
    %concatenate3A_807 = tpu.concatenate %slice3A_805, %slice3A_806 in 1 : vector<512x32xi32>, vector<512x96xi32> -> vector<512x128xi32>
    %iota3A_808 = tpu.iota {dimensions = array<i32: 1>} : vector<512x128xi32>
    %and3A_809 = arith.constant 32 : i32
    %and3A_810 = vector.broadcast %and3A_809 : i32 to vector<512x128xi32>
    %and3A_811 = arith.andi %iota3A_808, %and3A_810 : vector<512x128xi32>
    %eq3A_812 = arith.constant 0 : i32
    %eq3A_813 = vector.broadcast %eq3A_812 : i32 to vector<512x128xi32>
    %eq3A_814 = arith.cmpi eq, %and3A_811, %eq3A_813 : vector<512x128xi32>
    %select_n3A_815 = arith.select %eq3A_814, %concatenate3A_804, %concatenate3A_807 : vector<512x128xi1>, vector<512x128xi32>
    %and3A_816 = arith.constant 32 : i32
    %and3A_817 = vector.broadcast %and3A_816 : i32 to vector<512x128xi32>
    %and3A_818 = arith.andi %iota3A_808, %and3A_817 : vector<512x128xi32>
    %eq3A_819 = arith.constant 0 : i32
    %eq3A_820 = vector.broadcast %eq3A_819 : i32 to vector<512x128xi32>
    %eq3A_821 = arith.cmpi eq, %and3A_818, %eq3A_820 : vector<512x128xi32>
    %slice3A_822 = vector.extract_strided_slice %select_n3A_795 {offsets = [0, 32], sizes = [512, 96], strides = [1, 1]} : vector<512x128xi32> to vector<512x96xi32>
    %slice3A_823 = vector.extract_strided_slice %select_n3A_795 {offsets = [0, 0], sizes = [512, 32], strides = [1, 1]} : vector<512x128xi32> to vector<512x32xi32>
    %concatenate3A_824 = tpu.concatenate %slice3A_822, %slice3A_823 in 1 : vector<512x96xi32>, vector<512x32xi32> -> vector<512x128xi32>
    %slice3A_825 = vector.extract_strided_slice %select_n3A_795 {offsets = [0, 96], sizes = [512, 32], strides = [1, 1]} : vector<512x128xi32> to vector<512x32xi32>
    %slice3A_826 = vector.extract_strided_slice %select_n3A_795 {offsets = [0, 0], sizes = [512, 96], strides = [1, 1]} : vector<512x128xi32> to vector<512x96xi32>
    %concatenate3A_827 = tpu.concatenate %slice3A_825, %slice3A_826 in 1 : vector<512x32xi32>, vector<512x96xi32> -> vector<512x128xi32>
    %iota3A_828 = tpu.iota {dimensions = array<i32: 1>} : vector<512x128xi32>
    %and3A_829 = arith.constant 32 : i32
    %and3A_830 = vector.broadcast %and3A_829 : i32 to vector<512x128xi32>
    %and3A_831 = arith.andi %iota3A_828, %and3A_830 : vector<512x128xi32>
    %eq3A_832 = arith.constant 0 : i32
    %eq3A_833 = vector.broadcast %eq3A_832 : i32 to vector<512x128xi32>
    %eq3A_834 = arith.cmpi eq, %and3A_831, %eq3A_833 : vector<512x128xi32>
    %select_n3A_835 = arith.select %eq3A_834, %concatenate3A_824, %concatenate3A_827 : vector<512x128xi1>, vector<512x128xi32>
    %gt3A_836 = arith.cmpi sgt, %select_n3A_794, %select_n3A_815 : vector<512x128xi32>
    %eq3A_837 = arith.cmpi eq, %select_n3A_794, %select_n3A_815 : vector<512x128xi32>
    %lt3A_838 = arith.cmpi slt, %select_n3A_795, %select_n3A_835 : vector<512x128xi32>
    %and3A_839 = arith.andi %eq3A_837, %lt3A_838 : vector<512x128xi1>
    %or3A_840 = arith.ori %gt3A_836, %and3A_839 : vector<512x128xi1>
    %eq3A_841 = arith.xori %eq3A_821, %eq3A_801 : vector<512x128xi1>
    %eq3A_842 = arith.constant dense<true> : vector<512x128xi1>
    %eq3A_843 = arith.xori %eq3A_841, %eq3A_842 : vector<512x128xi1>
    %eq3A_844 = arith.xori %or3A_840, %eq3A_843 : vector<512x128xi1>
    %eq3A_845 = arith.constant dense<true> : vector<512x128xi1>
    %eq3A_846 = arith.xori %eq3A_844, %eq3A_845 : vector<512x128xi1>
    %select_n3A_847 = arith.select %eq3A_846, %select_n3A_794, %select_n3A_815 : vector<512x128xi1>, vector<512x128xi32>
    %select_n3A_848 = arith.select %eq3A_846, %select_n3A_795, %select_n3A_835 : vector<512x128xi1>, vector<512x128xi32>
    %slice3A_849 = vector.extract_strided_slice %select_n3A_847 {offsets = [0, 16], sizes = [512, 112], strides = [1, 1]} : vector<512x128xi32> to vector<512x112xi32>
    %slice3A_850 = vector.extract_strided_slice %select_n3A_847 {offsets = [0, 0], sizes = [512, 16], strides = [1, 1]} : vector<512x128xi32> to vector<512x16xi32>
    %concatenate3A_851 = tpu.concatenate %slice3A_849, %slice3A_850 in 1 : vector<512x112xi32>, vector<512x16xi32> -> vector<512x128xi32>
    %slice3A_852 = vector.extract_strided_slice %select_n3A_847 {offsets = [0, 112], sizes = [512, 16], strides = [1, 1]} : vector<512x128xi32> to vector<512x16xi32>
    %slice3A_853 = vector.extract_strided_slice %select_n3A_847 {offsets = [0, 0], sizes = [512, 112], strides = [1, 1]} : vector<512x128xi32> to vector<512x112xi32>
    %concatenate3A_854 = tpu.concatenate %slice3A_852, %slice3A_853 in 1 : vector<512x16xi32>, vector<512x112xi32> -> vector<512x128xi32>
    %iota3A_855 = tpu.iota {dimensions = array<i32: 1>} : vector<512x128xi32>
    %and3A_856 = arith.constant 16 : i32
    %and3A_857 = vector.broadcast %and3A_856 : i32 to vector<512x128xi32>
    %and3A_858 = arith.andi %iota3A_855, %and3A_857 : vector<512x128xi32>
    %eq3A_859 = arith.constant 0 : i32
    %eq3A_860 = vector.broadcast %eq3A_859 : i32 to vector<512x128xi32>
    %eq3A_861 = arith.cmpi eq, %and3A_858, %eq3A_860 : vector<512x128xi32>
    %select_n3A_862 = arith.select %eq3A_861, %concatenate3A_851, %concatenate3A_854 : vector<512x128xi1>, vector<512x128xi32>
    %and3A_863 = arith.constant 16 : i32
    %and3A_864 = vector.broadcast %and3A_863 : i32 to vector<512x128xi32>
    %and3A_865 = arith.andi %iota3A_855, %and3A_864 : vector<512x128xi32>
    %eq3A_866 = arith.constant 0 : i32
    %eq3A_867 = vector.broadcast %eq3A_866 : i32 to vector<512x128xi32>
    %eq3A_868 = arith.cmpi eq, %and3A_865, %eq3A_867 : vector<512x128xi32>
    %slice3A_869 = vector.extract_strided_slice %select_n3A_848 {offsets = [0, 16], sizes = [512, 112], strides = [1, 1]} : vector<512x128xi32> to vector<512x112xi32>
    %slice3A_870 = vector.extract_strided_slice %select_n3A_848 {offsets = [0, 0], sizes = [512, 16], strides = [1, 1]} : vector<512x128xi32> to vector<512x16xi32>
    %concatenate3A_871 = tpu.concatenate %slice3A_869, %slice3A_870 in 1 : vector<512x112xi32>, vector<512x16xi32> -> vector<512x128xi32>
    %slice3A_872 = vector.extract_strided_slice %select_n3A_848 {offsets = [0, 112], sizes = [512, 16], strides = [1, 1]} : vector<512x128xi32> to vector<512x16xi32>
    %slice3A_873 = vector.extract_strided_slice %select_n3A_848 {offsets = [0, 0], sizes = [512, 112], strides = [1, 1]} : vector<512x128xi32> to vector<512x112xi32>
    %concatenate3A_874 = tpu.concatenate %slice3A_872, %slice3A_873 in 1 : vector<512x16xi32>, vector<512x112xi32> -> vector<512x128xi32>
    %iota3A_875 = tpu.iota {dimensions = array<i32: 1>} : vector<512x128xi32>
    %and3A_876 = arith.constant 16 : i32
    %and3A_877 = vector.broadcast %and3A_876 : i32 to vector<512x128xi32>
    %and3A_878 = arith.andi %iota3A_875, %and3A_877 : vector<512x128xi32>
    %eq3A_879 = arith.constant 0 : i32
    %eq3A_880 = vector.broadcast %eq3A_879 : i32 to vector<512x128xi32>
    %eq3A_881 = arith.cmpi eq, %and3A_878, %eq3A_880 : vector<512x128xi32>
    %select_n3A_882 = arith.select %eq3A_881, %concatenate3A_871, %concatenate3A_874 : vector<512x128xi1>, vector<512x128xi32>
    %gt3A_883 = arith.cmpi sgt, %select_n3A_847, %select_n3A_862 : vector<512x128xi32>
    %eq3A_884 = arith.cmpi eq, %select_n3A_847, %select_n3A_862 : vector<512x128xi32>
    %lt3A_885 = arith.cmpi slt, %select_n3A_848, %select_n3A_882 : vector<512x128xi32>
    %and3A_886 = arith.andi %eq3A_884, %lt3A_885 : vector<512x128xi1>
    %or3A_887 = arith.ori %gt3A_883, %and3A_886 : vector<512x128xi1>
    %eq3A_888 = arith.xori %eq3A_868, %eq3A_801 : vector<512x128xi1>
    %eq3A_889 = arith.constant dense<true> : vector<512x128xi1>
    %eq3A_890 = arith.xori %eq3A_888, %eq3A_889 : vector<512x128xi1>
    %eq3A_891 = arith.xori %or3A_887, %eq3A_890 : vector<512x128xi1>
    %eq3A_892 = arith.constant dense<true> : vector<512x128xi1>
    %eq3A_893 = arith.xori %eq3A_891, %eq3A_892 : vector<512x128xi1>
    %select_n3A_894 = arith.select %eq3A_893, %select_n3A_847, %select_n3A_862 : vector<512x128xi1>, vector<512x128xi32>
    %select_n3A_895 = arith.select %eq3A_893, %select_n3A_848, %select_n3A_882 : vector<512x128xi1>, vector<512x128xi32>
    %slice3A_896 = vector.extract_strided_slice %select_n3A_894 {offsets = [0, 8], sizes = [512, 120], strides = [1, 1]} : vector<512x128xi32> to vector<512x120xi32>
    %slice3A_897 = vector.extract_strided_slice %select_n3A_894 {offsets = [0, 0], sizes = [512, 8], strides = [1, 1]} : vector<512x128xi32> to vector<512x8xi32>
    %concatenate3A_898 = tpu.concatenate %slice3A_896, %slice3A_897 in 1 : vector<512x120xi32>, vector<512x8xi32> -> vector<512x128xi32>
    %slice3A_899 = vector.extract_strided_slice %select_n3A_894 {offsets = [0, 120], sizes = [512, 8], strides = [1, 1]} : vector<512x128xi32> to vector<512x8xi32>
    %slice3A_900 = vector.extract_strided_slice %select_n3A_894 {offsets = [0, 0], sizes = [512, 120], strides = [1, 1]} : vector<512x128xi32> to vector<512x120xi32>
    %concatenate3A_901 = tpu.concatenate %slice3A_899, %slice3A_900 in 1 : vector<512x8xi32>, vector<512x120xi32> -> vector<512x128xi32>
    %iota3A_902 = tpu.iota {dimensions = array<i32: 1>} : vector<512x128xi32>
    %and3A_903 = arith.constant 8 : i32
    %and3A_904 = vector.broadcast %and3A_903 : i32 to vector<512x128xi32>
    %and3A_905 = arith.andi %iota3A_902, %and3A_904 : vector<512x128xi32>
    %eq3A_906 = arith.constant 0 : i32
    %eq3A_907 = vector.broadcast %eq3A_906 : i32 to vector<512x128xi32>
    %eq3A_908 = arith.cmpi eq, %and3A_905, %eq3A_907 : vector<512x128xi32>
    %select_n3A_909 = arith.select %eq3A_908, %concatenate3A_898, %concatenate3A_901 : vector<512x128xi1>, vector<512x128xi32>
    %and3A_910 = arith.constant 8 : i32
    %and3A_911 = vector.broadcast %and3A_910 : i32 to vector<512x128xi32>
    %and3A_912 = arith.andi %iota3A_902, %and3A_911 : vector<512x128xi32>
    %eq3A_913 = arith.constant 0 : i32
    %eq3A_914 = vector.broadcast %eq3A_913 : i32 to vector<512x128xi32>
    %eq3A_915 = arith.cmpi eq, %and3A_912, %eq3A_914 : vector<512x128xi32>
    %slice3A_916 = vector.extract_strided_slice %select_n3A_895 {offsets = [0, 8], sizes = [512, 120], strides = [1, 1]} : vector<512x128xi32> to vector<512x120xi32>
    %slice3A_917 = vector.extract_strided_slice %select_n3A_895 {offsets = [0, 0], sizes = [512, 8], strides = [1, 1]} : vector<512x128xi32> to vector<512x8xi32>
    %concatenate3A_918 = tpu.concatenate %slice3A_916, %slice3A_917 in 1 : vector<512x120xi32>, vector<512x8xi32> -> vector<512x128xi32>
    %slice3A_919 = vector.extract_strided_slice %select_n3A_895 {offsets = [0, 120], sizes = [512, 8], strides = [1, 1]} : vector<512x128xi32> to vector<512x8xi32>
    %slice3A_920 = vector.extract_strided_slice %select_n3A_895 {offsets = [0, 0], sizes = [512, 120], strides = [1, 1]} : vector<512x128xi32> to vector<512x120xi32>
    %concatenate3A_921 = tpu.concatenate %slice3A_919, %slice3A_920 in 1 : vector<512x8xi32>, vector<512x120xi32> -> vector<512x128xi32>
    %iota3A_922 = tpu.iota {dimensions = array<i32: 1>} : vector<512x128xi32>
    %and3A_923 = arith.constant 8 : i32
    %and3A_924 = vector.broadcast %and3A_923 : i32 to vector<512x128xi32>
    %and3A_925 = arith.andi %iota3A_922, %and3A_924 : vector<512x128xi32>
    %eq3A_926 = arith.constant 0 : i32
    %eq3A_927 = vector.broadcast %eq3A_926 : i32 to vector<512x128xi32>
    %eq3A_928 = arith.cmpi eq, %and3A_925, %eq3A_927 : vector<512x128xi32>
    %select_n3A_929 = arith.select %eq3A_928, %concatenate3A_918, %concatenate3A_921 : vector<512x128xi1>, vector<512x128xi32>
    %gt3A_930 = arith.cmpi sgt, %select_n3A_894, %select_n3A_909 : vector<512x128xi32>
    %eq3A_931 = arith.cmpi eq, %select_n3A_894, %select_n3A_909 : vector<512x128xi32>
    %lt3A_932 = arith.cmpi slt, %select_n3A_895, %select_n3A_929 : vector<512x128xi32>
    %and3A_933 = arith.andi %eq3A_931, %lt3A_932 : vector<512x128xi1>
    %or3A_934 = arith.ori %gt3A_930, %and3A_933 : vector<512x128xi1>
    %eq3A_935 = arith.xori %eq3A_915, %eq3A_801 : vector<512x128xi1>
    %eq3A_936 = arith.constant dense<true> : vector<512x128xi1>
    %eq3A_937 = arith.xori %eq3A_935, %eq3A_936 : vector<512x128xi1>
    %eq3A_938 = arith.xori %or3A_934, %eq3A_937 : vector<512x128xi1>
    %eq3A_939 = arith.constant dense<true> : vector<512x128xi1>
    %eq3A_940 = arith.xori %eq3A_938, %eq3A_939 : vector<512x128xi1>
    %select_n3A_941 = arith.select %eq3A_940, %select_n3A_894, %select_n3A_909 : vector<512x128xi1>, vector<512x128xi32>
    %select_n3A_942 = arith.select %eq3A_940, %select_n3A_895, %select_n3A_929 : vector<512x128xi1>, vector<512x128xi32>
    %slice3A_943 = vector.extract_strided_slice %select_n3A_941 {offsets = [0, 4], sizes = [512, 124], strides = [1, 1]} : vector<512x128xi32> to vector<512x124xi32>
    %slice3A_944 = vector.extract_strided_slice %select_n3A_941 {offsets = [0, 0], sizes = [512, 4], strides = [1, 1]} : vector<512x128xi32> to vector<512x4xi32>
    %concatenate3A_945 = tpu.concatenate %slice3A_943, %slice3A_944 in 1 : vector<512x124xi32>, vector<512x4xi32> -> vector<512x128xi32>
    %slice3A_946 = vector.extract_strided_slice %select_n3A_941 {offsets = [0, 124], sizes = [512, 4], strides = [1, 1]} : vector<512x128xi32> to vector<512x4xi32>
    %slice3A_947 = vector.extract_strided_slice %select_n3A_941 {offsets = [0, 0], sizes = [512, 124], strides = [1, 1]} : vector<512x128xi32> to vector<512x124xi32>
    %concatenate3A_948 = tpu.concatenate %slice3A_946, %slice3A_947 in 1 : vector<512x4xi32>, vector<512x124xi32> -> vector<512x128xi32>
    %iota3A_949 = tpu.iota {dimensions = array<i32: 1>} : vector<512x128xi32>
    %and3A_950 = arith.constant 4 : i32
    %and3A_951 = vector.broadcast %and3A_950 : i32 to vector<512x128xi32>
    %and3A_952 = arith.andi %iota3A_949, %and3A_951 : vector<512x128xi32>
    %eq3A_953 = arith.constant 0 : i32
    %eq3A_954 = vector.broadcast %eq3A_953 : i32 to vector<512x128xi32>
    %eq3A_955 = arith.cmpi eq, %and3A_952, %eq3A_954 : vector<512x128xi32>
    %select_n3A_956 = arith.select %eq3A_955, %concatenate3A_945, %concatenate3A_948 : vector<512x128xi1>, vector<512x128xi32>
    %and3A_957 = arith.constant 4 : i32
    %and3A_958 = vector.broadcast %and3A_957 : i32 to vector<512x128xi32>
    %and3A_959 = arith.andi %iota3A_949, %and3A_958 : vector<512x128xi32>
    %eq3A_960 = arith.constant 0 : i32
    %eq3A_961 = vector.broadcast %eq3A_960 : i32 to vector<512x128xi32>
    %eq3A_962 = arith.cmpi eq, %and3A_959, %eq3A_961 : vector<512x128xi32>
    %slice3A_963 = vector.extract_strided_slice %select_n3A_942 {offsets = [0, 4], sizes = [512, 124], strides = [1, 1]} : vector<512x128xi32> to vector<512x124xi32>
    %slice3A_964 = vector.extract_strided_slice %select_n3A_942 {offsets = [0, 0], sizes = [512, 4], strides = [1, 1]} : vector<512x128xi32> to vector<512x4xi32>
    %concatenate3A_965 = tpu.concatenate %slice3A_963, %slice3A_964 in 1 : vector<512x124xi32>, vector<512x4xi32> -> vector<512x128xi32>
    %slice3A_966 = vector.extract_strided_slice %select_n3A_942 {offsets = [0, 124], sizes = [512, 4], strides = [1, 1]} : vector<512x128xi32> to vector<512x4xi32>
    %slice3A_967 = vector.extract_strided_slice %select_n3A_942 {offsets = [0, 0], sizes = [512, 124], strides = [1, 1]} : vector<512x128xi32> to vector<512x124xi32>
    %concatenate3A_968 = tpu.concatenate %slice3A_966, %slice3A_967 in 1 : vector<512x4xi32>, vector<512x124xi32> -> vector<512x128xi32>
    %iota3A_969 = tpu.iota {dimensions = array<i32: 1>} : vector<512x128xi32>
    %and3A_970 = arith.constant 4 : i32
    %and3A_971 = vector.broadcast %and3A_970 : i32 to vector<512x128xi32>
    %and3A_972 = arith.andi %iota3A_969, %and3A_971 : vector<512x128xi32>
    %eq3A_973 = arith.constant 0 : i32
    %eq3A_974 = vector.broadcast %eq3A_973 : i32 to vector<512x128xi32>
    %eq3A_975 = arith.cmpi eq, %and3A_972, %eq3A_974 : vector<512x128xi32>
    %select_n3A_976 = arith.select %eq3A_975, %concatenate3A_965, %concatenate3A_968 : vector<512x128xi1>, vector<512x128xi32>
    %gt3A_977 = arith.cmpi sgt, %select_n3A_941, %select_n3A_956 : vector<512x128xi32>
    %eq3A_978 = arith.cmpi eq, %select_n3A_941, %select_n3A_956 : vector<512x128xi32>
    %lt3A_979 = arith.cmpi slt, %select_n3A_942, %select_n3A_976 : vector<512x128xi32>
    %and3A_980 = arith.andi %eq3A_978, %lt3A_979 : vector<512x128xi1>
    %or3A_981 = arith.ori %gt3A_977, %and3A_980 : vector<512x128xi1>
    %eq3A_982 = arith.xori %eq3A_962, %eq3A_801 : vector<512x128xi1>
    %eq3A_983 = arith.constant dense<true> : vector<512x128xi1>
    %eq3A_984 = arith.xori %eq3A_982, %eq3A_983 : vector<512x128xi1>
    %eq3A_985 = arith.xori %or3A_981, %eq3A_984 : vector<512x128xi1>
    %eq3A_986 = arith.constant dense<true> : vector<512x128xi1>
    %eq3A_987 = arith.xori %eq3A_985, %eq3A_986 : vector<512x128xi1>
    %select_n3A_988 = arith.select %eq3A_987, %select_n3A_941, %select_n3A_956 : vector<512x128xi1>, vector<512x128xi32>
    %select_n3A_989 = arith.select %eq3A_987, %select_n3A_942, %select_n3A_976 : vector<512x128xi1>, vector<512x128xi32>
    %slice3A_990 = vector.extract_strided_slice %select_n3A_988 {offsets = [0, 2], sizes = [512, 126], strides = [1, 1]} : vector<512x128xi32> to vector<512x126xi32>
    %slice3A_991 = vector.extract_strided_slice %select_n3A_988 {offsets = [0, 0], sizes = [512, 2], strides = [1, 1]} : vector<512x128xi32> to vector<512x2xi32>
    %concatenate3A_992 = tpu.concatenate %slice3A_990, %slice3A_991 in 1 : vector<512x126xi32>, vector<512x2xi32> -> vector<512x128xi32>
    %slice3A_993 = vector.extract_strided_slice %select_n3A_988 {offsets = [0, 126], sizes = [512, 2], strides = [1, 1]} : vector<512x128xi32> to vector<512x2xi32>
    %slice3A_994 = vector.extract_strided_slice %select_n3A_988 {offsets = [0, 0], sizes = [512, 126], strides = [1, 1]} : vector<512x128xi32> to vector<512x126xi32>
    %concatenate3A_995 = tpu.concatenate %slice3A_993, %slice3A_994 in 1 : vector<512x2xi32>, vector<512x126xi32> -> vector<512x128xi32>
    %iota3A_996 = tpu.iota {dimensions = array<i32: 1>} : vector<512x128xi32>
    %and3A_997 = arith.constant 2 : i32
    %and3A_998 = vector.broadcast %and3A_997 : i32 to vector<512x128xi32>
    %and3A_999 = arith.andi %iota3A_996, %and3A_998 : vector<512x128xi32>
    %eq3A_1000 = arith.constant 0 : i32
    %eq3A_1001 = vector.broadcast %eq3A_1000 : i32 to vector<512x128xi32>
    %eq3A_1002 = arith.cmpi eq, %and3A_999, %eq3A_1001 : vector<512x128xi32>
    %select_n3A_1003 = arith.select %eq3A_1002, %concatenate3A_992, %concatenate3A_995 : vector<512x128xi1>, vector<512x128xi32>
    %and3A_1004 = arith.constant 2 : i32
    %and3A_1005 = vector.broadcast %and3A_1004 : i32 to vector<512x128xi32>
    %and3A_1006 = arith.andi %iota3A_996, %and3A_1005 : vector<512x128xi32>
    %eq3A_1007 = arith.constant 0 : i32
    %eq3A_1008 = vector.broadcast %eq3A_1007 : i32 to vector<512x128xi32>
    %eq3A_1009 = arith.cmpi eq, %and3A_1006, %eq3A_1008 : vector<512x128xi32>
    %slice3A_1010 = vector.extract_strided_slice %select_n3A_989 {offsets = [0, 2], sizes = [512, 126], strides = [1, 1]} : vector<512x128xi32> to vector<512x126xi32>
    %slice3A_1011 = vector.extract_strided_slice %select_n3A_989 {offsets = [0, 0], sizes = [512, 2], strides = [1, 1]} : vector<512x128xi32> to vector<512x2xi32>
    %concatenate3A_1012 = tpu.concatenate %slice3A_1010, %slice3A_1011 in 1 : vector<512x126xi32>, vector<512x2xi32> -> vector<512x128xi32>
    %slice3A_1013 = vector.extract_strided_slice %select_n3A_989 {offsets = [0, 126], sizes = [512, 2], strides = [1, 1]} : vector<512x128xi32> to vector<512x2xi32>
    %slice3A_1014 = vector.extract_strided_slice %select_n3A_989 {offsets = [0, 0], sizes = [512, 126], strides = [1, 1]} : vector<512x128xi32> to vector<512x126xi32>
    %concatenate3A_1015 = tpu.concatenate %slice3A_1013, %slice3A_1014 in 1 : vector<512x2xi32>, vector<512x126xi32> -> vector<512x128xi32>
    %iota3A_1016 = tpu.iota {dimensions = array<i32: 1>} : vector<512x128xi32>
    %and3A_1017 = arith.constant 2 : i32
    %and3A_1018 = vector.broadcast %and3A_1017 : i32 to vector<512x128xi32>
    %and3A_1019 = arith.andi %iota3A_1016, %and3A_1018 : vector<512x128xi32>
    %eq3A_1020 = arith.constant 0 : i32
    %eq3A_1021 = vector.broadcast %eq3A_1020 : i32 to vector<512x128xi32>
    %eq3A_1022 = arith.cmpi eq, %and3A_1019, %eq3A_1021 : vector<512x128xi32>
    %select_n3A_1023 = arith.select %eq3A_1022, %concatenate3A_1012, %concatenate3A_1015 : vector<512x128xi1>, vector<512x128xi32>
    %gt3A_1024 = arith.cmpi sgt, %select_n3A_988, %select_n3A_1003 : vector<512x128xi32>
    %eq3A_1025 = arith.cmpi eq, %select_n3A_988, %select_n3A_1003 : vector<512x128xi32>
    %lt3A_1026 = arith.cmpi slt, %select_n3A_989, %select_n3A_1023 : vector<512x128xi32>
    %and3A_1027 = arith.andi %eq3A_1025, %lt3A_1026 : vector<512x128xi1>
    %or3A_1028 = arith.ori %gt3A_1024, %and3A_1027 : vector<512x128xi1>
    %eq3A_1029 = arith.xori %eq3A_1009, %eq3A_801 : vector<512x128xi1>
    %eq3A_1030 = arith.constant dense<true> : vector<512x128xi1>
    %eq3A_1031 = arith.xori %eq3A_1029, %eq3A_1030 : vector<512x128xi1>
    %eq3A_1032 = arith.xori %or3A_1028, %eq3A_1031 : vector<512x128xi1>
    %eq3A_1033 = arith.constant dense<true> : vector<512x128xi1>
    %eq3A_1034 = arith.xori %eq3A_1032, %eq3A_1033 : vector<512x128xi1>
    %select_n3A_1035 = arith.select %eq3A_1034, %select_n3A_988, %select_n3A_1003 : vector<512x128xi1>, vector<512x128xi32>
    %select_n3A_1036 = arith.select %eq3A_1034, %select_n3A_989, %select_n3A_1023 : vector<512x128xi1>, vector<512x128xi32>
    %slice3A_1037 = vector.extract_strided_slice %select_n3A_1035 {offsets = [0, 1], sizes = [512, 127], strides = [1, 1]} : vector<512x128xi32> to vector<512x127xi32>
    %slice3A_1038 = vector.extract_strided_slice %select_n3A_1035 {offsets = [0, 0], sizes = [512, 1], strides = [1, 1]} : vector<512x128xi32> to vector<512x1xi32>
    %concatenate3A_1039 = tpu.concatenate %slice3A_1037, %slice3A_1038 in 1 : vector<512x127xi32>, vector<512x1xi32> -> vector<512x128xi32>
    %slice3A_1040 = vector.extract_strided_slice %select_n3A_1035 {offsets = [0, 127], sizes = [512, 1], strides = [1, 1]} : vector<512x128xi32> to vector<512x1xi32>
    %slice3A_1041 = vector.extract_strided_slice %select_n3A_1035 {offsets = [0, 0], sizes = [512, 127], strides = [1, 1]} : vector<512x128xi32> to vector<512x127xi32>
    %concatenate3A_1042 = tpu.concatenate %slice3A_1040, %slice3A_1041 in 1 : vector<512x1xi32>, vector<512x127xi32> -> vector<512x128xi32>
    %iota3A_1043 = tpu.iota {dimensions = array<i32: 1>} : vector<512x128xi32>
    %and3A_1044 = arith.constant 1 : i32
    %and3A_1045 = vector.broadcast %and3A_1044 : i32 to vector<512x128xi32>
    %and3A_1046 = arith.andi %iota3A_1043, %and3A_1045 : vector<512x128xi32>
    %eq3A_1047 = arith.constant 0 : i32
    %eq3A_1048 = vector.broadcast %eq3A_1047 : i32 to vector<512x128xi32>
    %eq3A_1049 = arith.cmpi eq, %and3A_1046, %eq3A_1048 : vector<512x128xi32>
    %select_n3A_1050 = arith.select %eq3A_1049, %concatenate3A_1039, %concatenate3A_1042 : vector<512x128xi1>, vector<512x128xi32>
    %and3A_1051 = arith.constant 1 : i32
    %and3A_1052 = vector.broadcast %and3A_1051 : i32 to vector<512x128xi32>
    %and3A_1053 = arith.andi %iota3A_1043, %and3A_1052 : vector<512x128xi32>
    %eq3A_1054 = arith.constant 0 : i32
    %eq3A_1055 = vector.broadcast %eq3A_1054 : i32 to vector<512x128xi32>
    %eq3A_1056 = arith.cmpi eq, %and3A_1053, %eq3A_1055 : vector<512x128xi32>
    %slice3A_1057 = vector.extract_strided_slice %select_n3A_1036 {offsets = [0, 1], sizes = [512, 127], strides = [1, 1]} : vector<512x128xi32> to vector<512x127xi32>
    %slice3A_1058 = vector.extract_strided_slice %select_n3A_1036 {offsets = [0, 0], sizes = [512, 1], strides = [1, 1]} : vector<512x128xi32> to vector<512x1xi32>
    %concatenate3A_1059 = tpu.concatenate %slice3A_1057, %slice3A_1058 in 1 : vector<512x127xi32>, vector<512x1xi32> -> vector<512x128xi32>
    %slice3A_1060 = vector.extract_strided_slice %select_n3A_1036 {offsets = [0, 127], sizes = [512, 1], strides = [1, 1]} : vector<512x128xi32> to vector<512x1xi32>
    %slice3A_1061 = vector.extract_strided_slice %select_n3A_1036 {offsets = [0, 0], sizes = [512, 127], strides = [1, 1]} : vector<512x128xi32> to vector<512x127xi32>
    %concatenate3A_1062 = tpu.concatenate %slice3A_1060, %slice3A_1061 in 1 : vector<512x1xi32>, vector<512x127xi32> -> vector<512x128xi32>
    %iota3A_1063 = tpu.iota {dimensions = array<i32: 1>} : vector<512x128xi32>
    %and3A_1064 = arith.constant 1 : i32
    %and3A_1065 = vector.broadcast %and3A_1064 : i32 to vector<512x128xi32>
    %and3A_1066 = arith.andi %iota3A_1063, %and3A_1065 : vector<512x128xi32>
    %eq3A_1067 = arith.constant 0 : i32
    %eq3A_1068 = vector.broadcast %eq3A_1067 : i32 to vector<512x128xi32>
    %eq3A_1069 = arith.cmpi eq, %and3A_1066, %eq3A_1068 : vector<512x128xi32>
    %select_n3A_1070 = arith.select %eq3A_1069, %concatenate3A_1059, %concatenate3A_1062 : vector<512x128xi1>, vector<512x128xi32>
    %gt3A_1071 = arith.cmpi sgt, %select_n3A_1035, %select_n3A_1050 : vector<512x128xi32>
    %eq3A_1072 = arith.cmpi eq, %select_n3A_1035, %select_n3A_1050 : vector<512x128xi32>
    %lt3A_1073 = arith.cmpi slt, %select_n3A_1036, %select_n3A_1070 : vector<512x128xi32>
    %and3A_1074 = arith.andi %eq3A_1072, %lt3A_1073 : vector<512x128xi1>
    %or3A_1075 = arith.ori %gt3A_1071, %and3A_1074 : vector<512x128xi1>
    %eq3A_1076 = arith.xori %eq3A_1056, %eq3A_801 : vector<512x128xi1>
    %eq3A_1077 = arith.constant dense<true> : vector<512x128xi1>
    %eq3A_1078 = arith.xori %eq3A_1076, %eq3A_1077 : vector<512x128xi1>
    %eq3A_1079 = arith.xori %or3A_1075, %eq3A_1078 : vector<512x128xi1>
    %eq3A_1080 = arith.constant dense<true> : vector<512x128xi1>
    %eq3A_1081 = arith.xori %eq3A_1079, %eq3A_1080 : vector<512x128xi1>
    %select_n3A_1082 = arith.select %eq3A_1081, %select_n3A_1035, %select_n3A_1050 : vector<512x128xi1>, vector<512x128xi32>
    %select_n3A_1083 = arith.select %eq3A_1081, %select_n3A_1036, %select_n3A_1070 : vector<512x128xi1>, vector<512x128xi32>
    %and3A_1084 = arith.constant 1 : i32
    %and3A_1085 = vector.broadcast %and3A_1084 : i32 to vector<512x128xi32>
    %and3A_1086 = arith.andi %and3A_64, %and3A_1085 : vector<512x128xi32>
    %eq3A_1087 = arith.constant 0 : i32
    %eq3A_1088 = vector.broadcast %eq3A_1087 : i32 to vector<512x128xi32>
    %eq3A_1089 = arith.cmpi eq, %and3A_1086, %eq3A_1088 : vector<512x128xi32>
    %slice3A_1090 = vector.extract_strided_slice %select_n3A_1082 {offsets = [0, 64], sizes = [512, 64], strides = [1, 1]} : vector<512x128xi32> to vector<512x64xi32>
    %slice3A_1091 = vector.extract_strided_slice %select_n3A_1082 {offsets = [0, 0], sizes = [512, 64], strides = [1, 1]} : vector<512x128xi32> to vector<512x64xi32>
    %concatenate3A_1092 = tpu.concatenate %slice3A_1090, %slice3A_1091 in 1 : vector<512x64xi32>, vector<512x64xi32> -> vector<512x128xi32>
    %slice3A_1093 = vector.extract_strided_slice %select_n3A_1082 {offsets = [0, 64], sizes = [512, 64], strides = [1, 1]} : vector<512x128xi32> to vector<512x64xi32>
    %slice3A_1094 = vector.extract_strided_slice %select_n3A_1082 {offsets = [0, 0], sizes = [512, 64], strides = [1, 1]} : vector<512x128xi32> to vector<512x64xi32>
    %concatenate3A_1095 = tpu.concatenate %slice3A_1093, %slice3A_1094 in 1 : vector<512x64xi32>, vector<512x64xi32> -> vector<512x128xi32>
    %iota3A_1096 = tpu.iota {dimensions = array<i32: 1>} : vector<512x128xi32>
    %and3A_1097 = arith.constant 64 : i32
    %and3A_1098 = vector.broadcast %and3A_1097 : i32 to vector<512x128xi32>
    %and3A_1099 = arith.andi %iota3A_1096, %and3A_1098 : vector<512x128xi32>
    %eq3A_1100 = arith.constant 0 : i32
    %eq3A_1101 = vector.broadcast %eq3A_1100 : i32 to vector<512x128xi32>
    %eq3A_1102 = arith.cmpi eq, %and3A_1099, %eq3A_1101 : vector<512x128xi32>
    %select_n3A_1103 = arith.select %eq3A_1102, %concatenate3A_1092, %concatenate3A_1095 : vector<512x128xi1>, vector<512x128xi32>
    %and3A_1104 = arith.constant 64 : i32
    %and3A_1105 = vector.broadcast %and3A_1104 : i32 to vector<512x128xi32>
    %and3A_1106 = arith.andi %iota3A_1096, %and3A_1105 : vector<512x128xi32>
    %eq3A_1107 = arith.constant 0 : i32
    %eq3A_1108 = vector.broadcast %eq3A_1107 : i32 to vector<512x128xi32>
    %eq3A_1109 = arith.cmpi eq, %and3A_1106, %eq3A_1108 : vector<512x128xi32>
    %slice3A_1110 = vector.extract_strided_slice %select_n3A_1083 {offsets = [0, 64], sizes = [512, 64], strides = [1, 1]} : vector<512x128xi32> to vector<512x64xi32>
    %slice3A_1111 = vector.extract_strided_slice %select_n3A_1083 {offsets = [0, 0], sizes = [512, 64], strides = [1, 1]} : vector<512x128xi32> to vector<512x64xi32>
    %concatenate3A_1112 = tpu.concatenate %slice3A_1110, %slice3A_1111 in 1 : vector<512x64xi32>, vector<512x64xi32> -> vector<512x128xi32>
    %slice3A_1113 = vector.extract_strided_slice %select_n3A_1083 {offsets = [0, 64], sizes = [512, 64], strides = [1, 1]} : vector<512x128xi32> to vector<512x64xi32>
    %slice3A_1114 = vector.extract_strided_slice %select_n3A_1083 {offsets = [0, 0], sizes = [512, 64], strides = [1, 1]} : vector<512x128xi32> to vector<512x64xi32>
    %concatenate3A_1115 = tpu.concatenate %slice3A_1113, %slice3A_1114 in 1 : vector<512x64xi32>, vector<512x64xi32> -> vector<512x128xi32>
    %iota3A_1116 = tpu.iota {dimensions = array<i32: 1>} : vector<512x128xi32>
    %and3A_1117 = arith.constant 64 : i32
    %and3A_1118 = vector.broadcast %and3A_1117 : i32 to vector<512x128xi32>
    %and3A_1119 = arith.andi %iota3A_1116, %and3A_1118 : vector<512x128xi32>
    %eq3A_1120 = arith.constant 0 : i32
    %eq3A_1121 = vector.broadcast %eq3A_1120 : i32 to vector<512x128xi32>
    %eq3A_1122 = arith.cmpi eq, %and3A_1119, %eq3A_1121 : vector<512x128xi32>
    %select_n3A_1123 = arith.select %eq3A_1122, %concatenate3A_1112, %concatenate3A_1115 : vector<512x128xi1>, vector<512x128xi32>
    %gt3A_1124 = arith.cmpi sgt, %select_n3A_1082, %select_n3A_1103 : vector<512x128xi32>
    %eq3A_1125 = arith.cmpi eq, %select_n3A_1082, %select_n3A_1103 : vector<512x128xi32>
    %lt3A_1126 = arith.cmpi slt, %select_n3A_1083, %select_n3A_1123 : vector<512x128xi32>
    %and3A_1127 = arith.andi %eq3A_1125, %lt3A_1126 : vector<512x128xi1>
    %or3A_1128 = arith.ori %gt3A_1124, %and3A_1127 : vector<512x128xi1>
    %eq3A_1129 = arith.xori %eq3A_1109, %eq3A_1089 : vector<512x128xi1>
    %eq3A_1130 = arith.constant dense<true> : vector<512x128xi1>
    %eq3A_1131 = arith.xori %eq3A_1129, %eq3A_1130 : vector<512x128xi1>
    %eq3A_1132 = arith.xori %or3A_1128, %eq3A_1131 : vector<512x128xi1>
    %eq3A_1133 = arith.constant dense<true> : vector<512x128xi1>
    %eq3A_1134 = arith.xori %eq3A_1132, %eq3A_1133 : vector<512x128xi1>
    %select_n3A_1135 = arith.select %eq3A_1134, %select_n3A_1082, %select_n3A_1103 : vector<512x128xi1>, vector<512x128xi32>
    %select_n3A_1136 = arith.select %eq3A_1134, %select_n3A_1083, %select_n3A_1123 : vector<512x128xi1>, vector<512x128xi32>
    %slice3A_1137 = vector.extract_strided_slice %select_n3A_1135 {offsets = [0, 32], sizes = [512, 96], strides = [1, 1]} : vector<512x128xi32> to vector<512x96xi32>
    %slice3A_1138 = vector.extract_strided_slice %select_n3A_1135 {offsets = [0, 0], sizes = [512, 32], strides = [1, 1]} : vector<512x128xi32> to vector<512x32xi32>
    %concatenate3A_1139 = tpu.concatenate %slice3A_1137, %slice3A_1138 in 1 : vector<512x96xi32>, vector<512x32xi32> -> vector<512x128xi32>
    %slice3A_1140 = vector.extract_strided_slice %select_n3A_1135 {offsets = [0, 96], sizes = [512, 32], strides = [1, 1]} : vector<512x128xi32> to vector<512x32xi32>
    %slice3A_1141 = vector.extract_strided_slice %select_n3A_1135 {offsets = [0, 0], sizes = [512, 96], strides = [1, 1]} : vector<512x128xi32> to vector<512x96xi32>
    %concatenate3A_1142 = tpu.concatenate %slice3A_1140, %slice3A_1141 in 1 : vector<512x32xi32>, vector<512x96xi32> -> vector<512x128xi32>
    %iota3A_1143 = tpu.iota {dimensions = array<i32: 1>} : vector<512x128xi32>
    %and3A_1144 = arith.constant 32 : i32
    %and3A_1145 = vector.broadcast %and3A_1144 : i32 to vector<512x128xi32>
    %and3A_1146 = arith.andi %iota3A_1143, %and3A_1145 : vector<512x128xi32>
    %eq3A_1147 = arith.constant 0 : i32
    %eq3A_1148 = vector.broadcast %eq3A_1147 : i32 to vector<512x128xi32>
    %eq3A_1149 = arith.cmpi eq, %and3A_1146, %eq3A_1148 : vector<512x128xi32>
    %select_n3A_1150 = arith.select %eq3A_1149, %concatenate3A_1139, %concatenate3A_1142 : vector<512x128xi1>, vector<512x128xi32>
    %and3A_1151 = arith.constant 32 : i32
    %and3A_1152 = vector.broadcast %and3A_1151 : i32 to vector<512x128xi32>
    %and3A_1153 = arith.andi %iota3A_1143, %and3A_1152 : vector<512x128xi32>
    %eq3A_1154 = arith.constant 0 : i32
    %eq3A_1155 = vector.broadcast %eq3A_1154 : i32 to vector<512x128xi32>
    %eq3A_1156 = arith.cmpi eq, %and3A_1153, %eq3A_1155 : vector<512x128xi32>
    %slice3A_1157 = vector.extract_strided_slice %select_n3A_1136 {offsets = [0, 32], sizes = [512, 96], strides = [1, 1]} : vector<512x128xi32> to vector<512x96xi32>
    %slice3A_1158 = vector.extract_strided_slice %select_n3A_1136 {offsets = [0, 0], sizes = [512, 32], strides = [1, 1]} : vector<512x128xi32> to vector<512x32xi32>
    %concatenate3A_1159 = tpu.concatenate %slice3A_1157, %slice3A_1158 in 1 : vector<512x96xi32>, vector<512x32xi32> -> vector<512x128xi32>
    %slice3A_1160 = vector.extract_strided_slice %select_n3A_1136 {offsets = [0, 96], sizes = [512, 32], strides = [1, 1]} : vector<512x128xi32> to vector<512x32xi32>
    %slice3A_1161 = vector.extract_strided_slice %select_n3A_1136 {offsets = [0, 0], sizes = [512, 96], strides = [1, 1]} : vector<512x128xi32> to vector<512x96xi32>
    %concatenate3A_1162 = tpu.concatenate %slice3A_1160, %slice3A_1161 in 1 : vector<512x32xi32>, vector<512x96xi32> -> vector<512x128xi32>
    %iota3A_1163 = tpu.iota {dimensions = array<i32: 1>} : vector<512x128xi32>
    %and3A_1164 = arith.constant 32 : i32
    %and3A_1165 = vector.broadcast %and3A_1164 : i32 to vector<512x128xi32>
    %and3A_1166 = arith.andi %iota3A_1163, %and3A_1165 : vector<512x128xi32>
    %eq3A_1167 = arith.constant 0 : i32
    %eq3A_1168 = vector.broadcast %eq3A_1167 : i32 to vector<512x128xi32>
    %eq3A_1169 = arith.cmpi eq, %and3A_1166, %eq3A_1168 : vector<512x128xi32>
    %select_n3A_1170 = arith.select %eq3A_1169, %concatenate3A_1159, %concatenate3A_1162 : vector<512x128xi1>, vector<512x128xi32>
    %gt3A_1171 = arith.cmpi sgt, %select_n3A_1135, %select_n3A_1150 : vector<512x128xi32>
    %eq3A_1172 = arith.cmpi eq, %select_n3A_1135, %select_n3A_1150 : vector<512x128xi32>
    %lt3A_1173 = arith.cmpi slt, %select_n3A_1136, %select_n3A_1170 : vector<512x128xi32>
    %and3A_1174 = arith.andi %eq3A_1172, %lt3A_1173 : vector<512x128xi1>
    %or3A_1175 = arith.ori %gt3A_1171, %and3A_1174 : vector<512x128xi1>
    %eq3A_1176 = arith.xori %eq3A_1156, %eq3A_1089 : vector<512x128xi1>
    %eq3A_1177 = arith.constant dense<true> : vector<512x128xi1>
    %eq3A_1178 = arith.xori %eq3A_1176, %eq3A_1177 : vector<512x128xi1>
    %eq3A_1179 = arith.xori %or3A_1175, %eq3A_1178 : vector<512x128xi1>
    %eq3A_1180 = arith.constant dense<true> : vector<512x128xi1>
    %eq3A_1181 = arith.xori %eq3A_1179, %eq3A_1180 : vector<512x128xi1>
    %select_n3A_1182 = arith.select %eq3A_1181, %select_n3A_1135, %select_n3A_1150 : vector<512x128xi1>, vector<512x128xi32>
    %select_n3A_1183 = arith.select %eq3A_1181, %select_n3A_1136, %select_n3A_1170 : vector<512x128xi1>, vector<512x128xi32>
    %slice3A_1184 = vector.extract_strided_slice %select_n3A_1182 {offsets = [0, 16], sizes = [512, 112], strides = [1, 1]} : vector<512x128xi32> to vector<512x112xi32>
    %slice3A_1185 = vector.extract_strided_slice %select_n3A_1182 {offsets = [0, 0], sizes = [512, 16], strides = [1, 1]} : vector<512x128xi32> to vector<512x16xi32>
    %concatenate3A_1186 = tpu.concatenate %slice3A_1184, %slice3A_1185 in 1 : vector<512x112xi32>, vector<512x16xi32> -> vector<512x128xi32>
    %slice3A_1187 = vector.extract_strided_slice %select_n3A_1182 {offsets = [0, 112], sizes = [512, 16], strides = [1, 1]} : vector<512x128xi32> to vector<512x16xi32>
    %slice3A_1188 = vector.extract_strided_slice %select_n3A_1182 {offsets = [0, 0], sizes = [512, 112], strides = [1, 1]} : vector<512x128xi32> to vector<512x112xi32>
    %concatenate3A_1189 = tpu.concatenate %slice3A_1187, %slice3A_1188 in 1 : vector<512x16xi32>, vector<512x112xi32> -> vector<512x128xi32>
    %iota3A_1190 = tpu.iota {dimensions = array<i32: 1>} : vector<512x128xi32>
    %and3A_1191 = arith.constant 16 : i32
    %and3A_1192 = vector.broadcast %and3A_1191 : i32 to vector<512x128xi32>
    %and3A_1193 = arith.andi %iota3A_1190, %and3A_1192 : vector<512x128xi32>
    %eq3A_1194 = arith.constant 0 : i32
    %eq3A_1195 = vector.broadcast %eq3A_1194 : i32 to vector<512x128xi32>
    %eq3A_1196 = arith.cmpi eq, %and3A_1193, %eq3A_1195 : vector<512x128xi32>
    %select_n3A_1197 = arith.select %eq3A_1196, %concatenate3A_1186, %concatenate3A_1189 : vector<512x128xi1>, vector<512x128xi32>
    %and3A_1198 = arith.constant 16 : i32
    %and3A_1199 = vector.broadcast %and3A_1198 : i32 to vector<512x128xi32>
    %and3A_1200 = arith.andi %iota3A_1190, %and3A_1199 : vector<512x128xi32>
    %eq3A_1201 = arith.constant 0 : i32
    %eq3A_1202 = vector.broadcast %eq3A_1201 : i32 to vector<512x128xi32>
    %eq3A_1203 = arith.cmpi eq, %and3A_1200, %eq3A_1202 : vector<512x128xi32>
    %slice3A_1204 = vector.extract_strided_slice %select_n3A_1183 {offsets = [0, 16], sizes = [512, 112], strides = [1, 1]} : vector<512x128xi32> to vector<512x112xi32>
    %slice3A_1205 = vector.extract_strided_slice %select_n3A_1183 {offsets = [0, 0], sizes = [512, 16], strides = [1, 1]} : vector<512x128xi32> to vector<512x16xi32>
    %concatenate3A_1206 = tpu.concatenate %slice3A_1204, %slice3A_1205 in 1 : vector<512x112xi32>, vector<512x16xi32> -> vector<512x128xi32>
    %slice3A_1207 = vector.extract_strided_slice %select_n3A_1183 {offsets = [0, 112], sizes = [512, 16], strides = [1, 1]} : vector<512x128xi32> to vector<512x16xi32>
    %slice3A_1208 = vector.extract_strided_slice %select_n3A_1183 {offsets = [0, 0], sizes = [512, 112], strides = [1, 1]} : vector<512x128xi32> to vector<512x112xi32>
    %concatenate3A_1209 = tpu.concatenate %slice3A_1207, %slice3A_1208 in 1 : vector<512x16xi32>, vector<512x112xi32> -> vector<512x128xi32>
    %iota3A_1210 = tpu.iota {dimensions = array<i32: 1>} : vector<512x128xi32>
    %and3A_1211 = arith.constant 16 : i32
    %and3A_1212 = vector.broadcast %and3A_1211 : i32 to vector<512x128xi32>
    %and3A_1213 = arith.andi %iota3A_1210, %and3A_1212 : vector<512x128xi32>
    %eq3A_1214 = arith.constant 0 : i32
    %eq3A_1215 = vector.broadcast %eq3A_1214 : i32 to vector<512x128xi32>
    %eq3A_1216 = arith.cmpi eq, %and3A_1213, %eq3A_1215 : vector<512x128xi32>
    %select_n3A_1217 = arith.select %eq3A_1216, %concatenate3A_1206, %concatenate3A_1209 : vector<512x128xi1>, vector<512x128xi32>
    %gt3A_1218 = arith.cmpi sgt, %select_n3A_1182, %select_n3A_1197 : vector<512x128xi32>
    %eq3A_1219 = arith.cmpi eq, %select_n3A_1182, %select_n3A_1197 : vector<512x128xi32>
    %lt3A_1220 = arith.cmpi slt, %select_n3A_1183, %select_n3A_1217 : vector<512x128xi32>
    %and3A_1221 = arith.andi %eq3A_1219, %lt3A_1220 : vector<512x128xi1>
    %or3A_1222 = arith.ori %gt3A_1218, %and3A_1221 : vector<512x128xi1>
    %eq3A_1223 = arith.xori %eq3A_1203, %eq3A_1089 : vector<512x128xi1>
    %eq3A_1224 = arith.constant dense<true> : vector<512x128xi1>
    %eq3A_1225 = arith.xori %eq3A_1223, %eq3A_1224 : vector<512x128xi1>
    %eq3A_1226 = arith.xori %or3A_1222, %eq3A_1225 : vector<512x128xi1>
    %eq3A_1227 = arith.constant dense<true> : vector<512x128xi1>
    %eq3A_1228 = arith.xori %eq3A_1226, %eq3A_1227 : vector<512x128xi1>
    %select_n3A_1229 = arith.select %eq3A_1228, %select_n3A_1182, %select_n3A_1197 : vector<512x128xi1>, vector<512x128xi32>
    %select_n3A_1230 = arith.select %eq3A_1228, %select_n3A_1183, %select_n3A_1217 : vector<512x128xi1>, vector<512x128xi32>
    %slice3A_1231 = vector.extract_strided_slice %select_n3A_1229 {offsets = [0, 8], sizes = [512, 120], strides = [1, 1]} : vector<512x128xi32> to vector<512x120xi32>
    %slice3A_1232 = vector.extract_strided_slice %select_n3A_1229 {offsets = [0, 0], sizes = [512, 8], strides = [1, 1]} : vector<512x128xi32> to vector<512x8xi32>
    %concatenate3A_1233 = tpu.concatenate %slice3A_1231, %slice3A_1232 in 1 : vector<512x120xi32>, vector<512x8xi32> -> vector<512x128xi32>
    %slice3A_1234 = vector.extract_strided_slice %select_n3A_1229 {offsets = [0, 120], sizes = [512, 8], strides = [1, 1]} : vector<512x128xi32> to vector<512x8xi32>
    %slice3A_1235 = vector.extract_strided_slice %select_n3A_1229 {offsets = [0, 0], sizes = [512, 120], strides = [1, 1]} : vector<512x128xi32> to vector<512x120xi32>
    %concatenate3A_1236 = tpu.concatenate %slice3A_1234, %slice3A_1235 in 1 : vector<512x8xi32>, vector<512x120xi32> -> vector<512x128xi32>
    %iota3A_1237 = tpu.iota {dimensions = array<i32: 1>} : vector<512x128xi32>
    %and3A_1238 = arith.constant 8 : i32
    %and3A_1239 = vector.broadcast %and3A_1238 : i32 to vector<512x128xi32>
    %and3A_1240 = arith.andi %iota3A_1237, %and3A_1239 : vector<512x128xi32>
    %eq3A_1241 = arith.constant 0 : i32
    %eq3A_1242 = vector.broadcast %eq3A_1241 : i32 to vector<512x128xi32>
    %eq3A_1243 = arith.cmpi eq, %and3A_1240, %eq3A_1242 : vector<512x128xi32>
    %select_n3A_1244 = arith.select %eq3A_1243, %concatenate3A_1233, %concatenate3A_1236 : vector<512x128xi1>, vector<512x128xi32>
    %and3A_1245 = arith.constant 8 : i32
    %and3A_1246 = vector.broadcast %and3A_1245 : i32 to vector<512x128xi32>
    %and3A_1247 = arith.andi %iota3A_1237, %and3A_1246 : vector<512x128xi32>
    %eq3A_1248 = arith.constant 0 : i32
    %eq3A_1249 = vector.broadcast %eq3A_1248 : i32 to vector<512x128xi32>
    %eq3A_1250 = arith.cmpi eq, %and3A_1247, %eq3A_1249 : vector<512x128xi32>
    %slice3A_1251 = vector.extract_strided_slice %select_n3A_1230 {offsets = [0, 8], sizes = [512, 120], strides = [1, 1]} : vector<512x128xi32> to vector<512x120xi32>
    %slice3A_1252 = vector.extract_strided_slice %select_n3A_1230 {offsets = [0, 0], sizes = [512, 8], strides = [1, 1]} : vector<512x128xi32> to vector<512x8xi32>
    %concatenate3A_1253 = tpu.concatenate %slice3A_1251, %slice3A_1252 in 1 : vector<512x120xi32>, vector<512x8xi32> -> vector<512x128xi32>
    %slice3A_1254 = vector.extract_strided_slice %select_n3A_1230 {offsets = [0, 120], sizes = [512, 8], strides = [1, 1]} : vector<512x128xi32> to vector<512x8xi32>
    %slice3A_1255 = vector.extract_strided_slice %select_n3A_1230 {offsets = [0, 0], sizes = [512, 120], strides = [1, 1]} : vector<512x128xi32> to vector<512x120xi32>
    %concatenate3A_1256 = tpu.concatenate %slice3A_1254, %slice3A_1255 in 1 : vector<512x8xi32>, vector<512x120xi32> -> vector<512x128xi32>
    %iota3A_1257 = tpu.iota {dimensions = array<i32: 1>} : vector<512x128xi32>
    %and3A_1258 = arith.constant 8 : i32
    %and3A_1259 = vector.broadcast %and3A_1258 : i32 to vector<512x128xi32>
    %and3A_1260 = arith.andi %iota3A_1257, %and3A_1259 : vector<512x128xi32>
    %eq3A_1261 = arith.constant 0 : i32
    %eq3A_1262 = vector.broadcast %eq3A_1261 : i32 to vector<512x128xi32>
    %eq3A_1263 = arith.cmpi eq, %and3A_1260, %eq3A_1262 : vector<512x128xi32>
    %select_n3A_1264 = arith.select %eq3A_1263, %concatenate3A_1253, %concatenate3A_1256 : vector<512x128xi1>, vector<512x128xi32>
    %gt3A_1265 = arith.cmpi sgt, %select_n3A_1229, %select_n3A_1244 : vector<512x128xi32>
    %eq3A_1266 = arith.cmpi eq, %select_n3A_1229, %select_n3A_1244 : vector<512x128xi32>
    %lt3A_1267 = arith.cmpi slt, %select_n3A_1230, %select_n3A_1264 : vector<512x128xi32>
    %and3A_1268 = arith.andi %eq3A_1266, %lt3A_1267 : vector<512x128xi1>
    %or3A_1269 = arith.ori %gt3A_1265, %and3A_1268 : vector<512x128xi1>
    %eq3A_1270 = arith.xori %eq3A_1250, %eq3A_1089 : vector<512x128xi1>
    %eq3A_1271 = arith.constant dense<true> : vector<512x128xi1>
    %eq3A_1272 = arith.xori %eq3A_1270, %eq3A_1271 : vector<512x128xi1>
    %eq3A_1273 = arith.xori %or3A_1269, %eq3A_1272 : vector<512x128xi1>
    %eq3A_1274 = arith.constant dense<true> : vector<512x128xi1>
    %eq3A_1275 = arith.xori %eq3A_1273, %eq3A_1274 : vector<512x128xi1>
    %select_n3A_1276 = arith.select %eq3A_1275, %select_n3A_1229, %select_n3A_1244 : vector<512x128xi1>, vector<512x128xi32>
    %select_n3A_1277 = arith.select %eq3A_1275, %select_n3A_1230, %select_n3A_1264 : vector<512x128xi1>, vector<512x128xi32>
    %slice3A_1278 = vector.extract_strided_slice %select_n3A_1276 {offsets = [0, 4], sizes = [512, 124], strides = [1, 1]} : vector<512x128xi32> to vector<512x124xi32>
    %slice3A_1279 = vector.extract_strided_slice %select_n3A_1276 {offsets = [0, 0], sizes = [512, 4], strides = [1, 1]} : vector<512x128xi32> to vector<512x4xi32>
    %concatenate3A_1280 = tpu.concatenate %slice3A_1278, %slice3A_1279 in 1 : vector<512x124xi32>, vector<512x4xi32> -> vector<512x128xi32>
    %slice3A_1281 = vector.extract_strided_slice %select_n3A_1276 {offsets = [0, 124], sizes = [512, 4], strides = [1, 1]} : vector<512x128xi32> to vector<512x4xi32>
    %slice3A_1282 = vector.extract_strided_slice %select_n3A_1276 {offsets = [0, 0], sizes = [512, 124], strides = [1, 1]} : vector<512x128xi32> to vector<512x124xi32>
    %concatenate3A_1283 = tpu.concatenate %slice3A_1281, %slice3A_1282 in 1 : vector<512x4xi32>, vector<512x124xi32> -> vector<512x128xi32>
    %iota3A_1284 = tpu.iota {dimensions = array<i32: 1>} : vector<512x128xi32>
    %and3A_1285 = arith.constant 4 : i32
    %and3A_1286 = vector.broadcast %and3A_1285 : i32 to vector<512x128xi32>
    %and3A_1287 = arith.andi %iota3A_1284, %and3A_1286 : vector<512x128xi32>
    %eq3A_1288 = arith.constant 0 : i32
    %eq3A_1289 = vector.broadcast %eq3A_1288 : i32 to vector<512x128xi32>
    %eq3A_1290 = arith.cmpi eq, %and3A_1287, %eq3A_1289 : vector<512x128xi32>
    %select_n3A_1291 = arith.select %eq3A_1290, %concatenate3A_1280, %concatenate3A_1283 : vector<512x128xi1>, vector<512x128xi32>
    %and3A_1292 = arith.constant 4 : i32
    %and3A_1293 = vector.broadcast %and3A_1292 : i32 to vector<512x128xi32>
    %and3A_1294 = arith.andi %iota3A_1284, %and3A_1293 : vector<512x128xi32>
    %eq3A_1295 = arith.constant 0 : i32
    %eq3A_1296 = vector.broadcast %eq3A_1295 : i32 to vector<512x128xi32>
    %eq3A_1297 = arith.cmpi eq, %and3A_1294, %eq3A_1296 : vector<512x128xi32>
    %slice3A_1298 = vector.extract_strided_slice %select_n3A_1277 {offsets = [0, 4], sizes = [512, 124], strides = [1, 1]} : vector<512x128xi32> to vector<512x124xi32>
    %slice3A_1299 = vector.extract_strided_slice %select_n3A_1277 {offsets = [0, 0], sizes = [512, 4], strides = [1, 1]} : vector<512x128xi32> to vector<512x4xi32>
    %concatenate3A_1300 = tpu.concatenate %slice3A_1298, %slice3A_1299 in 1 : vector<512x124xi32>, vector<512x4xi32> -> vector<512x128xi32>
    %slice3A_1301 = vector.extract_strided_slice %select_n3A_1277 {offsets = [0, 124], sizes = [512, 4], strides = [1, 1]} : vector<512x128xi32> to vector<512x4xi32>
    %slice3A_1302 = vector.extract_strided_slice %select_n3A_1277 {offsets = [0, 0], sizes = [512, 124], strides = [1, 1]} : vector<512x128xi32> to vector<512x124xi32>
    %concatenate3A_1303 = tpu.concatenate %slice3A_1301, %slice3A_1302 in 1 : vector<512x4xi32>, vector<512x124xi32> -> vector<512x128xi32>
    %iota3A_1304 = tpu.iota {dimensions = array<i32: 1>} : vector<512x128xi32>
    %and3A_1305 = arith.constant 4 : i32
    %and3A_1306 = vector.broadcast %and3A_1305 : i32 to vector<512x128xi32>
    %and3A_1307 = arith.andi %iota3A_1304, %and3A_1306 : vector<512x128xi32>
    %eq3A_1308 = arith.constant 0 : i32
    %eq3A_1309 = vector.broadcast %eq3A_1308 : i32 to vector<512x128xi32>
    %eq3A_1310 = arith.cmpi eq, %and3A_1307, %eq3A_1309 : vector<512x128xi32>
    %select_n3A_1311 = arith.select %eq3A_1310, %concatenate3A_1300, %concatenate3A_1303 : vector<512x128xi1>, vector<512x128xi32>
    %gt3A_1312 = arith.cmpi sgt, %select_n3A_1276, %select_n3A_1291 : vector<512x128xi32>
    %eq3A_1313 = arith.cmpi eq, %select_n3A_1276, %select_n3A_1291 : vector<512x128xi32>
    %lt3A_1314 = arith.cmpi slt, %select_n3A_1277, %select_n3A_1311 : vector<512x128xi32>
    %and3A_1315 = arith.andi %eq3A_1313, %lt3A_1314 : vector<512x128xi1>
    %or3A_1316 = arith.ori %gt3A_1312, %and3A_1315 : vector<512x128xi1>
    %eq3A_1317 = arith.xori %eq3A_1297, %eq3A_1089 : vector<512x128xi1>
    %eq3A_1318 = arith.constant dense<true> : vector<512x128xi1>
    %eq3A_1319 = arith.xori %eq3A_1317, %eq3A_1318 : vector<512x128xi1>
    %eq3A_1320 = arith.xori %or3A_1316, %eq3A_1319 : vector<512x128xi1>
    %eq3A_1321 = arith.constant dense<true> : vector<512x128xi1>
    %eq3A_1322 = arith.xori %eq3A_1320, %eq3A_1321 : vector<512x128xi1>
    %select_n3A_1323 = arith.select %eq3A_1322, %select_n3A_1276, %select_n3A_1291 : vector<512x128xi1>, vector<512x128xi32>
    %select_n3A_1324 = arith.select %eq3A_1322, %select_n3A_1277, %select_n3A_1311 : vector<512x128xi1>, vector<512x128xi32>
    %slice3A_1325 = vector.extract_strided_slice %select_n3A_1323 {offsets = [0, 2], sizes = [512, 126], strides = [1, 1]} : vector<512x128xi32> to vector<512x126xi32>
    %slice3A_1326 = vector.extract_strided_slice %select_n3A_1323 {offsets = [0, 0], sizes = [512, 2], strides = [1, 1]} : vector<512x128xi32> to vector<512x2xi32>
    %concatenate3A_1327 = tpu.concatenate %slice3A_1325, %slice3A_1326 in 1 : vector<512x126xi32>, vector<512x2xi32> -> vector<512x128xi32>
    %slice3A_1328 = vector.extract_strided_slice %select_n3A_1323 {offsets = [0, 126], sizes = [512, 2], strides = [1, 1]} : vector<512x128xi32> to vector<512x2xi32>
    %slice3A_1329 = vector.extract_strided_slice %select_n3A_1323 {offsets = [0, 0], sizes = [512, 126], strides = [1, 1]} : vector<512x128xi32> to vector<512x126xi32>
    %concatenate3A_1330 = tpu.concatenate %slice3A_1328, %slice3A_1329 in 1 : vector<512x2xi32>, vector<512x126xi32> -> vector<512x128xi32>
    %iota3A_1331 = tpu.iota {dimensions = array<i32: 1>} : vector<512x128xi32>
    %and3A_1332 = arith.constant 2 : i32
    %and3A_1333 = vector.broadcast %and3A_1332 : i32 to vector<512x128xi32>
    %and3A_1334 = arith.andi %iota3A_1331, %and3A_1333 : vector<512x128xi32>
    %eq3A_1335 = arith.constant 0 : i32
    %eq3A_1336 = vector.broadcast %eq3A_1335 : i32 to vector<512x128xi32>
    %eq3A_1337 = arith.cmpi eq, %and3A_1334, %eq3A_1336 : vector<512x128xi32>
    %select_n3A_1338 = arith.select %eq3A_1337, %concatenate3A_1327, %concatenate3A_1330 : vector<512x128xi1>, vector<512x128xi32>
    %and3A_1339 = arith.constant 2 : i32
    %and3A_1340 = vector.broadcast %and3A_1339 : i32 to vector<512x128xi32>
    %and3A_1341 = arith.andi %iota3A_1331, %and3A_1340 : vector<512x128xi32>
    %eq3A_1342 = arith.constant 0 : i32
    %eq3A_1343 = vector.broadcast %eq3A_1342 : i32 to vector<512x128xi32>
    %eq3A_1344 = arith.cmpi eq, %and3A_1341, %eq3A_1343 : vector<512x128xi32>
    %slice3A_1345 = vector.extract_strided_slice %select_n3A_1324 {offsets = [0, 2], sizes = [512, 126], strides = [1, 1]} : vector<512x128xi32> to vector<512x126xi32>
    %slice3A_1346 = vector.extract_strided_slice %select_n3A_1324 {offsets = [0, 0], sizes = [512, 2], strides = [1, 1]} : vector<512x128xi32> to vector<512x2xi32>
    %concatenate3A_1347 = tpu.concatenate %slice3A_1345, %slice3A_1346 in 1 : vector<512x126xi32>, vector<512x2xi32> -> vector<512x128xi32>
    %slice3A_1348 = vector.extract_strided_slice %select_n3A_1324 {offsets = [0, 126], sizes = [512, 2], strides = [1, 1]} : vector<512x128xi32> to vector<512x2xi32>
    %slice3A_1349 = vector.extract_strided_slice %select_n3A_1324 {offsets = [0, 0], sizes = [512, 126], strides = [1, 1]} : vector<512x128xi32> to vector<512x126xi32>
    %concatenate3A_1350 = tpu.concatenate %slice3A_1348, %slice3A_1349 in 1 : vector<512x2xi32>, vector<512x126xi32> -> vector<512x128xi32>
    %iota3A_1351 = tpu.iota {dimensions = array<i32: 1>} : vector<512x128xi32>
    %and3A_1352 = arith.constant 2 : i32
    %and3A_1353 = vector.broadcast %and3A_1352 : i32 to vector<512x128xi32>
    %and3A_1354 = arith.andi %iota3A_1351, %and3A_1353 : vector<512x128xi32>
    %eq3A_1355 = arith.constant 0 : i32
    %eq3A_1356 = vector.broadcast %eq3A_1355 : i32 to vector<512x128xi32>
    %eq3A_1357 = arith.cmpi eq, %and3A_1354, %eq3A_1356 : vector<512x128xi32>
    %select_n3A_1358 = arith.select %eq3A_1357, %concatenate3A_1347, %concatenate3A_1350 : vector<512x128xi1>, vector<512x128xi32>
    %gt3A_1359 = arith.cmpi sgt, %select_n3A_1323, %select_n3A_1338 : vector<512x128xi32>
    %eq3A_1360 = arith.cmpi eq, %select_n3A_1323, %select_n3A_1338 : vector<512x128xi32>
    %lt3A_1361 = arith.cmpi slt, %select_n3A_1324, %select_n3A_1358 : vector<512x128xi32>
    %and3A_1362 = arith.andi %eq3A_1360, %lt3A_1361 : vector<512x128xi1>
    %or3A_1363 = arith.ori %gt3A_1359, %and3A_1362 : vector<512x128xi1>
    %eq3A_1364 = arith.xori %eq3A_1344, %eq3A_1089 : vector<512x128xi1>
    %eq3A_1365 = arith.constant dense<true> : vector<512x128xi1>
    %eq3A_1366 = arith.xori %eq3A_1364, %eq3A_1365 : vector<512x128xi1>
    %eq3A_1367 = arith.xori %or3A_1363, %eq3A_1366 : vector<512x128xi1>
    %eq3A_1368 = arith.constant dense<true> : vector<512x128xi1>
    %eq3A_1369 = arith.xori %eq3A_1367, %eq3A_1368 : vector<512x128xi1>
    %select_n3A_1370 = arith.select %eq3A_1369, %select_n3A_1323, %select_n3A_1338 : vector<512x128xi1>, vector<512x128xi32>
    %select_n3A_1371 = arith.select %eq3A_1369, %select_n3A_1324, %select_n3A_1358 : vector<512x128xi1>, vector<512x128xi32>
    %slice3A_1372 = vector.extract_strided_slice %select_n3A_1370 {offsets = [0, 1], sizes = [512, 127], strides = [1, 1]} : vector<512x128xi32> to vector<512x127xi32>
    %slice3A_1373 = vector.extract_strided_slice %select_n3A_1370 {offsets = [0, 0], sizes = [512, 1], strides = [1, 1]} : vector<512x128xi32> to vector<512x1xi32>
    %concatenate3A_1374 = tpu.concatenate %slice3A_1372, %slice3A_1373 in 1 : vector<512x127xi32>, vector<512x1xi32> -> vector<512x128xi32>
    %slice3A_1375 = vector.extract_strided_slice %select_n3A_1370 {offsets = [0, 127], sizes = [512, 1], strides = [1, 1]} : vector<512x128xi32> to vector<512x1xi32>
    %slice3A_1376 = vector.extract_strided_slice %select_n3A_1370 {offsets = [0, 0], sizes = [512, 127], strides = [1, 1]} : vector<512x128xi32> to vector<512x127xi32>
    %concatenate3A_1377 = tpu.concatenate %slice3A_1375, %slice3A_1376 in 1 : vector<512x1xi32>, vector<512x127xi32> -> vector<512x128xi32>
    %iota3A_1378 = tpu.iota {dimensions = array<i32: 1>} : vector<512x128xi32>
    %and3A_1379 = arith.constant 1 : i32
    %and3A_1380 = vector.broadcast %and3A_1379 : i32 to vector<512x128xi32>
    %and3A_1381 = arith.andi %iota3A_1378, %and3A_1380 : vector<512x128xi32>
    %eq3A_1382 = arith.constant 0 : i32
    %eq3A_1383 = vector.broadcast %eq3A_1382 : i32 to vector<512x128xi32>
    %eq3A_1384 = arith.cmpi eq, %and3A_1381, %eq3A_1383 : vector<512x128xi32>
    %select_n3A_1385 = arith.select %eq3A_1384, %concatenate3A_1374, %concatenate3A_1377 : vector<512x128xi1>, vector<512x128xi32>
    %and3A_1386 = arith.constant 1 : i32
    %and3A_1387 = vector.broadcast %and3A_1386 : i32 to vector<512x128xi32>
    %and3A_1388 = arith.andi %iota3A_1378, %and3A_1387 : vector<512x128xi32>
    %eq3A_1389 = arith.constant 0 : i32
    %eq3A_1390 = vector.broadcast %eq3A_1389 : i32 to vector<512x128xi32>
    %eq3A_1391 = arith.cmpi eq, %and3A_1388, %eq3A_1390 : vector<512x128xi32>
    %slice3A_1392 = vector.extract_strided_slice %select_n3A_1371 {offsets = [0, 1], sizes = [512, 127], strides = [1, 1]} : vector<512x128xi32> to vector<512x127xi32>
    %slice3A_1393 = vector.extract_strided_slice %select_n3A_1371 {offsets = [0, 0], sizes = [512, 1], strides = [1, 1]} : vector<512x128xi32> to vector<512x1xi32>
    %concatenate3A_1394 = tpu.concatenate %slice3A_1392, %slice3A_1393 in 1 : vector<512x127xi32>, vector<512x1xi32> -> vector<512x128xi32>
    %slice3A_1395 = vector.extract_strided_slice %select_n3A_1371 {offsets = [0, 127], sizes = [512, 1], strides = [1, 1]} : vector<512x128xi32> to vector<512x1xi32>
    %slice3A_1396 = vector.extract_strided_slice %select_n3A_1371 {offsets = [0, 0], sizes = [512, 127], strides = [1, 1]} : vector<512x128xi32> to vector<512x127xi32>
    %concatenate3A_1397 = tpu.concatenate %slice3A_1395, %slice3A_1396 in 1 : vector<512x1xi32>, vector<512x127xi32> -> vector<512x128xi32>
    %iota3A_1398 = tpu.iota {dimensions = array<i32: 1>} : vector<512x128xi32>
    %and3A_1399 = arith.constant 1 : i32
    %and3A_1400 = vector.broadcast %and3A_1399 : i32 to vector<512x128xi32>
    %and3A_1401 = arith.andi %iota3A_1398, %and3A_1400 : vector<512x128xi32>
    %eq3A_1402 = arith.constant 0 : i32
    %eq3A_1403 = vector.broadcast %eq3A_1402 : i32 to vector<512x128xi32>
    %eq3A_1404 = arith.cmpi eq, %and3A_1401, %eq3A_1403 : vector<512x128xi32>
    %select_n3A_1405 = arith.select %eq3A_1404, %concatenate3A_1394, %concatenate3A_1397 : vector<512x128xi1>, vector<512x128xi32>
    %gt3A_1406 = arith.cmpi sgt, %select_n3A_1370, %select_n3A_1385 : vector<512x128xi32>
    %eq3A_1407 = arith.cmpi eq, %select_n3A_1370, %select_n3A_1385 : vector<512x128xi32>
    %lt3A_1408 = arith.cmpi slt, %select_n3A_1371, %select_n3A_1405 : vector<512x128xi32>
    %and3A_1409 = arith.andi %eq3A_1407, %lt3A_1408 : vector<512x128xi1>
    %or3A_1410 = arith.ori %gt3A_1406, %and3A_1409 : vector<512x128xi1>
    %eq3A_1411 = arith.xori %eq3A_1391, %eq3A_1089 : vector<512x128xi1>
    %eq3A_1412 = arith.constant dense<true> : vector<512x128xi1>
    %eq3A_1413 = arith.xori %eq3A_1411, %eq3A_1412 : vector<512x128xi1>
    %eq3A_1414 = arith.xori %or3A_1410, %eq3A_1413 : vector<512x128xi1>
    %eq3A_1415 = arith.constant dense<true> : vector<512x128xi1>
    %eq3A_1416 = arith.xori %eq3A_1414, %eq3A_1415 : vector<512x128xi1>
    %select_n3A_1417 = arith.select %eq3A_1416, %select_n3A_1370, %select_n3A_1385 : vector<512x128xi1>, vector<512x128xi32>
    %select_n3A_1418 = arith.select %eq3A_1416, %select_n3A_1371, %select_n3A_1405 : vector<512x128xi1>, vector<512x128xi32>
    %and3A_1419 = arith.constant 2 : i32
    %and3A_1420 = vector.broadcast %and3A_1419 : i32 to vector<512x128xi32>
    %and3A_1421 = arith.andi %and3A_64, %and3A_1420 : vector<512x128xi32>
    %eq3A_1422 = arith.constant 0 : i32
    %eq3A_1423 = vector.broadcast %eq3A_1422 : i32 to vector<512x128xi32>
    %eq3A_1424 = arith.cmpi eq, %and3A_1421, %eq3A_1423 : vector<512x128xi32>
    %slice3A_1425 = vector.extract_strided_slice %select_n3A_1417 {offsets = [1, 0], sizes = [511, 128], strides = [1, 1]} : vector<512x128xi32> to vector<511x128xi32>
    %slice3A_1426 = vector.extract_strided_slice %select_n3A_1417 {offsets = [0, 0], sizes = [1, 128], strides = [1, 1]} : vector<512x128xi32> to vector<1x128xi32>
    %concatenate3A_1427 = tpu.concatenate %slice3A_1425, %slice3A_1426 in 0 : vector<511x128xi32>, vector<1x128xi32> -> vector<512x128xi32>
    %slice3A_1428 = vector.extract_strided_slice %select_n3A_1417 {offsets = [511, 0], sizes = [1, 128], strides = [1, 1]} : vector<512x128xi32> to vector<1x128xi32>
    %slice3A_1429 = vector.extract_strided_slice %select_n3A_1417 {offsets = [0, 0], sizes = [511, 128], strides = [1, 1]} : vector<512x128xi32> to vector<511x128xi32>
    %concatenate3A_1430 = tpu.concatenate %slice3A_1428, %slice3A_1429 in 0 : vector<1x128xi32>, vector<511x128xi32> -> vector<512x128xi32>
    %iota3A_1431 = tpu.iota {dimensions = array<i32: 0>} : vector<512x128xi32>
    %and3A_1432 = arith.constant 1 : i32
    %and3A_1433 = vector.broadcast %and3A_1432 : i32 to vector<512x128xi32>
    %and3A_1434 = arith.andi %iota3A_1431, %and3A_1433 : vector<512x128xi32>
    %eq3A_1435 = arith.constant 0 : i32
    %eq3A_1436 = vector.broadcast %eq3A_1435 : i32 to vector<512x128xi32>
    %eq3A_1437 = arith.cmpi eq, %and3A_1434, %eq3A_1436 : vector<512x128xi32>
    %select_n3A_1438 = arith.select %eq3A_1437, %concatenate3A_1427, %concatenate3A_1430 : vector<512x128xi1>, vector<512x128xi32>
    %and3A_1439 = arith.constant 1 : i32
    %and3A_1440 = vector.broadcast %and3A_1439 : i32 to vector<512x128xi32>
    %and3A_1441 = arith.andi %iota3A_1431, %and3A_1440 : vector<512x128xi32>
    %eq3A_1442 = arith.constant 0 : i32
    %eq3A_1443 = vector.broadcast %eq3A_1442 : i32 to vector<512x128xi32>
    %eq3A_1444 = arith.cmpi eq, %and3A_1441, %eq3A_1443 : vector<512x128xi32>
    %slice3A_1445 = vector.extract_strided_slice %select_n3A_1418 {offsets = [1, 0], sizes = [511, 128], strides = [1, 1]} : vector<512x128xi32> to vector<511x128xi32>
    %slice3A_1446 = vector.extract_strided_slice %select_n3A_1418 {offsets = [0, 0], sizes = [1, 128], strides = [1, 1]} : vector<512x128xi32> to vector<1x128xi32>
    %concatenate3A_1447 = tpu.concatenate %slice3A_1445, %slice3A_1446 in 0 : vector<511x128xi32>, vector<1x128xi32> -> vector<512x128xi32>
    %slice3A_1448 = vector.extract_strided_slice %select_n3A_1418 {offsets = [511, 0], sizes = [1, 128], strides = [1, 1]} : vector<512x128xi32> to vector<1x128xi32>
    %slice3A_1449 = vector.extract_strided_slice %select_n3A_1418 {offsets = [0, 0], sizes = [511, 128], strides = [1, 1]} : vector<512x128xi32> to vector<511x128xi32>
    %concatenate3A_1450 = tpu.concatenate %slice3A_1448, %slice3A_1449 in 0 : vector<1x128xi32>, vector<511x128xi32> -> vector<512x128xi32>
    %iota3A_1451 = tpu.iota {dimensions = array<i32: 0>} : vector<512x128xi32>
    %and3A_1452 = arith.constant 1 : i32
    %and3A_1453 = vector.broadcast %and3A_1452 : i32 to vector<512x128xi32>
    %and3A_1454 = arith.andi %iota3A_1451, %and3A_1453 : vector<512x128xi32>
    %eq3A_1455 = arith.constant 0 : i32
    %eq3A_1456 = vector.broadcast %eq3A_1455 : i32 to vector<512x128xi32>
    %eq3A_1457 = arith.cmpi eq, %and3A_1454, %eq3A_1456 : vector<512x128xi32>
    %select_n3A_1458 = arith.select %eq3A_1457, %concatenate3A_1447, %concatenate3A_1450 : vector<512x128xi1>, vector<512x128xi32>
    %gt3A_1459 = arith.cmpi sgt, %select_n3A_1417, %select_n3A_1438 : vector<512x128xi32>
    %eq3A_1460 = arith.cmpi eq, %select_n3A_1417, %select_n3A_1438 : vector<512x128xi32>
    %lt3A_1461 = arith.cmpi slt, %select_n3A_1418, %select_n3A_1458 : vector<512x128xi32>
    %and3A_1462 = arith.andi %eq3A_1460, %lt3A_1461 : vector<512x128xi1>
    %or3A_1463 = arith.ori %gt3A_1459, %and3A_1462 : vector<512x128xi1>
    %eq3A_1464 = arith.xori %eq3A_1444, %eq3A_1424 : vector<512x128xi1>
    %eq3A_1465 = arith.constant dense<true> : vector<512x128xi1>
    %eq3A_1466 = arith.xori %eq3A_1464, %eq3A_1465 : vector<512x128xi1>
    %eq3A_1467 = arith.xori %or3A_1463, %eq3A_1466 : vector<512x128xi1>
    %eq3A_1468 = arith.constant dense<true> : vector<512x128xi1>
    %eq3A_1469 = arith.xori %eq3A_1467, %eq3A_1468 : vector<512x128xi1>
    %select_n3A_1470 = arith.select %eq3A_1469, %select_n3A_1417, %select_n3A_1438 : vector<512x128xi1>, vector<512x128xi32>
    %select_n3A_1471 = arith.select %eq3A_1469, %select_n3A_1418, %select_n3A_1458 : vector<512x128xi1>, vector<512x128xi32>
    %slice3A_1472 = vector.extract_strided_slice %select_n3A_1470 {offsets = [0, 64], sizes = [512, 64], strides = [1, 1]} : vector<512x128xi32> to vector<512x64xi32>
    %slice3A_1473 = vector.extract_strided_slice %select_n3A_1470 {offsets = [0, 0], sizes = [512, 64], strides = [1, 1]} : vector<512x128xi32> to vector<512x64xi32>
    %concatenate3A_1474 = tpu.concatenate %slice3A_1472, %slice3A_1473 in 1 : vector<512x64xi32>, vector<512x64xi32> -> vector<512x128xi32>
    %slice3A_1475 = vector.extract_strided_slice %select_n3A_1470 {offsets = [0, 64], sizes = [512, 64], strides = [1, 1]} : vector<512x128xi32> to vector<512x64xi32>
    %slice3A_1476 = vector.extract_strided_slice %select_n3A_1470 {offsets = [0, 0], sizes = [512, 64], strides = [1, 1]} : vector<512x128xi32> to vector<512x64xi32>
    %concatenate3A_1477 = tpu.concatenate %slice3A_1475, %slice3A_1476 in 1 : vector<512x64xi32>, vector<512x64xi32> -> vector<512x128xi32>
    %iota3A_1478 = tpu.iota {dimensions = array<i32: 1>} : vector<512x128xi32>
    %and3A_1479 = arith.constant 64 : i32
    %and3A_1480 = vector.broadcast %and3A_1479 : i32 to vector<512x128xi32>
    %and3A_1481 = arith.andi %iota3A_1478, %and3A_1480 : vector<512x128xi32>
    %eq3A_1482 = arith.constant 0 : i32
    %eq3A_1483 = vector.broadcast %eq3A_1482 : i32 to vector<512x128xi32>
    %eq3A_1484 = arith.cmpi eq, %and3A_1481, %eq3A_1483 : vector<512x128xi32>
    %select_n3A_1485 = arith.select %eq3A_1484, %concatenate3A_1474, %concatenate3A_1477 : vector<512x128xi1>, vector<512x128xi32>
    %and3A_1486 = arith.constant 64 : i32
    %and3A_1487 = vector.broadcast %and3A_1486 : i32 to vector<512x128xi32>
    %and3A_1488 = arith.andi %iota3A_1478, %and3A_1487 : vector<512x128xi32>
    %eq3A_1489 = arith.constant 0 : i32
    %eq3A_1490 = vector.broadcast %eq3A_1489 : i32 to vector<512x128xi32>
    %eq3A_1491 = arith.cmpi eq, %and3A_1488, %eq3A_1490 : vector<512x128xi32>
    %slice3A_1492 = vector.extract_strided_slice %select_n3A_1471 {offsets = [0, 64], sizes = [512, 64], strides = [1, 1]} : vector<512x128xi32> to vector<512x64xi32>
    %slice3A_1493 = vector.extract_strided_slice %select_n3A_1471 {offsets = [0, 0], sizes = [512, 64], strides = [1, 1]} : vector<512x128xi32> to vector<512x64xi32>
    %concatenate3A_1494 = tpu.concatenate %slice3A_1492, %slice3A_1493 in 1 : vector<512x64xi32>, vector<512x64xi32> -> vector<512x128xi32>
    %slice3A_1495 = vector.extract_strided_slice %select_n3A_1471 {offsets = [0, 64], sizes = [512, 64], strides = [1, 1]} : vector<512x128xi32> to vector<512x64xi32>
    %slice3A_1496 = vector.extract_strided_slice %select_n3A_1471 {offsets = [0, 0], sizes = [512, 64], strides = [1, 1]} : vector<512x128xi32> to vector<512x64xi32>
    %concatenate3A_1497 = tpu.concatenate %slice3A_1495, %slice3A_1496 in 1 : vector<512x64xi32>, vector<512x64xi32> -> vector<512x128xi32>
    %iota3A_1498 = tpu.iota {dimensions = array<i32: 1>} : vector<512x128xi32>
    %and3A_1499 = arith.constant 64 : i32
    %and3A_1500 = vector.broadcast %and3A_1499 : i32 to vector<512x128xi32>
    %and3A_1501 = arith.andi %iota3A_1498, %and3A_1500 : vector<512x128xi32>
    %eq3A_1502 = arith.constant 0 : i32
    %eq3A_1503 = vector.broadcast %eq3A_1502 : i32 to vector<512x128xi32>
    %eq3A_1504 = arith.cmpi eq, %and3A_1501, %eq3A_1503 : vector<512x128xi32>
    %select_n3A_1505 = arith.select %eq3A_1504, %concatenate3A_1494, %concatenate3A_1497 : vector<512x128xi1>, vector<512x128xi32>
    %gt3A_1506 = arith.cmpi sgt, %select_n3A_1470, %select_n3A_1485 : vector<512x128xi32>
    %eq3A_1507 = arith.cmpi eq, %select_n3A_1470, %select_n3A_1485 : vector<512x128xi32>
    %lt3A_1508 = arith.cmpi slt, %select_n3A_1471, %select_n3A_1505 : vector<512x128xi32>
    %and3A_1509 = arith.andi %eq3A_1507, %lt3A_1508 : vector<512x128xi1>
    %or3A_1510 = arith.ori %gt3A_1506, %and3A_1509 : vector<512x128xi1>
    %eq3A_1511 = arith.xori %eq3A_1491, %eq3A_1424 : vector<512x128xi1>
    %eq3A_1512 = arith.constant dense<true> : vector<512x128xi1>
    %eq3A_1513 = arith.xori %eq3A_1511, %eq3A_1512 : vector<512x128xi1>
    %eq3A_1514 = arith.xori %or3A_1510, %eq3A_1513 : vector<512x128xi1>
    %eq3A_1515 = arith.constant dense<true> : vector<512x128xi1>
    %eq3A_1516 = arith.xori %eq3A_1514, %eq3A_1515 : vector<512x128xi1>
    %select_n3A_1517 = arith.select %eq3A_1516, %select_n3A_1470, %select_n3A_1485 : vector<512x128xi1>, vector<512x128xi32>
    %select_n3A_1518 = arith.select %eq3A_1516, %select_n3A_1471, %select_n3A_1505 : vector<512x128xi1>, vector<512x128xi32>
    %slice3A_1519 = vector.extract_strided_slice %select_n3A_1517 {offsets = [0, 32], sizes = [512, 96], strides = [1, 1]} : vector<512x128xi32> to vector<512x96xi32>
    %slice3A_1520 = vector.extract_strided_slice %select_n3A_1517 {offsets = [0, 0], sizes = [512, 32], strides = [1, 1]} : vector<512x128xi32> to vector<512x32xi32>
    %concatenate3A_1521 = tpu.concatenate %slice3A_1519, %slice3A_1520 in 1 : vector<512x96xi32>, vector<512x32xi32> -> vector<512x128xi32>
    %slice3A_1522 = vector.extract_strided_slice %select_n3A_1517 {offsets = [0, 96], sizes = [512, 32], strides = [1, 1]} : vector<512x128xi32> to vector<512x32xi32>
    %slice3A_1523 = vector.extract_strided_slice %select_n3A_1517 {offsets = [0, 0], sizes = [512, 96], strides = [1, 1]} : vector<512x128xi32> to vector<512x96xi32>
    %concatenate3A_1524 = tpu.concatenate %slice3A_1522, %slice3A_1523 in 1 : vector<512x32xi32>, vector<512x96xi32> -> vector<512x128xi32>
    %iota3A_1525 = tpu.iota {dimensions = array<i32: 1>} : vector<512x128xi32>
    %and3A_1526 = arith.constant 32 : i32
    %and3A_1527 = vector.broadcast %and3A_1526 : i32 to vector<512x128xi32>
    %and3A_1528 = arith.andi %iota3A_1525, %and3A_1527 : vector<512x128xi32>
    %eq3A_1529 = arith.constant 0 : i32
    %eq3A_1530 = vector.broadcast %eq3A_1529 : i32 to vector<512x128xi32>
    %eq3A_1531 = arith.cmpi eq, %and3A_1528, %eq3A_1530 : vector<512x128xi32>
    %select_n3A_1532 = arith.select %eq3A_1531, %concatenate3A_1521, %concatenate3A_1524 : vector<512x128xi1>, vector<512x128xi32>
    %and3A_1533 = arith.constant 32 : i32
    %and3A_1534 = vector.broadcast %and3A_1533 : i32 to vector<512x128xi32>
    %and3A_1535 = arith.andi %iota3A_1525, %and3A_1534 : vector<512x128xi32>
    %eq3A_1536 = arith.constant 0 : i32
    %eq3A_1537 = vector.broadcast %eq3A_1536 : i32 to vector<512x128xi32>
    %eq3A_1538 = arith.cmpi eq, %and3A_1535, %eq3A_1537 : vector<512x128xi32>
    %slice3A_1539 = vector.extract_strided_slice %select_n3A_1518 {offsets = [0, 32], sizes = [512, 96], strides = [1, 1]} : vector<512x128xi32> to vector<512x96xi32>
    %slice3A_1540 = vector.extract_strided_slice %select_n3A_1518 {offsets = [0, 0], sizes = [512, 32], strides = [1, 1]} : vector<512x128xi32> to vector<512x32xi32>
    %concatenate3A_1541 = tpu.concatenate %slice3A_1539, %slice3A_1540 in 1 : vector<512x96xi32>, vector<512x32xi32> -> vector<512x128xi32>
    %slice3A_1542 = vector.extract_strided_slice %select_n3A_1518 {offsets = [0, 96], sizes = [512, 32], strides = [1, 1]} : vector<512x128xi32> to vector<512x32xi32>
    %slice3A_1543 = vector.extract_strided_slice %select_n3A_1518 {offsets = [0, 0], sizes = [512, 96], strides = [1, 1]} : vector<512x128xi32> to vector<512x96xi32>
    %concatenate3A_1544 = tpu.concatenate %slice3A_1542, %slice3A_1543 in 1 : vector<512x32xi32>, vector<512x96xi32> -> vector<512x128xi32>
    %iota3A_1545 = tpu.iota {dimensions = array<i32: 1>} : vector<512x128xi32>
    %and3A_1546 = arith.constant 32 : i32
    %and3A_1547 = vector.broadcast %and3A_1546 : i32 to vector<512x128xi32>
    %and3A_1548 = arith.andi %iota3A_1545, %and3A_1547 : vector<512x128xi32>
    %eq3A_1549 = arith.constant 0 : i32
    %eq3A_1550 = vector.broadcast %eq3A_1549 : i32 to vector<512x128xi32>
    %eq3A_1551 = arith.cmpi eq, %and3A_1548, %eq3A_1550 : vector<512x128xi32>
    %select_n3A_1552 = arith.select %eq3A_1551, %concatenate3A_1541, %concatenate3A_1544 : vector<512x128xi1>, vector<512x128xi32>
    %gt3A_1553 = arith.cmpi sgt, %select_n3A_1517, %select_n3A_1532 : vector<512x128xi32>
    %eq3A_1554 = arith.cmpi eq, %select_n3A_1517, %select_n3A_1532 : vector<512x128xi32>
    %lt3A_1555 = arith.cmpi slt, %select_n3A_1518, %select_n3A_1552 : vector<512x128xi32>
    %and3A_1556 = arith.andi %eq3A_1554, %lt3A_1555 : vector<512x128xi1>
    %or3A_1557 = arith.ori %gt3A_1553, %and3A_1556 : vector<512x128xi1>
    %eq3A_1558 = arith.xori %eq3A_1538, %eq3A_1424 : vector<512x128xi1>
    %eq3A_1559 = arith.constant dense<true> : vector<512x128xi1>
    %eq3A_1560 = arith.xori %eq3A_1558, %eq3A_1559 : vector<512x128xi1>
    %eq3A_1561 = arith.xori %or3A_1557, %eq3A_1560 : vector<512x128xi1>
    %eq3A_1562 = arith.constant dense<true> : vector<512x128xi1>
    %eq3A_1563 = arith.xori %eq3A_1561, %eq3A_1562 : vector<512x128xi1>
    %select_n3A_1564 = arith.select %eq3A_1563, %select_n3A_1517, %select_n3A_1532 : vector<512x128xi1>, vector<512x128xi32>
    %select_n3A_1565 = arith.select %eq3A_1563, %select_n3A_1518, %select_n3A_1552 : vector<512x128xi1>, vector<512x128xi32>
    %slice3A_1566 = vector.extract_strided_slice %select_n3A_1564 {offsets = [0, 16], sizes = [512, 112], strides = [1, 1]} : vector<512x128xi32> to vector<512x112xi32>
    %slice3A_1567 = vector.extract_strided_slice %select_n3A_1564 {offsets = [0, 0], sizes = [512, 16], strides = [1, 1]} : vector<512x128xi32> to vector<512x16xi32>
    %concatenate3A_1568 = tpu.concatenate %slice3A_1566, %slice3A_1567 in 1 : vector<512x112xi32>, vector<512x16xi32> -> vector<512x128xi32>
    %slice3A_1569 = vector.extract_strided_slice %select_n3A_1564 {offsets = [0, 112], sizes = [512, 16], strides = [1, 1]} : vector<512x128xi32> to vector<512x16xi32>
    %slice3A_1570 = vector.extract_strided_slice %select_n3A_1564 {offsets = [0, 0], sizes = [512, 112], strides = [1, 1]} : vector<512x128xi32> to vector<512x112xi32>
    %concatenate3A_1571 = tpu.concatenate %slice3A_1569, %slice3A_1570 in 1 : vector<512x16xi32>, vector<512x112xi32> -> vector<512x128xi32>
    %iota3A_1572 = tpu.iota {dimensions = array<i32: 1>} : vector<512x128xi32>
    %and3A_1573 = arith.constant 16 : i32
    %and3A_1574 = vector.broadcast %and3A_1573 : i32 to vector<512x128xi32>
    %and3A_1575 = arith.andi %iota3A_1572, %and3A_1574 : vector<512x128xi32>
    %eq3A_1576 = arith.constant 0 : i32
    %eq3A_1577 = vector.broadcast %eq3A_1576 : i32 to vector<512x128xi32>
    %eq3A_1578 = arith.cmpi eq, %and3A_1575, %eq3A_1577 : vector<512x128xi32>
    %select_n3A_1579 = arith.select %eq3A_1578, %concatenate3A_1568, %concatenate3A_1571 : vector<512x128xi1>, vector<512x128xi32>
    %and3A_1580 = arith.constant 16 : i32
    %and3A_1581 = vector.broadcast %and3A_1580 : i32 to vector<512x128xi32>
    %and3A_1582 = arith.andi %iota3A_1572, %and3A_1581 : vector<512x128xi32>
    %eq3A_1583 = arith.constant 0 : i32
    %eq3A_1584 = vector.broadcast %eq3A_1583 : i32 to vector<512x128xi32>
    %eq3A_1585 = arith.cmpi eq, %and3A_1582, %eq3A_1584 : vector<512x128xi32>
    %slice3A_1586 = vector.extract_strided_slice %select_n3A_1565 {offsets = [0, 16], sizes = [512, 112], strides = [1, 1]} : vector<512x128xi32> to vector<512x112xi32>
    %slice3A_1587 = vector.extract_strided_slice %select_n3A_1565 {offsets = [0, 0], sizes = [512, 16], strides = [1, 1]} : vector<512x128xi32> to vector<512x16xi32>
    %concatenate3A_1588 = tpu.concatenate %slice3A_1586, %slice3A_1587 in 1 : vector<512x112xi32>, vector<512x16xi32> -> vector<512x128xi32>
    %slice3A_1589 = vector.extract_strided_slice %select_n3A_1565 {offsets = [0, 112], sizes = [512, 16], strides = [1, 1]} : vector<512x128xi32> to vector<512x16xi32>
    %slice3A_1590 = vector.extract_strided_slice %select_n3A_1565 {offsets = [0, 0], sizes = [512, 112], strides = [1, 1]} : vector<512x128xi32> to vector<512x112xi32>
    %concatenate3A_1591 = tpu.concatenate %slice3A_1589, %slice3A_1590 in 1 : vector<512x16xi32>, vector<512x112xi32> -> vector<512x128xi32>
    %iota3A_1592 = tpu.iota {dimensions = array<i32: 1>} : vector<512x128xi32>
    %and3A_1593 = arith.constant 16 : i32
    %and3A_1594 = vector.broadcast %and3A_1593 : i32 to vector<512x128xi32>
    %and3A_1595 = arith.andi %iota3A_1592, %and3A_1594 : vector<512x128xi32>
    %eq3A_1596 = arith.constant 0 : i32
    %eq3A_1597 = vector.broadcast %eq3A_1596 : i32 to vector<512x128xi32>
    %eq3A_1598 = arith.cmpi eq, %and3A_1595, %eq3A_1597 : vector<512x128xi32>
    %select_n3A_1599 = arith.select %eq3A_1598, %concatenate3A_1588, %concatenate3A_1591 : vector<512x128xi1>, vector<512x128xi32>
    %gt3A_1600 = arith.cmpi sgt, %select_n3A_1564, %select_n3A_1579 : vector<512x128xi32>
    %eq3A_1601 = arith.cmpi eq, %select_n3A_1564, %select_n3A_1579 : vector<512x128xi32>
    %lt3A_1602 = arith.cmpi slt, %select_n3A_1565, %select_n3A_1599 : vector<512x128xi32>
    %and3A_1603 = arith.andi %eq3A_1601, %lt3A_1602 : vector<512x128xi1>
    %or3A_1604 = arith.ori %gt3A_1600, %and3A_1603 : vector<512x128xi1>
    %eq3A_1605 = arith.xori %eq3A_1585, %eq3A_1424 : vector<512x128xi1>
    %eq3A_1606 = arith.constant dense<true> : vector<512x128xi1>
    %eq3A_1607 = arith.xori %eq3A_1605, %eq3A_1606 : vector<512x128xi1>
    %eq3A_1608 = arith.xori %or3A_1604, %eq3A_1607 : vector<512x128xi1>
    %eq3A_1609 = arith.constant dense<true> : vector<512x128xi1>
    %eq3A_1610 = arith.xori %eq3A_1608, %eq3A_1609 : vector<512x128xi1>
    %select_n3A_1611 = arith.select %eq3A_1610, %select_n3A_1564, %select_n3A_1579 : vector<512x128xi1>, vector<512x128xi32>
    %select_n3A_1612 = arith.select %eq3A_1610, %select_n3A_1565, %select_n3A_1599 : vector<512x128xi1>, vector<512x128xi32>
    %slice3A_1613 = vector.extract_strided_slice %select_n3A_1611 {offsets = [0, 8], sizes = [512, 120], strides = [1, 1]} : vector<512x128xi32> to vector<512x120xi32>
    %slice3A_1614 = vector.extract_strided_slice %select_n3A_1611 {offsets = [0, 0], sizes = [512, 8], strides = [1, 1]} : vector<512x128xi32> to vector<512x8xi32>
    %concatenate3A_1615 = tpu.concatenate %slice3A_1613, %slice3A_1614 in 1 : vector<512x120xi32>, vector<512x8xi32> -> vector<512x128xi32>
    %slice3A_1616 = vector.extract_strided_slice %select_n3A_1611 {offsets = [0, 120], sizes = [512, 8], strides = [1, 1]} : vector<512x128xi32> to vector<512x8xi32>
    %slice3A_1617 = vector.extract_strided_slice %select_n3A_1611 {offsets = [0, 0], sizes = [512, 120], strides = [1, 1]} : vector<512x128xi32> to vector<512x120xi32>
    %concatenate3A_1618 = tpu.concatenate %slice3A_1616, %slice3A_1617 in 1 : vector<512x8xi32>, vector<512x120xi32> -> vector<512x128xi32>
    %iota3A_1619 = tpu.iota {dimensions = array<i32: 1>} : vector<512x128xi32>
    %and3A_1620 = arith.constant 8 : i32
    %and3A_1621 = vector.broadcast %and3A_1620 : i32 to vector<512x128xi32>
    %and3A_1622 = arith.andi %iota3A_1619, %and3A_1621 : vector<512x128xi32>
    %eq3A_1623 = arith.constant 0 : i32
    %eq3A_1624 = vector.broadcast %eq3A_1623 : i32 to vector<512x128xi32>
    %eq3A_1625 = arith.cmpi eq, %and3A_1622, %eq3A_1624 : vector<512x128xi32>
    %select_n3A_1626 = arith.select %eq3A_1625, %concatenate3A_1615, %concatenate3A_1618 : vector<512x128xi1>, vector<512x128xi32>
    %and3A_1627 = arith.constant 8 : i32
    %and3A_1628 = vector.broadcast %and3A_1627 : i32 to vector<512x128xi32>
    %and3A_1629 = arith.andi %iota3A_1619, %and3A_1628 : vector<512x128xi32>
    %eq3A_1630 = arith.constant 0 : i32
    %eq3A_1631 = vector.broadcast %eq3A_1630 : i32 to vector<512x128xi32>
    %eq3A_1632 = arith.cmpi eq, %and3A_1629, %eq3A_1631 : vector<512x128xi32>
    %slice3A_1633 = vector.extract_strided_slice %select_n3A_1612 {offsets = [0, 8], sizes = [512, 120], strides = [1, 1]} : vector<512x128xi32> to vector<512x120xi32>
    %slice3A_1634 = vector.extract_strided_slice %select_n3A_1612 {offsets = [0, 0], sizes = [512, 8], strides = [1, 1]} : vector<512x128xi32> to vector<512x8xi32>
    %concatenate3A_1635 = tpu.concatenate %slice3A_1633, %slice3A_1634 in 1 : vector<512x120xi32>, vector<512x8xi32> -> vector<512x128xi32>
    %slice3A_1636 = vector.extract_strided_slice %select_n3A_1612 {offsets = [0, 120], sizes = [512, 8], strides = [1, 1]} : vector<512x128xi32> to vector<512x8xi32>
    %slice3A_1637 = vector.extract_strided_slice %select_n3A_1612 {offsets = [0, 0], sizes = [512, 120], strides = [1, 1]} : vector<512x128xi32> to vector<512x120xi32>
    %concatenate3A_1638 = tpu.concatenate %slice3A_1636, %slice3A_1637 in 1 : vector<512x8xi32>, vector<512x120xi32> -> vector<512x128xi32>
    %iota3A_1639 = tpu.iota {dimensions = array<i32: 1>} : vector<512x128xi32>
    %and3A_1640 = arith.constant 8 : i32
    %and3A_1641 = vector.broadcast %and3A_1640 : i32 to vector<512x128xi32>
    %and3A_1642 = arith.andi %iota3A_1639, %and3A_1641 : vector<512x128xi32>
    %eq3A_1643 = arith.constant 0 : i32
    %eq3A_1644 = vector.broadcast %eq3A_1643 : i32 to vector<512x128xi32>
    %eq3A_1645 = arith.cmpi eq, %and3A_1642, %eq3A_1644 : vector<512x128xi32>
    %select_n3A_1646 = arith.select %eq3A_1645, %concatenate3A_1635, %concatenate3A_1638 : vector<512x128xi1>, vector<512x128xi32>
    %gt3A_1647 = arith.cmpi sgt, %select_n3A_1611, %select_n3A_1626 : vector<512x128xi32>
    %eq3A_1648 = arith.cmpi eq, %select_n3A_1611, %select_n3A_1626 : vector<512x128xi32>
    %lt3A_1649 = arith.cmpi slt, %select_n3A_1612, %select_n3A_1646 : vector<512x128xi32>
    %and3A_1650 = arith.andi %eq3A_1648, %lt3A_1649 : vector<512x128xi1>
    %or3A_1651 = arith.ori %gt3A_1647, %and3A_1650 : vector<512x128xi1>
    %eq3A_1652 = arith.xori %eq3A_1632, %eq3A_1424 : vector<512x128xi1>
    %eq3A_1653 = arith.constant dense<true> : vector<512x128xi1>
    %eq3A_1654 = arith.xori %eq3A_1652, %eq3A_1653 : vector<512x128xi1>
    %eq3A_1655 = arith.xori %or3A_1651, %eq3A_1654 : vector<512x128xi1>
    %eq3A_1656 = arith.constant dense<true> : vector<512x128xi1>
    %eq3A_1657 = arith.xori %eq3A_1655, %eq3A_1656 : vector<512x128xi1>
    %select_n3A_1658 = arith.select %eq3A_1657, %select_n3A_1611, %select_n3A_1626 : vector<512x128xi1>, vector<512x128xi32>
    %select_n3A_1659 = arith.select %eq3A_1657, %select_n3A_1612, %select_n3A_1646 : vector<512x128xi1>, vector<512x128xi32>
    %slice3A_1660 = vector.extract_strided_slice %select_n3A_1658 {offsets = [0, 4], sizes = [512, 124], strides = [1, 1]} : vector<512x128xi32> to vector<512x124xi32>
    %slice3A_1661 = vector.extract_strided_slice %select_n3A_1658 {offsets = [0, 0], sizes = [512, 4], strides = [1, 1]} : vector<512x128xi32> to vector<512x4xi32>
    %concatenate3A_1662 = tpu.concatenate %slice3A_1660, %slice3A_1661 in 1 : vector<512x124xi32>, vector<512x4xi32> -> vector<512x128xi32>
    %slice3A_1663 = vector.extract_strided_slice %select_n3A_1658 {offsets = [0, 124], sizes = [512, 4], strides = [1, 1]} : vector<512x128xi32> to vector<512x4xi32>
    %slice3A_1664 = vector.extract_strided_slice %select_n3A_1658 {offsets = [0, 0], sizes = [512, 124], strides = [1, 1]} : vector<512x128xi32> to vector<512x124xi32>
    %concatenate3A_1665 = tpu.concatenate %slice3A_1663, %slice3A_1664 in 1 : vector<512x4xi32>, vector<512x124xi32> -> vector<512x128xi32>
    %iota3A_1666 = tpu.iota {dimensions = array<i32: 1>} : vector<512x128xi32>
    %and3A_1667 = arith.constant 4 : i32
    %and3A_1668 = vector.broadcast %and3A_1667 : i32 to vector<512x128xi32>
    %and3A_1669 = arith.andi %iota3A_1666, %and3A_1668 : vector<512x128xi32>
    %eq3A_1670 = arith.constant 0 : i32
    %eq3A_1671 = vector.broadcast %eq3A_1670 : i32 to vector<512x128xi32>
    %eq3A_1672 = arith.cmpi eq, %and3A_1669, %eq3A_1671 : vector<512x128xi32>
    %select_n3A_1673 = arith.select %eq3A_1672, %concatenate3A_1662, %concatenate3A_1665 : vector<512x128xi1>, vector<512x128xi32>
    %and3A_1674 = arith.constant 4 : i32
    %and3A_1675 = vector.broadcast %and3A_1674 : i32 to vector<512x128xi32>
    %and3A_1676 = arith.andi %iota3A_1666, %and3A_1675 : vector<512x128xi32>
    %eq3A_1677 = arith.constant 0 : i32
    %eq3A_1678 = vector.broadcast %eq3A_1677 : i32 to vector<512x128xi32>
    %eq3A_1679 = arith.cmpi eq, %and3A_1676, %eq3A_1678 : vector<512x128xi32>
    %slice3A_1680 = vector.extract_strided_slice %select_n3A_1659 {offsets = [0, 4], sizes = [512, 124], strides = [1, 1]} : vector<512x128xi32> to vector<512x124xi32>
    %slice3A_1681 = vector.extract_strided_slice %select_n3A_1659 {offsets = [0, 0], sizes = [512, 4], strides = [1, 1]} : vector<512x128xi32> to vector<512x4xi32>
    %concatenate3A_1682 = tpu.concatenate %slice3A_1680, %slice3A_1681 in 1 : vector<512x124xi32>, vector<512x4xi32> -> vector<512x128xi32>
    %slice3A_1683 = vector.extract_strided_slice %select_n3A_1659 {offsets = [0, 124], sizes = [512, 4], strides = [1, 1]} : vector<512x128xi32> to vector<512x4xi32>
    %slice3A_1684 = vector.extract_strided_slice %select_n3A_1659 {offsets = [0, 0], sizes = [512, 124], strides = [1, 1]} : vector<512x128xi32> to vector<512x124xi32>
    %concatenate3A_1685 = tpu.concatenate %slice3A_1683, %slice3A_1684 in 1 : vector<512x4xi32>, vector<512x124xi32> -> vector<512x128xi32>
    %iota3A_1686 = tpu.iota {dimensions = array<i32: 1>} : vector<512x128xi32>
    %and3A_1687 = arith.constant 4 : i32
    %and3A_1688 = vector.broadcast %and3A_1687 : i32 to vector<512x128xi32>
    %and3A_1689 = arith.andi %iota3A_1686, %and3A_1688 : vector<512x128xi32>
    %eq3A_1690 = arith.constant 0 : i32
    %eq3A_1691 = vector.broadcast %eq3A_1690 : i32 to vector<512x128xi32>
    %eq3A_1692 = arith.cmpi eq, %and3A_1689, %eq3A_1691 : vector<512x128xi32>
    %select_n3A_1693 = arith.select %eq3A_1692, %concatenate3A_1682, %concatenate3A_1685 : vector<512x128xi1>, vector<512x128xi32>
    %gt3A_1694 = arith.cmpi sgt, %select_n3A_1658, %select_n3A_1673 : vector<512x128xi32>
    %eq3A_1695 = arith.cmpi eq, %select_n3A_1658, %select_n3A_1673 : vector<512x128xi32>
    %lt3A_1696 = arith.cmpi slt, %select_n3A_1659, %select_n3A_1693 : vector<512x128xi32>
    %and3A_1697 = arith.andi %eq3A_1695, %lt3A_1696 : vector<512x128xi1>
    %or3A_1698 = arith.ori %gt3A_1694, %and3A_1697 : vector<512x128xi1>
    %eq3A_1699 = arith.xori %eq3A_1679, %eq3A_1424 : vector<512x128xi1>
    %eq3A_1700 = arith.constant dense<true> : vector<512x128xi1>
    %eq3A_1701 = arith.xori %eq3A_1699, %eq3A_1700 : vector<512x128xi1>
    %eq3A_1702 = arith.xori %or3A_1698, %eq3A_1701 : vector<512x128xi1>
    %eq3A_1703 = arith.constant dense<true> : vector<512x128xi1>
    %eq3A_1704 = arith.xori %eq3A_1702, %eq3A_1703 : vector<512x128xi1>
    %select_n3A_1705 = arith.select %eq3A_1704, %select_n3A_1658, %select_n3A_1673 : vector<512x128xi1>, vector<512x128xi32>
    %select_n3A_1706 = arith.select %eq3A_1704, %select_n3A_1659, %select_n3A_1693 : vector<512x128xi1>, vector<512x128xi32>
    %slice3A_1707 = vector.extract_strided_slice %select_n3A_1705 {offsets = [0, 2], sizes = [512, 126], strides = [1, 1]} : vector<512x128xi32> to vector<512x126xi32>
    %slice3A_1708 = vector.extract_strided_slice %select_n3A_1705 {offsets = [0, 0], sizes = [512, 2], strides = [1, 1]} : vector<512x128xi32> to vector<512x2xi32>
    %concatenate3A_1709 = tpu.concatenate %slice3A_1707, %slice3A_1708 in 1 : vector<512x126xi32>, vector<512x2xi32> -> vector<512x128xi32>
    %slice3A_1710 = vector.extract_strided_slice %select_n3A_1705 {offsets = [0, 126], sizes = [512, 2], strides = [1, 1]} : vector<512x128xi32> to vector<512x2xi32>
    %slice3A_1711 = vector.extract_strided_slice %select_n3A_1705 {offsets = [0, 0], sizes = [512, 126], strides = [1, 1]} : vector<512x128xi32> to vector<512x126xi32>
    %concatenate3A_1712 = tpu.concatenate %slice3A_1710, %slice3A_1711 in 1 : vector<512x2xi32>, vector<512x126xi32> -> vector<512x128xi32>
    %iota3A_1713 = tpu.iota {dimensions = array<i32: 1>} : vector<512x128xi32>
    %and3A_1714 = arith.constant 2 : i32
    %and3A_1715 = vector.broadcast %and3A_1714 : i32 to vector<512x128xi32>
    %and3A_1716 = arith.andi %iota3A_1713, %and3A_1715 : vector<512x128xi32>
    %eq3A_1717 = arith.constant 0 : i32
    %eq3A_1718 = vector.broadcast %eq3A_1717 : i32 to vector<512x128xi32>
    %eq3A_1719 = arith.cmpi eq, %and3A_1716, %eq3A_1718 : vector<512x128xi32>
    %select_n3A_1720 = arith.select %eq3A_1719, %concatenate3A_1709, %concatenate3A_1712 : vector<512x128xi1>, vector<512x128xi32>
    %and3A_1721 = arith.constant 2 : i32
    %and3A_1722 = vector.broadcast %and3A_1721 : i32 to vector<512x128xi32>
    %and3A_1723 = arith.andi %iota3A_1713, %and3A_1722 : vector<512x128xi32>
    %eq3A_1724 = arith.constant 0 : i32
    %eq3A_1725 = vector.broadcast %eq3A_1724 : i32 to vector<512x128xi32>
    %eq3A_1726 = arith.cmpi eq, %and3A_1723, %eq3A_1725 : vector<512x128xi32>
    %slice3A_1727 = vector.extract_strided_slice %select_n3A_1706 {offsets = [0, 2], sizes = [512, 126], strides = [1, 1]} : vector<512x128xi32> to vector<512x126xi32>
    %slice3A_1728 = vector.extract_strided_slice %select_n3A_1706 {offsets = [0, 0], sizes = [512, 2], strides = [1, 1]} : vector<512x128xi32> to vector<512x2xi32>
    %concatenate3A_1729 = tpu.concatenate %slice3A_1727, %slice3A_1728 in 1 : vector<512x126xi32>, vector<512x2xi32> -> vector<512x128xi32>
    %slice3A_1730 = vector.extract_strided_slice %select_n3A_1706 {offsets = [0, 126], sizes = [512, 2], strides = [1, 1]} : vector<512x128xi32> to vector<512x2xi32>
    %slice3A_1731 = vector.extract_strided_slice %select_n3A_1706 {offsets = [0, 0], sizes = [512, 126], strides = [1, 1]} : vector<512x128xi32> to vector<512x126xi32>
    %concatenate3A_1732 = tpu.concatenate %slice3A_1730, %slice3A_1731 in 1 : vector<512x2xi32>, vector<512x126xi32> -> vector<512x128xi32>
    %iota3A_1733 = tpu.iota {dimensions = array<i32: 1>} : vector<512x128xi32>
    %and3A_1734 = arith.constant 2 : i32
    %and3A_1735 = vector.broadcast %and3A_1734 : i32 to vector<512x128xi32>
    %and3A_1736 = arith.andi %iota3A_1733, %and3A_1735 : vector<512x128xi32>
    %eq3A_1737 = arith.constant 0 : i32
    %eq3A_1738 = vector.broadcast %eq3A_1737 : i32 to vector<512x128xi32>
    %eq3A_1739 = arith.cmpi eq, %and3A_1736, %eq3A_1738 : vector<512x128xi32>
    %select_n3A_1740 = arith.select %eq3A_1739, %concatenate3A_1729, %concatenate3A_1732 : vector<512x128xi1>, vector<512x128xi32>
    %gt3A_1741 = arith.cmpi sgt, %select_n3A_1705, %select_n3A_1720 : vector<512x128xi32>
    %eq3A_1742 = arith.cmpi eq, %select_n3A_1705, %select_n3A_1720 : vector<512x128xi32>
    %lt3A_1743 = arith.cmpi slt, %select_n3A_1706, %select_n3A_1740 : vector<512x128xi32>
    %and3A_1744 = arith.andi %eq3A_1742, %lt3A_1743 : vector<512x128xi1>
    %or3A_1745 = arith.ori %gt3A_1741, %and3A_1744 : vector<512x128xi1>
    %eq3A_1746 = arith.xori %eq3A_1726, %eq3A_1424 : vector<512x128xi1>
    %eq3A_1747 = arith.constant dense<true> : vector<512x128xi1>
    %eq3A_1748 = arith.xori %eq3A_1746, %eq3A_1747 : vector<512x128xi1>
    %eq3A_1749 = arith.xori %or3A_1745, %eq3A_1748 : vector<512x128xi1>
    %eq3A_1750 = arith.constant dense<true> : vector<512x128xi1>
    %eq3A_1751 = arith.xori %eq3A_1749, %eq3A_1750 : vector<512x128xi1>
    %select_n3A_1752 = arith.select %eq3A_1751, %select_n3A_1705, %select_n3A_1720 : vector<512x128xi1>, vector<512x128xi32>
    %select_n3A_1753 = arith.select %eq3A_1751, %select_n3A_1706, %select_n3A_1740 : vector<512x128xi1>, vector<512x128xi32>
    %slice3A_1754 = vector.extract_strided_slice %select_n3A_1752 {offsets = [0, 1], sizes = [512, 127], strides = [1, 1]} : vector<512x128xi32> to vector<512x127xi32>
    %slice3A_1755 = vector.extract_strided_slice %select_n3A_1752 {offsets = [0, 0], sizes = [512, 1], strides = [1, 1]} : vector<512x128xi32> to vector<512x1xi32>
    %concatenate3A_1756 = tpu.concatenate %slice3A_1754, %slice3A_1755 in 1 : vector<512x127xi32>, vector<512x1xi32> -> vector<512x128xi32>
    %slice3A_1757 = vector.extract_strided_slice %select_n3A_1752 {offsets = [0, 127], sizes = [512, 1], strides = [1, 1]} : vector<512x128xi32> to vector<512x1xi32>
    %slice3A_1758 = vector.extract_strided_slice %select_n3A_1752 {offsets = [0, 0], sizes = [512, 127], strides = [1, 1]} : vector<512x128xi32> to vector<512x127xi32>
    %concatenate3A_1759 = tpu.concatenate %slice3A_1757, %slice3A_1758 in 1 : vector<512x1xi32>, vector<512x127xi32> -> vector<512x128xi32>
    %iota3A_1760 = tpu.iota {dimensions = array<i32: 1>} : vector<512x128xi32>
    %and3A_1761 = arith.constant 1 : i32
    %and3A_1762 = vector.broadcast %and3A_1761 : i32 to vector<512x128xi32>
    %and3A_1763 = arith.andi %iota3A_1760, %and3A_1762 : vector<512x128xi32>
    %eq3A_1764 = arith.constant 0 : i32
    %eq3A_1765 = vector.broadcast %eq3A_1764 : i32 to vector<512x128xi32>
    %eq3A_1766 = arith.cmpi eq, %and3A_1763, %eq3A_1765 : vector<512x128xi32>
    %select_n3A_1767 = arith.select %eq3A_1766, %concatenate3A_1756, %concatenate3A_1759 : vector<512x128xi1>, vector<512x128xi32>
    %and3A_1768 = arith.constant 1 : i32
    %and3A_1769 = vector.broadcast %and3A_1768 : i32 to vector<512x128xi32>
    %and3A_1770 = arith.andi %iota3A_1760, %and3A_1769 : vector<512x128xi32>
    %eq3A_1771 = arith.constant 0 : i32
    %eq3A_1772 = vector.broadcast %eq3A_1771 : i32 to vector<512x128xi32>
    %eq3A_1773 = arith.cmpi eq, %and3A_1770, %eq3A_1772 : vector<512x128xi32>
    %slice3A_1774 = vector.extract_strided_slice %select_n3A_1753 {offsets = [0, 1], sizes = [512, 127], strides = [1, 1]} : vector<512x128xi32> to vector<512x127xi32>
    %slice3A_1775 = vector.extract_strided_slice %select_n3A_1753 {offsets = [0, 0], sizes = [512, 1], strides = [1, 1]} : vector<512x128xi32> to vector<512x1xi32>
    %concatenate3A_1776 = tpu.concatenate %slice3A_1774, %slice3A_1775 in 1 : vector<512x127xi32>, vector<512x1xi32> -> vector<512x128xi32>
    %slice3A_1777 = vector.extract_strided_slice %select_n3A_1753 {offsets = [0, 127], sizes = [512, 1], strides = [1, 1]} : vector<512x128xi32> to vector<512x1xi32>
    %slice3A_1778 = vector.extract_strided_slice %select_n3A_1753 {offsets = [0, 0], sizes = [512, 127], strides = [1, 1]} : vector<512x128xi32> to vector<512x127xi32>
    %concatenate3A_1779 = tpu.concatenate %slice3A_1777, %slice3A_1778 in 1 : vector<512x1xi32>, vector<512x127xi32> -> vector<512x128xi32>
    %iota3A_1780 = tpu.iota {dimensions = array<i32: 1>} : vector<512x128xi32>
    %and3A_1781 = arith.constant 1 : i32
    %and3A_1782 = vector.broadcast %and3A_1781 : i32 to vector<512x128xi32>
    %and3A_1783 = arith.andi %iota3A_1780, %and3A_1782 : vector<512x128xi32>
    %eq3A_1784 = arith.constant 0 : i32
    %eq3A_1785 = vector.broadcast %eq3A_1784 : i32 to vector<512x128xi32>
    %eq3A_1786 = arith.cmpi eq, %and3A_1783, %eq3A_1785 : vector<512x128xi32>
    %select_n3A_1787 = arith.select %eq3A_1786, %concatenate3A_1776, %concatenate3A_1779 : vector<512x128xi1>, vector<512x128xi32>
    %gt3A_1788 = arith.cmpi sgt, %select_n3A_1752, %select_n3A_1767 : vector<512x128xi32>
    %eq3A_1789 = arith.cmpi eq, %select_n3A_1752, %select_n3A_1767 : vector<512x128xi32>
    %lt3A_1790 = arith.cmpi slt, %select_n3A_1753, %select_n3A_1787 : vector<512x128xi32>
    %and3A_1791 = arith.andi %eq3A_1789, %lt3A_1790 : vector<512x128xi1>
    %or3A_1792 = arith.ori %gt3A_1788, %and3A_1791 : vector<512x128xi1>
    %eq3A_1793 = arith.xori %eq3A_1773, %eq3A_1424 : vector<512x128xi1>
    %eq3A_1794 = arith.constant dense<true> : vector<512x128xi1>
    %eq3A_1795 = arith.xori %eq3A_1793, %eq3A_1794 : vector<512x128xi1>
    %eq3A_1796 = arith.xori %or3A_1792, %eq3A_1795 : vector<512x128xi1>
    %eq3A_1797 = arith.constant dense<true> : vector<512x128xi1>
    %eq3A_1798 = arith.xori %eq3A_1796, %eq3A_1797 : vector<512x128xi1>
    %select_n3A_1799 = arith.select %eq3A_1798, %select_n3A_1752, %select_n3A_1767 : vector<512x128xi1>, vector<512x128xi32>
    %select_n3A_1800 = arith.select %eq3A_1798, %select_n3A_1753, %select_n3A_1787 : vector<512x128xi1>, vector<512x128xi32>
    %and3A_1801 = arith.constant 4 : i32
    %and3A_1802 = vector.broadcast %and3A_1801 : i32 to vector<512x128xi32>
    %and3A_1803 = arith.andi %and3A_64, %and3A_1802 : vector<512x128xi32>
    %eq3A_1804 = arith.constant 0 : i32
    %eq3A_1805 = vector.broadcast %eq3A_1804 : i32 to vector<512x128xi32>
    %eq3A_1806 = arith.cmpi eq, %and3A_1803, %eq3A_1805 : vector<512x128xi32>
    %slice3A_1807 = vector.extract_strided_slice %select_n3A_1799 {offsets = [2, 0], sizes = [510, 128], strides = [1, 1]} : vector<512x128xi32> to vector<510x128xi32>
    %slice3A_1808 = vector.extract_strided_slice %select_n3A_1799 {offsets = [0, 0], sizes = [2, 128], strides = [1, 1]} : vector<512x128xi32> to vector<2x128xi32>
    %concatenate3A_1809 = tpu.concatenate %slice3A_1807, %slice3A_1808 in 0 : vector<510x128xi32>, vector<2x128xi32> -> vector<512x128xi32>
    %slice3A_1810 = vector.extract_strided_slice %select_n3A_1799 {offsets = [510, 0], sizes = [2, 128], strides = [1, 1]} : vector<512x128xi32> to vector<2x128xi32>
    %slice3A_1811 = vector.extract_strided_slice %select_n3A_1799 {offsets = [0, 0], sizes = [510, 128], strides = [1, 1]} : vector<512x128xi32> to vector<510x128xi32>
    %concatenate3A_1812 = tpu.concatenate %slice3A_1810, %slice3A_1811 in 0 : vector<2x128xi32>, vector<510x128xi32> -> vector<512x128xi32>
    %iota3A_1813 = tpu.iota {dimensions = array<i32: 0>} : vector<512x128xi32>
    %and3A_1814 = arith.constant 2 : i32
    %and3A_1815 = vector.broadcast %and3A_1814 : i32 to vector<512x128xi32>
    %and3A_1816 = arith.andi %iota3A_1813, %and3A_1815 : vector<512x128xi32>
    %eq3A_1817 = arith.constant 0 : i32
    %eq3A_1818 = vector.broadcast %eq3A_1817 : i32 to vector<512x128xi32>
    %eq3A_1819 = arith.cmpi eq, %and3A_1816, %eq3A_1818 : vector<512x128xi32>
    %select_n3A_1820 = arith.select %eq3A_1819, %concatenate3A_1809, %concatenate3A_1812 : vector<512x128xi1>, vector<512x128xi32>
    %and3A_1821 = arith.constant 2 : i32
    %and3A_1822 = vector.broadcast %and3A_1821 : i32 to vector<512x128xi32>
    %and3A_1823 = arith.andi %iota3A_1813, %and3A_1822 : vector<512x128xi32>
    %eq3A_1824 = arith.constant 0 : i32
    %eq3A_1825 = vector.broadcast %eq3A_1824 : i32 to vector<512x128xi32>
    %eq3A_1826 = arith.cmpi eq, %and3A_1823, %eq3A_1825 : vector<512x128xi32>
    %slice3A_1827 = vector.extract_strided_slice %select_n3A_1800 {offsets = [2, 0], sizes = [510, 128], strides = [1, 1]} : vector<512x128xi32> to vector<510x128xi32>
    %slice3A_1828 = vector.extract_strided_slice %select_n3A_1800 {offsets = [0, 0], sizes = [2, 128], strides = [1, 1]} : vector<512x128xi32> to vector<2x128xi32>
    %concatenate3A_1829 = tpu.concatenate %slice3A_1827, %slice3A_1828 in 0 : vector<510x128xi32>, vector<2x128xi32> -> vector<512x128xi32>
    %slice3A_1830 = vector.extract_strided_slice %select_n3A_1800 {offsets = [510, 0], sizes = [2, 128], strides = [1, 1]} : vector<512x128xi32> to vector<2x128xi32>
    %slice3A_1831 = vector.extract_strided_slice %select_n3A_1800 {offsets = [0, 0], sizes = [510, 128], strides = [1, 1]} : vector<512x128xi32> to vector<510x128xi32>
    %concatenate3A_1832 = tpu.concatenate %slice3A_1830, %slice3A_1831 in 0 : vector<2x128xi32>, vector<510x128xi32> -> vector<512x128xi32>
    %iota3A_1833 = tpu.iota {dimensions = array<i32: 0>} : vector<512x128xi32>
    %and3A_1834 = arith.constant 2 : i32
    %and3A_1835 = vector.broadcast %and3A_1834 : i32 to vector<512x128xi32>
    %and3A_1836 = arith.andi %iota3A_1833, %and3A_1835 : vector<512x128xi32>
    %eq3A_1837 = arith.constant 0 : i32
    %eq3A_1838 = vector.broadcast %eq3A_1837 : i32 to vector<512x128xi32>
    %eq3A_1839 = arith.cmpi eq, %and3A_1836, %eq3A_1838 : vector<512x128xi32>
    %select_n3A_1840 = arith.select %eq3A_1839, %concatenate3A_1829, %concatenate3A_1832 : vector<512x128xi1>, vector<512x128xi32>
    %gt3A_1841 = arith.cmpi sgt, %select_n3A_1799, %select_n3A_1820 : vector<512x128xi32>
    %eq3A_1842 = arith.cmpi eq, %select_n3A_1799, %select_n3A_1820 : vector<512x128xi32>
    %lt3A_1843 = arith.cmpi slt, %select_n3A_1800, %select_n3A_1840 : vector<512x128xi32>
    %and3A_1844 = arith.andi %eq3A_1842, %lt3A_1843 : vector<512x128xi1>
    %or3A_1845 = arith.ori %gt3A_1841, %and3A_1844 : vector<512x128xi1>
    %eq3A_1846 = arith.xori %eq3A_1826, %eq3A_1806 : vector<512x128xi1>
    %eq3A_1847 = arith.constant dense<true> : vector<512x128xi1>
    %eq3A_1848 = arith.xori %eq3A_1846, %eq3A_1847 : vector<512x128xi1>
    %eq3A_1849 = arith.xori %or3A_1845, %eq3A_1848 : vector<512x128xi1>
    %eq3A_1850 = arith.constant dense<true> : vector<512x128xi1>
    %eq3A_1851 = arith.xori %eq3A_1849, %eq3A_1850 : vector<512x128xi1>
    %select_n3A_1852 = arith.select %eq3A_1851, %select_n3A_1799, %select_n3A_1820 : vector<512x128xi1>, vector<512x128xi32>
    %select_n3A_1853 = arith.select %eq3A_1851, %select_n3A_1800, %select_n3A_1840 : vector<512x128xi1>, vector<512x128xi32>
    %slice3A_1854 = vector.extract_strided_slice %select_n3A_1852 {offsets = [1, 0], sizes = [511, 128], strides = [1, 1]} : vector<512x128xi32> to vector<511x128xi32>
    %slice3A_1855 = vector.extract_strided_slice %select_n3A_1852 {offsets = [0, 0], sizes = [1, 128], strides = [1, 1]} : vector<512x128xi32> to vector<1x128xi32>
    %concatenate3A_1856 = tpu.concatenate %slice3A_1854, %slice3A_1855 in 0 : vector<511x128xi32>, vector<1x128xi32> -> vector<512x128xi32>
    %slice3A_1857 = vector.extract_strided_slice %select_n3A_1852 {offsets = [511, 0], sizes = [1, 128], strides = [1, 1]} : vector<512x128xi32> to vector<1x128xi32>
    %slice3A_1858 = vector.extract_strided_slice %select_n3A_1852 {offsets = [0, 0], sizes = [511, 128], strides = [1, 1]} : vector<512x128xi32> to vector<511x128xi32>
    %concatenate3A_1859 = tpu.concatenate %slice3A_1857, %slice3A_1858 in 0 : vector<1x128xi32>, vector<511x128xi32> -> vector<512x128xi32>
    %iota3A_1860 = tpu.iota {dimensions = array<i32: 0>} : vector<512x128xi32>
    %and3A_1861 = arith.constant 1 : i32
    %and3A_1862 = vector.broadcast %and3A_1861 : i32 to vector<512x128xi32>
    %and3A_1863 = arith.andi %iota3A_1860, %and3A_1862 : vector<512x128xi32>
    %eq3A_1864 = arith.constant 0 : i32
    %eq3A_1865 = vector.broadcast %eq3A_1864 : i32 to vector<512x128xi32>
    %eq3A_1866 = arith.cmpi eq, %and3A_1863, %eq3A_1865 : vector<512x128xi32>
    %select_n3A_1867 = arith.select %eq3A_1866, %concatenate3A_1856, %concatenate3A_1859 : vector<512x128xi1>, vector<512x128xi32>
    %and3A_1868 = arith.constant 1 : i32
    %and3A_1869 = vector.broadcast %and3A_1868 : i32 to vector<512x128xi32>
    %and3A_1870 = arith.andi %iota3A_1860, %and3A_1869 : vector<512x128xi32>
    %eq3A_1871 = arith.constant 0 : i32
    %eq3A_1872 = vector.broadcast %eq3A_1871 : i32 to vector<512x128xi32>
    %eq3A_1873 = arith.cmpi eq, %and3A_1870, %eq3A_1872 : vector<512x128xi32>
    %slice3A_1874 = vector.extract_strided_slice %select_n3A_1853 {offsets = [1, 0], sizes = [511, 128], strides = [1, 1]} : vector<512x128xi32> to vector<511x128xi32>
    %slice3A_1875 = vector.extract_strided_slice %select_n3A_1853 {offsets = [0, 0], sizes = [1, 128], strides = [1, 1]} : vector<512x128xi32> to vector<1x128xi32>
    %concatenate3A_1876 = tpu.concatenate %slice3A_1874, %slice3A_1875 in 0 : vector<511x128xi32>, vector<1x128xi32> -> vector<512x128xi32>
    %slice3A_1877 = vector.extract_strided_slice %select_n3A_1853 {offsets = [511, 0], sizes = [1, 128], strides = [1, 1]} : vector<512x128xi32> to vector<1x128xi32>
    %slice3A_1878 = vector.extract_strided_slice %select_n3A_1853 {offsets = [0, 0], sizes = [511, 128], strides = [1, 1]} : vector<512x128xi32> to vector<511x128xi32>
    %concatenate3A_1879 = tpu.concatenate %slice3A_1877, %slice3A_1878 in 0 : vector<1x128xi32>, vector<511x128xi32> -> vector<512x128xi32>
    %iota3A_1880 = tpu.iota {dimensions = array<i32: 0>} : vector<512x128xi32>
    %and3A_1881 = arith.constant 1 : i32
    %and3A_1882 = vector.broadcast %and3A_1881 : i32 to vector<512x128xi32>
    %and3A_1883 = arith.andi %iota3A_1880, %and3A_1882 : vector<512x128xi32>
    %eq3A_1884 = arith.constant 0 : i32
    %eq3A_1885 = vector.broadcast %eq3A_1884 : i32 to vector<512x128xi32>
    %eq3A_1886 = arith.cmpi eq, %and3A_1883, %eq3A_1885 : vector<512x128xi32>
    %select_n3A_1887 = arith.select %eq3A_1886, %concatenate3A_1876, %concatenate3A_1879 : vector<512x128xi1>, vector<512x128xi32>
    %gt3A_1888 = arith.cmpi sgt, %select_n3A_1852, %select_n3A_1867 : vector<512x128xi32>
    %eq3A_1889 = arith.cmpi eq, %select_n3A_1852, %select_n3A_1867 : vector<512x128xi32>
    %lt3A_1890 = arith.cmpi slt, %select_n3A_1853, %select_n3A_1887 : vector<512x128xi32>
    %and3A_1891 = arith.andi %eq3A_1889, %lt3A_1890 : vector<512x128xi1>
    %or3A_1892 = arith.ori %gt3A_1888, %and3A_1891 : vector<512x128xi1>
    %eq3A_1893 = arith.xori %eq3A_1873, %eq3A_1806 : vector<512x128xi1>
    %eq3A_1894 = arith.constant dense<true> : vector<512x128xi1>
    %eq3A_1895 = arith.xori %eq3A_1893, %eq3A_1894 : vector<512x128xi1>
    %eq3A_1896 = arith.xori %or3A_1892, %eq3A_1895 : vector<512x128xi1>
    %eq3A_1897 = arith.constant dense<true> : vector<512x128xi1>
    %eq3A_1898 = arith.xori %eq3A_1896, %eq3A_1897 : vector<512x128xi1>
    %select_n3A_1899 = arith.select %eq3A_1898, %select_n3A_1852, %select_n3A_1867 : vector<512x128xi1>, vector<512x128xi32>
    %select_n3A_1900 = arith.select %eq3A_1898, %select_n3A_1853, %select_n3A_1887 : vector<512x128xi1>, vector<512x128xi32>
    %slice3A_1901 = vector.extract_strided_slice %select_n3A_1899 {offsets = [0, 64], sizes = [512, 64], strides = [1, 1]} : vector<512x128xi32> to vector<512x64xi32>
    %slice3A_1902 = vector.extract_strided_slice %select_n3A_1899 {offsets = [0, 0], sizes = [512, 64], strides = [1, 1]} : vector<512x128xi32> to vector<512x64xi32>
    %concatenate3A_1903 = tpu.concatenate %slice3A_1901, %slice3A_1902 in 1 : vector<512x64xi32>, vector<512x64xi32> -> vector<512x128xi32>
    %slice3A_1904 = vector.extract_strided_slice %select_n3A_1899 {offsets = [0, 64], sizes = [512, 64], strides = [1, 1]} : vector<512x128xi32> to vector<512x64xi32>
    %slice3A_1905 = vector.extract_strided_slice %select_n3A_1899 {offsets = [0, 0], sizes = [512, 64], strides = [1, 1]} : vector<512x128xi32> to vector<512x64xi32>
    %concatenate3A_1906 = tpu.concatenate %slice3A_1904, %slice3A_1905 in 1 : vector<512x64xi32>, vector<512x64xi32> -> vector<512x128xi32>
    %iota3A_1907 = tpu.iota {dimensions = array<i32: 1>} : vector<512x128xi32>
    %and3A_1908 = arith.constant 64 : i32
    %and3A_1909 = vector.broadcast %and3A_1908 : i32 to vector<512x128xi32>
    %and3A_1910 = arith.andi %iota3A_1907, %and3A_1909 : vector<512x128xi32>
    %eq3A_1911 = arith.constant 0 : i32
    %eq3A_1912 = vector.broadcast %eq3A_1911 : i32 to vector<512x128xi32>
    %eq3A_1913 = arith.cmpi eq, %and3A_1910, %eq3A_1912 : vector<512x128xi32>
    %select_n3A_1914 = arith.select %eq3A_1913, %concatenate3A_1903, %concatenate3A_1906 : vector<512x128xi1>, vector<512x128xi32>
    %and3A_1915 = arith.constant 64 : i32
    %and3A_1916 = vector.broadcast %and3A_1915 : i32 to vector<512x128xi32>
    %and3A_1917 = arith.andi %iota3A_1907, %and3A_1916 : vector<512x128xi32>
    %eq3A_1918 = arith.constant 0 : i32
    %eq3A_1919 = vector.broadcast %eq3A_1918 : i32 to vector<512x128xi32>
    %eq3A_1920 = arith.cmpi eq, %and3A_1917, %eq3A_1919 : vector<512x128xi32>
    %slice3A_1921 = vector.extract_strided_slice %select_n3A_1900 {offsets = [0, 64], sizes = [512, 64], strides = [1, 1]} : vector<512x128xi32> to vector<512x64xi32>
    %slice3A_1922 = vector.extract_strided_slice %select_n3A_1900 {offsets = [0, 0], sizes = [512, 64], strides = [1, 1]} : vector<512x128xi32> to vector<512x64xi32>
    %concatenate3A_1923 = tpu.concatenate %slice3A_1921, %slice3A_1922 in 1 : vector<512x64xi32>, vector<512x64xi32> -> vector<512x128xi32>
    %slice3A_1924 = vector.extract_strided_slice %select_n3A_1900 {offsets = [0, 64], sizes = [512, 64], strides = [1, 1]} : vector<512x128xi32> to vector<512x64xi32>
    %slice3A_1925 = vector.extract_strided_slice %select_n3A_1900 {offsets = [0, 0], sizes = [512, 64], strides = [1, 1]} : vector<512x128xi32> to vector<512x64xi32>
    %concatenate3A_1926 = tpu.concatenate %slice3A_1924, %slice3A_1925 in 1 : vector<512x64xi32>, vector<512x64xi32> -> vector<512x128xi32>
    %iota3A_1927 = tpu.iota {dimensions = array<i32: 1>} : vector<512x128xi32>
    %and3A_1928 = arith.constant 64 : i32
    %and3A_1929 = vector.broadcast %and3A_1928 : i32 to vector<512x128xi32>
    %and3A_1930 = arith.andi %iota3A_1927, %and3A_1929 : vector<512x128xi32>
    %eq3A_1931 = arith.constant 0 : i32
    %eq3A_1932 = vector.broadcast %eq3A_1931 : i32 to vector<512x128xi32>
    %eq3A_1933 = arith.cmpi eq, %and3A_1930, %eq3A_1932 : vector<512x128xi32>
    %select_n3A_1934 = arith.select %eq3A_1933, %concatenate3A_1923, %concatenate3A_1926 : vector<512x128xi1>, vector<512x128xi32>
    %gt3A_1935 = arith.cmpi sgt, %select_n3A_1899, %select_n3A_1914 : vector<512x128xi32>
    %eq3A_1936 = arith.cmpi eq, %select_n3A_1899, %select_n3A_1914 : vector<512x128xi32>
    %lt3A_1937 = arith.cmpi slt, %select_n3A_1900, %select_n3A_1934 : vector<512x128xi32>
    %and3A_1938 = arith.andi %eq3A_1936, %lt3A_1937 : vector<512x128xi1>
    %or3A_1939 = arith.ori %gt3A_1935, %and3A_1938 : vector<512x128xi1>
    %eq3A_1940 = arith.xori %eq3A_1920, %eq3A_1806 : vector<512x128xi1>
    %eq3A_1941 = arith.constant dense<true> : vector<512x128xi1>
    %eq3A_1942 = arith.xori %eq3A_1940, %eq3A_1941 : vector<512x128xi1>
    %eq3A_1943 = arith.xori %or3A_1939, %eq3A_1942 : vector<512x128xi1>
    %eq3A_1944 = arith.constant dense<true> : vector<512x128xi1>
    %eq3A_1945 = arith.xori %eq3A_1943, %eq3A_1944 : vector<512x128xi1>
    %select_n3A_1946 = arith.select %eq3A_1945, %select_n3A_1899, %select_n3A_1914 : vector<512x128xi1>, vector<512x128xi32>
    %select_n3A_1947 = arith.select %eq3A_1945, %select_n3A_1900, %select_n3A_1934 : vector<512x128xi1>, vector<512x128xi32>
    %slice3A_1948 = vector.extract_strided_slice %select_n3A_1946 {offsets = [0, 32], sizes = [512, 96], strides = [1, 1]} : vector<512x128xi32> to vector<512x96xi32>
    %slice3A_1949 = vector.extract_strided_slice %select_n3A_1946 {offsets = [0, 0], sizes = [512, 32], strides = [1, 1]} : vector<512x128xi32> to vector<512x32xi32>
    %concatenate3A_1950 = tpu.concatenate %slice3A_1948, %slice3A_1949 in 1 : vector<512x96xi32>, vector<512x32xi32> -> vector<512x128xi32>
    %slice3A_1951 = vector.extract_strided_slice %select_n3A_1946 {offsets = [0, 96], sizes = [512, 32], strides = [1, 1]} : vector<512x128xi32> to vector<512x32xi32>
    %slice3A_1952 = vector.extract_strided_slice %select_n3A_1946 {offsets = [0, 0], sizes = [512, 96], strides = [1, 1]} : vector<512x128xi32> to vector<512x96xi32>
    %concatenate3A_1953 = tpu.concatenate %slice3A_1951, %slice3A_1952 in 1 : vector<512x32xi32>, vector<512x96xi32> -> vector<512x128xi32>
    %iota3A_1954 = tpu.iota {dimensions = array<i32: 1>} : vector<512x128xi32>
    %and3A_1955 = arith.constant 32 : i32
    %and3A_1956 = vector.broadcast %and3A_1955 : i32 to vector<512x128xi32>
    %and3A_1957 = arith.andi %iota3A_1954, %and3A_1956 : vector<512x128xi32>
    %eq3A_1958 = arith.constant 0 : i32
    %eq3A_1959 = vector.broadcast %eq3A_1958 : i32 to vector<512x128xi32>
    %eq3A_1960 = arith.cmpi eq, %and3A_1957, %eq3A_1959 : vector<512x128xi32>
    %select_n3A_1961 = arith.select %eq3A_1960, %concatenate3A_1950, %concatenate3A_1953 : vector<512x128xi1>, vector<512x128xi32>
    %and3A_1962 = arith.constant 32 : i32
    %and3A_1963 = vector.broadcast %and3A_1962 : i32 to vector<512x128xi32>
    %and3A_1964 = arith.andi %iota3A_1954, %and3A_1963 : vector<512x128xi32>
    %eq3A_1965 = arith.constant 0 : i32
    %eq3A_1966 = vector.broadcast %eq3A_1965 : i32 to vector<512x128xi32>
    %eq3A_1967 = arith.cmpi eq, %and3A_1964, %eq3A_1966 : vector<512x128xi32>
    %slice3A_1968 = vector.extract_strided_slice %select_n3A_1947 {offsets = [0, 32], sizes = [512, 96], strides = [1, 1]} : vector<512x128xi32> to vector<512x96xi32>
    %slice3A_1969 = vector.extract_strided_slice %select_n3A_1947 {offsets = [0, 0], sizes = [512, 32], strides = [1, 1]} : vector<512x128xi32> to vector<512x32xi32>
    %concatenate3A_1970 = tpu.concatenate %slice3A_1968, %slice3A_1969 in 1 : vector<512x96xi32>, vector<512x32xi32> -> vector<512x128xi32>
    %slice3A_1971 = vector.extract_strided_slice %select_n3A_1947 {offsets = [0, 96], sizes = [512, 32], strides = [1, 1]} : vector<512x128xi32> to vector<512x32xi32>
    %slice3A_1972 = vector.extract_strided_slice %select_n3A_1947 {offsets = [0, 0], sizes = [512, 96], strides = [1, 1]} : vector<512x128xi32> to vector<512x96xi32>
    %concatenate3A_1973 = tpu.concatenate %slice3A_1971, %slice3A_1972 in 1 : vector<512x32xi32>, vector<512x96xi32> -> vector<512x128xi32>
    %iota3A_1974 = tpu.iota {dimensions = array<i32: 1>} : vector<512x128xi32>
    %and3A_1975 = arith.constant 32 : i32
    %and3A_1976 = vector.broadcast %and3A_1975 : i32 to vector<512x128xi32>
    %and3A_1977 = arith.andi %iota3A_1974, %and3A_1976 : vector<512x128xi32>
    %eq3A_1978 = arith.constant 0 : i32
    %eq3A_1979 = vector.broadcast %eq3A_1978 : i32 to vector<512x128xi32>
    %eq3A_1980 = arith.cmpi eq, %and3A_1977, %eq3A_1979 : vector<512x128xi32>
    %select_n3A_1981 = arith.select %eq3A_1980, %concatenate3A_1970, %concatenate3A_1973 : vector<512x128xi1>, vector<512x128xi32>
    %gt3A_1982 = arith.cmpi sgt, %select_n3A_1946, %select_n3A_1961 : vector<512x128xi32>
    %eq3A_1983 = arith.cmpi eq, %select_n3A_1946, %select_n3A_1961 : vector<512x128xi32>
    %lt3A_1984 = arith.cmpi slt, %select_n3A_1947, %select_n3A_1981 : vector<512x128xi32>
    %and3A_1985 = arith.andi %eq3A_1983, %lt3A_1984 : vector<512x128xi1>
    %or3A_1986 = arith.ori %gt3A_1982, %and3A_1985 : vector<512x128xi1>
    %eq3A_1987 = arith.xori %eq3A_1967, %eq3A_1806 : vector<512x128xi1>
    %eq3A_1988 = arith.constant dense<true> : vector<512x128xi1>
    %eq3A_1989 = arith.xori %eq3A_1987, %eq3A_1988 : vector<512x128xi1>
    %eq3A_1990 = arith.xori %or3A_1986, %eq3A_1989 : vector<512x128xi1>
    %eq3A_1991 = arith.constant dense<true> : vector<512x128xi1>
    %eq3A_1992 = arith.xori %eq3A_1990, %eq3A_1991 : vector<512x128xi1>
    %select_n3A_1993 = arith.select %eq3A_1992, %select_n3A_1946, %select_n3A_1961 : vector<512x128xi1>, vector<512x128xi32>
    %select_n3A_1994 = arith.select %eq3A_1992, %select_n3A_1947, %select_n3A_1981 : vector<512x128xi1>, vector<512x128xi32>
    %slice3A_1995 = vector.extract_strided_slice %select_n3A_1993 {offsets = [0, 16], sizes = [512, 112], strides = [1, 1]} : vector<512x128xi32> to vector<512x112xi32>
    %slice3A_1996 = vector.extract_strided_slice %select_n3A_1993 {offsets = [0, 0], sizes = [512, 16], strides = [1, 1]} : vector<512x128xi32> to vector<512x16xi32>
    %concatenate3A_1997 = tpu.concatenate %slice3A_1995, %slice3A_1996 in 1 : vector<512x112xi32>, vector<512x16xi32> -> vector<512x128xi32>
    %slice3A_1998 = vector.extract_strided_slice %select_n3A_1993 {offsets = [0, 112], sizes = [512, 16], strides = [1, 1]} : vector<512x128xi32> to vector<512x16xi32>
    %slice3A_1999 = vector.extract_strided_slice %select_n3A_1993 {offsets = [0, 0], sizes = [512, 112], strides = [1, 1]} : vector<512x128xi32> to vector<512x112xi32>
    %concatenate3A_2000 = tpu.concatenate %slice3A_1998, %slice3A_1999 in 1 : vector<512x16xi32>, vector<512x112xi32> -> vector<512x128xi32>
    %iota3A_2001 = tpu.iota {dimensions = array<i32: 1>} : vector<512x128xi32>
    %and3A_2002 = arith.constant 16 : i32
    %and3A_2003 = vector.broadcast %and3A_2002 : i32 to vector<512x128xi32>
    %and3A_2004 = arith.andi %iota3A_2001, %and3A_2003 : vector<512x128xi32>
    %eq3A_2005 = arith.constant 0 : i32
    %eq3A_2006 = vector.broadcast %eq3A_2005 : i32 to vector<512x128xi32>
    %eq3A_2007 = arith.cmpi eq, %and3A_2004, %eq3A_2006 : vector<512x128xi32>
    %select_n3A_2008 = arith.select %eq3A_2007, %concatenate3A_1997, %concatenate3A_2000 : vector<512x128xi1>, vector<512x128xi32>
    %and3A_2009 = arith.constant 16 : i32
    %and3A_2010 = vector.broadcast %and3A_2009 : i32 to vector<512x128xi32>
    %and3A_2011 = arith.andi %iota3A_2001, %and3A_2010 : vector<512x128xi32>
    %eq3A_2012 = arith.constant 0 : i32
    %eq3A_2013 = vector.broadcast %eq3A_2012 : i32 to vector<512x128xi32>
    %eq3A_2014 = arith.cmpi eq, %and3A_2011, %eq3A_2013 : vector<512x128xi32>
    %slice3A_2015 = vector.extract_strided_slice %select_n3A_1994 {offsets = [0, 16], sizes = [512, 112], strides = [1, 1]} : vector<512x128xi32> to vector<512x112xi32>
    %slice3A_2016 = vector.extract_strided_slice %select_n3A_1994 {offsets = [0, 0], sizes = [512, 16], strides = [1, 1]} : vector<512x128xi32> to vector<512x16xi32>
    %concatenate3A_2017 = tpu.concatenate %slice3A_2015, %slice3A_2016 in 1 : vector<512x112xi32>, vector<512x16xi32> -> vector<512x128xi32>
    %slice3A_2018 = vector.extract_strided_slice %select_n3A_1994 {offsets = [0, 112], sizes = [512, 16], strides = [1, 1]} : vector<512x128xi32> to vector<512x16xi32>
    %slice3A_2019 = vector.extract_strided_slice %select_n3A_1994 {offsets = [0, 0], sizes = [512, 112], strides = [1, 1]} : vector<512x128xi32> to vector<512x112xi32>
    %concatenate3A_2020 = tpu.concatenate %slice3A_2018, %slice3A_2019 in 1 : vector<512x16xi32>, vector<512x112xi32> -> vector<512x128xi32>
    %iota3A_2021 = tpu.iota {dimensions = array<i32: 1>} : vector<512x128xi32>
    %and3A_2022 = arith.constant 16 : i32
    %and3A_2023 = vector.broadcast %and3A_2022 : i32 to vector<512x128xi32>
    %and3A_2024 = arith.andi %iota3A_2021, %and3A_2023 : vector<512x128xi32>
    %eq3A_2025 = arith.constant 0 : i32
    %eq3A_2026 = vector.broadcast %eq3A_2025 : i32 to vector<512x128xi32>
    %eq3A_2027 = arith.cmpi eq, %and3A_2024, %eq3A_2026 : vector<512x128xi32>
    %select_n3A_2028 = arith.select %eq3A_2027, %concatenate3A_2017, %concatenate3A_2020 : vector<512x128xi1>, vector<512x128xi32>
    %gt3A_2029 = arith.cmpi sgt, %select_n3A_1993, %select_n3A_2008 : vector<512x128xi32>
    %eq3A_2030 = arith.cmpi eq, %select_n3A_1993, %select_n3A_2008 : vector<512x128xi32>
    %lt3A_2031 = arith.cmpi slt, %select_n3A_1994, %select_n3A_2028 : vector<512x128xi32>
    %and3A_2032 = arith.andi %eq3A_2030, %lt3A_2031 : vector<512x128xi1>
    %or3A_2033 = arith.ori %gt3A_2029, %and3A_2032 : vector<512x128xi1>
    %eq3A_2034 = arith.xori %eq3A_2014, %eq3A_1806 : vector<512x128xi1>
    %eq3A_2035 = arith.constant dense<true> : vector<512x128xi1>
    %eq3A_2036 = arith.xori %eq3A_2034, %eq3A_2035 : vector<512x128xi1>
    %eq3A_2037 = arith.xori %or3A_2033, %eq3A_2036 : vector<512x128xi1>
    %eq3A_2038 = arith.constant dense<true> : vector<512x128xi1>
    %eq3A_2039 = arith.xori %eq3A_2037, %eq3A_2038 : vector<512x128xi1>
    %select_n3A_2040 = arith.select %eq3A_2039, %select_n3A_1993, %select_n3A_2008 : vector<512x128xi1>, vector<512x128xi32>
    %select_n3A_2041 = arith.select %eq3A_2039, %select_n3A_1994, %select_n3A_2028 : vector<512x128xi1>, vector<512x128xi32>
    %slice3A_2042 = vector.extract_strided_slice %select_n3A_2040 {offsets = [0, 8], sizes = [512, 120], strides = [1, 1]} : vector<512x128xi32> to vector<512x120xi32>
    %slice3A_2043 = vector.extract_strided_slice %select_n3A_2040 {offsets = [0, 0], sizes = [512, 8], strides = [1, 1]} : vector<512x128xi32> to vector<512x8xi32>
    %concatenate3A_2044 = tpu.concatenate %slice3A_2042, %slice3A_2043 in 1 : vector<512x120xi32>, vector<512x8xi32> -> vector<512x128xi32>
    %slice3A_2045 = vector.extract_strided_slice %select_n3A_2040 {offsets = [0, 120], sizes = [512, 8], strides = [1, 1]} : vector<512x128xi32> to vector<512x8xi32>
    %slice3A_2046 = vector.extract_strided_slice %select_n3A_2040 {offsets = [0, 0], sizes = [512, 120], strides = [1, 1]} : vector<512x128xi32> to vector<512x120xi32>
    %concatenate3A_2047 = tpu.concatenate %slice3A_2045, %slice3A_2046 in 1 : vector<512x8xi32>, vector<512x120xi32> -> vector<512x128xi32>
    %iota3A_2048 = tpu.iota {dimensions = array<i32: 1>} : vector<512x128xi32>
    %and3A_2049 = arith.constant 8 : i32
    %and3A_2050 = vector.broadcast %and3A_2049 : i32 to vector<512x128xi32>
    %and3A_2051 = arith.andi %iota3A_2048, %and3A_2050 : vector<512x128xi32>
    %eq3A_2052 = arith.constant 0 : i32
    %eq3A_2053 = vector.broadcast %eq3A_2052 : i32 to vector<512x128xi32>
    %eq3A_2054 = arith.cmpi eq, %and3A_2051, %eq3A_2053 : vector<512x128xi32>
    %select_n3A_2055 = arith.select %eq3A_2054, %concatenate3A_2044, %concatenate3A_2047 : vector<512x128xi1>, vector<512x128xi32>
    %and3A_2056 = arith.constant 8 : i32
    %and3A_2057 = vector.broadcast %and3A_2056 : i32 to vector<512x128xi32>
    %and3A_2058 = arith.andi %iota3A_2048, %and3A_2057 : vector<512x128xi32>
    %eq3A_2059 = arith.constant 0 : i32
    %eq3A_2060 = vector.broadcast %eq3A_2059 : i32 to vector<512x128xi32>
    %eq3A_2061 = arith.cmpi eq, %and3A_2058, %eq3A_2060 : vector<512x128xi32>
    %slice3A_2062 = vector.extract_strided_slice %select_n3A_2041 {offsets = [0, 8], sizes = [512, 120], strides = [1, 1]} : vector<512x128xi32> to vector<512x120xi32>
    %slice3A_2063 = vector.extract_strided_slice %select_n3A_2041 {offsets = [0, 0], sizes = [512, 8], strides = [1, 1]} : vector<512x128xi32> to vector<512x8xi32>
    %concatenate3A_2064 = tpu.concatenate %slice3A_2062, %slice3A_2063 in 1 : vector<512x120xi32>, vector<512x8xi32> -> vector<512x128xi32>
    %slice3A_2065 = vector.extract_strided_slice %select_n3A_2041 {offsets = [0, 120], sizes = [512, 8], strides = [1, 1]} : vector<512x128xi32> to vector<512x8xi32>
    %slice3A_2066 = vector.extract_strided_slice %select_n3A_2041 {offsets = [0, 0], sizes = [512, 120], strides = [1, 1]} : vector<512x128xi32> to vector<512x120xi32>
    %concatenate3A_2067 = tpu.concatenate %slice3A_2065, %slice3A_2066 in 1 : vector<512x8xi32>, vector<512x120xi32> -> vector<512x128xi32>
    %iota3A_2068 = tpu.iota {dimensions = array<i32: 1>} : vector<512x128xi32>
    %and3A_2069 = arith.constant 8 : i32
    %and3A_2070 = vector.broadcast %and3A_2069 : i32 to vector<512x128xi32>
    %and3A_2071 = arith.andi %iota3A_2068, %and3A_2070 : vector<512x128xi32>
    %eq3A_2072 = arith.constant 0 : i32
    %eq3A_2073 = vector.broadcast %eq3A_2072 : i32 to vector<512x128xi32>
    %eq3A_2074 = arith.cmpi eq, %and3A_2071, %eq3A_2073 : vector<512x128xi32>
    %select_n3A_2075 = arith.select %eq3A_2074, %concatenate3A_2064, %concatenate3A_2067 : vector<512x128xi1>, vector<512x128xi32>
    %gt3A_2076 = arith.cmpi sgt, %select_n3A_2040, %select_n3A_2055 : vector<512x128xi32>
    %eq3A_2077 = arith.cmpi eq, %select_n3A_2040, %select_n3A_2055 : vector<512x128xi32>
    %lt3A_2078 = arith.cmpi slt, %select_n3A_2041, %select_n3A_2075 : vector<512x128xi32>
    %and3A_2079 = arith.andi %eq3A_2077, %lt3A_2078 : vector<512x128xi1>
    %or3A_2080 = arith.ori %gt3A_2076, %and3A_2079 : vector<512x128xi1>
    %eq3A_2081 = arith.xori %eq3A_2061, %eq3A_1806 : vector<512x128xi1>
    %eq3A_2082 = arith.constant dense<true> : vector<512x128xi1>
    %eq3A_2083 = arith.xori %eq3A_2081, %eq3A_2082 : vector<512x128xi1>
    %eq3A_2084 = arith.xori %or3A_2080, %eq3A_2083 : vector<512x128xi1>
    %eq3A_2085 = arith.constant dense<true> : vector<512x128xi1>
    %eq3A_2086 = arith.xori %eq3A_2084, %eq3A_2085 : vector<512x128xi1>
    %select_n3A_2087 = arith.select %eq3A_2086, %select_n3A_2040, %select_n3A_2055 : vector<512x128xi1>, vector<512x128xi32>
    %select_n3A_2088 = arith.select %eq3A_2086, %select_n3A_2041, %select_n3A_2075 : vector<512x128xi1>, vector<512x128xi32>
    %slice3A_2089 = vector.extract_strided_slice %select_n3A_2087 {offsets = [0, 4], sizes = [512, 124], strides = [1, 1]} : vector<512x128xi32> to vector<512x124xi32>
    %slice3A_2090 = vector.extract_strided_slice %select_n3A_2087 {offsets = [0, 0], sizes = [512, 4], strides = [1, 1]} : vector<512x128xi32> to vector<512x4xi32>
    %concatenate3A_2091 = tpu.concatenate %slice3A_2089, %slice3A_2090 in 1 : vector<512x124xi32>, vector<512x4xi32> -> vector<512x128xi32>
    %slice3A_2092 = vector.extract_strided_slice %select_n3A_2087 {offsets = [0, 124], sizes = [512, 4], strides = [1, 1]} : vector<512x128xi32> to vector<512x4xi32>
    %slice3A_2093 = vector.extract_strided_slice %select_n3A_2087 {offsets = [0, 0], sizes = [512, 124], strides = [1, 1]} : vector<512x128xi32> to vector<512x124xi32>
    %concatenate3A_2094 = tpu.concatenate %slice3A_2092, %slice3A_2093 in 1 : vector<512x4xi32>, vector<512x124xi32> -> vector<512x128xi32>
    %iota3A_2095 = tpu.iota {dimensions = array<i32: 1>} : vector<512x128xi32>
    %and3A_2096 = arith.constant 4 : i32
    %and3A_2097 = vector.broadcast %and3A_2096 : i32 to vector<512x128xi32>
    %and3A_2098 = arith.andi %iota3A_2095, %and3A_2097 : vector<512x128xi32>
    %eq3A_2099 = arith.constant 0 : i32
    %eq3A_2100 = vector.broadcast %eq3A_2099 : i32 to vector<512x128xi32>
    %eq3A_2101 = arith.cmpi eq, %and3A_2098, %eq3A_2100 : vector<512x128xi32>
    %select_n3A_2102 = arith.select %eq3A_2101, %concatenate3A_2091, %concatenate3A_2094 : vector<512x128xi1>, vector<512x128xi32>
    %and3A_2103 = arith.constant 4 : i32
    %and3A_2104 = vector.broadcast %and3A_2103 : i32 to vector<512x128xi32>
    %and3A_2105 = arith.andi %iota3A_2095, %and3A_2104 : vector<512x128xi32>
    %eq3A_2106 = arith.constant 0 : i32
    %eq3A_2107 = vector.broadcast %eq3A_2106 : i32 to vector<512x128xi32>
    %eq3A_2108 = arith.cmpi eq, %and3A_2105, %eq3A_2107 : vector<512x128xi32>
    %slice3A_2109 = vector.extract_strided_slice %select_n3A_2088 {offsets = [0, 4], sizes = [512, 124], strides = [1, 1]} : vector<512x128xi32> to vector<512x124xi32>
    %slice3A_2110 = vector.extract_strided_slice %select_n3A_2088 {offsets = [0, 0], sizes = [512, 4], strides = [1, 1]} : vector<512x128xi32> to vector<512x4xi32>
    %concatenate3A_2111 = tpu.concatenate %slice3A_2109, %slice3A_2110 in 1 : vector<512x124xi32>, vector<512x4xi32> -> vector<512x128xi32>
    %slice3A_2112 = vector.extract_strided_slice %select_n3A_2088 {offsets = [0, 124], sizes = [512, 4], strides = [1, 1]} : vector<512x128xi32> to vector<512x4xi32>
    %slice3A_2113 = vector.extract_strided_slice %select_n3A_2088 {offsets = [0, 0], sizes = [512, 124], strides = [1, 1]} : vector<512x128xi32> to vector<512x124xi32>
    %concatenate3A_2114 = tpu.concatenate %slice3A_2112, %slice3A_2113 in 1 : vector<512x4xi32>, vector<512x124xi32> -> vector<512x128xi32>
    %iota3A_2115 = tpu.iota {dimensions = array<i32: 1>} : vector<512x128xi32>
    %and3A_2116 = arith.constant 4 : i32
    %and3A_2117 = vector.broadcast %and3A_2116 : i32 to vector<512x128xi32>
    %and3A_2118 = arith.andi %iota3A_2115, %and3A_2117 : vector<512x128xi32>
    %eq3A_2119 = arith.constant 0 : i32
    %eq3A_2120 = vector.broadcast %eq3A_2119 : i32 to vector<512x128xi32>
    %eq3A_2121 = arith.cmpi eq, %and3A_2118, %eq3A_2120 : vector<512x128xi32>
    %select_n3A_2122 = arith.select %eq3A_2121, %concatenate3A_2111, %concatenate3A_2114 : vector<512x128xi1>, vector<512x128xi32>
    %gt3A_2123 = arith.cmpi sgt, %select_n3A_2087, %select_n3A_2102 : vector<512x128xi32>
    %eq3A_2124 = arith.cmpi eq, %select_n3A_2087, %select_n3A_2102 : vector<512x128xi32>
    %lt3A_2125 = arith.cmpi slt, %select_n3A_2088, %select_n3A_2122 : vector<512x128xi32>
    %and3A_2126 = arith.andi %eq3A_2124, %lt3A_2125 : vector<512x128xi1>
    %or3A_2127 = arith.ori %gt3A_2123, %and3A_2126 : vector<512x128xi1>
    %eq3A_2128 = arith.xori %eq3A_2108, %eq3A_1806 : vector<512x128xi1>
    %eq3A_2129 = arith.constant dense<true> : vector<512x128xi1>
    %eq3A_2130 = arith.xori %eq3A_2128, %eq3A_2129 : vector<512x128xi1>
    %eq3A_2131 = arith.xori %or3A_2127, %eq3A_2130 : vector<512x128xi1>
    %eq3A_2132 = arith.constant dense<true> : vector<512x128xi1>
    %eq3A_2133 = arith.xori %eq3A_2131, %eq3A_2132 : vector<512x128xi1>
    %select_n3A_2134 = arith.select %eq3A_2133, %select_n3A_2087, %select_n3A_2102 : vector<512x128xi1>, vector<512x128xi32>
    %select_n3A_2135 = arith.select %eq3A_2133, %select_n3A_2088, %select_n3A_2122 : vector<512x128xi1>, vector<512x128xi32>
    %slice3A_2136 = vector.extract_strided_slice %select_n3A_2134 {offsets = [0, 2], sizes = [512, 126], strides = [1, 1]} : vector<512x128xi32> to vector<512x126xi32>
    %slice3A_2137 = vector.extract_strided_slice %select_n3A_2134 {offsets = [0, 0], sizes = [512, 2], strides = [1, 1]} : vector<512x128xi32> to vector<512x2xi32>
    %concatenate3A_2138 = tpu.concatenate %slice3A_2136, %slice3A_2137 in 1 : vector<512x126xi32>, vector<512x2xi32> -> vector<512x128xi32>
    %slice3A_2139 = vector.extract_strided_slice %select_n3A_2134 {offsets = [0, 126], sizes = [512, 2], strides = [1, 1]} : vector<512x128xi32> to vector<512x2xi32>
    %slice3A_2140 = vector.extract_strided_slice %select_n3A_2134 {offsets = [0, 0], sizes = [512, 126], strides = [1, 1]} : vector<512x128xi32> to vector<512x126xi32>
    %concatenate3A_2141 = tpu.concatenate %slice3A_2139, %slice3A_2140 in 1 : vector<512x2xi32>, vector<512x126xi32> -> vector<512x128xi32>
    %iota3A_2142 = tpu.iota {dimensions = array<i32: 1>} : vector<512x128xi32>
    %and3A_2143 = arith.constant 2 : i32
    %and3A_2144 = vector.broadcast %and3A_2143 : i32 to vector<512x128xi32>
    %and3A_2145 = arith.andi %iota3A_2142, %and3A_2144 : vector<512x128xi32>
    %eq3A_2146 = arith.constant 0 : i32
    %eq3A_2147 = vector.broadcast %eq3A_2146 : i32 to vector<512x128xi32>
    %eq3A_2148 = arith.cmpi eq, %and3A_2145, %eq3A_2147 : vector<512x128xi32>
    %select_n3A_2149 = arith.select %eq3A_2148, %concatenate3A_2138, %concatenate3A_2141 : vector<512x128xi1>, vector<512x128xi32>
    %and3A_2150 = arith.constant 2 : i32
    %and3A_2151 = vector.broadcast %and3A_2150 : i32 to vector<512x128xi32>
    %and3A_2152 = arith.andi %iota3A_2142, %and3A_2151 : vector<512x128xi32>
    %eq3A_2153 = arith.constant 0 : i32
    %eq3A_2154 = vector.broadcast %eq3A_2153 : i32 to vector<512x128xi32>
    %eq3A_2155 = arith.cmpi eq, %and3A_2152, %eq3A_2154 : vector<512x128xi32>
    %slice3A_2156 = vector.extract_strided_slice %select_n3A_2135 {offsets = [0, 2], sizes = [512, 126], strides = [1, 1]} : vector<512x128xi32> to vector<512x126xi32>
    %slice3A_2157 = vector.extract_strided_slice %select_n3A_2135 {offsets = [0, 0], sizes = [512, 2], strides = [1, 1]} : vector<512x128xi32> to vector<512x2xi32>
    %concatenate3A_2158 = tpu.concatenate %slice3A_2156, %slice3A_2157 in 1 : vector<512x126xi32>, vector<512x2xi32> -> vector<512x128xi32>
    %slice3A_2159 = vector.extract_strided_slice %select_n3A_2135 {offsets = [0, 126], sizes = [512, 2], strides = [1, 1]} : vector<512x128xi32> to vector<512x2xi32>
    %slice3A_2160 = vector.extract_strided_slice %select_n3A_2135 {offsets = [0, 0], sizes = [512, 126], strides = [1, 1]} : vector<512x128xi32> to vector<512x126xi32>
    %concatenate3A_2161 = tpu.concatenate %slice3A_2159, %slice3A_2160 in 1 : vector<512x2xi32>, vector<512x126xi32> -> vector<512x128xi32>
    %iota3A_2162 = tpu.iota {dimensions = array<i32: 1>} : vector<512x128xi32>
    %and3A_2163 = arith.constant 2 : i32
    %and3A_2164 = vector.broadcast %and3A_2163 : i32 to vector<512x128xi32>
    %and3A_2165 = arith.andi %iota3A_2162, %and3A_2164 : vector<512x128xi32>
    %eq3A_2166 = arith.constant 0 : i32
    %eq3A_2167 = vector.broadcast %eq3A_2166 : i32 to vector<512x128xi32>
    %eq3A_2168 = arith.cmpi eq, %and3A_2165, %eq3A_2167 : vector<512x128xi32>
    %select_n3A_2169 = arith.select %eq3A_2168, %concatenate3A_2158, %concatenate3A_2161 : vector<512x128xi1>, vector<512x128xi32>
    %gt3A_2170 = arith.cmpi sgt, %select_n3A_2134, %select_n3A_2149 : vector<512x128xi32>
    %eq3A_2171 = arith.cmpi eq, %select_n3A_2134, %select_n3A_2149 : vector<512x128xi32>
    %lt3A_2172 = arith.cmpi slt, %select_n3A_2135, %select_n3A_2169 : vector<512x128xi32>
    %and3A_2173 = arith.andi %eq3A_2171, %lt3A_2172 : vector<512x128xi1>
    %or3A_2174 = arith.ori %gt3A_2170, %and3A_2173 : vector<512x128xi1>
    %eq3A_2175 = arith.xori %eq3A_2155, %eq3A_1806 : vector<512x128xi1>
    %eq3A_2176 = arith.constant dense<true> : vector<512x128xi1>
    %eq3A_2177 = arith.xori %eq3A_2175, %eq3A_2176 : vector<512x128xi1>
    %eq3A_2178 = arith.xori %or3A_2174, %eq3A_2177 : vector<512x128xi1>
    %eq3A_2179 = arith.constant dense<true> : vector<512x128xi1>
    %eq3A_2180 = arith.xori %eq3A_2178, %eq3A_2179 : vector<512x128xi1>
    %select_n3A_2181 = arith.select %eq3A_2180, %select_n3A_2134, %select_n3A_2149 : vector<512x128xi1>, vector<512x128xi32>
    %select_n3A_2182 = arith.select %eq3A_2180, %select_n3A_2135, %select_n3A_2169 : vector<512x128xi1>, vector<512x128xi32>
    %slice3A_2183 = vector.extract_strided_slice %select_n3A_2181 {offsets = [0, 1], sizes = [512, 127], strides = [1, 1]} : vector<512x128xi32> to vector<512x127xi32>
    %slice3A_2184 = vector.extract_strided_slice %select_n3A_2181 {offsets = [0, 0], sizes = [512, 1], strides = [1, 1]} : vector<512x128xi32> to vector<512x1xi32>
    %concatenate3A_2185 = tpu.concatenate %slice3A_2183, %slice3A_2184 in 1 : vector<512x127xi32>, vector<512x1xi32> -> vector<512x128xi32>
    %slice3A_2186 = vector.extract_strided_slice %select_n3A_2181 {offsets = [0, 127], sizes = [512, 1], strides = [1, 1]} : vector<512x128xi32> to vector<512x1xi32>
    %slice3A_2187 = vector.extract_strided_slice %select_n3A_2181 {offsets = [0, 0], sizes = [512, 127], strides = [1, 1]} : vector<512x128xi32> to vector<512x127xi32>
    %concatenate3A_2188 = tpu.concatenate %slice3A_2186, %slice3A_2187 in 1 : vector<512x1xi32>, vector<512x127xi32> -> vector<512x128xi32>
    %iota3A_2189 = tpu.iota {dimensions = array<i32: 1>} : vector<512x128xi32>
    %and3A_2190 = arith.constant 1 : i32
    %and3A_2191 = vector.broadcast %and3A_2190 : i32 to vector<512x128xi32>
    %and3A_2192 = arith.andi %iota3A_2189, %and3A_2191 : vector<512x128xi32>
    %eq3A_2193 = arith.constant 0 : i32
    %eq3A_2194 = vector.broadcast %eq3A_2193 : i32 to vector<512x128xi32>
    %eq3A_2195 = arith.cmpi eq, %and3A_2192, %eq3A_2194 : vector<512x128xi32>
    %select_n3A_2196 = arith.select %eq3A_2195, %concatenate3A_2185, %concatenate3A_2188 : vector<512x128xi1>, vector<512x128xi32>
    %and3A_2197 = arith.constant 1 : i32
    %and3A_2198 = vector.broadcast %and3A_2197 : i32 to vector<512x128xi32>
    %and3A_2199 = arith.andi %iota3A_2189, %and3A_2198 : vector<512x128xi32>
    %eq3A_2200 = arith.constant 0 : i32
    %eq3A_2201 = vector.broadcast %eq3A_2200 : i32 to vector<512x128xi32>
    %eq3A_2202 = arith.cmpi eq, %and3A_2199, %eq3A_2201 : vector<512x128xi32>
    %slice3A_2203 = vector.extract_strided_slice %select_n3A_2182 {offsets = [0, 1], sizes = [512, 127], strides = [1, 1]} : vector<512x128xi32> to vector<512x127xi32>
    %slice3A_2204 = vector.extract_strided_slice %select_n3A_2182 {offsets = [0, 0], sizes = [512, 1], strides = [1, 1]} : vector<512x128xi32> to vector<512x1xi32>
    %concatenate3A_2205 = tpu.concatenate %slice3A_2203, %slice3A_2204 in 1 : vector<512x127xi32>, vector<512x1xi32> -> vector<512x128xi32>
    %slice3A_2206 = vector.extract_strided_slice %select_n3A_2182 {offsets = [0, 127], sizes = [512, 1], strides = [1, 1]} : vector<512x128xi32> to vector<512x1xi32>
    %slice3A_2207 = vector.extract_strided_slice %select_n3A_2182 {offsets = [0, 0], sizes = [512, 127], strides = [1, 1]} : vector<512x128xi32> to vector<512x127xi32>
    %concatenate3A_2208 = tpu.concatenate %slice3A_2206, %slice3A_2207 in 1 : vector<512x1xi32>, vector<512x127xi32> -> vector<512x128xi32>
    %iota3A_2209 = tpu.iota {dimensions = array<i32: 1>} : vector<512x128xi32>
    %and3A_2210 = arith.constant 1 : i32
    %and3A_2211 = vector.broadcast %and3A_2210 : i32 to vector<512x128xi32>
    %and3A_2212 = arith.andi %iota3A_2209, %and3A_2211 : vector<512x128xi32>
    %eq3A_2213 = arith.constant 0 : i32
    %eq3A_2214 = vector.broadcast %eq3A_2213 : i32 to vector<512x128xi32>
    %eq3A_2215 = arith.cmpi eq, %and3A_2212, %eq3A_2214 : vector<512x128xi32>
    %select_n3A_2216 = arith.select %eq3A_2215, %concatenate3A_2205, %concatenate3A_2208 : vector<512x128xi1>, vector<512x128xi32>
    %gt3A_2217 = arith.cmpi sgt, %select_n3A_2181, %select_n3A_2196 : vector<512x128xi32>
    %eq3A_2218 = arith.cmpi eq, %select_n3A_2181, %select_n3A_2196 : vector<512x128xi32>
    %lt3A_2219 = arith.cmpi slt, %select_n3A_2182, %select_n3A_2216 : vector<512x128xi32>
    %and3A_2220 = arith.andi %eq3A_2218, %lt3A_2219 : vector<512x128xi1>
    %or3A_2221 = arith.ori %gt3A_2217, %and3A_2220 : vector<512x128xi1>
    %eq3A_2222 = arith.xori %eq3A_2202, %eq3A_1806 : vector<512x128xi1>
    %eq3A_2223 = arith.constant dense<true> : vector<512x128xi1>
    %eq3A_2224 = arith.xori %eq3A_2222, %eq3A_2223 : vector<512x128xi1>
    %eq3A_2225 = arith.xori %or3A_2221, %eq3A_2224 : vector<512x128xi1>
    %eq3A_2226 = arith.constant dense<true> : vector<512x128xi1>
    %eq3A_2227 = arith.xori %eq3A_2225, %eq3A_2226 : vector<512x128xi1>
    %select_n3A_2228 = arith.select %eq3A_2227, %select_n3A_2181, %select_n3A_2196 : vector<512x128xi1>, vector<512x128xi32>
    %select_n3A_2229 = arith.select %eq3A_2227, %select_n3A_2182, %select_n3A_2216 : vector<512x128xi1>, vector<512x128xi32>
    %and3A_2230 = arith.constant 8 : i32
    %and3A_2231 = vector.broadcast %and3A_2230 : i32 to vector<512x128xi32>
    %and3A_2232 = arith.andi %and3A_64, %and3A_2231 : vector<512x128xi32>
    %eq3A_2233 = arith.constant 0 : i32
    %eq3A_2234 = vector.broadcast %eq3A_2233 : i32 to vector<512x128xi32>
    %eq3A_2235 = arith.cmpi eq, %and3A_2232, %eq3A_2234 : vector<512x128xi32>
    %slice3A_2236 = vector.extract_strided_slice %select_n3A_2228 {offsets = [4, 0], sizes = [508, 128], strides = [1, 1]} : vector<512x128xi32> to vector<508x128xi32>
    %slice3A_2237 = vector.extract_strided_slice %select_n3A_2228 {offsets = [0, 0], sizes = [4, 128], strides = [1, 1]} : vector<512x128xi32> to vector<4x128xi32>
    %concatenate3A_2238 = tpu.concatenate %slice3A_2236, %slice3A_2237 in 0 : vector<508x128xi32>, vector<4x128xi32> -> vector<512x128xi32>
    %slice3A_2239 = vector.extract_strided_slice %select_n3A_2228 {offsets = [508, 0], sizes = [4, 128], strides = [1, 1]} : vector<512x128xi32> to vector<4x128xi32>
    %slice3A_2240 = vector.extract_strided_slice %select_n3A_2228 {offsets = [0, 0], sizes = [508, 128], strides = [1, 1]} : vector<512x128xi32> to vector<508x128xi32>
    %concatenate3A_2241 = tpu.concatenate %slice3A_2239, %slice3A_2240 in 0 : vector<4x128xi32>, vector<508x128xi32> -> vector<512x128xi32>
    %iota3A_2242 = tpu.iota {dimensions = array<i32: 0>} : vector<512x128xi32>
    %and3A_2243 = arith.constant 4 : i32
    %and3A_2244 = vector.broadcast %and3A_2243 : i32 to vector<512x128xi32>
    %and3A_2245 = arith.andi %iota3A_2242, %and3A_2244 : vector<512x128xi32>
    %eq3A_2246 = arith.constant 0 : i32
    %eq3A_2247 = vector.broadcast %eq3A_2246 : i32 to vector<512x128xi32>
    %eq3A_2248 = arith.cmpi eq, %and3A_2245, %eq3A_2247 : vector<512x128xi32>
    %select_n3A_2249 = arith.select %eq3A_2248, %concatenate3A_2238, %concatenate3A_2241 : vector<512x128xi1>, vector<512x128xi32>
    %and3A_2250 = arith.constant 4 : i32
    %and3A_2251 = vector.broadcast %and3A_2250 : i32 to vector<512x128xi32>
    %and3A_2252 = arith.andi %iota3A_2242, %and3A_2251 : vector<512x128xi32>
    %eq3A_2253 = arith.constant 0 : i32
    %eq3A_2254 = vector.broadcast %eq3A_2253 : i32 to vector<512x128xi32>
    %eq3A_2255 = arith.cmpi eq, %and3A_2252, %eq3A_2254 : vector<512x128xi32>
    %slice3A_2256 = vector.extract_strided_slice %select_n3A_2229 {offsets = [4, 0], sizes = [508, 128], strides = [1, 1]} : vector<512x128xi32> to vector<508x128xi32>
    %slice3A_2257 = vector.extract_strided_slice %select_n3A_2229 {offsets = [0, 0], sizes = [4, 128], strides = [1, 1]} : vector<512x128xi32> to vector<4x128xi32>
    %concatenate3A_2258 = tpu.concatenate %slice3A_2256, %slice3A_2257 in 0 : vector<508x128xi32>, vector<4x128xi32> -> vector<512x128xi32>
    %slice3A_2259 = vector.extract_strided_slice %select_n3A_2229 {offsets = [508, 0], sizes = [4, 128], strides = [1, 1]} : vector<512x128xi32> to vector<4x128xi32>
    %slice3A_2260 = vector.extract_strided_slice %select_n3A_2229 {offsets = [0, 0], sizes = [508, 128], strides = [1, 1]} : vector<512x128xi32> to vector<508x128xi32>
    %concatenate3A_2261 = tpu.concatenate %slice3A_2259, %slice3A_2260 in 0 : vector<4x128xi32>, vector<508x128xi32> -> vector<512x128xi32>
    %iota3A_2262 = tpu.iota {dimensions = array<i32: 0>} : vector<512x128xi32>
    %and3A_2263 = arith.constant 4 : i32
    %and3A_2264 = vector.broadcast %and3A_2263 : i32 to vector<512x128xi32>
    %and3A_2265 = arith.andi %iota3A_2262, %and3A_2264 : vector<512x128xi32>
    %eq3A_2266 = arith.constant 0 : i32
    %eq3A_2267 = vector.broadcast %eq3A_2266 : i32 to vector<512x128xi32>
    %eq3A_2268 = arith.cmpi eq, %and3A_2265, %eq3A_2267 : vector<512x128xi32>
    %select_n3A_2269 = arith.select %eq3A_2268, %concatenate3A_2258, %concatenate3A_2261 : vector<512x128xi1>, vector<512x128xi32>
    %gt3A_2270 = arith.cmpi sgt, %select_n3A_2228, %select_n3A_2249 : vector<512x128xi32>
    %eq3A_2271 = arith.cmpi eq, %select_n3A_2228, %select_n3A_2249 : vector<512x128xi32>
    %lt3A_2272 = arith.cmpi slt, %select_n3A_2229, %select_n3A_2269 : vector<512x128xi32>
    %and3A_2273 = arith.andi %eq3A_2271, %lt3A_2272 : vector<512x128xi1>
    %or3A_2274 = arith.ori %gt3A_2270, %and3A_2273 : vector<512x128xi1>
    %eq3A_2275 = arith.xori %eq3A_2255, %eq3A_2235 : vector<512x128xi1>
    %eq3A_2276 = arith.constant dense<true> : vector<512x128xi1>
    %eq3A_2277 = arith.xori %eq3A_2275, %eq3A_2276 : vector<512x128xi1>
    %eq3A_2278 = arith.xori %or3A_2274, %eq3A_2277 : vector<512x128xi1>
    %eq3A_2279 = arith.constant dense<true> : vector<512x128xi1>
    %eq3A_2280 = arith.xori %eq3A_2278, %eq3A_2279 : vector<512x128xi1>
    %select_n3A_2281 = arith.select %eq3A_2280, %select_n3A_2228, %select_n3A_2249 : vector<512x128xi1>, vector<512x128xi32>
    %select_n3A_2282 = arith.select %eq3A_2280, %select_n3A_2229, %select_n3A_2269 : vector<512x128xi1>, vector<512x128xi32>
    %slice3A_2283 = vector.extract_strided_slice %select_n3A_2281 {offsets = [2, 0], sizes = [510, 128], strides = [1, 1]} : vector<512x128xi32> to vector<510x128xi32>
    %slice3A_2284 = vector.extract_strided_slice %select_n3A_2281 {offsets = [0, 0], sizes = [2, 128], strides = [1, 1]} : vector<512x128xi32> to vector<2x128xi32>
    %concatenate3A_2285 = tpu.concatenate %slice3A_2283, %slice3A_2284 in 0 : vector<510x128xi32>, vector<2x128xi32> -> vector<512x128xi32>
    %slice3A_2286 = vector.extract_strided_slice %select_n3A_2281 {offsets = [510, 0], sizes = [2, 128], strides = [1, 1]} : vector<512x128xi32> to vector<2x128xi32>
    %slice3A_2287 = vector.extract_strided_slice %select_n3A_2281 {offsets = [0, 0], sizes = [510, 128], strides = [1, 1]} : vector<512x128xi32> to vector<510x128xi32>
    %concatenate3A_2288 = tpu.concatenate %slice3A_2286, %slice3A_2287 in 0 : vector<2x128xi32>, vector<510x128xi32> -> vector<512x128xi32>
    %iota3A_2289 = tpu.iota {dimensions = array<i32: 0>} : vector<512x128xi32>
    %and3A_2290 = arith.constant 2 : i32
    %and3A_2291 = vector.broadcast %and3A_2290 : i32 to vector<512x128xi32>
    %and3A_2292 = arith.andi %iota3A_2289, %and3A_2291 : vector<512x128xi32>
    %eq3A_2293 = arith.constant 0 : i32
    %eq3A_2294 = vector.broadcast %eq3A_2293 : i32 to vector<512x128xi32>
    %eq3A_2295 = arith.cmpi eq, %and3A_2292, %eq3A_2294 : vector<512x128xi32>
    %select_n3A_2296 = arith.select %eq3A_2295, %concatenate3A_2285, %concatenate3A_2288 : vector<512x128xi1>, vector<512x128xi32>
    %and3A_2297 = arith.constant 2 : i32
    %and3A_2298 = vector.broadcast %and3A_2297 : i32 to vector<512x128xi32>
    %and3A_2299 = arith.andi %iota3A_2289, %and3A_2298 : vector<512x128xi32>
    %eq3A_2300 = arith.constant 0 : i32
    %eq3A_2301 = vector.broadcast %eq3A_2300 : i32 to vector<512x128xi32>
    %eq3A_2302 = arith.cmpi eq, %and3A_2299, %eq3A_2301 : vector<512x128xi32>
    %slice3A_2303 = vector.extract_strided_slice %select_n3A_2282 {offsets = [2, 0], sizes = [510, 128], strides = [1, 1]} : vector<512x128xi32> to vector<510x128xi32>
    %slice3A_2304 = vector.extract_strided_slice %select_n3A_2282 {offsets = [0, 0], sizes = [2, 128], strides = [1, 1]} : vector<512x128xi32> to vector<2x128xi32>
    %concatenate3A_2305 = tpu.concatenate %slice3A_2303, %slice3A_2304 in 0 : vector<510x128xi32>, vector<2x128xi32> -> vector<512x128xi32>
    %slice3A_2306 = vector.extract_strided_slice %select_n3A_2282 {offsets = [510, 0], sizes = [2, 128], strides = [1, 1]} : vector<512x128xi32> to vector<2x128xi32>
    %slice3A_2307 = vector.extract_strided_slice %select_n3A_2282 {offsets = [0, 0], sizes = [510, 128], strides = [1, 1]} : vector<512x128xi32> to vector<510x128xi32>
    %concatenate3A_2308 = tpu.concatenate %slice3A_2306, %slice3A_2307 in 0 : vector<2x128xi32>, vector<510x128xi32> -> vector<512x128xi32>
    %iota3A_2309 = tpu.iota {dimensions = array<i32: 0>} : vector<512x128xi32>
    %and3A_2310 = arith.constant 2 : i32
    %and3A_2311 = vector.broadcast %and3A_2310 : i32 to vector<512x128xi32>
    %and3A_2312 = arith.andi %iota3A_2309, %and3A_2311 : vector<512x128xi32>
    %eq3A_2313 = arith.constant 0 : i32
    %eq3A_2314 = vector.broadcast %eq3A_2313 : i32 to vector<512x128xi32>
    %eq3A_2315 = arith.cmpi eq, %and3A_2312, %eq3A_2314 : vector<512x128xi32>
    %select_n3A_2316 = arith.select %eq3A_2315, %concatenate3A_2305, %concatenate3A_2308 : vector<512x128xi1>, vector<512x128xi32>
    %gt3A_2317 = arith.cmpi sgt, %select_n3A_2281, %select_n3A_2296 : vector<512x128xi32>
    %eq3A_2318 = arith.cmpi eq, %select_n3A_2281, %select_n3A_2296 : vector<512x128xi32>
    %lt3A_2319 = arith.cmpi slt, %select_n3A_2282, %select_n3A_2316 : vector<512x128xi32>
    %and3A_2320 = arith.andi %eq3A_2318, %lt3A_2319 : vector<512x128xi1>
    %or3A_2321 = arith.ori %gt3A_2317, %and3A_2320 : vector<512x128xi1>
    %eq3A_2322 = arith.xori %eq3A_2302, %eq3A_2235 : vector<512x128xi1>
    %eq3A_2323 = arith.constant dense<true> : vector<512x128xi1>
    %eq3A_2324 = arith.xori %eq3A_2322, %eq3A_2323 : vector<512x128xi1>
    %eq3A_2325 = arith.xori %or3A_2321, %eq3A_2324 : vector<512x128xi1>
    %eq3A_2326 = arith.constant dense<true> : vector<512x128xi1>
    %eq3A_2327 = arith.xori %eq3A_2325, %eq3A_2326 : vector<512x128xi1>
    %select_n3A_2328 = arith.select %eq3A_2327, %select_n3A_2281, %select_n3A_2296 : vector<512x128xi1>, vector<512x128xi32>
    %select_n3A_2329 = arith.select %eq3A_2327, %select_n3A_2282, %select_n3A_2316 : vector<512x128xi1>, vector<512x128xi32>
    %slice3A_2330 = vector.extract_strided_slice %select_n3A_2328 {offsets = [1, 0], sizes = [511, 128], strides = [1, 1]} : vector<512x128xi32> to vector<511x128xi32>
    %slice3A_2331 = vector.extract_strided_slice %select_n3A_2328 {offsets = [0, 0], sizes = [1, 128], strides = [1, 1]} : vector<512x128xi32> to vector<1x128xi32>
    %concatenate3A_2332 = tpu.concatenate %slice3A_2330, %slice3A_2331 in 0 : vector<511x128xi32>, vector<1x128xi32> -> vector<512x128xi32>
    %slice3A_2333 = vector.extract_strided_slice %select_n3A_2328 {offsets = [511, 0], sizes = [1, 128], strides = [1, 1]} : vector<512x128xi32> to vector<1x128xi32>
    %slice3A_2334 = vector.extract_strided_slice %select_n3A_2328 {offsets = [0, 0], sizes = [511, 128], strides = [1, 1]} : vector<512x128xi32> to vector<511x128xi32>
    %concatenate3A_2335 = tpu.concatenate %slice3A_2333, %slice3A_2334 in 0 : vector<1x128xi32>, vector<511x128xi32> -> vector<512x128xi32>
    %iota3A_2336 = tpu.iota {dimensions = array<i32: 0>} : vector<512x128xi32>
    %and3A_2337 = arith.constant 1 : i32
    %and3A_2338 = vector.broadcast %and3A_2337 : i32 to vector<512x128xi32>
    %and3A_2339 = arith.andi %iota3A_2336, %and3A_2338 : vector<512x128xi32>
    %eq3A_2340 = arith.constant 0 : i32
    %eq3A_2341 = vector.broadcast %eq3A_2340 : i32 to vector<512x128xi32>
    %eq3A_2342 = arith.cmpi eq, %and3A_2339, %eq3A_2341 : vector<512x128xi32>
    %select_n3A_2343 = arith.select %eq3A_2342, %concatenate3A_2332, %concatenate3A_2335 : vector<512x128xi1>, vector<512x128xi32>
    %and3A_2344 = arith.constant 1 : i32
    %and3A_2345 = vector.broadcast %and3A_2344 : i32 to vector<512x128xi32>
    %and3A_2346 = arith.andi %iota3A_2336, %and3A_2345 : vector<512x128xi32>
    %eq3A_2347 = arith.constant 0 : i32
    %eq3A_2348 = vector.broadcast %eq3A_2347 : i32 to vector<512x128xi32>
    %eq3A_2349 = arith.cmpi eq, %and3A_2346, %eq3A_2348 : vector<512x128xi32>
    %slice3A_2350 = vector.extract_strided_slice %select_n3A_2329 {offsets = [1, 0], sizes = [511, 128], strides = [1, 1]} : vector<512x128xi32> to vector<511x128xi32>
    %slice3A_2351 = vector.extract_strided_slice %select_n3A_2329 {offsets = [0, 0], sizes = [1, 128], strides = [1, 1]} : vector<512x128xi32> to vector<1x128xi32>
    %concatenate3A_2352 = tpu.concatenate %slice3A_2350, %slice3A_2351 in 0 : vector<511x128xi32>, vector<1x128xi32> -> vector<512x128xi32>
    %slice3A_2353 = vector.extract_strided_slice %select_n3A_2329 {offsets = [511, 0], sizes = [1, 128], strides = [1, 1]} : vector<512x128xi32> to vector<1x128xi32>
    %slice3A_2354 = vector.extract_strided_slice %select_n3A_2329 {offsets = [0, 0], sizes = [511, 128], strides = [1, 1]} : vector<512x128xi32> to vector<511x128xi32>
    %concatenate3A_2355 = tpu.concatenate %slice3A_2353, %slice3A_2354 in 0 : vector<1x128xi32>, vector<511x128xi32> -> vector<512x128xi32>
    %iota3A_2356 = tpu.iota {dimensions = array<i32: 0>} : vector<512x128xi32>
    %and3A_2357 = arith.constant 1 : i32
    %and3A_2358 = vector.broadcast %and3A_2357 : i32 to vector<512x128xi32>
    %and3A_2359 = arith.andi %iota3A_2356, %and3A_2358 : vector<512x128xi32>
    %eq3A_2360 = arith.constant 0 : i32
    %eq3A_2361 = vector.broadcast %eq3A_2360 : i32 to vector<512x128xi32>
    %eq3A_2362 = arith.cmpi eq, %and3A_2359, %eq3A_2361 : vector<512x128xi32>
    %select_n3A_2363 = arith.select %eq3A_2362, %concatenate3A_2352, %concatenate3A_2355 : vector<512x128xi1>, vector<512x128xi32>
    %gt3A_2364 = arith.cmpi sgt, %select_n3A_2328, %select_n3A_2343 : vector<512x128xi32>
    %eq3A_2365 = arith.cmpi eq, %select_n3A_2328, %select_n3A_2343 : vector<512x128xi32>
    %lt3A_2366 = arith.cmpi slt, %select_n3A_2329, %select_n3A_2363 : vector<512x128xi32>
    %and3A_2367 = arith.andi %eq3A_2365, %lt3A_2366 : vector<512x128xi1>
    %or3A_2368 = arith.ori %gt3A_2364, %and3A_2367 : vector<512x128xi1>
    %eq3A_2369 = arith.xori %eq3A_2349, %eq3A_2235 : vector<512x128xi1>
    %eq3A_2370 = arith.constant dense<true> : vector<512x128xi1>
    %eq3A_2371 = arith.xori %eq3A_2369, %eq3A_2370 : vector<512x128xi1>
    %eq3A_2372 = arith.xori %or3A_2368, %eq3A_2371 : vector<512x128xi1>
    %eq3A_2373 = arith.constant dense<true> : vector<512x128xi1>
    %eq3A_2374 = arith.xori %eq3A_2372, %eq3A_2373 : vector<512x128xi1>
    %select_n3A_2375 = arith.select %eq3A_2374, %select_n3A_2328, %select_n3A_2343 : vector<512x128xi1>, vector<512x128xi32>
    %select_n3A_2376 = arith.select %eq3A_2374, %select_n3A_2329, %select_n3A_2363 : vector<512x128xi1>, vector<512x128xi32>
    %slice3A_2377 = vector.extract_strided_slice %select_n3A_2375 {offsets = [0, 64], sizes = [512, 64], strides = [1, 1]} : vector<512x128xi32> to vector<512x64xi32>
    %slice3A_2378 = vector.extract_strided_slice %select_n3A_2375 {offsets = [0, 0], sizes = [512, 64], strides = [1, 1]} : vector<512x128xi32> to vector<512x64xi32>
    %concatenate3A_2379 = tpu.concatenate %slice3A_2377, %slice3A_2378 in 1 : vector<512x64xi32>, vector<512x64xi32> -> vector<512x128xi32>
    %slice3A_2380 = vector.extract_strided_slice %select_n3A_2375 {offsets = [0, 64], sizes = [512, 64], strides = [1, 1]} : vector<512x128xi32> to vector<512x64xi32>
    %slice3A_2381 = vector.extract_strided_slice %select_n3A_2375 {offsets = [0, 0], sizes = [512, 64], strides = [1, 1]} : vector<512x128xi32> to vector<512x64xi32>
    %concatenate3A_2382 = tpu.concatenate %slice3A_2380, %slice3A_2381 in 1 : vector<512x64xi32>, vector<512x64xi32> -> vector<512x128xi32>
    %iota3A_2383 = tpu.iota {dimensions = array<i32: 1>} : vector<512x128xi32>
    %and3A_2384 = arith.constant 64 : i32
    %and3A_2385 = vector.broadcast %and3A_2384 : i32 to vector<512x128xi32>
    %and3A_2386 = arith.andi %iota3A_2383, %and3A_2385 : vector<512x128xi32>
    %eq3A_2387 = arith.constant 0 : i32
    %eq3A_2388 = vector.broadcast %eq3A_2387 : i32 to vector<512x128xi32>
    %eq3A_2389 = arith.cmpi eq, %and3A_2386, %eq3A_2388 : vector<512x128xi32>
    %select_n3A_2390 = arith.select %eq3A_2389, %concatenate3A_2379, %concatenate3A_2382 : vector<512x128xi1>, vector<512x128xi32>
    %and3A_2391 = arith.constant 64 : i32
    %and3A_2392 = vector.broadcast %and3A_2391 : i32 to vector<512x128xi32>
    %and3A_2393 = arith.andi %iota3A_2383, %and3A_2392 : vector<512x128xi32>
    %eq3A_2394 = arith.constant 0 : i32
    %eq3A_2395 = vector.broadcast %eq3A_2394 : i32 to vector<512x128xi32>
    %eq3A_2396 = arith.cmpi eq, %and3A_2393, %eq3A_2395 : vector<512x128xi32>
    %slice3A_2397 = vector.extract_strided_slice %select_n3A_2376 {offsets = [0, 64], sizes = [512, 64], strides = [1, 1]} : vector<512x128xi32> to vector<512x64xi32>
    %slice3A_2398 = vector.extract_strided_slice %select_n3A_2376 {offsets = [0, 0], sizes = [512, 64], strides = [1, 1]} : vector<512x128xi32> to vector<512x64xi32>
    %concatenate3A_2399 = tpu.concatenate %slice3A_2397, %slice3A_2398 in 1 : vector<512x64xi32>, vector<512x64xi32> -> vector<512x128xi32>
    %slice3A_2400 = vector.extract_strided_slice %select_n3A_2376 {offsets = [0, 64], sizes = [512, 64], strides = [1, 1]} : vector<512x128xi32> to vector<512x64xi32>
    %slice3A_2401 = vector.extract_strided_slice %select_n3A_2376 {offsets = [0, 0], sizes = [512, 64], strides = [1, 1]} : vector<512x128xi32> to vector<512x64xi32>
    %concatenate3A_2402 = tpu.concatenate %slice3A_2400, %slice3A_2401 in 1 : vector<512x64xi32>, vector<512x64xi32> -> vector<512x128xi32>
    %iota3A_2403 = tpu.iota {dimensions = array<i32: 1>} : vector<512x128xi32>
    %and3A_2404 = arith.constant 64 : i32
    %and3A_2405 = vector.broadcast %and3A_2404 : i32 to vector<512x128xi32>
    %and3A_2406 = arith.andi %iota3A_2403, %and3A_2405 : vector<512x128xi32>
    %eq3A_2407 = arith.constant 0 : i32
    %eq3A_2408 = vector.broadcast %eq3A_2407 : i32 to vector<512x128xi32>
    %eq3A_2409 = arith.cmpi eq, %and3A_2406, %eq3A_2408 : vector<512x128xi32>
    %select_n3A_2410 = arith.select %eq3A_2409, %concatenate3A_2399, %concatenate3A_2402 : vector<512x128xi1>, vector<512x128xi32>
    %gt3A_2411 = arith.cmpi sgt, %select_n3A_2375, %select_n3A_2390 : vector<512x128xi32>
    %eq3A_2412 = arith.cmpi eq, %select_n3A_2375, %select_n3A_2390 : vector<512x128xi32>
    %lt3A_2413 = arith.cmpi slt, %select_n3A_2376, %select_n3A_2410 : vector<512x128xi32>
    %and3A_2414 = arith.andi %eq3A_2412, %lt3A_2413 : vector<512x128xi1>
    %or3A_2415 = arith.ori %gt3A_2411, %and3A_2414 : vector<512x128xi1>
    %eq3A_2416 = arith.xori %eq3A_2396, %eq3A_2235 : vector<512x128xi1>
    %eq3A_2417 = arith.constant dense<true> : vector<512x128xi1>
    %eq3A_2418 = arith.xori %eq3A_2416, %eq3A_2417 : vector<512x128xi1>
    %eq3A_2419 = arith.xori %or3A_2415, %eq3A_2418 : vector<512x128xi1>
    %eq3A_2420 = arith.constant dense<true> : vector<512x128xi1>
    %eq3A_2421 = arith.xori %eq3A_2419, %eq3A_2420 : vector<512x128xi1>
    %select_n3A_2422 = arith.select %eq3A_2421, %select_n3A_2375, %select_n3A_2390 : vector<512x128xi1>, vector<512x128xi32>
    %select_n3A_2423 = arith.select %eq3A_2421, %select_n3A_2376, %select_n3A_2410 : vector<512x128xi1>, vector<512x128xi32>
    %slice3A_2424 = vector.extract_strided_slice %select_n3A_2422 {offsets = [0, 32], sizes = [512, 96], strides = [1, 1]} : vector<512x128xi32> to vector<512x96xi32>
    %slice3A_2425 = vector.extract_strided_slice %select_n3A_2422 {offsets = [0, 0], sizes = [512, 32], strides = [1, 1]} : vector<512x128xi32> to vector<512x32xi32>
    %concatenate3A_2426 = tpu.concatenate %slice3A_2424, %slice3A_2425 in 1 : vector<512x96xi32>, vector<512x32xi32> -> vector<512x128xi32>
    %slice3A_2427 = vector.extract_strided_slice %select_n3A_2422 {offsets = [0, 96], sizes = [512, 32], strides = [1, 1]} : vector<512x128xi32> to vector<512x32xi32>
    %slice3A_2428 = vector.extract_strided_slice %select_n3A_2422 {offsets = [0, 0], sizes = [512, 96], strides = [1, 1]} : vector<512x128xi32> to vector<512x96xi32>
    %concatenate3A_2429 = tpu.concatenate %slice3A_2427, %slice3A_2428 in 1 : vector<512x32xi32>, vector<512x96xi32> -> vector<512x128xi32>
    %iota3A_2430 = tpu.iota {dimensions = array<i32: 1>} : vector<512x128xi32>
    %and3A_2431 = arith.constant 32 : i32
    %and3A_2432 = vector.broadcast %and3A_2431 : i32 to vector<512x128xi32>
    %and3A_2433 = arith.andi %iota3A_2430, %and3A_2432 : vector<512x128xi32>
    %eq3A_2434 = arith.constant 0 : i32
    %eq3A_2435 = vector.broadcast %eq3A_2434 : i32 to vector<512x128xi32>
    %eq3A_2436 = arith.cmpi eq, %and3A_2433, %eq3A_2435 : vector<512x128xi32>
    %select_n3A_2437 = arith.select %eq3A_2436, %concatenate3A_2426, %concatenate3A_2429 : vector<512x128xi1>, vector<512x128xi32>
    %and3A_2438 = arith.constant 32 : i32
    %and3A_2439 = vector.broadcast %and3A_2438 : i32 to vector<512x128xi32>
    %and3A_2440 = arith.andi %iota3A_2430, %and3A_2439 : vector<512x128xi32>
    %eq3A_2441 = arith.constant 0 : i32
    %eq3A_2442 = vector.broadcast %eq3A_2441 : i32 to vector<512x128xi32>
    %eq3A_2443 = arith.cmpi eq, %and3A_2440, %eq3A_2442 : vector<512x128xi32>
    %slice3A_2444 = vector.extract_strided_slice %select_n3A_2423 {offsets = [0, 32], sizes = [512, 96], strides = [1, 1]} : vector<512x128xi32> to vector<512x96xi32>
    %slice3A_2445 = vector.extract_strided_slice %select_n3A_2423 {offsets = [0, 0], sizes = [512, 32], strides = [1, 1]} : vector<512x128xi32> to vector<512x32xi32>
    %concatenate3A_2446 = tpu.concatenate %slice3A_2444, %slice3A_2445 in 1 : vector<512x96xi32>, vector<512x32xi32> -> vector<512x128xi32>
    %slice3A_2447 = vector.extract_strided_slice %select_n3A_2423 {offsets = [0, 96], sizes = [512, 32], strides = [1, 1]} : vector<512x128xi32> to vector<512x32xi32>
    %slice3A_2448 = vector.extract_strided_slice %select_n3A_2423 {offsets = [0, 0], sizes = [512, 96], strides = [1, 1]} : vector<512x128xi32> to vector<512x96xi32>
    %concatenate3A_2449 = tpu.concatenate %slice3A_2447, %slice3A_2448 in 1 : vector<512x32xi32>, vector<512x96xi32> -> vector<512x128xi32>
    %iota3A_2450 = tpu.iota {dimensions = array<i32: 1>} : vector<512x128xi32>
    %and3A_2451 = arith.constant 32 : i32
    %and3A_2452 = vector.broadcast %and3A_2451 : i32 to vector<512x128xi32>
    %and3A_2453 = arith.andi %iota3A_2450, %and3A_2452 : vector<512x128xi32>
    %eq3A_2454 = arith.constant 0 : i32
    %eq3A_2455 = vector.broadcast %eq3A_2454 : i32 to vector<512x128xi32>
    %eq3A_2456 = arith.cmpi eq, %and3A_2453, %eq3A_2455 : vector<512x128xi32>
    %select_n3A_2457 = arith.select %eq3A_2456, %concatenate3A_2446, %concatenate3A_2449 : vector<512x128xi1>, vector<512x128xi32>
    %gt3A_2458 = arith.cmpi sgt, %select_n3A_2422, %select_n3A_2437 : vector<512x128xi32>
    %eq3A_2459 = arith.cmpi eq, %select_n3A_2422, %select_n3A_2437 : vector<512x128xi32>
    %lt3A_2460 = arith.cmpi slt, %select_n3A_2423, %select_n3A_2457 : vector<512x128xi32>
    %and3A_2461 = arith.andi %eq3A_2459, %lt3A_2460 : vector<512x128xi1>
    %or3A_2462 = arith.ori %gt3A_2458, %and3A_2461 : vector<512x128xi1>
    %eq3A_2463 = arith.xori %eq3A_2443, %eq3A_2235 : vector<512x128xi1>
    %eq3A_2464 = arith.constant dense<true> : vector<512x128xi1>
    %eq3A_2465 = arith.xori %eq3A_2463, %eq3A_2464 : vector<512x128xi1>
    %eq3A_2466 = arith.xori %or3A_2462, %eq3A_2465 : vector<512x128xi1>
    %eq3A_2467 = arith.constant dense<true> : vector<512x128xi1>
    %eq3A_2468 = arith.xori %eq3A_2466, %eq3A_2467 : vector<512x128xi1>
    %select_n3A_2469 = arith.select %eq3A_2468, %select_n3A_2422, %select_n3A_2437 : vector<512x128xi1>, vector<512x128xi32>
    %select_n3A_2470 = arith.select %eq3A_2468, %select_n3A_2423, %select_n3A_2457 : vector<512x128xi1>, vector<512x128xi32>
    %slice3A_2471 = vector.extract_strided_slice %select_n3A_2469 {offsets = [0, 16], sizes = [512, 112], strides = [1, 1]} : vector<512x128xi32> to vector<512x112xi32>
    %slice3A_2472 = vector.extract_strided_slice %select_n3A_2469 {offsets = [0, 0], sizes = [512, 16], strides = [1, 1]} : vector<512x128xi32> to vector<512x16xi32>
    %concatenate3A_2473 = tpu.concatenate %slice3A_2471, %slice3A_2472 in 1 : vector<512x112xi32>, vector<512x16xi32> -> vector<512x128xi32>
    %slice3A_2474 = vector.extract_strided_slice %select_n3A_2469 {offsets = [0, 112], sizes = [512, 16], strides = [1, 1]} : vector<512x128xi32> to vector<512x16xi32>
    %slice3A_2475 = vector.extract_strided_slice %select_n3A_2469 {offsets = [0, 0], sizes = [512, 112], strides = [1, 1]} : vector<512x128xi32> to vector<512x112xi32>
    %concatenate3A_2476 = tpu.concatenate %slice3A_2474, %slice3A_2475 in 1 : vector<512x16xi32>, vector<512x112xi32> -> vector<512x128xi32>
    %iota3A_2477 = tpu.iota {dimensions = array<i32: 1>} : vector<512x128xi32>
    %and3A_2478 = arith.constant 16 : i32
    %and3A_2479 = vector.broadcast %and3A_2478 : i32 to vector<512x128xi32>
    %and3A_2480 = arith.andi %iota3A_2477, %and3A_2479 : vector<512x128xi32>
    %eq3A_2481 = arith.constant 0 : i32
    %eq3A_2482 = vector.broadcast %eq3A_2481 : i32 to vector<512x128xi32>
    %eq3A_2483 = arith.cmpi eq, %and3A_2480, %eq3A_2482 : vector<512x128xi32>
    %select_n3A_2484 = arith.select %eq3A_2483, %concatenate3A_2473, %concatenate3A_2476 : vector<512x128xi1>, vector<512x128xi32>
    %and3A_2485 = arith.constant 16 : i32
    %and3A_2486 = vector.broadcast %and3A_2485 : i32 to vector<512x128xi32>
    %and3A_2487 = arith.andi %iota3A_2477, %and3A_2486 : vector<512x128xi32>
    %eq3A_2488 = arith.constant 0 : i32
    %eq3A_2489 = vector.broadcast %eq3A_2488 : i32 to vector<512x128xi32>
    %eq3A_2490 = arith.cmpi eq, %and3A_2487, %eq3A_2489 : vector<512x128xi32>
    %slice3A_2491 = vector.extract_strided_slice %select_n3A_2470 {offsets = [0, 16], sizes = [512, 112], strides = [1, 1]} : vector<512x128xi32> to vector<512x112xi32>
    %slice3A_2492 = vector.extract_strided_slice %select_n3A_2470 {offsets = [0, 0], sizes = [512, 16], strides = [1, 1]} : vector<512x128xi32> to vector<512x16xi32>
    %concatenate3A_2493 = tpu.concatenate %slice3A_2491, %slice3A_2492 in 1 : vector<512x112xi32>, vector<512x16xi32> -> vector<512x128xi32>
    %slice3A_2494 = vector.extract_strided_slice %select_n3A_2470 {offsets = [0, 112], sizes = [512, 16], strides = [1, 1]} : vector<512x128xi32> to vector<512x16xi32>
    %slice3A_2495 = vector.extract_strided_slice %select_n3A_2470 {offsets = [0, 0], sizes = [512, 112], strides = [1, 1]} : vector<512x128xi32> to vector<512x112xi32>
    %concatenate3A_2496 = tpu.concatenate %slice3A_2494, %slice3A_2495 in 1 : vector<512x16xi32>, vector<512x112xi32> -> vector<512x128xi32>
    %iota3A_2497 = tpu.iota {dimensions = array<i32: 1>} : vector<512x128xi32>
    %and3A_2498 = arith.constant 16 : i32
    %and3A_2499 = vector.broadcast %and3A_2498 : i32 to vector<512x128xi32>
    %and3A_2500 = arith.andi %iota3A_2497, %and3A_2499 : vector<512x128xi32>
    %eq3A_2501 = arith.constant 0 : i32
    %eq3A_2502 = vector.broadcast %eq3A_2501 : i32 to vector<512x128xi32>
    %eq3A_2503 = arith.cmpi eq, %and3A_2500, %eq3A_2502 : vector<512x128xi32>
    %select_n3A_2504 = arith.select %eq3A_2503, %concatenate3A_2493, %concatenate3A_2496 : vector<512x128xi1>, vector<512x128xi32>
    %gt3A_2505 = arith.cmpi sgt, %select_n3A_2469, %select_n3A_2484 : vector<512x128xi32>
    %eq3A_2506 = arith.cmpi eq, %select_n3A_2469, %select_n3A_2484 : vector<512x128xi32>
    %lt3A_2507 = arith.cmpi slt, %select_n3A_2470, %select_n3A_2504 : vector<512x128xi32>
    %and3A_2508 = arith.andi %eq3A_2506, %lt3A_2507 : vector<512x128xi1>
    %or3A_2509 = arith.ori %gt3A_2505, %and3A_2508 : vector<512x128xi1>
    %eq3A_2510 = arith.xori %eq3A_2490, %eq3A_2235 : vector<512x128xi1>
    %eq3A_2511 = arith.constant dense<true> : vector<512x128xi1>
    %eq3A_2512 = arith.xori %eq3A_2510, %eq3A_2511 : vector<512x128xi1>
    %eq3A_2513 = arith.xori %or3A_2509, %eq3A_2512 : vector<512x128xi1>
    %eq3A_2514 = arith.constant dense<true> : vector<512x128xi1>
    %eq3A_2515 = arith.xori %eq3A_2513, %eq3A_2514 : vector<512x128xi1>
    %select_n3A_2516 = arith.select %eq3A_2515, %select_n3A_2469, %select_n3A_2484 : vector<512x128xi1>, vector<512x128xi32>
    %select_n3A_2517 = arith.select %eq3A_2515, %select_n3A_2470, %select_n3A_2504 : vector<512x128xi1>, vector<512x128xi32>
    %slice3A_2518 = vector.extract_strided_slice %select_n3A_2516 {offsets = [0, 8], sizes = [512, 120], strides = [1, 1]} : vector<512x128xi32> to vector<512x120xi32>
    %slice3A_2519 = vector.extract_strided_slice %select_n3A_2516 {offsets = [0, 0], sizes = [512, 8], strides = [1, 1]} : vector<512x128xi32> to vector<512x8xi32>
    %concatenate3A_2520 = tpu.concatenate %slice3A_2518, %slice3A_2519 in 1 : vector<512x120xi32>, vector<512x8xi32> -> vector<512x128xi32>
    %slice3A_2521 = vector.extract_strided_slice %select_n3A_2516 {offsets = [0, 120], sizes = [512, 8], strides = [1, 1]} : vector<512x128xi32> to vector<512x8xi32>
    %slice3A_2522 = vector.extract_strided_slice %select_n3A_2516 {offsets = [0, 0], sizes = [512, 120], strides = [1, 1]} : vector<512x128xi32> to vector<512x120xi32>
    %concatenate3A_2523 = tpu.concatenate %slice3A_2521, %slice3A_2522 in 1 : vector<512x8xi32>, vector<512x120xi32> -> vector<512x128xi32>
    %iota3A_2524 = tpu.iota {dimensions = array<i32: 1>} : vector<512x128xi32>
    %and3A_2525 = arith.constant 8 : i32
    %and3A_2526 = vector.broadcast %and3A_2525 : i32 to vector<512x128xi32>
    %and3A_2527 = arith.andi %iota3A_2524, %and3A_2526 : vector<512x128xi32>
    %eq3A_2528 = arith.constant 0 : i32
    %eq3A_2529 = vector.broadcast %eq3A_2528 : i32 to vector<512x128xi32>
    %eq3A_2530 = arith.cmpi eq, %and3A_2527, %eq3A_2529 : vector<512x128xi32>
    %select_n3A_2531 = arith.select %eq3A_2530, %concatenate3A_2520, %concatenate3A_2523 : vector<512x128xi1>, vector<512x128xi32>
    %and3A_2532 = arith.constant 8 : i32
    %and3A_2533 = vector.broadcast %and3A_2532 : i32 to vector<512x128xi32>
    %and3A_2534 = arith.andi %iota3A_2524, %and3A_2533 : vector<512x128xi32>
    %eq3A_2535 = arith.constant 0 : i32
    %eq3A_2536 = vector.broadcast %eq3A_2535 : i32 to vector<512x128xi32>
    %eq3A_2537 = arith.cmpi eq, %and3A_2534, %eq3A_2536 : vector<512x128xi32>
    %slice3A_2538 = vector.extract_strided_slice %select_n3A_2517 {offsets = [0, 8], sizes = [512, 120], strides = [1, 1]} : vector<512x128xi32> to vector<512x120xi32>
    %slice3A_2539 = vector.extract_strided_slice %select_n3A_2517 {offsets = [0, 0], sizes = [512, 8], strides = [1, 1]} : vector<512x128xi32> to vector<512x8xi32>
    %concatenate3A_2540 = tpu.concatenate %slice3A_2538, %slice3A_2539 in 1 : vector<512x120xi32>, vector<512x8xi32> -> vector<512x128xi32>
    %slice3A_2541 = vector.extract_strided_slice %select_n3A_2517 {offsets = [0, 120], sizes = [512, 8], strides = [1, 1]} : vector<512x128xi32> to vector<512x8xi32>
    %slice3A_2542 = vector.extract_strided_slice %select_n3A_2517 {offsets = [0, 0], sizes = [512, 120], strides = [1, 1]} : vector<512x128xi32> to vector<512x120xi32>
    %concatenate3A_2543 = tpu.concatenate %slice3A_2541, %slice3A_2542 in 1 : vector<512x8xi32>, vector<512x120xi32> -> vector<512x128xi32>
    %iota3A_2544 = tpu.iota {dimensions = array<i32: 1>} : vector<512x128xi32>
    %and3A_2545 = arith.constant 8 : i32
    %and3A_2546 = vector.broadcast %and3A_2545 : i32 to vector<512x128xi32>
    %and3A_2547 = arith.andi %iota3A_2544, %and3A_2546 : vector<512x128xi32>
    %eq3A_2548 = arith.constant 0 : i32
    %eq3A_2549 = vector.broadcast %eq3A_2548 : i32 to vector<512x128xi32>
    %eq3A_2550 = arith.cmpi eq, %and3A_2547, %eq3A_2549 : vector<512x128xi32>
    %select_n3A_2551 = arith.select %eq3A_2550, %concatenate3A_2540, %concatenate3A_2543 : vector<512x128xi1>, vector<512x128xi32>
    %gt3A_2552 = arith.cmpi sgt, %select_n3A_2516, %select_n3A_2531 : vector<512x128xi32>
    %eq3A_2553 = arith.cmpi eq, %select_n3A_2516, %select_n3A_2531 : vector<512x128xi32>
    %lt3A_2554 = arith.cmpi slt, %select_n3A_2517, %select_n3A_2551 : vector<512x128xi32>
    %and3A_2555 = arith.andi %eq3A_2553, %lt3A_2554 : vector<512x128xi1>
    %or3A_2556 = arith.ori %gt3A_2552, %and3A_2555 : vector<512x128xi1>
    %eq3A_2557 = arith.xori %eq3A_2537, %eq3A_2235 : vector<512x128xi1>
    %eq3A_2558 = arith.constant dense<true> : vector<512x128xi1>
    %eq3A_2559 = arith.xori %eq3A_2557, %eq3A_2558 : vector<512x128xi1>
    %eq3A_2560 = arith.xori %or3A_2556, %eq3A_2559 : vector<512x128xi1>
    %eq3A_2561 = arith.constant dense<true> : vector<512x128xi1>
    %eq3A_2562 = arith.xori %eq3A_2560, %eq3A_2561 : vector<512x128xi1>
    %select_n3A_2563 = arith.select %eq3A_2562, %select_n3A_2516, %select_n3A_2531 : vector<512x128xi1>, vector<512x128xi32>
    %select_n3A_2564 = arith.select %eq3A_2562, %select_n3A_2517, %select_n3A_2551 : vector<512x128xi1>, vector<512x128xi32>
    %slice3A_2565 = vector.extract_strided_slice %select_n3A_2563 {offsets = [0, 4], sizes = [512, 124], strides = [1, 1]} : vector<512x128xi32> to vector<512x124xi32>
    %slice3A_2566 = vector.extract_strided_slice %select_n3A_2563 {offsets = [0, 0], sizes = [512, 4], strides = [1, 1]} : vector<512x128xi32> to vector<512x4xi32>
    %concatenate3A_2567 = tpu.concatenate %slice3A_2565, %slice3A_2566 in 1 : vector<512x124xi32>, vector<512x4xi32> -> vector<512x128xi32>
    %slice3A_2568 = vector.extract_strided_slice %select_n3A_2563 {offsets = [0, 124], sizes = [512, 4], strides = [1, 1]} : vector<512x128xi32> to vector<512x4xi32>
    %slice3A_2569 = vector.extract_strided_slice %select_n3A_2563 {offsets = [0, 0], sizes = [512, 124], strides = [1, 1]} : vector<512x128xi32> to vector<512x124xi32>
    %concatenate3A_2570 = tpu.concatenate %slice3A_2568, %slice3A_2569 in 1 : vector<512x4xi32>, vector<512x124xi32> -> vector<512x128xi32>
    %iota3A_2571 = tpu.iota {dimensions = array<i32: 1>} : vector<512x128xi32>
    %and3A_2572 = arith.constant 4 : i32
    %and3A_2573 = vector.broadcast %and3A_2572 : i32 to vector<512x128xi32>
    %and3A_2574 = arith.andi %iota3A_2571, %and3A_2573 : vector<512x128xi32>
    %eq3A_2575 = arith.constant 0 : i32
    %eq3A_2576 = vector.broadcast %eq3A_2575 : i32 to vector<512x128xi32>
    %eq3A_2577 = arith.cmpi eq, %and3A_2574, %eq3A_2576 : vector<512x128xi32>
    %select_n3A_2578 = arith.select %eq3A_2577, %concatenate3A_2567, %concatenate3A_2570 : vector<512x128xi1>, vector<512x128xi32>
    %and3A_2579 = arith.constant 4 : i32
    %and3A_2580 = vector.broadcast %and3A_2579 : i32 to vector<512x128xi32>
    %and3A_2581 = arith.andi %iota3A_2571, %and3A_2580 : vector<512x128xi32>
    %eq3A_2582 = arith.constant 0 : i32
    %eq3A_2583 = vector.broadcast %eq3A_2582 : i32 to vector<512x128xi32>
    %eq3A_2584 = arith.cmpi eq, %and3A_2581, %eq3A_2583 : vector<512x128xi32>
    %slice3A_2585 = vector.extract_strided_slice %select_n3A_2564 {offsets = [0, 4], sizes = [512, 124], strides = [1, 1]} : vector<512x128xi32> to vector<512x124xi32>
    %slice3A_2586 = vector.extract_strided_slice %select_n3A_2564 {offsets = [0, 0], sizes = [512, 4], strides = [1, 1]} : vector<512x128xi32> to vector<512x4xi32>
    %concatenate3A_2587 = tpu.concatenate %slice3A_2585, %slice3A_2586 in 1 : vector<512x124xi32>, vector<512x4xi32> -> vector<512x128xi32>
    %slice3A_2588 = vector.extract_strided_slice %select_n3A_2564 {offsets = [0, 124], sizes = [512, 4], strides = [1, 1]} : vector<512x128xi32> to vector<512x4xi32>
    %slice3A_2589 = vector.extract_strided_slice %select_n3A_2564 {offsets = [0, 0], sizes = [512, 124], strides = [1, 1]} : vector<512x128xi32> to vector<512x124xi32>
    %concatenate3A_2590 = tpu.concatenate %slice3A_2588, %slice3A_2589 in 1 : vector<512x4xi32>, vector<512x124xi32> -> vector<512x128xi32>
    %iota3A_2591 = tpu.iota {dimensions = array<i32: 1>} : vector<512x128xi32>
    %and3A_2592 = arith.constant 4 : i32
    %and3A_2593 = vector.broadcast %and3A_2592 : i32 to vector<512x128xi32>
    %and3A_2594 = arith.andi %iota3A_2591, %and3A_2593 : vector<512x128xi32>
    %eq3A_2595 = arith.constant 0 : i32
    %eq3A_2596 = vector.broadcast %eq3A_2595 : i32 to vector<512x128xi32>
    %eq3A_2597 = arith.cmpi eq, %and3A_2594, %eq3A_2596 : vector<512x128xi32>
    %select_n3A_2598 = arith.select %eq3A_2597, %concatenate3A_2587, %concatenate3A_2590 : vector<512x128xi1>, vector<512x128xi32>
    %gt3A_2599 = arith.cmpi sgt, %select_n3A_2563, %select_n3A_2578 : vector<512x128xi32>
    %eq3A_2600 = arith.cmpi eq, %select_n3A_2563, %select_n3A_2578 : vector<512x128xi32>
    %lt3A_2601 = arith.cmpi slt, %select_n3A_2564, %select_n3A_2598 : vector<512x128xi32>
    %and3A_2602 = arith.andi %eq3A_2600, %lt3A_2601 : vector<512x128xi1>
    %or3A_2603 = arith.ori %gt3A_2599, %and3A_2602 : vector<512x128xi1>
    %eq3A_2604 = arith.xori %eq3A_2584, %eq3A_2235 : vector<512x128xi1>
    %eq3A_2605 = arith.constant dense<true> : vector<512x128xi1>
    %eq3A_2606 = arith.xori %eq3A_2604, %eq3A_2605 : vector<512x128xi1>
    %eq3A_2607 = arith.xori %or3A_2603, %eq3A_2606 : vector<512x128xi1>
    %eq3A_2608 = arith.constant dense<true> : vector<512x128xi1>
    %eq3A_2609 = arith.xori %eq3A_2607, %eq3A_2608 : vector<512x128xi1>
    %select_n3A_2610 = arith.select %eq3A_2609, %select_n3A_2563, %select_n3A_2578 : vector<512x128xi1>, vector<512x128xi32>
    %select_n3A_2611 = arith.select %eq3A_2609, %select_n3A_2564, %select_n3A_2598 : vector<512x128xi1>, vector<512x128xi32>
    %slice3A_2612 = vector.extract_strided_slice %select_n3A_2610 {offsets = [0, 2], sizes = [512, 126], strides = [1, 1]} : vector<512x128xi32> to vector<512x126xi32>
    %slice3A_2613 = vector.extract_strided_slice %select_n3A_2610 {offsets = [0, 0], sizes = [512, 2], strides = [1, 1]} : vector<512x128xi32> to vector<512x2xi32>
    %concatenate3A_2614 = tpu.concatenate %slice3A_2612, %slice3A_2613 in 1 : vector<512x126xi32>, vector<512x2xi32> -> vector<512x128xi32>
    %slice3A_2615 = vector.extract_strided_slice %select_n3A_2610 {offsets = [0, 126], sizes = [512, 2], strides = [1, 1]} : vector<512x128xi32> to vector<512x2xi32>
    %slice3A_2616 = vector.extract_strided_slice %select_n3A_2610 {offsets = [0, 0], sizes = [512, 126], strides = [1, 1]} : vector<512x128xi32> to vector<512x126xi32>
    %concatenate3A_2617 = tpu.concatenate %slice3A_2615, %slice3A_2616 in 1 : vector<512x2xi32>, vector<512x126xi32> -> vector<512x128xi32>
    %iota3A_2618 = tpu.iota {dimensions = array<i32: 1>} : vector<512x128xi32>
    %and3A_2619 = arith.constant 2 : i32
    %and3A_2620 = vector.broadcast %and3A_2619 : i32 to vector<512x128xi32>
    %and3A_2621 = arith.andi %iota3A_2618, %and3A_2620 : vector<512x128xi32>
    %eq3A_2622 = arith.constant 0 : i32
    %eq3A_2623 = vector.broadcast %eq3A_2622 : i32 to vector<512x128xi32>
    %eq3A_2624 = arith.cmpi eq, %and3A_2621, %eq3A_2623 : vector<512x128xi32>
    %select_n3A_2625 = arith.select %eq3A_2624, %concatenate3A_2614, %concatenate3A_2617 : vector<512x128xi1>, vector<512x128xi32>
    %and3A_2626 = arith.constant 2 : i32
    %and3A_2627 = vector.broadcast %and3A_2626 : i32 to vector<512x128xi32>
    %and3A_2628 = arith.andi %iota3A_2618, %and3A_2627 : vector<512x128xi32>
    %eq3A_2629 = arith.constant 0 : i32
    %eq3A_2630 = vector.broadcast %eq3A_2629 : i32 to vector<512x128xi32>
    %eq3A_2631 = arith.cmpi eq, %and3A_2628, %eq3A_2630 : vector<512x128xi32>
    %slice3A_2632 = vector.extract_strided_slice %select_n3A_2611 {offsets = [0, 2], sizes = [512, 126], strides = [1, 1]} : vector<512x128xi32> to vector<512x126xi32>
    %slice3A_2633 = vector.extract_strided_slice %select_n3A_2611 {offsets = [0, 0], sizes = [512, 2], strides = [1, 1]} : vector<512x128xi32> to vector<512x2xi32>
    %concatenate3A_2634 = tpu.concatenate %slice3A_2632, %slice3A_2633 in 1 : vector<512x126xi32>, vector<512x2xi32> -> vector<512x128xi32>
    %slice3A_2635 = vector.extract_strided_slice %select_n3A_2611 {offsets = [0, 126], sizes = [512, 2], strides = [1, 1]} : vector<512x128xi32> to vector<512x2xi32>
    %slice3A_2636 = vector.extract_strided_slice %select_n3A_2611 {offsets = [0, 0], sizes = [512, 126], strides = [1, 1]} : vector<512x128xi32> to vector<512x126xi32>
    %concatenate3A_2637 = tpu.concatenate %slice3A_2635, %slice3A_2636 in 1 : vector<512x2xi32>, vector<512x126xi32> -> vector<512x128xi32>
    %iota3A_2638 = tpu.iota {dimensions = array<i32: 1>} : vector<512x128xi32>
    %and3A_2639 = arith.constant 2 : i32
    %and3A_2640 = vector.broadcast %and3A_2639 : i32 to vector<512x128xi32>
    %and3A_2641 = arith.andi %iota3A_2638, %and3A_2640 : vector<512x128xi32>
    %eq3A_2642 = arith.constant 0 : i32
    %eq3A_2643 = vector.broadcast %eq3A_2642 : i32 to vector<512x128xi32>
    %eq3A_2644 = arith.cmpi eq, %and3A_2641, %eq3A_2643 : vector<512x128xi32>
    %select_n3A_2645 = arith.select %eq3A_2644, %concatenate3A_2634, %concatenate3A_2637 : vector<512x128xi1>, vector<512x128xi32>
    %gt3A_2646 = arith.cmpi sgt, %select_n3A_2610, %select_n3A_2625 : vector<512x128xi32>
    %eq3A_2647 = arith.cmpi eq, %select_n3A_2610, %select_n3A_2625 : vector<512x128xi32>
    %lt3A_2648 = arith.cmpi slt, %select_n3A_2611, %select_n3A_2645 : vector<512x128xi32>
    %and3A_2649 = arith.andi %eq3A_2647, %lt3A_2648 : vector<512x128xi1>
    %or3A_2650 = arith.ori %gt3A_2646, %and3A_2649 : vector<512x128xi1>
    %eq3A_2651 = arith.xori %eq3A_2631, %eq3A_2235 : vector<512x128xi1>
    %eq3A_2652 = arith.constant dense<true> : vector<512x128xi1>
    %eq3A_2653 = arith.xori %eq3A_2651, %eq3A_2652 : vector<512x128xi1>
    %eq3A_2654 = arith.xori %or3A_2650, %eq3A_2653 : vector<512x128xi1>
    %eq3A_2655 = arith.constant dense<true> : vector<512x128xi1>
    %eq3A_2656 = arith.xori %eq3A_2654, %eq3A_2655 : vector<512x128xi1>
    %select_n3A_2657 = arith.select %eq3A_2656, %select_n3A_2610, %select_n3A_2625 : vector<512x128xi1>, vector<512x128xi32>
    %select_n3A_2658 = arith.select %eq3A_2656, %select_n3A_2611, %select_n3A_2645 : vector<512x128xi1>, vector<512x128xi32>
    %slice3A_2659 = vector.extract_strided_slice %select_n3A_2657 {offsets = [0, 1], sizes = [512, 127], strides = [1, 1]} : vector<512x128xi32> to vector<512x127xi32>
    %slice3A_2660 = vector.extract_strided_slice %select_n3A_2657 {offsets = [0, 0], sizes = [512, 1], strides = [1, 1]} : vector<512x128xi32> to vector<512x1xi32>
    %concatenate3A_2661 = tpu.concatenate %slice3A_2659, %slice3A_2660 in 1 : vector<512x127xi32>, vector<512x1xi32> -> vector<512x128xi32>
    %slice3A_2662 = vector.extract_strided_slice %select_n3A_2657 {offsets = [0, 127], sizes = [512, 1], strides = [1, 1]} : vector<512x128xi32> to vector<512x1xi32>
    %slice3A_2663 = vector.extract_strided_slice %select_n3A_2657 {offsets = [0, 0], sizes = [512, 127], strides = [1, 1]} : vector<512x128xi32> to vector<512x127xi32>
    %concatenate3A_2664 = tpu.concatenate %slice3A_2662, %slice3A_2663 in 1 : vector<512x1xi32>, vector<512x127xi32> -> vector<512x128xi32>
    %iota3A_2665 = tpu.iota {dimensions = array<i32: 1>} : vector<512x128xi32>
    %and3A_2666 = arith.constant 1 : i32
    %and3A_2667 = vector.broadcast %and3A_2666 : i32 to vector<512x128xi32>
    %and3A_2668 = arith.andi %iota3A_2665, %and3A_2667 : vector<512x128xi32>
    %eq3A_2669 = arith.constant 0 : i32
    %eq3A_2670 = vector.broadcast %eq3A_2669 : i32 to vector<512x128xi32>
    %eq3A_2671 = arith.cmpi eq, %and3A_2668, %eq3A_2670 : vector<512x128xi32>
    %select_n3A_2672 = arith.select %eq3A_2671, %concatenate3A_2661, %concatenate3A_2664 : vector<512x128xi1>, vector<512x128xi32>
    %and3A_2673 = arith.constant 1 : i32
    %and3A_2674 = vector.broadcast %and3A_2673 : i32 to vector<512x128xi32>
    %and3A_2675 = arith.andi %iota3A_2665, %and3A_2674 : vector<512x128xi32>
    %eq3A_2676 = arith.constant 0 : i32
    %eq3A_2677 = vector.broadcast %eq3A_2676 : i32 to vector<512x128xi32>
    %eq3A_2678 = arith.cmpi eq, %and3A_2675, %eq3A_2677 : vector<512x128xi32>
    %slice3A_2679 = vector.extract_strided_slice %select_n3A_2658 {offsets = [0, 1], sizes = [512, 127], strides = [1, 1]} : vector<512x128xi32> to vector<512x127xi32>
    %slice3A_2680 = vector.extract_strided_slice %select_n3A_2658 {offsets = [0, 0], sizes = [512, 1], strides = [1, 1]} : vector<512x128xi32> to vector<512x1xi32>
    %concatenate3A_2681 = tpu.concatenate %slice3A_2679, %slice3A_2680 in 1 : vector<512x127xi32>, vector<512x1xi32> -> vector<512x128xi32>
    %slice3A_2682 = vector.extract_strided_slice %select_n3A_2658 {offsets = [0, 127], sizes = [512, 1], strides = [1, 1]} : vector<512x128xi32> to vector<512x1xi32>
    %slice3A_2683 = vector.extract_strided_slice %select_n3A_2658 {offsets = [0, 0], sizes = [512, 127], strides = [1, 1]} : vector<512x128xi32> to vector<512x127xi32>
    %concatenate3A_2684 = tpu.concatenate %slice3A_2682, %slice3A_2683 in 1 : vector<512x1xi32>, vector<512x127xi32> -> vector<512x128xi32>
    %iota3A_2685 = tpu.iota {dimensions = array<i32: 1>} : vector<512x128xi32>
    %and3A_2686 = arith.constant 1 : i32
    %and3A_2687 = vector.broadcast %and3A_2686 : i32 to vector<512x128xi32>
    %and3A_2688 = arith.andi %iota3A_2685, %and3A_2687 : vector<512x128xi32>
    %eq3A_2689 = arith.constant 0 : i32
    %eq3A_2690 = vector.broadcast %eq3A_2689 : i32 to vector<512x128xi32>
    %eq3A_2691 = arith.cmpi eq, %and3A_2688, %eq3A_2690 : vector<512x128xi32>
    %select_n3A_2692 = arith.select %eq3A_2691, %concatenate3A_2681, %concatenate3A_2684 : vector<512x128xi1>, vector<512x128xi32>
    %gt3A_2693 = arith.cmpi sgt, %select_n3A_2657, %select_n3A_2672 : vector<512x128xi32>
    %eq3A_2694 = arith.cmpi eq, %select_n3A_2657, %select_n3A_2672 : vector<512x128xi32>
    %lt3A_2695 = arith.cmpi slt, %select_n3A_2658, %select_n3A_2692 : vector<512x128xi32>
    %and3A_2696 = arith.andi %eq3A_2694, %lt3A_2695 : vector<512x128xi1>
    %or3A_2697 = arith.ori %gt3A_2693, %and3A_2696 : vector<512x128xi1>
    %eq3A_2698 = arith.xori %eq3A_2678, %eq3A_2235 : vector<512x128xi1>
    %eq3A_2699 = arith.constant dense<true> : vector<512x128xi1>
    %eq3A_2700 = arith.xori %eq3A_2698, %eq3A_2699 : vector<512x128xi1>
    %eq3A_2701 = arith.xori %or3A_2697, %eq3A_2700 : vector<512x128xi1>
    %eq3A_2702 = arith.constant dense<true> : vector<512x128xi1>
    %eq3A_2703 = arith.xori %eq3A_2701, %eq3A_2702 : vector<512x128xi1>
    %select_n3A_2704 = arith.select %eq3A_2703, %select_n3A_2657, %select_n3A_2672 : vector<512x128xi1>, vector<512x128xi32>
    %select_n3A_2705 = arith.select %eq3A_2703, %select_n3A_2658, %select_n3A_2692 : vector<512x128xi1>, vector<512x128xi32>
    %and3A_2706 = arith.constant 16 : i32
    %and3A_2707 = vector.broadcast %and3A_2706 : i32 to vector<512x128xi32>
    %and3A_2708 = arith.andi %and3A_64, %and3A_2707 : vector<512x128xi32>
    %eq3A_2709 = arith.constant 0 : i32
    %eq3A_2710 = vector.broadcast %eq3A_2709 : i32 to vector<512x128xi32>
    %eq3A_2711 = arith.cmpi eq, %and3A_2708, %eq3A_2710 : vector<512x128xi32>
    %slice3A_2712 = vector.extract_strided_slice %select_n3A_2704 {offsets = [8, 0], sizes = [504, 128], strides = [1, 1]} : vector<512x128xi32> to vector<504x128xi32>
    %slice3A_2713 = vector.extract_strided_slice %select_n3A_2704 {offsets = [0, 0], sizes = [8, 128], strides = [1, 1]} : vector<512x128xi32> to vector<8x128xi32>
    %concatenate3A_2714 = tpu.concatenate %slice3A_2712, %slice3A_2713 in 0 : vector<504x128xi32>, vector<8x128xi32> -> vector<512x128xi32>
    %slice3A_2715 = vector.extract_strided_slice %select_n3A_2704 {offsets = [504, 0], sizes = [8, 128], strides = [1, 1]} : vector<512x128xi32> to vector<8x128xi32>
    %slice3A_2716 = vector.extract_strided_slice %select_n3A_2704 {offsets = [0, 0], sizes = [504, 128], strides = [1, 1]} : vector<512x128xi32> to vector<504x128xi32>
    %concatenate3A_2717 = tpu.concatenate %slice3A_2715, %slice3A_2716 in 0 : vector<8x128xi32>, vector<504x128xi32> -> vector<512x128xi32>
    %iota3A_2718 = tpu.iota {dimensions = array<i32: 0>} : vector<512x128xi32>
    %and3A_2719 = arith.constant 8 : i32
    %and3A_2720 = vector.broadcast %and3A_2719 : i32 to vector<512x128xi32>
    %and3A_2721 = arith.andi %iota3A_2718, %and3A_2720 : vector<512x128xi32>
    %eq3A_2722 = arith.constant 0 : i32
    %eq3A_2723 = vector.broadcast %eq3A_2722 : i32 to vector<512x128xi32>
    %eq3A_2724 = arith.cmpi eq, %and3A_2721, %eq3A_2723 : vector<512x128xi32>
    %select_n3A_2725 = arith.select %eq3A_2724, %concatenate3A_2714, %concatenate3A_2717 : vector<512x128xi1>, vector<512x128xi32>
    %and3A_2726 = arith.constant 8 : i32
    %and3A_2727 = vector.broadcast %and3A_2726 : i32 to vector<512x128xi32>
    %and3A_2728 = arith.andi %iota3A_2718, %and3A_2727 : vector<512x128xi32>
    %eq3A_2729 = arith.constant 0 : i32
    %eq3A_2730 = vector.broadcast %eq3A_2729 : i32 to vector<512x128xi32>
    %eq3A_2731 = arith.cmpi eq, %and3A_2728, %eq3A_2730 : vector<512x128xi32>
    %slice3A_2732 = vector.extract_strided_slice %select_n3A_2705 {offsets = [8, 0], sizes = [504, 128], strides = [1, 1]} : vector<512x128xi32> to vector<504x128xi32>
    %slice3A_2733 = vector.extract_strided_slice %select_n3A_2705 {offsets = [0, 0], sizes = [8, 128], strides = [1, 1]} : vector<512x128xi32> to vector<8x128xi32>
    %concatenate3A_2734 = tpu.concatenate %slice3A_2732, %slice3A_2733 in 0 : vector<504x128xi32>, vector<8x128xi32> -> vector<512x128xi32>
    %slice3A_2735 = vector.extract_strided_slice %select_n3A_2705 {offsets = [504, 0], sizes = [8, 128], strides = [1, 1]} : vector<512x128xi32> to vector<8x128xi32>
    %slice3A_2736 = vector.extract_strided_slice %select_n3A_2705 {offsets = [0, 0], sizes = [504, 128], strides = [1, 1]} : vector<512x128xi32> to vector<504x128xi32>
    %concatenate3A_2737 = tpu.concatenate %slice3A_2735, %slice3A_2736 in 0 : vector<8x128xi32>, vector<504x128xi32> -> vector<512x128xi32>
    %iota3A_2738 = tpu.iota {dimensions = array<i32: 0>} : vector<512x128xi32>
    %and3A_2739 = arith.constant 8 : i32
    %and3A_2740 = vector.broadcast %and3A_2739 : i32 to vector<512x128xi32>
    %and3A_2741 = arith.andi %iota3A_2738, %and3A_2740 : vector<512x128xi32>
    %eq3A_2742 = arith.constant 0 : i32
    %eq3A_2743 = vector.broadcast %eq3A_2742 : i32 to vector<512x128xi32>
    %eq3A_2744 = arith.cmpi eq, %and3A_2741, %eq3A_2743 : vector<512x128xi32>
    %select_n3A_2745 = arith.select %eq3A_2744, %concatenate3A_2734, %concatenate3A_2737 : vector<512x128xi1>, vector<512x128xi32>
    %gt3A_2746 = arith.cmpi sgt, %select_n3A_2704, %select_n3A_2725 : vector<512x128xi32>
    %eq3A_2747 = arith.cmpi eq, %select_n3A_2704, %select_n3A_2725 : vector<512x128xi32>
    %lt3A_2748 = arith.cmpi slt, %select_n3A_2705, %select_n3A_2745 : vector<512x128xi32>
    %and3A_2749 = arith.andi %eq3A_2747, %lt3A_2748 : vector<512x128xi1>
    %or3A_2750 = arith.ori %gt3A_2746, %and3A_2749 : vector<512x128xi1>
    %eq3A_2751 = arith.xori %eq3A_2731, %eq3A_2711 : vector<512x128xi1>
    %eq3A_2752 = arith.constant dense<true> : vector<512x128xi1>
    %eq3A_2753 = arith.xori %eq3A_2751, %eq3A_2752 : vector<512x128xi1>
    %eq3A_2754 = arith.xori %or3A_2750, %eq3A_2753 : vector<512x128xi1>
    %eq3A_2755 = arith.constant dense<true> : vector<512x128xi1>
    %eq3A_2756 = arith.xori %eq3A_2754, %eq3A_2755 : vector<512x128xi1>
    %select_n3A_2757 = arith.select %eq3A_2756, %select_n3A_2704, %select_n3A_2725 : vector<512x128xi1>, vector<512x128xi32>
    %select_n3A_2758 = arith.select %eq3A_2756, %select_n3A_2705, %select_n3A_2745 : vector<512x128xi1>, vector<512x128xi32>
    %slice3A_2759 = vector.extract_strided_slice %select_n3A_2757 {offsets = [4, 0], sizes = [508, 128], strides = [1, 1]} : vector<512x128xi32> to vector<508x128xi32>
    %slice3A_2760 = vector.extract_strided_slice %select_n3A_2757 {offsets = [0, 0], sizes = [4, 128], strides = [1, 1]} : vector<512x128xi32> to vector<4x128xi32>
    %concatenate3A_2761 = tpu.concatenate %slice3A_2759, %slice3A_2760 in 0 : vector<508x128xi32>, vector<4x128xi32> -> vector<512x128xi32>
    %slice3A_2762 = vector.extract_strided_slice %select_n3A_2757 {offsets = [508, 0], sizes = [4, 128], strides = [1, 1]} : vector<512x128xi32> to vector<4x128xi32>
    %slice3A_2763 = vector.extract_strided_slice %select_n3A_2757 {offsets = [0, 0], sizes = [508, 128], strides = [1, 1]} : vector<512x128xi32> to vector<508x128xi32>
    %concatenate3A_2764 = tpu.concatenate %slice3A_2762, %slice3A_2763 in 0 : vector<4x128xi32>, vector<508x128xi32> -> vector<512x128xi32>
    %iota3A_2765 = tpu.iota {dimensions = array<i32: 0>} : vector<512x128xi32>
    %and3A_2766 = arith.constant 4 : i32
    %and3A_2767 = vector.broadcast %and3A_2766 : i32 to vector<512x128xi32>
    %and3A_2768 = arith.andi %iota3A_2765, %and3A_2767 : vector<512x128xi32>
    %eq3A_2769 = arith.constant 0 : i32
    %eq3A_2770 = vector.broadcast %eq3A_2769 : i32 to vector<512x128xi32>
    %eq3A_2771 = arith.cmpi eq, %and3A_2768, %eq3A_2770 : vector<512x128xi32>
    %select_n3A_2772 = arith.select %eq3A_2771, %concatenate3A_2761, %concatenate3A_2764 : vector<512x128xi1>, vector<512x128xi32>
    %and3A_2773 = arith.constant 4 : i32
    %and3A_2774 = vector.broadcast %and3A_2773 : i32 to vector<512x128xi32>
    %and3A_2775 = arith.andi %iota3A_2765, %and3A_2774 : vector<512x128xi32>
    %eq3A_2776 = arith.constant 0 : i32
    %eq3A_2777 = vector.broadcast %eq3A_2776 : i32 to vector<512x128xi32>
    %eq3A_2778 = arith.cmpi eq, %and3A_2775, %eq3A_2777 : vector<512x128xi32>
    %slice3A_2779 = vector.extract_strided_slice %select_n3A_2758 {offsets = [4, 0], sizes = [508, 128], strides = [1, 1]} : vector<512x128xi32> to vector<508x128xi32>
    %slice3A_2780 = vector.extract_strided_slice %select_n3A_2758 {offsets = [0, 0], sizes = [4, 128], strides = [1, 1]} : vector<512x128xi32> to vector<4x128xi32>
    %concatenate3A_2781 = tpu.concatenate %slice3A_2779, %slice3A_2780 in 0 : vector<508x128xi32>, vector<4x128xi32> -> vector<512x128xi32>
    %slice3A_2782 = vector.extract_strided_slice %select_n3A_2758 {offsets = [508, 0], sizes = [4, 128], strides = [1, 1]} : vector<512x128xi32> to vector<4x128xi32>
    %slice3A_2783 = vector.extract_strided_slice %select_n3A_2758 {offsets = [0, 0], sizes = [508, 128], strides = [1, 1]} : vector<512x128xi32> to vector<508x128xi32>
    %concatenate3A_2784 = tpu.concatenate %slice3A_2782, %slice3A_2783 in 0 : vector<4x128xi32>, vector<508x128xi32> -> vector<512x128xi32>
    %iota3A_2785 = tpu.iota {dimensions = array<i32: 0>} : vector<512x128xi32>
    %and3A_2786 = arith.constant 4 : i32
    %and3A_2787 = vector.broadcast %and3A_2786 : i32 to vector<512x128xi32>
    %and3A_2788 = arith.andi %iota3A_2785, %and3A_2787 : vector<512x128xi32>
    %eq3A_2789 = arith.constant 0 : i32
    %eq3A_2790 = vector.broadcast %eq3A_2789 : i32 to vector<512x128xi32>
    %eq3A_2791 = arith.cmpi eq, %and3A_2788, %eq3A_2790 : vector<512x128xi32>
    %select_n3A_2792 = arith.select %eq3A_2791, %concatenate3A_2781, %concatenate3A_2784 : vector<512x128xi1>, vector<512x128xi32>
    %gt3A_2793 = arith.cmpi sgt, %select_n3A_2757, %select_n3A_2772 : vector<512x128xi32>
    %eq3A_2794 = arith.cmpi eq, %select_n3A_2757, %select_n3A_2772 : vector<512x128xi32>
    %lt3A_2795 = arith.cmpi slt, %select_n3A_2758, %select_n3A_2792 : vector<512x128xi32>
    %and3A_2796 = arith.andi %eq3A_2794, %lt3A_2795 : vector<512x128xi1>
    %or3A_2797 = arith.ori %gt3A_2793, %and3A_2796 : vector<512x128xi1>
    %eq3A_2798 = arith.xori %eq3A_2778, %eq3A_2711 : vector<512x128xi1>
    %eq3A_2799 = arith.constant dense<true> : vector<512x128xi1>
    %eq3A_2800 = arith.xori %eq3A_2798, %eq3A_2799 : vector<512x128xi1>
    %eq3A_2801 = arith.xori %or3A_2797, %eq3A_2800 : vector<512x128xi1>
    %eq3A_2802 = arith.constant dense<true> : vector<512x128xi1>
    %eq3A_2803 = arith.xori %eq3A_2801, %eq3A_2802 : vector<512x128xi1>
    %select_n3A_2804 = arith.select %eq3A_2803, %select_n3A_2757, %select_n3A_2772 : vector<512x128xi1>, vector<512x128xi32>
    %select_n3A_2805 = arith.select %eq3A_2803, %select_n3A_2758, %select_n3A_2792 : vector<512x128xi1>, vector<512x128xi32>
    %slice3A_2806 = vector.extract_strided_slice %select_n3A_2804 {offsets = [2, 0], sizes = [510, 128], strides = [1, 1]} : vector<512x128xi32> to vector<510x128xi32>
    %slice3A_2807 = vector.extract_strided_slice %select_n3A_2804 {offsets = [0, 0], sizes = [2, 128], strides = [1, 1]} : vector<512x128xi32> to vector<2x128xi32>
    %concatenate3A_2808 = tpu.concatenate %slice3A_2806, %slice3A_2807 in 0 : vector<510x128xi32>, vector<2x128xi32> -> vector<512x128xi32>
    %slice3A_2809 = vector.extract_strided_slice %select_n3A_2804 {offsets = [510, 0], sizes = [2, 128], strides = [1, 1]} : vector<512x128xi32> to vector<2x128xi32>
    %slice3A_2810 = vector.extract_strided_slice %select_n3A_2804 {offsets = [0, 0], sizes = [510, 128], strides = [1, 1]} : vector<512x128xi32> to vector<510x128xi32>
    %concatenate3A_2811 = tpu.concatenate %slice3A_2809, %slice3A_2810 in 0 : vector<2x128xi32>, vector<510x128xi32> -> vector<512x128xi32>
    %iota3A_2812 = tpu.iota {dimensions = array<i32: 0>} : vector<512x128xi32>
    %and3A_2813 = arith.constant 2 : i32
    %and3A_2814 = vector.broadcast %and3A_2813 : i32 to vector<512x128xi32>
    %and3A_2815 = arith.andi %iota3A_2812, %and3A_2814 : vector<512x128xi32>
    %eq3A_2816 = arith.constant 0 : i32
    %eq3A_2817 = vector.broadcast %eq3A_2816 : i32 to vector<512x128xi32>
    %eq3A_2818 = arith.cmpi eq, %and3A_2815, %eq3A_2817 : vector<512x128xi32>
    %select_n3A_2819 = arith.select %eq3A_2818, %concatenate3A_2808, %concatenate3A_2811 : vector<512x128xi1>, vector<512x128xi32>
    %and3A_2820 = arith.constant 2 : i32
    %and3A_2821 = vector.broadcast %and3A_2820 : i32 to vector<512x128xi32>
    %and3A_2822 = arith.andi %iota3A_2812, %and3A_2821 : vector<512x128xi32>
    %eq3A_2823 = arith.constant 0 : i32
    %eq3A_2824 = vector.broadcast %eq3A_2823 : i32 to vector<512x128xi32>
    %eq3A_2825 = arith.cmpi eq, %and3A_2822, %eq3A_2824 : vector<512x128xi32>
    %slice3A_2826 = vector.extract_strided_slice %select_n3A_2805 {offsets = [2, 0], sizes = [510, 128], strides = [1, 1]} : vector<512x128xi32> to vector<510x128xi32>
    %slice3A_2827 = vector.extract_strided_slice %select_n3A_2805 {offsets = [0, 0], sizes = [2, 128], strides = [1, 1]} : vector<512x128xi32> to vector<2x128xi32>
    %concatenate3A_2828 = tpu.concatenate %slice3A_2826, %slice3A_2827 in 0 : vector<510x128xi32>, vector<2x128xi32> -> vector<512x128xi32>
    %slice3A_2829 = vector.extract_strided_slice %select_n3A_2805 {offsets = [510, 0], sizes = [2, 128], strides = [1, 1]} : vector<512x128xi32> to vector<2x128xi32>
    %slice3A_2830 = vector.extract_strided_slice %select_n3A_2805 {offsets = [0, 0], sizes = [510, 128], strides = [1, 1]} : vector<512x128xi32> to vector<510x128xi32>
    %concatenate3A_2831 = tpu.concatenate %slice3A_2829, %slice3A_2830 in 0 : vector<2x128xi32>, vector<510x128xi32> -> vector<512x128xi32>
    %iota3A_2832 = tpu.iota {dimensions = array<i32: 0>} : vector<512x128xi32>
    %and3A_2833 = arith.constant 2 : i32
    %and3A_2834 = vector.broadcast %and3A_2833 : i32 to vector<512x128xi32>
    %and3A_2835 = arith.andi %iota3A_2832, %and3A_2834 : vector<512x128xi32>
    %eq3A_2836 = arith.constant 0 : i32
    %eq3A_2837 = vector.broadcast %eq3A_2836 : i32 to vector<512x128xi32>
    %eq3A_2838 = arith.cmpi eq, %and3A_2835, %eq3A_2837 : vector<512x128xi32>
    %select_n3A_2839 = arith.select %eq3A_2838, %concatenate3A_2828, %concatenate3A_2831 : vector<512x128xi1>, vector<512x128xi32>
    %gt3A_2840 = arith.cmpi sgt, %select_n3A_2804, %select_n3A_2819 : vector<512x128xi32>
    %eq3A_2841 = arith.cmpi eq, %select_n3A_2804, %select_n3A_2819 : vector<512x128xi32>
    %lt3A_2842 = arith.cmpi slt, %select_n3A_2805, %select_n3A_2839 : vector<512x128xi32>
    %and3A_2843 = arith.andi %eq3A_2841, %lt3A_2842 : vector<512x128xi1>
    %or3A_2844 = arith.ori %gt3A_2840, %and3A_2843 : vector<512x128xi1>
    %eq3A_2845 = arith.xori %eq3A_2825, %eq3A_2711 : vector<512x128xi1>
    %eq3A_2846 = arith.constant dense<true> : vector<512x128xi1>
    %eq3A_2847 = arith.xori %eq3A_2845, %eq3A_2846 : vector<512x128xi1>
    %eq3A_2848 = arith.xori %or3A_2844, %eq3A_2847 : vector<512x128xi1>
    %eq3A_2849 = arith.constant dense<true> : vector<512x128xi1>
    %eq3A_2850 = arith.xori %eq3A_2848, %eq3A_2849 : vector<512x128xi1>
    %select_n3A_2851 = arith.select %eq3A_2850, %select_n3A_2804, %select_n3A_2819 : vector<512x128xi1>, vector<512x128xi32>
    %select_n3A_2852 = arith.select %eq3A_2850, %select_n3A_2805, %select_n3A_2839 : vector<512x128xi1>, vector<512x128xi32>
    %slice3A_2853 = vector.extract_strided_slice %select_n3A_2851 {offsets = [1, 0], sizes = [511, 128], strides = [1, 1]} : vector<512x128xi32> to vector<511x128xi32>
    %slice3A_2854 = vector.extract_strided_slice %select_n3A_2851 {offsets = [0, 0], sizes = [1, 128], strides = [1, 1]} : vector<512x128xi32> to vector<1x128xi32>
    %concatenate3A_2855 = tpu.concatenate %slice3A_2853, %slice3A_2854 in 0 : vector<511x128xi32>, vector<1x128xi32> -> vector<512x128xi32>
    %slice3A_2856 = vector.extract_strided_slice %select_n3A_2851 {offsets = [511, 0], sizes = [1, 128], strides = [1, 1]} : vector<512x128xi32> to vector<1x128xi32>
    %slice3A_2857 = vector.extract_strided_slice %select_n3A_2851 {offsets = [0, 0], sizes = [511, 128], strides = [1, 1]} : vector<512x128xi32> to vector<511x128xi32>
    %concatenate3A_2858 = tpu.concatenate %slice3A_2856, %slice3A_2857 in 0 : vector<1x128xi32>, vector<511x128xi32> -> vector<512x128xi32>
    %iota3A_2859 = tpu.iota {dimensions = array<i32: 0>} : vector<512x128xi32>
    %and3A_2860 = arith.constant 1 : i32
    %and3A_2861 = vector.broadcast %and3A_2860 : i32 to vector<512x128xi32>
    %and3A_2862 = arith.andi %iota3A_2859, %and3A_2861 : vector<512x128xi32>
    %eq3A_2863 = arith.constant 0 : i32
    %eq3A_2864 = vector.broadcast %eq3A_2863 : i32 to vector<512x128xi32>
    %eq3A_2865 = arith.cmpi eq, %and3A_2862, %eq3A_2864 : vector<512x128xi32>
    %select_n3A_2866 = arith.select %eq3A_2865, %concatenate3A_2855, %concatenate3A_2858 : vector<512x128xi1>, vector<512x128xi32>
    %and3A_2867 = arith.constant 1 : i32
    %and3A_2868 = vector.broadcast %and3A_2867 : i32 to vector<512x128xi32>
    %and3A_2869 = arith.andi %iota3A_2859, %and3A_2868 : vector<512x128xi32>
    %eq3A_2870 = arith.constant 0 : i32
    %eq3A_2871 = vector.broadcast %eq3A_2870 : i32 to vector<512x128xi32>
    %eq3A_2872 = arith.cmpi eq, %and3A_2869, %eq3A_2871 : vector<512x128xi32>
    %slice3A_2873 = vector.extract_strided_slice %select_n3A_2852 {offsets = [1, 0], sizes = [511, 128], strides = [1, 1]} : vector<512x128xi32> to vector<511x128xi32>
    %slice3A_2874 = vector.extract_strided_slice %select_n3A_2852 {offsets = [0, 0], sizes = [1, 128], strides = [1, 1]} : vector<512x128xi32> to vector<1x128xi32>
    %concatenate3A_2875 = tpu.concatenate %slice3A_2873, %slice3A_2874 in 0 : vector<511x128xi32>, vector<1x128xi32> -> vector<512x128xi32>
    %slice3A_2876 = vector.extract_strided_slice %select_n3A_2852 {offsets = [511, 0], sizes = [1, 128], strides = [1, 1]} : vector<512x128xi32> to vector<1x128xi32>
    %slice3A_2877 = vector.extract_strided_slice %select_n3A_2852 {offsets = [0, 0], sizes = [511, 128], strides = [1, 1]} : vector<512x128xi32> to vector<511x128xi32>
    %concatenate3A_2878 = tpu.concatenate %slice3A_2876, %slice3A_2877 in 0 : vector<1x128xi32>, vector<511x128xi32> -> vector<512x128xi32>
    %iota3A_2879 = tpu.iota {dimensions = array<i32: 0>} : vector<512x128xi32>
    %and3A_2880 = arith.constant 1 : i32
    %and3A_2881 = vector.broadcast %and3A_2880 : i32 to vector<512x128xi32>
    %and3A_2882 = arith.andi %iota3A_2879, %and3A_2881 : vector<512x128xi32>
    %eq3A_2883 = arith.constant 0 : i32
    %eq3A_2884 = vector.broadcast %eq3A_2883 : i32 to vector<512x128xi32>
    %eq3A_2885 = arith.cmpi eq, %and3A_2882, %eq3A_2884 : vector<512x128xi32>
    %select_n3A_2886 = arith.select %eq3A_2885, %concatenate3A_2875, %concatenate3A_2878 : vector<512x128xi1>, vector<512x128xi32>
    %gt3A_2887 = arith.cmpi sgt, %select_n3A_2851, %select_n3A_2866 : vector<512x128xi32>
    %eq3A_2888 = arith.cmpi eq, %select_n3A_2851, %select_n3A_2866 : vector<512x128xi32>
    %lt3A_2889 = arith.cmpi slt, %select_n3A_2852, %select_n3A_2886 : vector<512x128xi32>
    %and3A_2890 = arith.andi %eq3A_2888, %lt3A_2889 : vector<512x128xi1>
    %or3A_2891 = arith.ori %gt3A_2887, %and3A_2890 : vector<512x128xi1>
    %eq3A_2892 = arith.xori %eq3A_2872, %eq3A_2711 : vector<512x128xi1>
    %eq3A_2893 = arith.constant dense<true> : vector<512x128xi1>
    %eq3A_2894 = arith.xori %eq3A_2892, %eq3A_2893 : vector<512x128xi1>
    %eq3A_2895 = arith.xori %or3A_2891, %eq3A_2894 : vector<512x128xi1>
    %eq3A_2896 = arith.constant dense<true> : vector<512x128xi1>
    %eq3A_2897 = arith.xori %eq3A_2895, %eq3A_2896 : vector<512x128xi1>
    %select_n3A_2898 = arith.select %eq3A_2897, %select_n3A_2851, %select_n3A_2866 : vector<512x128xi1>, vector<512x128xi32>
    %select_n3A_2899 = arith.select %eq3A_2897, %select_n3A_2852, %select_n3A_2886 : vector<512x128xi1>, vector<512x128xi32>
    %slice3A_2900 = vector.extract_strided_slice %select_n3A_2898 {offsets = [0, 64], sizes = [512, 64], strides = [1, 1]} : vector<512x128xi32> to vector<512x64xi32>
    %slice3A_2901 = vector.extract_strided_slice %select_n3A_2898 {offsets = [0, 0], sizes = [512, 64], strides = [1, 1]} : vector<512x128xi32> to vector<512x64xi32>
    %concatenate3A_2902 = tpu.concatenate %slice3A_2900, %slice3A_2901 in 1 : vector<512x64xi32>, vector<512x64xi32> -> vector<512x128xi32>
    %slice3A_2903 = vector.extract_strided_slice %select_n3A_2898 {offsets = [0, 64], sizes = [512, 64], strides = [1, 1]} : vector<512x128xi32> to vector<512x64xi32>
    %slice3A_2904 = vector.extract_strided_slice %select_n3A_2898 {offsets = [0, 0], sizes = [512, 64], strides = [1, 1]} : vector<512x128xi32> to vector<512x64xi32>
    %concatenate3A_2905 = tpu.concatenate %slice3A_2903, %slice3A_2904 in 1 : vector<512x64xi32>, vector<512x64xi32> -> vector<512x128xi32>
    %iota3A_2906 = tpu.iota {dimensions = array<i32: 1>} : vector<512x128xi32>
    %and3A_2907 = arith.constant 64 : i32
    %and3A_2908 = vector.broadcast %and3A_2907 : i32 to vector<512x128xi32>
    %and3A_2909 = arith.andi %iota3A_2906, %and3A_2908 : vector<512x128xi32>
    %eq3A_2910 = arith.constant 0 : i32
    %eq3A_2911 = vector.broadcast %eq3A_2910 : i32 to vector<512x128xi32>
    %eq3A_2912 = arith.cmpi eq, %and3A_2909, %eq3A_2911 : vector<512x128xi32>
    %select_n3A_2913 = arith.select %eq3A_2912, %concatenate3A_2902, %concatenate3A_2905 : vector<512x128xi1>, vector<512x128xi32>
    %and3A_2914 = arith.constant 64 : i32
    %and3A_2915 = vector.broadcast %and3A_2914 : i32 to vector<512x128xi32>
    %and3A_2916 = arith.andi %iota3A_2906, %and3A_2915 : vector<512x128xi32>
    %eq3A_2917 = arith.constant 0 : i32
    %eq3A_2918 = vector.broadcast %eq3A_2917 : i32 to vector<512x128xi32>
    %eq3A_2919 = arith.cmpi eq, %and3A_2916, %eq3A_2918 : vector<512x128xi32>
    %slice3A_2920 = vector.extract_strided_slice %select_n3A_2899 {offsets = [0, 64], sizes = [512, 64], strides = [1, 1]} : vector<512x128xi32> to vector<512x64xi32>
    %slice3A_2921 = vector.extract_strided_slice %select_n3A_2899 {offsets = [0, 0], sizes = [512, 64], strides = [1, 1]} : vector<512x128xi32> to vector<512x64xi32>
    %concatenate3A_2922 = tpu.concatenate %slice3A_2920, %slice3A_2921 in 1 : vector<512x64xi32>, vector<512x64xi32> -> vector<512x128xi32>
    %slice3A_2923 = vector.extract_strided_slice %select_n3A_2899 {offsets = [0, 64], sizes = [512, 64], strides = [1, 1]} : vector<512x128xi32> to vector<512x64xi32>
    %slice3A_2924 = vector.extract_strided_slice %select_n3A_2899 {offsets = [0, 0], sizes = [512, 64], strides = [1, 1]} : vector<512x128xi32> to vector<512x64xi32>
    %concatenate3A_2925 = tpu.concatenate %slice3A_2923, %slice3A_2924 in 1 : vector<512x64xi32>, vector<512x64xi32> -> vector<512x128xi32>
    %iota3A_2926 = tpu.iota {dimensions = array<i32: 1>} : vector<512x128xi32>
    %and3A_2927 = arith.constant 64 : i32
    %and3A_2928 = vector.broadcast %and3A_2927 : i32 to vector<512x128xi32>
    %and3A_2929 = arith.andi %iota3A_2926, %and3A_2928 : vector<512x128xi32>
    %eq3A_2930 = arith.constant 0 : i32
    %eq3A_2931 = vector.broadcast %eq3A_2930 : i32 to vector<512x128xi32>
    %eq3A_2932 = arith.cmpi eq, %and3A_2929, %eq3A_2931 : vector<512x128xi32>
    %select_n3A_2933 = arith.select %eq3A_2932, %concatenate3A_2922, %concatenate3A_2925 : vector<512x128xi1>, vector<512x128xi32>
    %gt3A_2934 = arith.cmpi sgt, %select_n3A_2898, %select_n3A_2913 : vector<512x128xi32>
    %eq3A_2935 = arith.cmpi eq, %select_n3A_2898, %select_n3A_2913 : vector<512x128xi32>
    %lt3A_2936 = arith.cmpi slt, %select_n3A_2899, %select_n3A_2933 : vector<512x128xi32>
    %and3A_2937 = arith.andi %eq3A_2935, %lt3A_2936 : vector<512x128xi1>
    %or3A_2938 = arith.ori %gt3A_2934, %and3A_2937 : vector<512x128xi1>
    %eq3A_2939 = arith.xori %eq3A_2919, %eq3A_2711 : vector<512x128xi1>
    %eq3A_2940 = arith.constant dense<true> : vector<512x128xi1>
    %eq3A_2941 = arith.xori %eq3A_2939, %eq3A_2940 : vector<512x128xi1>
    %eq3A_2942 = arith.xori %or3A_2938, %eq3A_2941 : vector<512x128xi1>
    %eq3A_2943 = arith.constant dense<true> : vector<512x128xi1>
    %eq3A_2944 = arith.xori %eq3A_2942, %eq3A_2943 : vector<512x128xi1>
    %select_n3A_2945 = arith.select %eq3A_2944, %select_n3A_2898, %select_n3A_2913 : vector<512x128xi1>, vector<512x128xi32>
    %select_n3A_2946 = arith.select %eq3A_2944, %select_n3A_2899, %select_n3A_2933 : vector<512x128xi1>, vector<512x128xi32>
    %slice3A_2947 = vector.extract_strided_slice %select_n3A_2945 {offsets = [0, 32], sizes = [512, 96], strides = [1, 1]} : vector<512x128xi32> to vector<512x96xi32>
    %slice3A_2948 = vector.extract_strided_slice %select_n3A_2945 {offsets = [0, 0], sizes = [512, 32], strides = [1, 1]} : vector<512x128xi32> to vector<512x32xi32>
    %concatenate3A_2949 = tpu.concatenate %slice3A_2947, %slice3A_2948 in 1 : vector<512x96xi32>, vector<512x32xi32> -> vector<512x128xi32>
    %slice3A_2950 = vector.extract_strided_slice %select_n3A_2945 {offsets = [0, 96], sizes = [512, 32], strides = [1, 1]} : vector<512x128xi32> to vector<512x32xi32>
    %slice3A_2951 = vector.extract_strided_slice %select_n3A_2945 {offsets = [0, 0], sizes = [512, 96], strides = [1, 1]} : vector<512x128xi32> to vector<512x96xi32>
    %concatenate3A_2952 = tpu.concatenate %slice3A_2950, %slice3A_2951 in 1 : vector<512x32xi32>, vector<512x96xi32> -> vector<512x128xi32>
    %iota3A_2953 = tpu.iota {dimensions = array<i32: 1>} : vector<512x128xi32>
    %and3A_2954 = arith.constant 32 : i32
    %and3A_2955 = vector.broadcast %and3A_2954 : i32 to vector<512x128xi32>
    %and3A_2956 = arith.andi %iota3A_2953, %and3A_2955 : vector<512x128xi32>
    %eq3A_2957 = arith.constant 0 : i32
    %eq3A_2958 = vector.broadcast %eq3A_2957 : i32 to vector<512x128xi32>
    %eq3A_2959 = arith.cmpi eq, %and3A_2956, %eq3A_2958 : vector<512x128xi32>
    %select_n3A_2960 = arith.select %eq3A_2959, %concatenate3A_2949, %concatenate3A_2952 : vector<512x128xi1>, vector<512x128xi32>
    %and3A_2961 = arith.constant 32 : i32
    %and3A_2962 = vector.broadcast %and3A_2961 : i32 to vector<512x128xi32>
    %and3A_2963 = arith.andi %iota3A_2953, %and3A_2962 : vector<512x128xi32>
    %eq3A_2964 = arith.constant 0 : i32
    %eq3A_2965 = vector.broadcast %eq3A_2964 : i32 to vector<512x128xi32>
    %eq3A_2966 = arith.cmpi eq, %and3A_2963, %eq3A_2965 : vector<512x128xi32>
    %slice3A_2967 = vector.extract_strided_slice %select_n3A_2946 {offsets = [0, 32], sizes = [512, 96], strides = [1, 1]} : vector<512x128xi32> to vector<512x96xi32>
    %slice3A_2968 = vector.extract_strided_slice %select_n3A_2946 {offsets = [0, 0], sizes = [512, 32], strides = [1, 1]} : vector<512x128xi32> to vector<512x32xi32>
    %concatenate3A_2969 = tpu.concatenate %slice3A_2967, %slice3A_2968 in 1 : vector<512x96xi32>, vector<512x32xi32> -> vector<512x128xi32>
    %slice3A_2970 = vector.extract_strided_slice %select_n3A_2946 {offsets = [0, 96], sizes = [512, 32], strides = [1, 1]} : vector<512x128xi32> to vector<512x32xi32>
    %slice3A_2971 = vector.extract_strided_slice %select_n3A_2946 {offsets = [0, 0], sizes = [512, 96], strides = [1, 1]} : vector<512x128xi32> to vector<512x96xi32>
    %concatenate3A_2972 = tpu.concatenate %slice3A_2970, %slice3A_2971 in 1 : vector<512x32xi32>, vector<512x96xi32> -> vector<512x128xi32>
    %iota3A_2973 = tpu.iota {dimensions = array<i32: 1>} : vector<512x128xi32>
    %and3A_2974 = arith.constant 32 : i32
    %and3A_2975 = vector.broadcast %and3A_2974 : i32 to vector<512x128xi32>
    %and3A_2976 = arith.andi %iota3A_2973, %and3A_2975 : vector<512x128xi32>
    %eq3A_2977 = arith.constant 0 : i32
    %eq3A_2978 = vector.broadcast %eq3A_2977 : i32 to vector<512x128xi32>
    %eq3A_2979 = arith.cmpi eq, %and3A_2976, %eq3A_2978 : vector<512x128xi32>
    %select_n3A_2980 = arith.select %eq3A_2979, %concatenate3A_2969, %concatenate3A_2972 : vector<512x128xi1>, vector<512x128xi32>
    %gt3A_2981 = arith.cmpi sgt, %select_n3A_2945, %select_n3A_2960 : vector<512x128xi32>
    %eq3A_2982 = arith.cmpi eq, %select_n3A_2945, %select_n3A_2960 : vector<512x128xi32>
    %lt3A_2983 = arith.cmpi slt, %select_n3A_2946, %select_n3A_2980 : vector<512x128xi32>
    %and3A_2984 = arith.andi %eq3A_2982, %lt3A_2983 : vector<512x128xi1>
    %or3A_2985 = arith.ori %gt3A_2981, %and3A_2984 : vector<512x128xi1>
    %eq3A_2986 = arith.xori %eq3A_2966, %eq3A_2711 : vector<512x128xi1>
    %eq3A_2987 = arith.constant dense<true> : vector<512x128xi1>
    %eq3A_2988 = arith.xori %eq3A_2986, %eq3A_2987 : vector<512x128xi1>
    %eq3A_2989 = arith.xori %or3A_2985, %eq3A_2988 : vector<512x128xi1>
    %eq3A_2990 = arith.constant dense<true> : vector<512x128xi1>
    %eq3A_2991 = arith.xori %eq3A_2989, %eq3A_2990 : vector<512x128xi1>
    %select_n3A_2992 = arith.select %eq3A_2991, %select_n3A_2945, %select_n3A_2960 : vector<512x128xi1>, vector<512x128xi32>
    %select_n3A_2993 = arith.select %eq3A_2991, %select_n3A_2946, %select_n3A_2980 : vector<512x128xi1>, vector<512x128xi32>
    %slice3A_2994 = vector.extract_strided_slice %select_n3A_2992 {offsets = [0, 16], sizes = [512, 112], strides = [1, 1]} : vector<512x128xi32> to vector<512x112xi32>
    %slice3A_2995 = vector.extract_strided_slice %select_n3A_2992 {offsets = [0, 0], sizes = [512, 16], strides = [1, 1]} : vector<512x128xi32> to vector<512x16xi32>
    %concatenate3A_2996 = tpu.concatenate %slice3A_2994, %slice3A_2995 in 1 : vector<512x112xi32>, vector<512x16xi32> -> vector<512x128xi32>
    %slice3A_2997 = vector.extract_strided_slice %select_n3A_2992 {offsets = [0, 112], sizes = [512, 16], strides = [1, 1]} : vector<512x128xi32> to vector<512x16xi32>
    %slice3A_2998 = vector.extract_strided_slice %select_n3A_2992 {offsets = [0, 0], sizes = [512, 112], strides = [1, 1]} : vector<512x128xi32> to vector<512x112xi32>
    %concatenate3A_2999 = tpu.concatenate %slice3A_2997, %slice3A_2998 in 1 : vector<512x16xi32>, vector<512x112xi32> -> vector<512x128xi32>
    %iota3A_3000 = tpu.iota {dimensions = array<i32: 1>} : vector<512x128xi32>
    %and3A_3001 = arith.constant 16 : i32
    %and3A_3002 = vector.broadcast %and3A_3001 : i32 to vector<512x128xi32>
    %and3A_3003 = arith.andi %iota3A_3000, %and3A_3002 : vector<512x128xi32>
    %eq3A_3004 = arith.constant 0 : i32
    %eq3A_3005 = vector.broadcast %eq3A_3004 : i32 to vector<512x128xi32>
    %eq3A_3006 = arith.cmpi eq, %and3A_3003, %eq3A_3005 : vector<512x128xi32>
    %select_n3A_3007 = arith.select %eq3A_3006, %concatenate3A_2996, %concatenate3A_2999 : vector<512x128xi1>, vector<512x128xi32>
    %and3A_3008 = arith.constant 16 : i32
    %and3A_3009 = vector.broadcast %and3A_3008 : i32 to vector<512x128xi32>
    %and3A_3010 = arith.andi %iota3A_3000, %and3A_3009 : vector<512x128xi32>
    %eq3A_3011 = arith.constant 0 : i32
    %eq3A_3012 = vector.broadcast %eq3A_3011 : i32 to vector<512x128xi32>
    %eq3A_3013 = arith.cmpi eq, %and3A_3010, %eq3A_3012 : vector<512x128xi32>
    %slice3A_3014 = vector.extract_strided_slice %select_n3A_2993 {offsets = [0, 16], sizes = [512, 112], strides = [1, 1]} : vector<512x128xi32> to vector<512x112xi32>
    %slice3A_3015 = vector.extract_strided_slice %select_n3A_2993 {offsets = [0, 0], sizes = [512, 16], strides = [1, 1]} : vector<512x128xi32> to vector<512x16xi32>
    %concatenate3A_3016 = tpu.concatenate %slice3A_3014, %slice3A_3015 in 1 : vector<512x112xi32>, vector<512x16xi32> -> vector<512x128xi32>
    %slice3A_3017 = vector.extract_strided_slice %select_n3A_2993 {offsets = [0, 112], sizes = [512, 16], strides = [1, 1]} : vector<512x128xi32> to vector<512x16xi32>
    %slice3A_3018 = vector.extract_strided_slice %select_n3A_2993 {offsets = [0, 0], sizes = [512, 112], strides = [1, 1]} : vector<512x128xi32> to vector<512x112xi32>
    %concatenate3A_3019 = tpu.concatenate %slice3A_3017, %slice3A_3018 in 1 : vector<512x16xi32>, vector<512x112xi32> -> vector<512x128xi32>
    %iota3A_3020 = tpu.iota {dimensions = array<i32: 1>} : vector<512x128xi32>
    %and3A_3021 = arith.constant 16 : i32
    %and3A_3022 = vector.broadcast %and3A_3021 : i32 to vector<512x128xi32>
    %and3A_3023 = arith.andi %iota3A_3020, %and3A_3022 : vector<512x128xi32>
    %eq3A_3024 = arith.constant 0 : i32
    %eq3A_3025 = vector.broadcast %eq3A_3024 : i32 to vector<512x128xi32>
    %eq3A_3026 = arith.cmpi eq, %and3A_3023, %eq3A_3025 : vector<512x128xi32>
    %select_n3A_3027 = arith.select %eq3A_3026, %concatenate3A_3016, %concatenate3A_3019 : vector<512x128xi1>, vector<512x128xi32>
    %gt3A_3028 = arith.cmpi sgt, %select_n3A_2992, %select_n3A_3007 : vector<512x128xi32>
    %eq3A_3029 = arith.cmpi eq, %select_n3A_2992, %select_n3A_3007 : vector<512x128xi32>
    %lt3A_3030 = arith.cmpi slt, %select_n3A_2993, %select_n3A_3027 : vector<512x128xi32>
    %and3A_3031 = arith.andi %eq3A_3029, %lt3A_3030 : vector<512x128xi1>
    %or3A_3032 = arith.ori %gt3A_3028, %and3A_3031 : vector<512x128xi1>
    %eq3A_3033 = arith.xori %eq3A_3013, %eq3A_2711 : vector<512x128xi1>
    %eq3A_3034 = arith.constant dense<true> : vector<512x128xi1>
    %eq3A_3035 = arith.xori %eq3A_3033, %eq3A_3034 : vector<512x128xi1>
    %eq3A_3036 = arith.xori %or3A_3032, %eq3A_3035 : vector<512x128xi1>
    %eq3A_3037 = arith.constant dense<true> : vector<512x128xi1>
    %eq3A_3038 = arith.xori %eq3A_3036, %eq3A_3037 : vector<512x128xi1>
    %select_n3A_3039 = arith.select %eq3A_3038, %select_n3A_2992, %select_n3A_3007 : vector<512x128xi1>, vector<512x128xi32>
    %select_n3A_3040 = arith.select %eq3A_3038, %select_n3A_2993, %select_n3A_3027 : vector<512x128xi1>, vector<512x128xi32>
    %slice3A_3041 = vector.extract_strided_slice %select_n3A_3039 {offsets = [0, 8], sizes = [512, 120], strides = [1, 1]} : vector<512x128xi32> to vector<512x120xi32>
    %slice3A_3042 = vector.extract_strided_slice %select_n3A_3039 {offsets = [0, 0], sizes = [512, 8], strides = [1, 1]} : vector<512x128xi32> to vector<512x8xi32>
    %concatenate3A_3043 = tpu.concatenate %slice3A_3041, %slice3A_3042 in 1 : vector<512x120xi32>, vector<512x8xi32> -> vector<512x128xi32>
    %slice3A_3044 = vector.extract_strided_slice %select_n3A_3039 {offsets = [0, 120], sizes = [512, 8], strides = [1, 1]} : vector<512x128xi32> to vector<512x8xi32>
    %slice3A_3045 = vector.extract_strided_slice %select_n3A_3039 {offsets = [0, 0], sizes = [512, 120], strides = [1, 1]} : vector<512x128xi32> to vector<512x120xi32>
    %concatenate3A_3046 = tpu.concatenate %slice3A_3044, %slice3A_3045 in 1 : vector<512x8xi32>, vector<512x120xi32> -> vector<512x128xi32>
    %iota3A_3047 = tpu.iota {dimensions = array<i32: 1>} : vector<512x128xi32>
    %and3A_3048 = arith.constant 8 : i32
    %and3A_3049 = vector.broadcast %and3A_3048 : i32 to vector<512x128xi32>
    %and3A_3050 = arith.andi %iota3A_3047, %and3A_3049 : vector<512x128xi32>
    %eq3A_3051 = arith.constant 0 : i32
    %eq3A_3052 = vector.broadcast %eq3A_3051 : i32 to vector<512x128xi32>
    %eq3A_3053 = arith.cmpi eq, %and3A_3050, %eq3A_3052 : vector<512x128xi32>
    %select_n3A_3054 = arith.select %eq3A_3053, %concatenate3A_3043, %concatenate3A_3046 : vector<512x128xi1>, vector<512x128xi32>
    %and3A_3055 = arith.constant 8 : i32
    %and3A_3056 = vector.broadcast %and3A_3055 : i32 to vector<512x128xi32>
    %and3A_3057 = arith.andi %iota3A_3047, %and3A_3056 : vector<512x128xi32>
    %eq3A_3058 = arith.constant 0 : i32
    %eq3A_3059 = vector.broadcast %eq3A_3058 : i32 to vector<512x128xi32>
    %eq3A_3060 = arith.cmpi eq, %and3A_3057, %eq3A_3059 : vector<512x128xi32>
    %slice3A_3061 = vector.extract_strided_slice %select_n3A_3040 {offsets = [0, 8], sizes = [512, 120], strides = [1, 1]} : vector<512x128xi32> to vector<512x120xi32>
    %slice3A_3062 = vector.extract_strided_slice %select_n3A_3040 {offsets = [0, 0], sizes = [512, 8], strides = [1, 1]} : vector<512x128xi32> to vector<512x8xi32>
    %concatenate3A_3063 = tpu.concatenate %slice3A_3061, %slice3A_3062 in 1 : vector<512x120xi32>, vector<512x8xi32> -> vector<512x128xi32>
    %slice3A_3064 = vector.extract_strided_slice %select_n3A_3040 {offsets = [0, 120], sizes = [512, 8], strides = [1, 1]} : vector<512x128xi32> to vector<512x8xi32>
    %slice3A_3065 = vector.extract_strided_slice %select_n3A_3040 {offsets = [0, 0], sizes = [512, 120], strides = [1, 1]} : vector<512x128xi32> to vector<512x120xi32>
    %concatenate3A_3066 = tpu.concatenate %slice3A_3064, %slice3A_3065 in 1 : vector<512x8xi32>, vector<512x120xi32> -> vector<512x128xi32>
    %iota3A_3067 = tpu.iota {dimensions = array<i32: 1>} : vector<512x128xi32>
    %and3A_3068 = arith.constant 8 : i32
    %and3A_3069 = vector.broadcast %and3A_3068 : i32 to vector<512x128xi32>
    %and3A_3070 = arith.andi %iota3A_3067, %and3A_3069 : vector<512x128xi32>
    %eq3A_3071 = arith.constant 0 : i32
    %eq3A_3072 = vector.broadcast %eq3A_3071 : i32 to vector<512x128xi32>
    %eq3A_3073 = arith.cmpi eq, %and3A_3070, %eq3A_3072 : vector<512x128xi32>
    %select_n3A_3074 = arith.select %eq3A_3073, %concatenate3A_3063, %concatenate3A_3066 : vector<512x128xi1>, vector<512x128xi32>
    %gt3A_3075 = arith.cmpi sgt, %select_n3A_3039, %select_n3A_3054 : vector<512x128xi32>
    %eq3A_3076 = arith.cmpi eq, %select_n3A_3039, %select_n3A_3054 : vector<512x128xi32>
    %lt3A_3077 = arith.cmpi slt, %select_n3A_3040, %select_n3A_3074 : vector<512x128xi32>
    %and3A_3078 = arith.andi %eq3A_3076, %lt3A_3077 : vector<512x128xi1>
    %or3A_3079 = arith.ori %gt3A_3075, %and3A_3078 : vector<512x128xi1>
    %eq3A_3080 = arith.xori %eq3A_3060, %eq3A_2711 : vector<512x128xi1>
    %eq3A_3081 = arith.constant dense<true> : vector<512x128xi1>
    %eq3A_3082 = arith.xori %eq3A_3080, %eq3A_3081 : vector<512x128xi1>
    %eq3A_3083 = arith.xori %or3A_3079, %eq3A_3082 : vector<512x128xi1>
    %eq3A_3084 = arith.constant dense<true> : vector<512x128xi1>
    %eq3A_3085 = arith.xori %eq3A_3083, %eq3A_3084 : vector<512x128xi1>
    %select_n3A_3086 = arith.select %eq3A_3085, %select_n3A_3039, %select_n3A_3054 : vector<512x128xi1>, vector<512x128xi32>
    %select_n3A_3087 = arith.select %eq3A_3085, %select_n3A_3040, %select_n3A_3074 : vector<512x128xi1>, vector<512x128xi32>
    %slice3A_3088 = vector.extract_strided_slice %select_n3A_3086 {offsets = [0, 4], sizes = [512, 124], strides = [1, 1]} : vector<512x128xi32> to vector<512x124xi32>
    %slice3A_3089 = vector.extract_strided_slice %select_n3A_3086 {offsets = [0, 0], sizes = [512, 4], strides = [1, 1]} : vector<512x128xi32> to vector<512x4xi32>
    %concatenate3A_3090 = tpu.concatenate %slice3A_3088, %slice3A_3089 in 1 : vector<512x124xi32>, vector<512x4xi32> -> vector<512x128xi32>
    %slice3A_3091 = vector.extract_strided_slice %select_n3A_3086 {offsets = [0, 124], sizes = [512, 4], strides = [1, 1]} : vector<512x128xi32> to vector<512x4xi32>
    %slice3A_3092 = vector.extract_strided_slice %select_n3A_3086 {offsets = [0, 0], sizes = [512, 124], strides = [1, 1]} : vector<512x128xi32> to vector<512x124xi32>
    %concatenate3A_3093 = tpu.concatenate %slice3A_3091, %slice3A_3092 in 1 : vector<512x4xi32>, vector<512x124xi32> -> vector<512x128xi32>
    %iota3A_3094 = tpu.iota {dimensions = array<i32: 1>} : vector<512x128xi32>
    %and3A_3095 = arith.constant 4 : i32
    %and3A_3096 = vector.broadcast %and3A_3095 : i32 to vector<512x128xi32>
    %and3A_3097 = arith.andi %iota3A_3094, %and3A_3096 : vector<512x128xi32>
    %eq3A_3098 = arith.constant 0 : i32
    %eq3A_3099 = vector.broadcast %eq3A_3098 : i32 to vector<512x128xi32>
    %eq3A_3100 = arith.cmpi eq, %and3A_3097, %eq3A_3099 : vector<512x128xi32>
    %select_n3A_3101 = arith.select %eq3A_3100, %concatenate3A_3090, %concatenate3A_3093 : vector<512x128xi1>, vector<512x128xi32>
    %and3A_3102 = arith.constant 4 : i32
    %and3A_3103 = vector.broadcast %and3A_3102 : i32 to vector<512x128xi32>
    %and3A_3104 = arith.andi %iota3A_3094, %and3A_3103 : vector<512x128xi32>
    %eq3A_3105 = arith.constant 0 : i32
    %eq3A_3106 = vector.broadcast %eq3A_3105 : i32 to vector<512x128xi32>
    %eq3A_3107 = arith.cmpi eq, %and3A_3104, %eq3A_3106 : vector<512x128xi32>
    %slice3A_3108 = vector.extract_strided_slice %select_n3A_3087 {offsets = [0, 4], sizes = [512, 124], strides = [1, 1]} : vector<512x128xi32> to vector<512x124xi32>
    %slice3A_3109 = vector.extract_strided_slice %select_n3A_3087 {offsets = [0, 0], sizes = [512, 4], strides = [1, 1]} : vector<512x128xi32> to vector<512x4xi32>
    %concatenate3A_3110 = tpu.concatenate %slice3A_3108, %slice3A_3109 in 1 : vector<512x124xi32>, vector<512x4xi32> -> vector<512x128xi32>
    %slice3A_3111 = vector.extract_strided_slice %select_n3A_3087 {offsets = [0, 124], sizes = [512, 4], strides = [1, 1]} : vector<512x128xi32> to vector<512x4xi32>
    %slice3A_3112 = vector.extract_strided_slice %select_n3A_3087 {offsets = [0, 0], sizes = [512, 124], strides = [1, 1]} : vector<512x128xi32> to vector<512x124xi32>
    %concatenate3A_3113 = tpu.concatenate %slice3A_3111, %slice3A_3112 in 1 : vector<512x4xi32>, vector<512x124xi32> -> vector<512x128xi32>
    %iota3A_3114 = tpu.iota {dimensions = array<i32: 1>} : vector<512x128xi32>
    %and3A_3115 = arith.constant 4 : i32
    %and3A_3116 = vector.broadcast %and3A_3115 : i32 to vector<512x128xi32>
    %and3A_3117 = arith.andi %iota3A_3114, %and3A_3116 : vector<512x128xi32>
    %eq3A_3118 = arith.constant 0 : i32
    %eq3A_3119 = vector.broadcast %eq3A_3118 : i32 to vector<512x128xi32>
    %eq3A_3120 = arith.cmpi eq, %and3A_3117, %eq3A_3119 : vector<512x128xi32>
    %select_n3A_3121 = arith.select %eq3A_3120, %concatenate3A_3110, %concatenate3A_3113 : vector<512x128xi1>, vector<512x128xi32>
    %gt3A_3122 = arith.cmpi sgt, %select_n3A_3086, %select_n3A_3101 : vector<512x128xi32>
    %eq3A_3123 = arith.cmpi eq, %select_n3A_3086, %select_n3A_3101 : vector<512x128xi32>
    %lt3A_3124 = arith.cmpi slt, %select_n3A_3087, %select_n3A_3121 : vector<512x128xi32>
    %and3A_3125 = arith.andi %eq3A_3123, %lt3A_3124 : vector<512x128xi1>
    %or3A_3126 = arith.ori %gt3A_3122, %and3A_3125 : vector<512x128xi1>
    %eq3A_3127 = arith.xori %eq3A_3107, %eq3A_2711 : vector<512x128xi1>
    %eq3A_3128 = arith.constant dense<true> : vector<512x128xi1>
    %eq3A_3129 = arith.xori %eq3A_3127, %eq3A_3128 : vector<512x128xi1>
    %eq3A_3130 = arith.xori %or3A_3126, %eq3A_3129 : vector<512x128xi1>
    %eq3A_3131 = arith.constant dense<true> : vector<512x128xi1>
    %eq3A_3132 = arith.xori %eq3A_3130, %eq3A_3131 : vector<512x128xi1>
    %select_n3A_3133 = arith.select %eq3A_3132, %select_n3A_3086, %select_n3A_3101 : vector<512x128xi1>, vector<512x128xi32>
    %select_n3A_3134 = arith.select %eq3A_3132, %select_n3A_3087, %select_n3A_3121 : vector<512x128xi1>, vector<512x128xi32>
    %slice3A_3135 = vector.extract_strided_slice %select_n3A_3133 {offsets = [0, 2], sizes = [512, 126], strides = [1, 1]} : vector<512x128xi32> to vector<512x126xi32>
    %slice3A_3136 = vector.extract_strided_slice %select_n3A_3133 {offsets = [0, 0], sizes = [512, 2], strides = [1, 1]} : vector<512x128xi32> to vector<512x2xi32>
    %concatenate3A_3137 = tpu.concatenate %slice3A_3135, %slice3A_3136 in 1 : vector<512x126xi32>, vector<512x2xi32> -> vector<512x128xi32>
    %slice3A_3138 = vector.extract_strided_slice %select_n3A_3133 {offsets = [0, 126], sizes = [512, 2], strides = [1, 1]} : vector<512x128xi32> to vector<512x2xi32>
    %slice3A_3139 = vector.extract_strided_slice %select_n3A_3133 {offsets = [0, 0], sizes = [512, 126], strides = [1, 1]} : vector<512x128xi32> to vector<512x126xi32>
    %concatenate3A_3140 = tpu.concatenate %slice3A_3138, %slice3A_3139 in 1 : vector<512x2xi32>, vector<512x126xi32> -> vector<512x128xi32>
    %iota3A_3141 = tpu.iota {dimensions = array<i32: 1>} : vector<512x128xi32>
    %and3A_3142 = arith.constant 2 : i32
    %and3A_3143 = vector.broadcast %and3A_3142 : i32 to vector<512x128xi32>
    %and3A_3144 = arith.andi %iota3A_3141, %and3A_3143 : vector<512x128xi32>
    %eq3A_3145 = arith.constant 0 : i32
    %eq3A_3146 = vector.broadcast %eq3A_3145 : i32 to vector<512x128xi32>
    %eq3A_3147 = arith.cmpi eq, %and3A_3144, %eq3A_3146 : vector<512x128xi32>
    %select_n3A_3148 = arith.select %eq3A_3147, %concatenate3A_3137, %concatenate3A_3140 : vector<512x128xi1>, vector<512x128xi32>
    %and3A_3149 = arith.constant 2 : i32
    %and3A_3150 = vector.broadcast %and3A_3149 : i32 to vector<512x128xi32>
    %and3A_3151 = arith.andi %iota3A_3141, %and3A_3150 : vector<512x128xi32>
    %eq3A_3152 = arith.constant 0 : i32
    %eq3A_3153 = vector.broadcast %eq3A_3152 : i32 to vector<512x128xi32>
    %eq3A_3154 = arith.cmpi eq, %and3A_3151, %eq3A_3153 : vector<512x128xi32>
    %slice3A_3155 = vector.extract_strided_slice %select_n3A_3134 {offsets = [0, 2], sizes = [512, 126], strides = [1, 1]} : vector<512x128xi32> to vector<512x126xi32>
    %slice3A_3156 = vector.extract_strided_slice %select_n3A_3134 {offsets = [0, 0], sizes = [512, 2], strides = [1, 1]} : vector<512x128xi32> to vector<512x2xi32>
    %concatenate3A_3157 = tpu.concatenate %slice3A_3155, %slice3A_3156 in 1 : vector<512x126xi32>, vector<512x2xi32> -> vector<512x128xi32>
    %slice3A_3158 = vector.extract_strided_slice %select_n3A_3134 {offsets = [0, 126], sizes = [512, 2], strides = [1, 1]} : vector<512x128xi32> to vector<512x2xi32>
    %slice3A_3159 = vector.extract_strided_slice %select_n3A_3134 {offsets = [0, 0], sizes = [512, 126], strides = [1, 1]} : vector<512x128xi32> to vector<512x126xi32>
    %concatenate3A_3160 = tpu.concatenate %slice3A_3158, %slice3A_3159 in 1 : vector<512x2xi32>, vector<512x126xi32> -> vector<512x128xi32>
    %iota3A_3161 = tpu.iota {dimensions = array<i32: 1>} : vector<512x128xi32>
    %and3A_3162 = arith.constant 2 : i32
    %and3A_3163 = vector.broadcast %and3A_3162 : i32 to vector<512x128xi32>
    %and3A_3164 = arith.andi %iota3A_3161, %and3A_3163 : vector<512x128xi32>
    %eq3A_3165 = arith.constant 0 : i32
    %eq3A_3166 = vector.broadcast %eq3A_3165 : i32 to vector<512x128xi32>
    %eq3A_3167 = arith.cmpi eq, %and3A_3164, %eq3A_3166 : vector<512x128xi32>
    %select_n3A_3168 = arith.select %eq3A_3167, %concatenate3A_3157, %concatenate3A_3160 : vector<512x128xi1>, vector<512x128xi32>
    %gt3A_3169 = arith.cmpi sgt, %select_n3A_3133, %select_n3A_3148 : vector<512x128xi32>
    %eq3A_3170 = arith.cmpi eq, %select_n3A_3133, %select_n3A_3148 : vector<512x128xi32>
    %lt3A_3171 = arith.cmpi slt, %select_n3A_3134, %select_n3A_3168 : vector<512x128xi32>
    %and3A_3172 = arith.andi %eq3A_3170, %lt3A_3171 : vector<512x128xi1>
    %or3A_3173 = arith.ori %gt3A_3169, %and3A_3172 : vector<512x128xi1>
    %eq3A_3174 = arith.xori %eq3A_3154, %eq3A_2711 : vector<512x128xi1>
    %eq3A_3175 = arith.constant dense<true> : vector<512x128xi1>
    %eq3A_3176 = arith.xori %eq3A_3174, %eq3A_3175 : vector<512x128xi1>
    %eq3A_3177 = arith.xori %or3A_3173, %eq3A_3176 : vector<512x128xi1>
    %eq3A_3178 = arith.constant dense<true> : vector<512x128xi1>
    %eq3A_3179 = arith.xori %eq3A_3177, %eq3A_3178 : vector<512x128xi1>
    %select_n3A_3180 = arith.select %eq3A_3179, %select_n3A_3133, %select_n3A_3148 : vector<512x128xi1>, vector<512x128xi32>
    %select_n3A_3181 = arith.select %eq3A_3179, %select_n3A_3134, %select_n3A_3168 : vector<512x128xi1>, vector<512x128xi32>
    %slice3A_3182 = vector.extract_strided_slice %select_n3A_3180 {offsets = [0, 1], sizes = [512, 127], strides = [1, 1]} : vector<512x128xi32> to vector<512x127xi32>
    %slice3A_3183 = vector.extract_strided_slice %select_n3A_3180 {offsets = [0, 0], sizes = [512, 1], strides = [1, 1]} : vector<512x128xi32> to vector<512x1xi32>
    %concatenate3A_3184 = tpu.concatenate %slice3A_3182, %slice3A_3183 in 1 : vector<512x127xi32>, vector<512x1xi32> -> vector<512x128xi32>
    %slice3A_3185 = vector.extract_strided_slice %select_n3A_3180 {offsets = [0, 127], sizes = [512, 1], strides = [1, 1]} : vector<512x128xi32> to vector<512x1xi32>
    %slice3A_3186 = vector.extract_strided_slice %select_n3A_3180 {offsets = [0, 0], sizes = [512, 127], strides = [1, 1]} : vector<512x128xi32> to vector<512x127xi32>
    %concatenate3A_3187 = tpu.concatenate %slice3A_3185, %slice3A_3186 in 1 : vector<512x1xi32>, vector<512x127xi32> -> vector<512x128xi32>
    %iota3A_3188 = tpu.iota {dimensions = array<i32: 1>} : vector<512x128xi32>
    %and3A_3189 = arith.constant 1 : i32
    %and3A_3190 = vector.broadcast %and3A_3189 : i32 to vector<512x128xi32>
    %and3A_3191 = arith.andi %iota3A_3188, %and3A_3190 : vector<512x128xi32>
    %eq3A_3192 = arith.constant 0 : i32
    %eq3A_3193 = vector.broadcast %eq3A_3192 : i32 to vector<512x128xi32>
    %eq3A_3194 = arith.cmpi eq, %and3A_3191, %eq3A_3193 : vector<512x128xi32>
    %select_n3A_3195 = arith.select %eq3A_3194, %concatenate3A_3184, %concatenate3A_3187 : vector<512x128xi1>, vector<512x128xi32>
    %and3A_3196 = arith.constant 1 : i32
    %and3A_3197 = vector.broadcast %and3A_3196 : i32 to vector<512x128xi32>
    %and3A_3198 = arith.andi %iota3A_3188, %and3A_3197 : vector<512x128xi32>
    %eq3A_3199 = arith.constant 0 : i32
    %eq3A_3200 = vector.broadcast %eq3A_3199 : i32 to vector<512x128xi32>
    %eq3A_3201 = arith.cmpi eq, %and3A_3198, %eq3A_3200 : vector<512x128xi32>
    %slice3A_3202 = vector.extract_strided_slice %select_n3A_3181 {offsets = [0, 1], sizes = [512, 127], strides = [1, 1]} : vector<512x128xi32> to vector<512x127xi32>
    %slice3A_3203 = vector.extract_strided_slice %select_n3A_3181 {offsets = [0, 0], sizes = [512, 1], strides = [1, 1]} : vector<512x128xi32> to vector<512x1xi32>
    %concatenate3A_3204 = tpu.concatenate %slice3A_3202, %slice3A_3203 in 1 : vector<512x127xi32>, vector<512x1xi32> -> vector<512x128xi32>
    %slice3A_3205 = vector.extract_strided_slice %select_n3A_3181 {offsets = [0, 127], sizes = [512, 1], strides = [1, 1]} : vector<512x128xi32> to vector<512x1xi32>
    %slice3A_3206 = vector.extract_strided_slice %select_n3A_3181 {offsets = [0, 0], sizes = [512, 127], strides = [1, 1]} : vector<512x128xi32> to vector<512x127xi32>
    %concatenate3A_3207 = tpu.concatenate %slice3A_3205, %slice3A_3206 in 1 : vector<512x1xi32>, vector<512x127xi32> -> vector<512x128xi32>
    %iota3A_3208 = tpu.iota {dimensions = array<i32: 1>} : vector<512x128xi32>
    %and3A_3209 = arith.constant 1 : i32
    %and3A_3210 = vector.broadcast %and3A_3209 : i32 to vector<512x128xi32>
    %and3A_3211 = arith.andi %iota3A_3208, %and3A_3210 : vector<512x128xi32>
    %eq3A_3212 = arith.constant 0 : i32
    %eq3A_3213 = vector.broadcast %eq3A_3212 : i32 to vector<512x128xi32>
    %eq3A_3214 = arith.cmpi eq, %and3A_3211, %eq3A_3213 : vector<512x128xi32>
    %select_n3A_3215 = arith.select %eq3A_3214, %concatenate3A_3204, %concatenate3A_3207 : vector<512x128xi1>, vector<512x128xi32>
    %gt3A_3216 = arith.cmpi sgt, %select_n3A_3180, %select_n3A_3195 : vector<512x128xi32>
    %eq3A_3217 = arith.cmpi eq, %select_n3A_3180, %select_n3A_3195 : vector<512x128xi32>
    %lt3A_3218 = arith.cmpi slt, %select_n3A_3181, %select_n3A_3215 : vector<512x128xi32>
    %and3A_3219 = arith.andi %eq3A_3217, %lt3A_3218 : vector<512x128xi1>
    %or3A_3220 = arith.ori %gt3A_3216, %and3A_3219 : vector<512x128xi1>
    %eq3A_3221 = arith.xori %eq3A_3201, %eq3A_2711 : vector<512x128xi1>
    %eq3A_3222 = arith.constant dense<true> : vector<512x128xi1>
    %eq3A_3223 = arith.xori %eq3A_3221, %eq3A_3222 : vector<512x128xi1>
    %eq3A_3224 = arith.xori %or3A_3220, %eq3A_3223 : vector<512x128xi1>
    %eq3A_3225 = arith.constant dense<true> : vector<512x128xi1>
    %eq3A_3226 = arith.xori %eq3A_3224, %eq3A_3225 : vector<512x128xi1>
    %select_n3A_3227 = arith.select %eq3A_3226, %select_n3A_3180, %select_n3A_3195 : vector<512x128xi1>, vector<512x128xi32>
    %select_n3A_3228 = arith.select %eq3A_3226, %select_n3A_3181, %select_n3A_3215 : vector<512x128xi1>, vector<512x128xi32>
    %and3A_3229 = arith.constant 32 : i32
    %and3A_3230 = vector.broadcast %and3A_3229 : i32 to vector<512x128xi32>
    %and3A_3231 = arith.andi %and3A_64, %and3A_3230 : vector<512x128xi32>
    %eq3A_3232 = arith.constant 0 : i32
    %eq3A_3233 = vector.broadcast %eq3A_3232 : i32 to vector<512x128xi32>
    %eq3A_3234 = arith.cmpi eq, %and3A_3231, %eq3A_3233 : vector<512x128xi32>
    %slice3A_3235 = vector.extract_strided_slice %select_n3A_3227 {offsets = [16, 0], sizes = [496, 128], strides = [1, 1]} : vector<512x128xi32> to vector<496x128xi32>
    %slice3A_3236 = vector.extract_strided_slice %select_n3A_3227 {offsets = [0, 0], sizes = [16, 128], strides = [1, 1]} : vector<512x128xi32> to vector<16x128xi32>
    %concatenate3A_3237 = tpu.concatenate %slice3A_3235, %slice3A_3236 in 0 : vector<496x128xi32>, vector<16x128xi32> -> vector<512x128xi32>
    %slice3A_3238 = vector.extract_strided_slice %select_n3A_3227 {offsets = [496, 0], sizes = [16, 128], strides = [1, 1]} : vector<512x128xi32> to vector<16x128xi32>
    %slice3A_3239 = vector.extract_strided_slice %select_n3A_3227 {offsets = [0, 0], sizes = [496, 128], strides = [1, 1]} : vector<512x128xi32> to vector<496x128xi32>
    %concatenate3A_3240 = tpu.concatenate %slice3A_3238, %slice3A_3239 in 0 : vector<16x128xi32>, vector<496x128xi32> -> vector<512x128xi32>
    %iota3A_3241 = tpu.iota {dimensions = array<i32: 0>} : vector<512x128xi32>
    %and3A_3242 = arith.constant 16 : i32
    %and3A_3243 = vector.broadcast %and3A_3242 : i32 to vector<512x128xi32>
    %and3A_3244 = arith.andi %iota3A_3241, %and3A_3243 : vector<512x128xi32>
    %eq3A_3245 = arith.constant 0 : i32
    %eq3A_3246 = vector.broadcast %eq3A_3245 : i32 to vector<512x128xi32>
    %eq3A_3247 = arith.cmpi eq, %and3A_3244, %eq3A_3246 : vector<512x128xi32>
    %select_n3A_3248 = arith.select %eq3A_3247, %concatenate3A_3237, %concatenate3A_3240 : vector<512x128xi1>, vector<512x128xi32>
    %and3A_3249 = arith.constant 16 : i32
    %and3A_3250 = vector.broadcast %and3A_3249 : i32 to vector<512x128xi32>
    %and3A_3251 = arith.andi %iota3A_3241, %and3A_3250 : vector<512x128xi32>
    %eq3A_3252 = arith.constant 0 : i32
    %eq3A_3253 = vector.broadcast %eq3A_3252 : i32 to vector<512x128xi32>
    %eq3A_3254 = arith.cmpi eq, %and3A_3251, %eq3A_3253 : vector<512x128xi32>
    %slice3A_3255 = vector.extract_strided_slice %select_n3A_3228 {offsets = [16, 0], sizes = [496, 128], strides = [1, 1]} : vector<512x128xi32> to vector<496x128xi32>
    %slice3A_3256 = vector.extract_strided_slice %select_n3A_3228 {offsets = [0, 0], sizes = [16, 128], strides = [1, 1]} : vector<512x128xi32> to vector<16x128xi32>
    %concatenate3A_3257 = tpu.concatenate %slice3A_3255, %slice3A_3256 in 0 : vector<496x128xi32>, vector<16x128xi32> -> vector<512x128xi32>
    %slice3A_3258 = vector.extract_strided_slice %select_n3A_3228 {offsets = [496, 0], sizes = [16, 128], strides = [1, 1]} : vector<512x128xi32> to vector<16x128xi32>
    %slice3A_3259 = vector.extract_strided_slice %select_n3A_3228 {offsets = [0, 0], sizes = [496, 128], strides = [1, 1]} : vector<512x128xi32> to vector<496x128xi32>
    %concatenate3A_3260 = tpu.concatenate %slice3A_3258, %slice3A_3259 in 0 : vector<16x128xi32>, vector<496x128xi32> -> vector<512x128xi32>
    %iota3A_3261 = tpu.iota {dimensions = array<i32: 0>} : vector<512x128xi32>
    %and3A_3262 = arith.constant 16 : i32
    %and3A_3263 = vector.broadcast %and3A_3262 : i32 to vector<512x128xi32>
    %and3A_3264 = arith.andi %iota3A_3261, %and3A_3263 : vector<512x128xi32>
    %eq3A_3265 = arith.constant 0 : i32
    %eq3A_3266 = vector.broadcast %eq3A_3265 : i32 to vector<512x128xi32>
    %eq3A_3267 = arith.cmpi eq, %and3A_3264, %eq3A_3266 : vector<512x128xi32>
    %select_n3A_3268 = arith.select %eq3A_3267, %concatenate3A_3257, %concatenate3A_3260 : vector<512x128xi1>, vector<512x128xi32>
    %gt3A_3269 = arith.cmpi sgt, %select_n3A_3227, %select_n3A_3248 : vector<512x128xi32>
    %eq3A_3270 = arith.cmpi eq, %select_n3A_3227, %select_n3A_3248 : vector<512x128xi32>
    %lt3A_3271 = arith.cmpi slt, %select_n3A_3228, %select_n3A_3268 : vector<512x128xi32>
    %and3A_3272 = arith.andi %eq3A_3270, %lt3A_3271 : vector<512x128xi1>
    %or3A_3273 = arith.ori %gt3A_3269, %and3A_3272 : vector<512x128xi1>
    %eq3A_3274 = arith.xori %eq3A_3254, %eq3A_3234 : vector<512x128xi1>
    %eq3A_3275 = arith.constant dense<true> : vector<512x128xi1>
    %eq3A_3276 = arith.xori %eq3A_3274, %eq3A_3275 : vector<512x128xi1>
    %eq3A_3277 = arith.xori %or3A_3273, %eq3A_3276 : vector<512x128xi1>
    %eq3A_3278 = arith.constant dense<true> : vector<512x128xi1>
    %eq3A_3279 = arith.xori %eq3A_3277, %eq3A_3278 : vector<512x128xi1>
    %select_n3A_3280 = arith.select %eq3A_3279, %select_n3A_3227, %select_n3A_3248 : vector<512x128xi1>, vector<512x128xi32>
    %select_n3A_3281 = arith.select %eq3A_3279, %select_n3A_3228, %select_n3A_3268 : vector<512x128xi1>, vector<512x128xi32>
    %slice3A_3282 = vector.extract_strided_slice %select_n3A_3280 {offsets = [8, 0], sizes = [504, 128], strides = [1, 1]} : vector<512x128xi32> to vector<504x128xi32>
    %slice3A_3283 = vector.extract_strided_slice %select_n3A_3280 {offsets = [0, 0], sizes = [8, 128], strides = [1, 1]} : vector<512x128xi32> to vector<8x128xi32>
    %concatenate3A_3284 = tpu.concatenate %slice3A_3282, %slice3A_3283 in 0 : vector<504x128xi32>, vector<8x128xi32> -> vector<512x128xi32>
    %slice3A_3285 = vector.extract_strided_slice %select_n3A_3280 {offsets = [504, 0], sizes = [8, 128], strides = [1, 1]} : vector<512x128xi32> to vector<8x128xi32>
    %slice3A_3286 = vector.extract_strided_slice %select_n3A_3280 {offsets = [0, 0], sizes = [504, 128], strides = [1, 1]} : vector<512x128xi32> to vector<504x128xi32>
    %concatenate3A_3287 = tpu.concatenate %slice3A_3285, %slice3A_3286 in 0 : vector<8x128xi32>, vector<504x128xi32> -> vector<512x128xi32>
    %iota3A_3288 = tpu.iota {dimensions = array<i32: 0>} : vector<512x128xi32>
    %and3A_3289 = arith.constant 8 : i32
    %and3A_3290 = vector.broadcast %and3A_3289 : i32 to vector<512x128xi32>
    %and3A_3291 = arith.andi %iota3A_3288, %and3A_3290 : vector<512x128xi32>
    %eq3A_3292 = arith.constant 0 : i32
    %eq3A_3293 = vector.broadcast %eq3A_3292 : i32 to vector<512x128xi32>
    %eq3A_3294 = arith.cmpi eq, %and3A_3291, %eq3A_3293 : vector<512x128xi32>
    %select_n3A_3295 = arith.select %eq3A_3294, %concatenate3A_3284, %concatenate3A_3287 : vector<512x128xi1>, vector<512x128xi32>
    %and3A_3296 = arith.constant 8 : i32
    %and3A_3297 = vector.broadcast %and3A_3296 : i32 to vector<512x128xi32>
    %and3A_3298 = arith.andi %iota3A_3288, %and3A_3297 : vector<512x128xi32>
    %eq3A_3299 = arith.constant 0 : i32
    %eq3A_3300 = vector.broadcast %eq3A_3299 : i32 to vector<512x128xi32>
    %eq3A_3301 = arith.cmpi eq, %and3A_3298, %eq3A_3300 : vector<512x128xi32>
    %slice3A_3302 = vector.extract_strided_slice %select_n3A_3281 {offsets = [8, 0], sizes = [504, 128], strides = [1, 1]} : vector<512x128xi32> to vector<504x128xi32>
    %slice3A_3303 = vector.extract_strided_slice %select_n3A_3281 {offsets = [0, 0], sizes = [8, 128], strides = [1, 1]} : vector<512x128xi32> to vector<8x128xi32>
    %concatenate3A_3304 = tpu.concatenate %slice3A_3302, %slice3A_3303 in 0 : vector<504x128xi32>, vector<8x128xi32> -> vector<512x128xi32>
    %slice3A_3305 = vector.extract_strided_slice %select_n3A_3281 {offsets = [504, 0], sizes = [8, 128], strides = [1, 1]} : vector<512x128xi32> to vector<8x128xi32>
    %slice3A_3306 = vector.extract_strided_slice %select_n3A_3281 {offsets = [0, 0], sizes = [504, 128], strides = [1, 1]} : vector<512x128xi32> to vector<504x128xi32>
    %concatenate3A_3307 = tpu.concatenate %slice3A_3305, %slice3A_3306 in 0 : vector<8x128xi32>, vector<504x128xi32> -> vector<512x128xi32>
    %iota3A_3308 = tpu.iota {dimensions = array<i32: 0>} : vector<512x128xi32>
    %and3A_3309 = arith.constant 8 : i32
    %and3A_3310 = vector.broadcast %and3A_3309 : i32 to vector<512x128xi32>
    %and3A_3311 = arith.andi %iota3A_3308, %and3A_3310 : vector<512x128xi32>
    %eq3A_3312 = arith.constant 0 : i32
    %eq3A_3313 = vector.broadcast %eq3A_3312 : i32 to vector<512x128xi32>
    %eq3A_3314 = arith.cmpi eq, %and3A_3311, %eq3A_3313 : vector<512x128xi32>
    %select_n3A_3315 = arith.select %eq3A_3314, %concatenate3A_3304, %concatenate3A_3307 : vector<512x128xi1>, vector<512x128xi32>
    %gt3A_3316 = arith.cmpi sgt, %select_n3A_3280, %select_n3A_3295 : vector<512x128xi32>
    %eq3A_3317 = arith.cmpi eq, %select_n3A_3280, %select_n3A_3295 : vector<512x128xi32>
    %lt3A_3318 = arith.cmpi slt, %select_n3A_3281, %select_n3A_3315 : vector<512x128xi32>
    %and3A_3319 = arith.andi %eq3A_3317, %lt3A_3318 : vector<512x128xi1>
    %or3A_3320 = arith.ori %gt3A_3316, %and3A_3319 : vector<512x128xi1>
    %eq3A_3321 = arith.xori %eq3A_3301, %eq3A_3234 : vector<512x128xi1>
    %eq3A_3322 = arith.constant dense<true> : vector<512x128xi1>
    %eq3A_3323 = arith.xori %eq3A_3321, %eq3A_3322 : vector<512x128xi1>
    %eq3A_3324 = arith.xori %or3A_3320, %eq3A_3323 : vector<512x128xi1>
    %eq3A_3325 = arith.constant dense<true> : vector<512x128xi1>
    %eq3A_3326 = arith.xori %eq3A_3324, %eq3A_3325 : vector<512x128xi1>
    %select_n3A_3327 = arith.select %eq3A_3326, %select_n3A_3280, %select_n3A_3295 : vector<512x128xi1>, vector<512x128xi32>
    %select_n3A_3328 = arith.select %eq3A_3326, %select_n3A_3281, %select_n3A_3315 : vector<512x128xi1>, vector<512x128xi32>
    %slice3A_3329 = vector.extract_strided_slice %select_n3A_3327 {offsets = [4, 0], sizes = [508, 128], strides = [1, 1]} : vector<512x128xi32> to vector<508x128xi32>
    %slice3A_3330 = vector.extract_strided_slice %select_n3A_3327 {offsets = [0, 0], sizes = [4, 128], strides = [1, 1]} : vector<512x128xi32> to vector<4x128xi32>
    %concatenate3A_3331 = tpu.concatenate %slice3A_3329, %slice3A_3330 in 0 : vector<508x128xi32>, vector<4x128xi32> -> vector<512x128xi32>
    %slice3A_3332 = vector.extract_strided_slice %select_n3A_3327 {offsets = [508, 0], sizes = [4, 128], strides = [1, 1]} : vector<512x128xi32> to vector<4x128xi32>
    %slice3A_3333 = vector.extract_strided_slice %select_n3A_3327 {offsets = [0, 0], sizes = [508, 128], strides = [1, 1]} : vector<512x128xi32> to vector<508x128xi32>
    %concatenate3A_3334 = tpu.concatenate %slice3A_3332, %slice3A_3333 in 0 : vector<4x128xi32>, vector<508x128xi32> -> vector<512x128xi32>
    %iota3A_3335 = tpu.iota {dimensions = array<i32: 0>} : vector<512x128xi32>
    %and3A_3336 = arith.constant 4 : i32
    %and3A_3337 = vector.broadcast %and3A_3336 : i32 to vector<512x128xi32>
    %and3A_3338 = arith.andi %iota3A_3335, %and3A_3337 : vector<512x128xi32>
    %eq3A_3339 = arith.constant 0 : i32
    %eq3A_3340 = vector.broadcast %eq3A_3339 : i32 to vector<512x128xi32>
    %eq3A_3341 = arith.cmpi eq, %and3A_3338, %eq3A_3340 : vector<512x128xi32>
    %select_n3A_3342 = arith.select %eq3A_3341, %concatenate3A_3331, %concatenate3A_3334 : vector<512x128xi1>, vector<512x128xi32>
    %and3A_3343 = arith.constant 4 : i32
    %and3A_3344 = vector.broadcast %and3A_3343 : i32 to vector<512x128xi32>
    %and3A_3345 = arith.andi %iota3A_3335, %and3A_3344 : vector<512x128xi32>
    %eq3A_3346 = arith.constant 0 : i32
    %eq3A_3347 = vector.broadcast %eq3A_3346 : i32 to vector<512x128xi32>
    %eq3A_3348 = arith.cmpi eq, %and3A_3345, %eq3A_3347 : vector<512x128xi32>
    %slice3A_3349 = vector.extract_strided_slice %select_n3A_3328 {offsets = [4, 0], sizes = [508, 128], strides = [1, 1]} : vector<512x128xi32> to vector<508x128xi32>
    %slice3A_3350 = vector.extract_strided_slice %select_n3A_3328 {offsets = [0, 0], sizes = [4, 128], strides = [1, 1]} : vector<512x128xi32> to vector<4x128xi32>
    %concatenate3A_3351 = tpu.concatenate %slice3A_3349, %slice3A_3350 in 0 : vector<508x128xi32>, vector<4x128xi32> -> vector<512x128xi32>
    %slice3A_3352 = vector.extract_strided_slice %select_n3A_3328 {offsets = [508, 0], sizes = [4, 128], strides = [1, 1]} : vector<512x128xi32> to vector<4x128xi32>
    %slice3A_3353 = vector.extract_strided_slice %select_n3A_3328 {offsets = [0, 0], sizes = [508, 128], strides = [1, 1]} : vector<512x128xi32> to vector<508x128xi32>
    %concatenate3A_3354 = tpu.concatenate %slice3A_3352, %slice3A_3353 in 0 : vector<4x128xi32>, vector<508x128xi32> -> vector<512x128xi32>
    %iota3A_3355 = tpu.iota {dimensions = array<i32: 0>} : vector<512x128xi32>
    %and3A_3356 = arith.constant 4 : i32
    %and3A_3357 = vector.broadcast %and3A_3356 : i32 to vector<512x128xi32>
    %and3A_3358 = arith.andi %iota3A_3355, %and3A_3357 : vector<512x128xi32>
    %eq3A_3359 = arith.constant 0 : i32
    %eq3A_3360 = vector.broadcast %eq3A_3359 : i32 to vector<512x128xi32>
    %eq3A_3361 = arith.cmpi eq, %and3A_3358, %eq3A_3360 : vector<512x128xi32>
    %select_n3A_3362 = arith.select %eq3A_3361, %concatenate3A_3351, %concatenate3A_3354 : vector<512x128xi1>, vector<512x128xi32>
    %gt3A_3363 = arith.cmpi sgt, %select_n3A_3327, %select_n3A_3342 : vector<512x128xi32>
    %eq3A_3364 = arith.cmpi eq, %select_n3A_3327, %select_n3A_3342 : vector<512x128xi32>
    %lt3A_3365 = arith.cmpi slt, %select_n3A_3328, %select_n3A_3362 : vector<512x128xi32>
    %and3A_3366 = arith.andi %eq3A_3364, %lt3A_3365 : vector<512x128xi1>
    %or3A_3367 = arith.ori %gt3A_3363, %and3A_3366 : vector<512x128xi1>
    %eq3A_3368 = arith.xori %eq3A_3348, %eq3A_3234 : vector<512x128xi1>
    %eq3A_3369 = arith.constant dense<true> : vector<512x128xi1>
    %eq3A_3370 = arith.xori %eq3A_3368, %eq3A_3369 : vector<512x128xi1>
    %eq3A_3371 = arith.xori %or3A_3367, %eq3A_3370 : vector<512x128xi1>
    %eq3A_3372 = arith.constant dense<true> : vector<512x128xi1>
    %eq3A_3373 = arith.xori %eq3A_3371, %eq3A_3372 : vector<512x128xi1>
    %select_n3A_3374 = arith.select %eq3A_3373, %select_n3A_3327, %select_n3A_3342 : vector<512x128xi1>, vector<512x128xi32>
    %select_n3A_3375 = arith.select %eq3A_3373, %select_n3A_3328, %select_n3A_3362 : vector<512x128xi1>, vector<512x128xi32>
    %slice3A_3376 = vector.extract_strided_slice %select_n3A_3374 {offsets = [2, 0], sizes = [510, 128], strides = [1, 1]} : vector<512x128xi32> to vector<510x128xi32>
    %slice3A_3377 = vector.extract_strided_slice %select_n3A_3374 {offsets = [0, 0], sizes = [2, 128], strides = [1, 1]} : vector<512x128xi32> to vector<2x128xi32>
    %concatenate3A_3378 = tpu.concatenate %slice3A_3376, %slice3A_3377 in 0 : vector<510x128xi32>, vector<2x128xi32> -> vector<512x128xi32>
    %slice3A_3379 = vector.extract_strided_slice %select_n3A_3374 {offsets = [510, 0], sizes = [2, 128], strides = [1, 1]} : vector<512x128xi32> to vector<2x128xi32>
    %slice3A_3380 = vector.extract_strided_slice %select_n3A_3374 {offsets = [0, 0], sizes = [510, 128], strides = [1, 1]} : vector<512x128xi32> to vector<510x128xi32>
    %concatenate3A_3381 = tpu.concatenate %slice3A_3379, %slice3A_3380 in 0 : vector<2x128xi32>, vector<510x128xi32> -> vector<512x128xi32>
    %iota3A_3382 = tpu.iota {dimensions = array<i32: 0>} : vector<512x128xi32>
    %and3A_3383 = arith.constant 2 : i32
    %and3A_3384 = vector.broadcast %and3A_3383 : i32 to vector<512x128xi32>
    %and3A_3385 = arith.andi %iota3A_3382, %and3A_3384 : vector<512x128xi32>
    %eq3A_3386 = arith.constant 0 : i32
    %eq3A_3387 = vector.broadcast %eq3A_3386 : i32 to vector<512x128xi32>
    %eq3A_3388 = arith.cmpi eq, %and3A_3385, %eq3A_3387 : vector<512x128xi32>
    %select_n3A_3389 = arith.select %eq3A_3388, %concatenate3A_3378, %concatenate3A_3381 : vector<512x128xi1>, vector<512x128xi32>
    %and3A_3390 = arith.constant 2 : i32
    %and3A_3391 = vector.broadcast %and3A_3390 : i32 to vector<512x128xi32>
    %and3A_3392 = arith.andi %iota3A_3382, %and3A_3391 : vector<512x128xi32>
    %eq3A_3393 = arith.constant 0 : i32
    %eq3A_3394 = vector.broadcast %eq3A_3393 : i32 to vector<512x128xi32>
    %eq3A_3395 = arith.cmpi eq, %and3A_3392, %eq3A_3394 : vector<512x128xi32>
    %slice3A_3396 = vector.extract_strided_slice %select_n3A_3375 {offsets = [2, 0], sizes = [510, 128], strides = [1, 1]} : vector<512x128xi32> to vector<510x128xi32>
    %slice3A_3397 = vector.extract_strided_slice %select_n3A_3375 {offsets = [0, 0], sizes = [2, 128], strides = [1, 1]} : vector<512x128xi32> to vector<2x128xi32>
    %concatenate3A_3398 = tpu.concatenate %slice3A_3396, %slice3A_3397 in 0 : vector<510x128xi32>, vector<2x128xi32> -> vector<512x128xi32>
    %slice3A_3399 = vector.extract_strided_slice %select_n3A_3375 {offsets = [510, 0], sizes = [2, 128], strides = [1, 1]} : vector<512x128xi32> to vector<2x128xi32>
    %slice3A_3400 = vector.extract_strided_slice %select_n3A_3375 {offsets = [0, 0], sizes = [510, 128], strides = [1, 1]} : vector<512x128xi32> to vector<510x128xi32>
    %concatenate3A_3401 = tpu.concatenate %slice3A_3399, %slice3A_3400 in 0 : vector<2x128xi32>, vector<510x128xi32> -> vector<512x128xi32>
    %iota3A_3402 = tpu.iota {dimensions = array<i32: 0>} : vector<512x128xi32>
    %and3A_3403 = arith.constant 2 : i32
    %and3A_3404 = vector.broadcast %and3A_3403 : i32 to vector<512x128xi32>
    %and3A_3405 = arith.andi %iota3A_3402, %and3A_3404 : vector<512x128xi32>
    %eq3A_3406 = arith.constant 0 : i32
    %eq3A_3407 = vector.broadcast %eq3A_3406 : i32 to vector<512x128xi32>
    %eq3A_3408 = arith.cmpi eq, %and3A_3405, %eq3A_3407 : vector<512x128xi32>
    %select_n3A_3409 = arith.select %eq3A_3408, %concatenate3A_3398, %concatenate3A_3401 : vector<512x128xi1>, vector<512x128xi32>
    %gt3A_3410 = arith.cmpi sgt, %select_n3A_3374, %select_n3A_3389 : vector<512x128xi32>
    %eq3A_3411 = arith.cmpi eq, %select_n3A_3374, %select_n3A_3389 : vector<512x128xi32>
    %lt3A_3412 = arith.cmpi slt, %select_n3A_3375, %select_n3A_3409 : vector<512x128xi32>
    %and3A_3413 = arith.andi %eq3A_3411, %lt3A_3412 : vector<512x128xi1>
    %or3A_3414 = arith.ori %gt3A_3410, %and3A_3413 : vector<512x128xi1>
    %eq3A_3415 = arith.xori %eq3A_3395, %eq3A_3234 : vector<512x128xi1>
    %eq3A_3416 = arith.constant dense<true> : vector<512x128xi1>
    %eq3A_3417 = arith.xori %eq3A_3415, %eq3A_3416 : vector<512x128xi1>
    %eq3A_3418 = arith.xori %or3A_3414, %eq3A_3417 : vector<512x128xi1>
    %eq3A_3419 = arith.constant dense<true> : vector<512x128xi1>
    %eq3A_3420 = arith.xori %eq3A_3418, %eq3A_3419 : vector<512x128xi1>
    %select_n3A_3421 = arith.select %eq3A_3420, %select_n3A_3374, %select_n3A_3389 : vector<512x128xi1>, vector<512x128xi32>
    %select_n3A_3422 = arith.select %eq3A_3420, %select_n3A_3375, %select_n3A_3409 : vector<512x128xi1>, vector<512x128xi32>
    %slice3A_3423 = vector.extract_strided_slice %select_n3A_3421 {offsets = [1, 0], sizes = [511, 128], strides = [1, 1]} : vector<512x128xi32> to vector<511x128xi32>
    %slice3A_3424 = vector.extract_strided_slice %select_n3A_3421 {offsets = [0, 0], sizes = [1, 128], strides = [1, 1]} : vector<512x128xi32> to vector<1x128xi32>
    %concatenate3A_3425 = tpu.concatenate %slice3A_3423, %slice3A_3424 in 0 : vector<511x128xi32>, vector<1x128xi32> -> vector<512x128xi32>
    %slice3A_3426 = vector.extract_strided_slice %select_n3A_3421 {offsets = [511, 0], sizes = [1, 128], strides = [1, 1]} : vector<512x128xi32> to vector<1x128xi32>
    %slice3A_3427 = vector.extract_strided_slice %select_n3A_3421 {offsets = [0, 0], sizes = [511, 128], strides = [1, 1]} : vector<512x128xi32> to vector<511x128xi32>
    %concatenate3A_3428 = tpu.concatenate %slice3A_3426, %slice3A_3427 in 0 : vector<1x128xi32>, vector<511x128xi32> -> vector<512x128xi32>
    %iota3A_3429 = tpu.iota {dimensions = array<i32: 0>} : vector<512x128xi32>
    %and3A_3430 = arith.constant 1 : i32
    %and3A_3431 = vector.broadcast %and3A_3430 : i32 to vector<512x128xi32>
    %and3A_3432 = arith.andi %iota3A_3429, %and3A_3431 : vector<512x128xi32>
    %eq3A_3433 = arith.constant 0 : i32
    %eq3A_3434 = vector.broadcast %eq3A_3433 : i32 to vector<512x128xi32>
    %eq3A_3435 = arith.cmpi eq, %and3A_3432, %eq3A_3434 : vector<512x128xi32>
    %select_n3A_3436 = arith.select %eq3A_3435, %concatenate3A_3425, %concatenate3A_3428 : vector<512x128xi1>, vector<512x128xi32>
    %and3A_3437 = arith.constant 1 : i32
    %and3A_3438 = vector.broadcast %and3A_3437 : i32 to vector<512x128xi32>
    %and3A_3439 = arith.andi %iota3A_3429, %and3A_3438 : vector<512x128xi32>
    %eq3A_3440 = arith.constant 0 : i32
    %eq3A_3441 = vector.broadcast %eq3A_3440 : i32 to vector<512x128xi32>
    %eq3A_3442 = arith.cmpi eq, %and3A_3439, %eq3A_3441 : vector<512x128xi32>
    %slice3A_3443 = vector.extract_strided_slice %select_n3A_3422 {offsets = [1, 0], sizes = [511, 128], strides = [1, 1]} : vector<512x128xi32> to vector<511x128xi32>
    %slice3A_3444 = vector.extract_strided_slice %select_n3A_3422 {offsets = [0, 0], sizes = [1, 128], strides = [1, 1]} : vector<512x128xi32> to vector<1x128xi32>
    %concatenate3A_3445 = tpu.concatenate %slice3A_3443, %slice3A_3444 in 0 : vector<511x128xi32>, vector<1x128xi32> -> vector<512x128xi32>
    %slice3A_3446 = vector.extract_strided_slice %select_n3A_3422 {offsets = [511, 0], sizes = [1, 128], strides = [1, 1]} : vector<512x128xi32> to vector<1x128xi32>
    %slice3A_3447 = vector.extract_strided_slice %select_n3A_3422 {offsets = [0, 0], sizes = [511, 128], strides = [1, 1]} : vector<512x128xi32> to vector<511x128xi32>
    %concatenate3A_3448 = tpu.concatenate %slice3A_3446, %slice3A_3447 in 0 : vector<1x128xi32>, vector<511x128xi32> -> vector<512x128xi32>
    %iota3A_3449 = tpu.iota {dimensions = array<i32: 0>} : vector<512x128xi32>
    %and3A_3450 = arith.constant 1 : i32
    %and3A_3451 = vector.broadcast %and3A_3450 : i32 to vector<512x128xi32>
    %and3A_3452 = arith.andi %iota3A_3449, %and3A_3451 : vector<512x128xi32>
    %eq3A_3453 = arith.constant 0 : i32
    %eq3A_3454 = vector.broadcast %eq3A_3453 : i32 to vector<512x128xi32>
    %eq3A_3455 = arith.cmpi eq, %and3A_3452, %eq3A_3454 : vector<512x128xi32>
    %select_n3A_3456 = arith.select %eq3A_3455, %concatenate3A_3445, %concatenate3A_3448 : vector<512x128xi1>, vector<512x128xi32>
    %gt3A_3457 = arith.cmpi sgt, %select_n3A_3421, %select_n3A_3436 : vector<512x128xi32>
    %eq3A_3458 = arith.cmpi eq, %select_n3A_3421, %select_n3A_3436 : vector<512x128xi32>
    %lt3A_3459 = arith.cmpi slt, %select_n3A_3422, %select_n3A_3456 : vector<512x128xi32>
    %and3A_3460 = arith.andi %eq3A_3458, %lt3A_3459 : vector<512x128xi1>
    %or3A_3461 = arith.ori %gt3A_3457, %and3A_3460 : vector<512x128xi1>
    %eq3A_3462 = arith.xori %eq3A_3442, %eq3A_3234 : vector<512x128xi1>
    %eq3A_3463 = arith.constant dense<true> : vector<512x128xi1>
    %eq3A_3464 = arith.xori %eq3A_3462, %eq3A_3463 : vector<512x128xi1>
    %eq3A_3465 = arith.xori %or3A_3461, %eq3A_3464 : vector<512x128xi1>
    %eq3A_3466 = arith.constant dense<true> : vector<512x128xi1>
    %eq3A_3467 = arith.xori %eq3A_3465, %eq3A_3466 : vector<512x128xi1>
    %select_n3A_3468 = arith.select %eq3A_3467, %select_n3A_3421, %select_n3A_3436 : vector<512x128xi1>, vector<512x128xi32>
    %select_n3A_3469 = arith.select %eq3A_3467, %select_n3A_3422, %select_n3A_3456 : vector<512x128xi1>, vector<512x128xi32>
    %slice3A_3470 = vector.extract_strided_slice %select_n3A_3468 {offsets = [0, 64], sizes = [512, 64], strides = [1, 1]} : vector<512x128xi32> to vector<512x64xi32>
    %slice3A_3471 = vector.extract_strided_slice %select_n3A_3468 {offsets = [0, 0], sizes = [512, 64], strides = [1, 1]} : vector<512x128xi32> to vector<512x64xi32>
    %concatenate3A_3472 = tpu.concatenate %slice3A_3470, %slice3A_3471 in 1 : vector<512x64xi32>, vector<512x64xi32> -> vector<512x128xi32>
    %slice3A_3473 = vector.extract_strided_slice %select_n3A_3468 {offsets = [0, 64], sizes = [512, 64], strides = [1, 1]} : vector<512x128xi32> to vector<512x64xi32>
    %slice3A_3474 = vector.extract_strided_slice %select_n3A_3468 {offsets = [0, 0], sizes = [512, 64], strides = [1, 1]} : vector<512x128xi32> to vector<512x64xi32>
    %concatenate3A_3475 = tpu.concatenate %slice3A_3473, %slice3A_3474 in 1 : vector<512x64xi32>, vector<512x64xi32> -> vector<512x128xi32>
    %iota3A_3476 = tpu.iota {dimensions = array<i32: 1>} : vector<512x128xi32>
    %and3A_3477 = arith.constant 64 : i32
    %and3A_3478 = vector.broadcast %and3A_3477 : i32 to vector<512x128xi32>
    %and3A_3479 = arith.andi %iota3A_3476, %and3A_3478 : vector<512x128xi32>
    %eq3A_3480 = arith.constant 0 : i32
    %eq3A_3481 = vector.broadcast %eq3A_3480 : i32 to vector<512x128xi32>
    %eq3A_3482 = arith.cmpi eq, %and3A_3479, %eq3A_3481 : vector<512x128xi32>
    %select_n3A_3483 = arith.select %eq3A_3482, %concatenate3A_3472, %concatenate3A_3475 : vector<512x128xi1>, vector<512x128xi32>
    %and3A_3484 = arith.constant 64 : i32
    %and3A_3485 = vector.broadcast %and3A_3484 : i32 to vector<512x128xi32>
    %and3A_3486 = arith.andi %iota3A_3476, %and3A_3485 : vector<512x128xi32>
    %eq3A_3487 = arith.constant 0 : i32
    %eq3A_3488 = vector.broadcast %eq3A_3487 : i32 to vector<512x128xi32>
    %eq3A_3489 = arith.cmpi eq, %and3A_3486, %eq3A_3488 : vector<512x128xi32>
    %slice3A_3490 = vector.extract_strided_slice %select_n3A_3469 {offsets = [0, 64], sizes = [512, 64], strides = [1, 1]} : vector<512x128xi32> to vector<512x64xi32>
    %slice3A_3491 = vector.extract_strided_slice %select_n3A_3469 {offsets = [0, 0], sizes = [512, 64], strides = [1, 1]} : vector<512x128xi32> to vector<512x64xi32>
    %concatenate3A_3492 = tpu.concatenate %slice3A_3490, %slice3A_3491 in 1 : vector<512x64xi32>, vector<512x64xi32> -> vector<512x128xi32>
    %slice3A_3493 = vector.extract_strided_slice %select_n3A_3469 {offsets = [0, 64], sizes = [512, 64], strides = [1, 1]} : vector<512x128xi32> to vector<512x64xi32>
    %slice3A_3494 = vector.extract_strided_slice %select_n3A_3469 {offsets = [0, 0], sizes = [512, 64], strides = [1, 1]} : vector<512x128xi32> to vector<512x64xi32>
    %concatenate3A_3495 = tpu.concatenate %slice3A_3493, %slice3A_3494 in 1 : vector<512x64xi32>, vector<512x64xi32> -> vector<512x128xi32>
    %iota3A_3496 = tpu.iota {dimensions = array<i32: 1>} : vector<512x128xi32>
    %and3A_3497 = arith.constant 64 : i32
    %and3A_3498 = vector.broadcast %and3A_3497 : i32 to vector<512x128xi32>
    %and3A_3499 = arith.andi %iota3A_3496, %and3A_3498 : vector<512x128xi32>
    %eq3A_3500 = arith.constant 0 : i32
    %eq3A_3501 = vector.broadcast %eq3A_3500 : i32 to vector<512x128xi32>
    %eq3A_3502 = arith.cmpi eq, %and3A_3499, %eq3A_3501 : vector<512x128xi32>
    %select_n3A_3503 = arith.select %eq3A_3502, %concatenate3A_3492, %concatenate3A_3495 : vector<512x128xi1>, vector<512x128xi32>
    %gt3A_3504 = arith.cmpi sgt, %select_n3A_3468, %select_n3A_3483 : vector<512x128xi32>
    %eq3A_3505 = arith.cmpi eq, %select_n3A_3468, %select_n3A_3483 : vector<512x128xi32>
    %lt3A_3506 = arith.cmpi slt, %select_n3A_3469, %select_n3A_3503 : vector<512x128xi32>
    %and3A_3507 = arith.andi %eq3A_3505, %lt3A_3506 : vector<512x128xi1>
    %or3A_3508 = arith.ori %gt3A_3504, %and3A_3507 : vector<512x128xi1>
    %eq3A_3509 = arith.xori %eq3A_3489, %eq3A_3234 : vector<512x128xi1>
    %eq3A_3510 = arith.constant dense<true> : vector<512x128xi1>
    %eq3A_3511 = arith.xori %eq3A_3509, %eq3A_3510 : vector<512x128xi1>
    %eq3A_3512 = arith.xori %or3A_3508, %eq3A_3511 : vector<512x128xi1>
    %eq3A_3513 = arith.constant dense<true> : vector<512x128xi1>
    %eq3A_3514 = arith.xori %eq3A_3512, %eq3A_3513 : vector<512x128xi1>
    %select_n3A_3515 = arith.select %eq3A_3514, %select_n3A_3468, %select_n3A_3483 : vector<512x128xi1>, vector<512x128xi32>
    %select_n3A_3516 = arith.select %eq3A_3514, %select_n3A_3469, %select_n3A_3503 : vector<512x128xi1>, vector<512x128xi32>
    %slice3A_3517 = vector.extract_strided_slice %select_n3A_3515 {offsets = [0, 32], sizes = [512, 96], strides = [1, 1]} : vector<512x128xi32> to vector<512x96xi32>
    %slice3A_3518 = vector.extract_strided_slice %select_n3A_3515 {offsets = [0, 0], sizes = [512, 32], strides = [1, 1]} : vector<512x128xi32> to vector<512x32xi32>
    %concatenate3A_3519 = tpu.concatenate %slice3A_3517, %slice3A_3518 in 1 : vector<512x96xi32>, vector<512x32xi32> -> vector<512x128xi32>
    %slice3A_3520 = vector.extract_strided_slice %select_n3A_3515 {offsets = [0, 96], sizes = [512, 32], strides = [1, 1]} : vector<512x128xi32> to vector<512x32xi32>
    %slice3A_3521 = vector.extract_strided_slice %select_n3A_3515 {offsets = [0, 0], sizes = [512, 96], strides = [1, 1]} : vector<512x128xi32> to vector<512x96xi32>
    %concatenate3A_3522 = tpu.concatenate %slice3A_3520, %slice3A_3521 in 1 : vector<512x32xi32>, vector<512x96xi32> -> vector<512x128xi32>
    %iota3A_3523 = tpu.iota {dimensions = array<i32: 1>} : vector<512x128xi32>
    %and3A_3524 = arith.constant 32 : i32
    %and3A_3525 = vector.broadcast %and3A_3524 : i32 to vector<512x128xi32>
    %and3A_3526 = arith.andi %iota3A_3523, %and3A_3525 : vector<512x128xi32>
    %eq3A_3527 = arith.constant 0 : i32
    %eq3A_3528 = vector.broadcast %eq3A_3527 : i32 to vector<512x128xi32>
    %eq3A_3529 = arith.cmpi eq, %and3A_3526, %eq3A_3528 : vector<512x128xi32>
    %select_n3A_3530 = arith.select %eq3A_3529, %concatenate3A_3519, %concatenate3A_3522 : vector<512x128xi1>, vector<512x128xi32>
    %and3A_3531 = arith.constant 32 : i32
    %and3A_3532 = vector.broadcast %and3A_3531 : i32 to vector<512x128xi32>
    %and3A_3533 = arith.andi %iota3A_3523, %and3A_3532 : vector<512x128xi32>
    %eq3A_3534 = arith.constant 0 : i32
    %eq3A_3535 = vector.broadcast %eq3A_3534 : i32 to vector<512x128xi32>
    %eq3A_3536 = arith.cmpi eq, %and3A_3533, %eq3A_3535 : vector<512x128xi32>
    %slice3A_3537 = vector.extract_strided_slice %select_n3A_3516 {offsets = [0, 32], sizes = [512, 96], strides = [1, 1]} : vector<512x128xi32> to vector<512x96xi32>
    %slice3A_3538 = vector.extract_strided_slice %select_n3A_3516 {offsets = [0, 0], sizes = [512, 32], strides = [1, 1]} : vector<512x128xi32> to vector<512x32xi32>
    %concatenate3A_3539 = tpu.concatenate %slice3A_3537, %slice3A_3538 in 1 : vector<512x96xi32>, vector<512x32xi32> -> vector<512x128xi32>
    %slice3A_3540 = vector.extract_strided_slice %select_n3A_3516 {offsets = [0, 96], sizes = [512, 32], strides = [1, 1]} : vector<512x128xi32> to vector<512x32xi32>
    %slice3A_3541 = vector.extract_strided_slice %select_n3A_3516 {offsets = [0, 0], sizes = [512, 96], strides = [1, 1]} : vector<512x128xi32> to vector<512x96xi32>
    %concatenate3A_3542 = tpu.concatenate %slice3A_3540, %slice3A_3541 in 1 : vector<512x32xi32>, vector<512x96xi32> -> vector<512x128xi32>
    %iota3A_3543 = tpu.iota {dimensions = array<i32: 1>} : vector<512x128xi32>
    %and3A_3544 = arith.constant 32 : i32
    %and3A_3545 = vector.broadcast %and3A_3544 : i32 to vector<512x128xi32>
    %and3A_3546 = arith.andi %iota3A_3543, %and3A_3545 : vector<512x128xi32>
    %eq3A_3547 = arith.constant 0 : i32
    %eq3A_3548 = vector.broadcast %eq3A_3547 : i32 to vector<512x128xi32>
    %eq3A_3549 = arith.cmpi eq, %and3A_3546, %eq3A_3548 : vector<512x128xi32>
    %select_n3A_3550 = arith.select %eq3A_3549, %concatenate3A_3539, %concatenate3A_3542 : vector<512x128xi1>, vector<512x128xi32>
    %gt3A_3551 = arith.cmpi sgt, %select_n3A_3515, %select_n3A_3530 : vector<512x128xi32>
    %eq3A_3552 = arith.cmpi eq, %select_n3A_3515, %select_n3A_3530 : vector<512x128xi32>
    %lt3A_3553 = arith.cmpi slt, %select_n3A_3516, %select_n3A_3550 : vector<512x128xi32>
    %and3A_3554 = arith.andi %eq3A_3552, %lt3A_3553 : vector<512x128xi1>
    %or3A_3555 = arith.ori %gt3A_3551, %and3A_3554 : vector<512x128xi1>
    %eq3A_3556 = arith.xori %eq3A_3536, %eq3A_3234 : vector<512x128xi1>
    %eq3A_3557 = arith.constant dense<true> : vector<512x128xi1>
    %eq3A_3558 = arith.xori %eq3A_3556, %eq3A_3557 : vector<512x128xi1>
    %eq3A_3559 = arith.xori %or3A_3555, %eq3A_3558 : vector<512x128xi1>
    %eq3A_3560 = arith.constant dense<true> : vector<512x128xi1>
    %eq3A_3561 = arith.xori %eq3A_3559, %eq3A_3560 : vector<512x128xi1>
    %select_n3A_3562 = arith.select %eq3A_3561, %select_n3A_3515, %select_n3A_3530 : vector<512x128xi1>, vector<512x128xi32>
    %select_n3A_3563 = arith.select %eq3A_3561, %select_n3A_3516, %select_n3A_3550 : vector<512x128xi1>, vector<512x128xi32>
    %slice3A_3564 = vector.extract_strided_slice %select_n3A_3562 {offsets = [0, 16], sizes = [512, 112], strides = [1, 1]} : vector<512x128xi32> to vector<512x112xi32>
    %slice3A_3565 = vector.extract_strided_slice %select_n3A_3562 {offsets = [0, 0], sizes = [512, 16], strides = [1, 1]} : vector<512x128xi32> to vector<512x16xi32>
    %concatenate3A_3566 = tpu.concatenate %slice3A_3564, %slice3A_3565 in 1 : vector<512x112xi32>, vector<512x16xi32> -> vector<512x128xi32>
    %slice3A_3567 = vector.extract_strided_slice %select_n3A_3562 {offsets = [0, 112], sizes = [512, 16], strides = [1, 1]} : vector<512x128xi32> to vector<512x16xi32>
    %slice3A_3568 = vector.extract_strided_slice %select_n3A_3562 {offsets = [0, 0], sizes = [512, 112], strides = [1, 1]} : vector<512x128xi32> to vector<512x112xi32>
    %concatenate3A_3569 = tpu.concatenate %slice3A_3567, %slice3A_3568 in 1 : vector<512x16xi32>, vector<512x112xi32> -> vector<512x128xi32>
    %iota3A_3570 = tpu.iota {dimensions = array<i32: 1>} : vector<512x128xi32>
    %and3A_3571 = arith.constant 16 : i32
    %and3A_3572 = vector.broadcast %and3A_3571 : i32 to vector<512x128xi32>
    %and3A_3573 = arith.andi %iota3A_3570, %and3A_3572 : vector<512x128xi32>
    %eq3A_3574 = arith.constant 0 : i32
    %eq3A_3575 = vector.broadcast %eq3A_3574 : i32 to vector<512x128xi32>
    %eq3A_3576 = arith.cmpi eq, %and3A_3573, %eq3A_3575 : vector<512x128xi32>
    %select_n3A_3577 = arith.select %eq3A_3576, %concatenate3A_3566, %concatenate3A_3569 : vector<512x128xi1>, vector<512x128xi32>
    %and3A_3578 = arith.constant 16 : i32
    %and3A_3579 = vector.broadcast %and3A_3578 : i32 to vector<512x128xi32>
    %and3A_3580 = arith.andi %iota3A_3570, %and3A_3579 : vector<512x128xi32>
    %eq3A_3581 = arith.constant 0 : i32
    %eq3A_3582 = vector.broadcast %eq3A_3581 : i32 to vector<512x128xi32>
    %eq3A_3583 = arith.cmpi eq, %and3A_3580, %eq3A_3582 : vector<512x128xi32>
    %slice3A_3584 = vector.extract_strided_slice %select_n3A_3563 {offsets = [0, 16], sizes = [512, 112], strides = [1, 1]} : vector<512x128xi32> to vector<512x112xi32>
    %slice3A_3585 = vector.extract_strided_slice %select_n3A_3563 {offsets = [0, 0], sizes = [512, 16], strides = [1, 1]} : vector<512x128xi32> to vector<512x16xi32>
    %concatenate3A_3586 = tpu.concatenate %slice3A_3584, %slice3A_3585 in 1 : vector<512x112xi32>, vector<512x16xi32> -> vector<512x128xi32>
    %slice3A_3587 = vector.extract_strided_slice %select_n3A_3563 {offsets = [0, 112], sizes = [512, 16], strides = [1, 1]} : vector<512x128xi32> to vector<512x16xi32>
    %slice3A_3588 = vector.extract_strided_slice %select_n3A_3563 {offsets = [0, 0], sizes = [512, 112], strides = [1, 1]} : vector<512x128xi32> to vector<512x112xi32>
    %concatenate3A_3589 = tpu.concatenate %slice3A_3587, %slice3A_3588 in 1 : vector<512x16xi32>, vector<512x112xi32> -> vector<512x128xi32>
    %iota3A_3590 = tpu.iota {dimensions = array<i32: 1>} : vector<512x128xi32>
    %and3A_3591 = arith.constant 16 : i32
    %and3A_3592 = vector.broadcast %and3A_3591 : i32 to vector<512x128xi32>
    %and3A_3593 = arith.andi %iota3A_3590, %and3A_3592 : vector<512x128xi32>
    %eq3A_3594 = arith.constant 0 : i32
    %eq3A_3595 = vector.broadcast %eq3A_3594 : i32 to vector<512x128xi32>
    %eq3A_3596 = arith.cmpi eq, %and3A_3593, %eq3A_3595 : vector<512x128xi32>
    %select_n3A_3597 = arith.select %eq3A_3596, %concatenate3A_3586, %concatenate3A_3589 : vector<512x128xi1>, vector<512x128xi32>
    %gt3A_3598 = arith.cmpi sgt, %select_n3A_3562, %select_n3A_3577 : vector<512x128xi32>
    %eq3A_3599 = arith.cmpi eq, %select_n3A_3562, %select_n3A_3577 : vector<512x128xi32>
    %lt3A_3600 = arith.cmpi slt, %select_n3A_3563, %select_n3A_3597 : vector<512x128xi32>
    %and3A_3601 = arith.andi %eq3A_3599, %lt3A_3600 : vector<512x128xi1>
    %or3A_3602 = arith.ori %gt3A_3598, %and3A_3601 : vector<512x128xi1>
    %eq3A_3603 = arith.xori %eq3A_3583, %eq3A_3234 : vector<512x128xi1>
    %eq3A_3604 = arith.constant dense<true> : vector<512x128xi1>
    %eq3A_3605 = arith.xori %eq3A_3603, %eq3A_3604 : vector<512x128xi1>
    %eq3A_3606 = arith.xori %or3A_3602, %eq3A_3605 : vector<512x128xi1>
    %eq3A_3607 = arith.constant dense<true> : vector<512x128xi1>
    %eq3A_3608 = arith.xori %eq3A_3606, %eq3A_3607 : vector<512x128xi1>
    %select_n3A_3609 = arith.select %eq3A_3608, %select_n3A_3562, %select_n3A_3577 : vector<512x128xi1>, vector<512x128xi32>
    %select_n3A_3610 = arith.select %eq3A_3608, %select_n3A_3563, %select_n3A_3597 : vector<512x128xi1>, vector<512x128xi32>
    %slice3A_3611 = vector.extract_strided_slice %select_n3A_3609 {offsets = [0, 8], sizes = [512, 120], strides = [1, 1]} : vector<512x128xi32> to vector<512x120xi32>
    %slice3A_3612 = vector.extract_strided_slice %select_n3A_3609 {offsets = [0, 0], sizes = [512, 8], strides = [1, 1]} : vector<512x128xi32> to vector<512x8xi32>
    %concatenate3A_3613 = tpu.concatenate %slice3A_3611, %slice3A_3612 in 1 : vector<512x120xi32>, vector<512x8xi32> -> vector<512x128xi32>
    %slice3A_3614 = vector.extract_strided_slice %select_n3A_3609 {offsets = [0, 120], sizes = [512, 8], strides = [1, 1]} : vector<512x128xi32> to vector<512x8xi32>
    %slice3A_3615 = vector.extract_strided_slice %select_n3A_3609 {offsets = [0, 0], sizes = [512, 120], strides = [1, 1]} : vector<512x128xi32> to vector<512x120xi32>
    %concatenate3A_3616 = tpu.concatenate %slice3A_3614, %slice3A_3615 in 1 : vector<512x8xi32>, vector<512x120xi32> -> vector<512x128xi32>
    %iota3A_3617 = tpu.iota {dimensions = array<i32: 1>} : vector<512x128xi32>
    %and3A_3618 = arith.constant 8 : i32
    %and3A_3619 = vector.broadcast %and3A_3618 : i32 to vector<512x128xi32>
    %and3A_3620 = arith.andi %iota3A_3617, %and3A_3619 : vector<512x128xi32>
    %eq3A_3621 = arith.constant 0 : i32
    %eq3A_3622 = vector.broadcast %eq3A_3621 : i32 to vector<512x128xi32>
    %eq3A_3623 = arith.cmpi eq, %and3A_3620, %eq3A_3622 : vector<512x128xi32>
    %select_n3A_3624 = arith.select %eq3A_3623, %concatenate3A_3613, %concatenate3A_3616 : vector<512x128xi1>, vector<512x128xi32>
    %and3A_3625 = arith.constant 8 : i32
    %and3A_3626 = vector.broadcast %and3A_3625 : i32 to vector<512x128xi32>
    %and3A_3627 = arith.andi %iota3A_3617, %and3A_3626 : vector<512x128xi32>
    %eq3A_3628 = arith.constant 0 : i32
    %eq3A_3629 = vector.broadcast %eq3A_3628 : i32 to vector<512x128xi32>
    %eq3A_3630 = arith.cmpi eq, %and3A_3627, %eq3A_3629 : vector<512x128xi32>
    %slice3A_3631 = vector.extract_strided_slice %select_n3A_3610 {offsets = [0, 8], sizes = [512, 120], strides = [1, 1]} : vector<512x128xi32> to vector<512x120xi32>
    %slice3A_3632 = vector.extract_strided_slice %select_n3A_3610 {offsets = [0, 0], sizes = [512, 8], strides = [1, 1]} : vector<512x128xi32> to vector<512x8xi32>
    %concatenate3A_3633 = tpu.concatenate %slice3A_3631, %slice3A_3632 in 1 : vector<512x120xi32>, vector<512x8xi32> -> vector<512x128xi32>
    %slice3A_3634 = vector.extract_strided_slice %select_n3A_3610 {offsets = [0, 120], sizes = [512, 8], strides = [1, 1]} : vector<512x128xi32> to vector<512x8xi32>
    %slice3A_3635 = vector.extract_strided_slice %select_n3A_3610 {offsets = [0, 0], sizes = [512, 120], strides = [1, 1]} : vector<512x128xi32> to vector<512x120xi32>
    %concatenate3A_3636 = tpu.concatenate %slice3A_3634, %slice3A_3635 in 1 : vector<512x8xi32>, vector<512x120xi32> -> vector<512x128xi32>
    %iota3A_3637 = tpu.iota {dimensions = array<i32: 1>} : vector<512x128xi32>
    %and3A_3638 = arith.constant 8 : i32
    %and3A_3639 = vector.broadcast %and3A_3638 : i32 to vector<512x128xi32>
    %and3A_3640 = arith.andi %iota3A_3637, %and3A_3639 : vector<512x128xi32>
    %eq3A_3641 = arith.constant 0 : i32
    %eq3A_3642 = vector.broadcast %eq3A_3641 : i32 to vector<512x128xi32>
    %eq3A_3643 = arith.cmpi eq, %and3A_3640, %eq3A_3642 : vector<512x128xi32>
    %select_n3A_3644 = arith.select %eq3A_3643, %concatenate3A_3633, %concatenate3A_3636 : vector<512x128xi1>, vector<512x128xi32>
    %gt3A_3645 = arith.cmpi sgt, %select_n3A_3609, %select_n3A_3624 : vector<512x128xi32>
    %eq3A_3646 = arith.cmpi eq, %select_n3A_3609, %select_n3A_3624 : vector<512x128xi32>
    %lt3A_3647 = arith.cmpi slt, %select_n3A_3610, %select_n3A_3644 : vector<512x128xi32>
    %and3A_3648 = arith.andi %eq3A_3646, %lt3A_3647 : vector<512x128xi1>
    %or3A_3649 = arith.ori %gt3A_3645, %and3A_3648 : vector<512x128xi1>
    %eq3A_3650 = arith.xori %eq3A_3630, %eq3A_3234 : vector<512x128xi1>
    %eq3A_3651 = arith.constant dense<true> : vector<512x128xi1>
    %eq3A_3652 = arith.xori %eq3A_3650, %eq3A_3651 : vector<512x128xi1>
    %eq3A_3653 = arith.xori %or3A_3649, %eq3A_3652 : vector<512x128xi1>
    %eq3A_3654 = arith.constant dense<true> : vector<512x128xi1>
    %eq3A_3655 = arith.xori %eq3A_3653, %eq3A_3654 : vector<512x128xi1>
    %select_n3A_3656 = arith.select %eq3A_3655, %select_n3A_3609, %select_n3A_3624 : vector<512x128xi1>, vector<512x128xi32>
    %select_n3A_3657 = arith.select %eq3A_3655, %select_n3A_3610, %select_n3A_3644 : vector<512x128xi1>, vector<512x128xi32>
    %slice3A_3658 = vector.extract_strided_slice %select_n3A_3656 {offsets = [0, 4], sizes = [512, 124], strides = [1, 1]} : vector<512x128xi32> to vector<512x124xi32>
    %slice3A_3659 = vector.extract_strided_slice %select_n3A_3656 {offsets = [0, 0], sizes = [512, 4], strides = [1, 1]} : vector<512x128xi32> to vector<512x4xi32>
    %concatenate3A_3660 = tpu.concatenate %slice3A_3658, %slice3A_3659 in 1 : vector<512x124xi32>, vector<512x4xi32> -> vector<512x128xi32>
    %slice3A_3661 = vector.extract_strided_slice %select_n3A_3656 {offsets = [0, 124], sizes = [512, 4], strides = [1, 1]} : vector<512x128xi32> to vector<512x4xi32>
    %slice3A_3662 = vector.extract_strided_slice %select_n3A_3656 {offsets = [0, 0], sizes = [512, 124], strides = [1, 1]} : vector<512x128xi32> to vector<512x124xi32>
    %concatenate3A_3663 = tpu.concatenate %slice3A_3661, %slice3A_3662 in 1 : vector<512x4xi32>, vector<512x124xi32> -> vector<512x128xi32>
    %iota3A_3664 = tpu.iota {dimensions = array<i32: 1>} : vector<512x128xi32>
    %and3A_3665 = arith.constant 4 : i32
    %and3A_3666 = vector.broadcast %and3A_3665 : i32 to vector<512x128xi32>
    %and3A_3667 = arith.andi %iota3A_3664, %and3A_3666 : vector<512x128xi32>
    %eq3A_3668 = arith.constant 0 : i32
    %eq3A_3669 = vector.broadcast %eq3A_3668 : i32 to vector<512x128xi32>
    %eq3A_3670 = arith.cmpi eq, %and3A_3667, %eq3A_3669 : vector<512x128xi32>
    %select_n3A_3671 = arith.select %eq3A_3670, %concatenate3A_3660, %concatenate3A_3663 : vector<512x128xi1>, vector<512x128xi32>
    %and3A_3672 = arith.constant 4 : i32
    %and3A_3673 = vector.broadcast %and3A_3672 : i32 to vector<512x128xi32>
    %and3A_3674 = arith.andi %iota3A_3664, %and3A_3673 : vector<512x128xi32>
    %eq3A_3675 = arith.constant 0 : i32
    %eq3A_3676 = vector.broadcast %eq3A_3675 : i32 to vector<512x128xi32>
    %eq3A_3677 = arith.cmpi eq, %and3A_3674, %eq3A_3676 : vector<512x128xi32>
    %slice3A_3678 = vector.extract_strided_slice %select_n3A_3657 {offsets = [0, 4], sizes = [512, 124], strides = [1, 1]} : vector<512x128xi32> to vector<512x124xi32>
    %slice3A_3679 = vector.extract_strided_slice %select_n3A_3657 {offsets = [0, 0], sizes = [512, 4], strides = [1, 1]} : vector<512x128xi32> to vector<512x4xi32>
    %concatenate3A_3680 = tpu.concatenate %slice3A_3678, %slice3A_3679 in 1 : vector<512x124xi32>, vector<512x4xi32> -> vector<512x128xi32>
    %slice3A_3681 = vector.extract_strided_slice %select_n3A_3657 {offsets = [0, 124], sizes = [512, 4], strides = [1, 1]} : vector<512x128xi32> to vector<512x4xi32>
    %slice3A_3682 = vector.extract_strided_slice %select_n3A_3657 {offsets = [0, 0], sizes = [512, 124], strides = [1, 1]} : vector<512x128xi32> to vector<512x124xi32>
    %concatenate3A_3683 = tpu.concatenate %slice3A_3681, %slice3A_3682 in 1 : vector<512x4xi32>, vector<512x124xi32> -> vector<512x128xi32>
    %iota3A_3684 = tpu.iota {dimensions = array<i32: 1>} : vector<512x128xi32>
    %and3A_3685 = arith.constant 4 : i32
    %and3A_3686 = vector.broadcast %and3A_3685 : i32 to vector<512x128xi32>
    %and3A_3687 = arith.andi %iota3A_3684, %and3A_3686 : vector<512x128xi32>
    %eq3A_3688 = arith.constant 0 : i32
    %eq3A_3689 = vector.broadcast %eq3A_3688 : i32 to vector<512x128xi32>
    %eq3A_3690 = arith.cmpi eq, %and3A_3687, %eq3A_3689 : vector<512x128xi32>
    %select_n3A_3691 = arith.select %eq3A_3690, %concatenate3A_3680, %concatenate3A_3683 : vector<512x128xi1>, vector<512x128xi32>
    %gt3A_3692 = arith.cmpi sgt, %select_n3A_3656, %select_n3A_3671 : vector<512x128xi32>
    %eq3A_3693 = arith.cmpi eq, %select_n3A_3656, %select_n3A_3671 : vector<512x128xi32>
    %lt3A_3694 = arith.cmpi slt, %select_n3A_3657, %select_n3A_3691 : vector<512x128xi32>
    %and3A_3695 = arith.andi %eq3A_3693, %lt3A_3694 : vector<512x128xi1>
    %or3A_3696 = arith.ori %gt3A_3692, %and3A_3695 : vector<512x128xi1>
    %eq3A_3697 = arith.xori %eq3A_3677, %eq3A_3234 : vector<512x128xi1>
    %eq3A_3698 = arith.constant dense<true> : vector<512x128xi1>
    %eq3A_3699 = arith.xori %eq3A_3697, %eq3A_3698 : vector<512x128xi1>
    %eq3A_3700 = arith.xori %or3A_3696, %eq3A_3699 : vector<512x128xi1>
    %eq3A_3701 = arith.constant dense<true> : vector<512x128xi1>
    %eq3A_3702 = arith.xori %eq3A_3700, %eq3A_3701 : vector<512x128xi1>
    %select_n3A_3703 = arith.select %eq3A_3702, %select_n3A_3656, %select_n3A_3671 : vector<512x128xi1>, vector<512x128xi32>
    %select_n3A_3704 = arith.select %eq3A_3702, %select_n3A_3657, %select_n3A_3691 : vector<512x128xi1>, vector<512x128xi32>
    %slice3A_3705 = vector.extract_strided_slice %select_n3A_3703 {offsets = [0, 2], sizes = [512, 126], strides = [1, 1]} : vector<512x128xi32> to vector<512x126xi32>
    %slice3A_3706 = vector.extract_strided_slice %select_n3A_3703 {offsets = [0, 0], sizes = [512, 2], strides = [1, 1]} : vector<512x128xi32> to vector<512x2xi32>
    %concatenate3A_3707 = tpu.concatenate %slice3A_3705, %slice3A_3706 in 1 : vector<512x126xi32>, vector<512x2xi32> -> vector<512x128xi32>
    %slice3A_3708 = vector.extract_strided_slice %select_n3A_3703 {offsets = [0, 126], sizes = [512, 2], strides = [1, 1]} : vector<512x128xi32> to vector<512x2xi32>
    %slice3A_3709 = vector.extract_strided_slice %select_n3A_3703 {offsets = [0, 0], sizes = [512, 126], strides = [1, 1]} : vector<512x128xi32> to vector<512x126xi32>
    %concatenate3A_3710 = tpu.concatenate %slice3A_3708, %slice3A_3709 in 1 : vector<512x2xi32>, vector<512x126xi32> -> vector<512x128xi32>
    %iota3A_3711 = tpu.iota {dimensions = array<i32: 1>} : vector<512x128xi32>
    %and3A_3712 = arith.constant 2 : i32
    %and3A_3713 = vector.broadcast %and3A_3712 : i32 to vector<512x128xi32>
    %and3A_3714 = arith.andi %iota3A_3711, %and3A_3713 : vector<512x128xi32>
    %eq3A_3715 = arith.constant 0 : i32
    %eq3A_3716 = vector.broadcast %eq3A_3715 : i32 to vector<512x128xi32>
    %eq3A_3717 = arith.cmpi eq, %and3A_3714, %eq3A_3716 : vector<512x128xi32>
    %select_n3A_3718 = arith.select %eq3A_3717, %concatenate3A_3707, %concatenate3A_3710 : vector<512x128xi1>, vector<512x128xi32>
    %and3A_3719 = arith.constant 2 : i32
    %and3A_3720 = vector.broadcast %and3A_3719 : i32 to vector<512x128xi32>
    %and3A_3721 = arith.andi %iota3A_3711, %and3A_3720 : vector<512x128xi32>
    %eq3A_3722 = arith.constant 0 : i32
    %eq3A_3723 = vector.broadcast %eq3A_3722 : i32 to vector<512x128xi32>
    %eq3A_3724 = arith.cmpi eq, %and3A_3721, %eq3A_3723 : vector<512x128xi32>
    %slice3A_3725 = vector.extract_strided_slice %select_n3A_3704 {offsets = [0, 2], sizes = [512, 126], strides = [1, 1]} : vector<512x128xi32> to vector<512x126xi32>
    %slice3A_3726 = vector.extract_strided_slice %select_n3A_3704 {offsets = [0, 0], sizes = [512, 2], strides = [1, 1]} : vector<512x128xi32> to vector<512x2xi32>
    %concatenate3A_3727 = tpu.concatenate %slice3A_3725, %slice3A_3726 in 1 : vector<512x126xi32>, vector<512x2xi32> -> vector<512x128xi32>
    %slice3A_3728 = vector.extract_strided_slice %select_n3A_3704 {offsets = [0, 126], sizes = [512, 2], strides = [1, 1]} : vector<512x128xi32> to vector<512x2xi32>
    %slice3A_3729 = vector.extract_strided_slice %select_n3A_3704 {offsets = [0, 0], sizes = [512, 126], strides = [1, 1]} : vector<512x128xi32> to vector<512x126xi32>
    %concatenate3A_3730 = tpu.concatenate %slice3A_3728, %slice3A_3729 in 1 : vector<512x2xi32>, vector<512x126xi32> -> vector<512x128xi32>
    %iota3A_3731 = tpu.iota {dimensions = array<i32: 1>} : vector<512x128xi32>
    %and3A_3732 = arith.constant 2 : i32
    %and3A_3733 = vector.broadcast %and3A_3732 : i32 to vector<512x128xi32>
    %and3A_3734 = arith.andi %iota3A_3731, %and3A_3733 : vector<512x128xi32>
    %eq3A_3735 = arith.constant 0 : i32
    %eq3A_3736 = vector.broadcast %eq3A_3735 : i32 to vector<512x128xi32>
    %eq3A_3737 = arith.cmpi eq, %and3A_3734, %eq3A_3736 : vector<512x128xi32>
    %select_n3A_3738 = arith.select %eq3A_3737, %concatenate3A_3727, %concatenate3A_3730 : vector<512x128xi1>, vector<512x128xi32>
    %gt3A_3739 = arith.cmpi sgt, %select_n3A_3703, %select_n3A_3718 : vector<512x128xi32>
    %eq3A_3740 = arith.cmpi eq, %select_n3A_3703, %select_n3A_3718 : vector<512x128xi32>
    %lt3A_3741 = arith.cmpi slt, %select_n3A_3704, %select_n3A_3738 : vector<512x128xi32>
    %and3A_3742 = arith.andi %eq3A_3740, %lt3A_3741 : vector<512x128xi1>
    %or3A_3743 = arith.ori %gt3A_3739, %and3A_3742 : vector<512x128xi1>
    %eq3A_3744 = arith.xori %eq3A_3724, %eq3A_3234 : vector<512x128xi1>
    %eq3A_3745 = arith.constant dense<true> : vector<512x128xi1>
    %eq3A_3746 = arith.xori %eq3A_3744, %eq3A_3745 : vector<512x128xi1>
    %eq3A_3747 = arith.xori %or3A_3743, %eq3A_3746 : vector<512x128xi1>
    %eq3A_3748 = arith.constant dense<true> : vector<512x128xi1>
    %eq3A_3749 = arith.xori %eq3A_3747, %eq3A_3748 : vector<512x128xi1>
    %select_n3A_3750 = arith.select %eq3A_3749, %select_n3A_3703, %select_n3A_3718 : vector<512x128xi1>, vector<512x128xi32>
    %select_n3A_3751 = arith.select %eq3A_3749, %select_n3A_3704, %select_n3A_3738 : vector<512x128xi1>, vector<512x128xi32>
    %slice3A_3752 = vector.extract_strided_slice %select_n3A_3750 {offsets = [0, 1], sizes = [512, 127], strides = [1, 1]} : vector<512x128xi32> to vector<512x127xi32>
    %slice3A_3753 = vector.extract_strided_slice %select_n3A_3750 {offsets = [0, 0], sizes = [512, 1], strides = [1, 1]} : vector<512x128xi32> to vector<512x1xi32>
    %concatenate3A_3754 = tpu.concatenate %slice3A_3752, %slice3A_3753 in 1 : vector<512x127xi32>, vector<512x1xi32> -> vector<512x128xi32>
    %slice3A_3755 = vector.extract_strided_slice %select_n3A_3750 {offsets = [0, 127], sizes = [512, 1], strides = [1, 1]} : vector<512x128xi32> to vector<512x1xi32>
    %slice3A_3756 = vector.extract_strided_slice %select_n3A_3750 {offsets = [0, 0], sizes = [512, 127], strides = [1, 1]} : vector<512x128xi32> to vector<512x127xi32>
    %concatenate3A_3757 = tpu.concatenate %slice3A_3755, %slice3A_3756 in 1 : vector<512x1xi32>, vector<512x127xi32> -> vector<512x128xi32>
    %iota3A_3758 = tpu.iota {dimensions = array<i32: 1>} : vector<512x128xi32>
    %and3A_3759 = arith.constant 1 : i32
    %and3A_3760 = vector.broadcast %and3A_3759 : i32 to vector<512x128xi32>
    %and3A_3761 = arith.andi %iota3A_3758, %and3A_3760 : vector<512x128xi32>
    %eq3A_3762 = arith.constant 0 : i32
    %eq3A_3763 = vector.broadcast %eq3A_3762 : i32 to vector<512x128xi32>
    %eq3A_3764 = arith.cmpi eq, %and3A_3761, %eq3A_3763 : vector<512x128xi32>
    %select_n3A_3765 = arith.select %eq3A_3764, %concatenate3A_3754, %concatenate3A_3757 : vector<512x128xi1>, vector<512x128xi32>
    %and3A_3766 = arith.constant 1 : i32
    %and3A_3767 = vector.broadcast %and3A_3766 : i32 to vector<512x128xi32>
    %and3A_3768 = arith.andi %iota3A_3758, %and3A_3767 : vector<512x128xi32>
    %eq3A_3769 = arith.constant 0 : i32
    %eq3A_3770 = vector.broadcast %eq3A_3769 : i32 to vector<512x128xi32>
    %eq3A_3771 = arith.cmpi eq, %and3A_3768, %eq3A_3770 : vector<512x128xi32>
    %slice3A_3772 = vector.extract_strided_slice %select_n3A_3751 {offsets = [0, 1], sizes = [512, 127], strides = [1, 1]} : vector<512x128xi32> to vector<512x127xi32>
    %slice3A_3773 = vector.extract_strided_slice %select_n3A_3751 {offsets = [0, 0], sizes = [512, 1], strides = [1, 1]} : vector<512x128xi32> to vector<512x1xi32>
    %concatenate3A_3774 = tpu.concatenate %slice3A_3772, %slice3A_3773 in 1 : vector<512x127xi32>, vector<512x1xi32> -> vector<512x128xi32>
    %slice3A_3775 = vector.extract_strided_slice %select_n3A_3751 {offsets = [0, 127], sizes = [512, 1], strides = [1, 1]} : vector<512x128xi32> to vector<512x1xi32>
    %slice3A_3776 = vector.extract_strided_slice %select_n3A_3751 {offsets = [0, 0], sizes = [512, 127], strides = [1, 1]} : vector<512x128xi32> to vector<512x127xi32>
    %concatenate3A_3777 = tpu.concatenate %slice3A_3775, %slice3A_3776 in 1 : vector<512x1xi32>, vector<512x127xi32> -> vector<512x128xi32>
    %iota3A_3778 = tpu.iota {dimensions = array<i32: 1>} : vector<512x128xi32>
    %and3A_3779 = arith.constant 1 : i32
    %and3A_3780 = vector.broadcast %and3A_3779 : i32 to vector<512x128xi32>
    %and3A_3781 = arith.andi %iota3A_3778, %and3A_3780 : vector<512x128xi32>
    %eq3A_3782 = arith.constant 0 : i32
    %eq3A_3783 = vector.broadcast %eq3A_3782 : i32 to vector<512x128xi32>
    %eq3A_3784 = arith.cmpi eq, %and3A_3781, %eq3A_3783 : vector<512x128xi32>
    %select_n3A_3785 = arith.select %eq3A_3784, %concatenate3A_3774, %concatenate3A_3777 : vector<512x128xi1>, vector<512x128xi32>
    %gt3A_3786 = arith.cmpi sgt, %select_n3A_3750, %select_n3A_3765 : vector<512x128xi32>
    %eq3A_3787 = arith.cmpi eq, %select_n3A_3750, %select_n3A_3765 : vector<512x128xi32>
    %lt3A_3788 = arith.cmpi slt, %select_n3A_3751, %select_n3A_3785 : vector<512x128xi32>
    %and3A_3789 = arith.andi %eq3A_3787, %lt3A_3788 : vector<512x128xi1>
    %or3A_3790 = arith.ori %gt3A_3786, %and3A_3789 : vector<512x128xi1>
    %eq3A_3791 = arith.xori %eq3A_3771, %eq3A_3234 : vector<512x128xi1>
    %eq3A_3792 = arith.constant dense<true> : vector<512x128xi1>
    %eq3A_3793 = arith.xori %eq3A_3791, %eq3A_3792 : vector<512x128xi1>
    %eq3A_3794 = arith.xori %or3A_3790, %eq3A_3793 : vector<512x128xi1>
    %eq3A_3795 = arith.constant dense<true> : vector<512x128xi1>
    %eq3A_3796 = arith.xori %eq3A_3794, %eq3A_3795 : vector<512x128xi1>
    %select_n3A_3797 = arith.select %eq3A_3796, %select_n3A_3750, %select_n3A_3765 : vector<512x128xi1>, vector<512x128xi32>
    %select_n3A_3798 = arith.select %eq3A_3796, %select_n3A_3751, %select_n3A_3785 : vector<512x128xi1>, vector<512x128xi32>
    %and3A_3799 = arith.constant 64 : i32
    %and3A_3800 = vector.broadcast %and3A_3799 : i32 to vector<512x128xi32>
    %and3A_3801 = arith.andi %and3A_64, %and3A_3800 : vector<512x128xi32>
    %eq3A_3802 = arith.constant 0 : i32
    %eq3A_3803 = vector.broadcast %eq3A_3802 : i32 to vector<512x128xi32>
    %eq3A_3804 = arith.cmpi eq, %and3A_3801, %eq3A_3803 : vector<512x128xi32>
    %slice3A_3805 = vector.extract_strided_slice %select_n3A_3797 {offsets = [32, 0], sizes = [480, 128], strides = [1, 1]} : vector<512x128xi32> to vector<480x128xi32>
    %slice3A_3806 = vector.extract_strided_slice %select_n3A_3797 {offsets = [0, 0], sizes = [32, 128], strides = [1, 1]} : vector<512x128xi32> to vector<32x128xi32>
    %concatenate3A_3807 = tpu.concatenate %slice3A_3805, %slice3A_3806 in 0 : vector<480x128xi32>, vector<32x128xi32> -> vector<512x128xi32>
    %slice3A_3808 = vector.extract_strided_slice %select_n3A_3797 {offsets = [480, 0], sizes = [32, 128], strides = [1, 1]} : vector<512x128xi32> to vector<32x128xi32>
    %slice3A_3809 = vector.extract_strided_slice %select_n3A_3797 {offsets = [0, 0], sizes = [480, 128], strides = [1, 1]} : vector<512x128xi32> to vector<480x128xi32>
    %concatenate3A_3810 = tpu.concatenate %slice3A_3808, %slice3A_3809 in 0 : vector<32x128xi32>, vector<480x128xi32> -> vector<512x128xi32>
    %iota3A_3811 = tpu.iota {dimensions = array<i32: 0>} : vector<512x128xi32>
    %and3A_3812 = arith.constant 32 : i32
    %and3A_3813 = vector.broadcast %and3A_3812 : i32 to vector<512x128xi32>
    %and3A_3814 = arith.andi %iota3A_3811, %and3A_3813 : vector<512x128xi32>
    %eq3A_3815 = arith.constant 0 : i32
    %eq3A_3816 = vector.broadcast %eq3A_3815 : i32 to vector<512x128xi32>
    %eq3A_3817 = arith.cmpi eq, %and3A_3814, %eq3A_3816 : vector<512x128xi32>
    %select_n3A_3818 = arith.select %eq3A_3817, %concatenate3A_3807, %concatenate3A_3810 : vector<512x128xi1>, vector<512x128xi32>
    %and3A_3819 = arith.constant 32 : i32
    %and3A_3820 = vector.broadcast %and3A_3819 : i32 to vector<512x128xi32>
    %and3A_3821 = arith.andi %iota3A_3811, %and3A_3820 : vector<512x128xi32>
    %eq3A_3822 = arith.constant 0 : i32
    %eq3A_3823 = vector.broadcast %eq3A_3822 : i32 to vector<512x128xi32>
    %eq3A_3824 = arith.cmpi eq, %and3A_3821, %eq3A_3823 : vector<512x128xi32>
    %slice3A_3825 = vector.extract_strided_slice %select_n3A_3798 {offsets = [32, 0], sizes = [480, 128], strides = [1, 1]} : vector<512x128xi32> to vector<480x128xi32>
    %slice3A_3826 = vector.extract_strided_slice %select_n3A_3798 {offsets = [0, 0], sizes = [32, 128], strides = [1, 1]} : vector<512x128xi32> to vector<32x128xi32>
    %concatenate3A_3827 = tpu.concatenate %slice3A_3825, %slice3A_3826 in 0 : vector<480x128xi32>, vector<32x128xi32> -> vector<512x128xi32>
    %slice3A_3828 = vector.extract_strided_slice %select_n3A_3798 {offsets = [480, 0], sizes = [32, 128], strides = [1, 1]} : vector<512x128xi32> to vector<32x128xi32>
    %slice3A_3829 = vector.extract_strided_slice %select_n3A_3798 {offsets = [0, 0], sizes = [480, 128], strides = [1, 1]} : vector<512x128xi32> to vector<480x128xi32>
    %concatenate3A_3830 = tpu.concatenate %slice3A_3828, %slice3A_3829 in 0 : vector<32x128xi32>, vector<480x128xi32> -> vector<512x128xi32>
    %iota3A_3831 = tpu.iota {dimensions = array<i32: 0>} : vector<512x128xi32>
    %and3A_3832 = arith.constant 32 : i32
    %and3A_3833 = vector.broadcast %and3A_3832 : i32 to vector<512x128xi32>
    %and3A_3834 = arith.andi %iota3A_3831, %and3A_3833 : vector<512x128xi32>
    %eq3A_3835 = arith.constant 0 : i32
    %eq3A_3836 = vector.broadcast %eq3A_3835 : i32 to vector<512x128xi32>
    %eq3A_3837 = arith.cmpi eq, %and3A_3834, %eq3A_3836 : vector<512x128xi32>
    %select_n3A_3838 = arith.select %eq3A_3837, %concatenate3A_3827, %concatenate3A_3830 : vector<512x128xi1>, vector<512x128xi32>
    %gt3A_3839 = arith.cmpi sgt, %select_n3A_3797, %select_n3A_3818 : vector<512x128xi32>
    %eq3A_3840 = arith.cmpi eq, %select_n3A_3797, %select_n3A_3818 : vector<512x128xi32>
    %lt3A_3841 = arith.cmpi slt, %select_n3A_3798, %select_n3A_3838 : vector<512x128xi32>
    %and3A_3842 = arith.andi %eq3A_3840, %lt3A_3841 : vector<512x128xi1>
    %or3A_3843 = arith.ori %gt3A_3839, %and3A_3842 : vector<512x128xi1>
    %eq3A_3844 = arith.xori %eq3A_3824, %eq3A_3804 : vector<512x128xi1>
    %eq3A_3845 = arith.constant dense<true> : vector<512x128xi1>
    %eq3A_3846 = arith.xori %eq3A_3844, %eq3A_3845 : vector<512x128xi1>
    %eq3A_3847 = arith.xori %or3A_3843, %eq3A_3846 : vector<512x128xi1>
    %eq3A_3848 = arith.constant dense<true> : vector<512x128xi1>
    %eq3A_3849 = arith.xori %eq3A_3847, %eq3A_3848 : vector<512x128xi1>
    %select_n3A_3850 = arith.select %eq3A_3849, %select_n3A_3797, %select_n3A_3818 : vector<512x128xi1>, vector<512x128xi32>
    %select_n3A_3851 = arith.select %eq3A_3849, %select_n3A_3798, %select_n3A_3838 : vector<512x128xi1>, vector<512x128xi32>
    %slice3A_3852 = vector.extract_strided_slice %select_n3A_3850 {offsets = [16, 0], sizes = [496, 128], strides = [1, 1]} : vector<512x128xi32> to vector<496x128xi32>
    %slice3A_3853 = vector.extract_strided_slice %select_n3A_3850 {offsets = [0, 0], sizes = [16, 128], strides = [1, 1]} : vector<512x128xi32> to vector<16x128xi32>
    %concatenate3A_3854 = tpu.concatenate %slice3A_3852, %slice3A_3853 in 0 : vector<496x128xi32>, vector<16x128xi32> -> vector<512x128xi32>
    %slice3A_3855 = vector.extract_strided_slice %select_n3A_3850 {offsets = [496, 0], sizes = [16, 128], strides = [1, 1]} : vector<512x128xi32> to vector<16x128xi32>
    %slice3A_3856 = vector.extract_strided_slice %select_n3A_3850 {offsets = [0, 0], sizes = [496, 128], strides = [1, 1]} : vector<512x128xi32> to vector<496x128xi32>
    %concatenate3A_3857 = tpu.concatenate %slice3A_3855, %slice3A_3856 in 0 : vector<16x128xi32>, vector<496x128xi32> -> vector<512x128xi32>
    %iota3A_3858 = tpu.iota {dimensions = array<i32: 0>} : vector<512x128xi32>
    %and3A_3859 = arith.constant 16 : i32
    %and3A_3860 = vector.broadcast %and3A_3859 : i32 to vector<512x128xi32>
    %and3A_3861 = arith.andi %iota3A_3858, %and3A_3860 : vector<512x128xi32>
    %eq3A_3862 = arith.constant 0 : i32
    %eq3A_3863 = vector.broadcast %eq3A_3862 : i32 to vector<512x128xi32>
    %eq3A_3864 = arith.cmpi eq, %and3A_3861, %eq3A_3863 : vector<512x128xi32>
    %select_n3A_3865 = arith.select %eq3A_3864, %concatenate3A_3854, %concatenate3A_3857 : vector<512x128xi1>, vector<512x128xi32>
    %and3A_3866 = arith.constant 16 : i32
    %and3A_3867 = vector.broadcast %and3A_3866 : i32 to vector<512x128xi32>
    %and3A_3868 = arith.andi %iota3A_3858, %and3A_3867 : vector<512x128xi32>
    %eq3A_3869 = arith.constant 0 : i32
    %eq3A_3870 = vector.broadcast %eq3A_3869 : i32 to vector<512x128xi32>
    %eq3A_3871 = arith.cmpi eq, %and3A_3868, %eq3A_3870 : vector<512x128xi32>
    %slice3A_3872 = vector.extract_strided_slice %select_n3A_3851 {offsets = [16, 0], sizes = [496, 128], strides = [1, 1]} : vector<512x128xi32> to vector<496x128xi32>
    %slice3A_3873 = vector.extract_strided_slice %select_n3A_3851 {offsets = [0, 0], sizes = [16, 128], strides = [1, 1]} : vector<512x128xi32> to vector<16x128xi32>
    %concatenate3A_3874 = tpu.concatenate %slice3A_3872, %slice3A_3873 in 0 : vector<496x128xi32>, vector<16x128xi32> -> vector<512x128xi32>
    %slice3A_3875 = vector.extract_strided_slice %select_n3A_3851 {offsets = [496, 0], sizes = [16, 128], strides = [1, 1]} : vector<512x128xi32> to vector<16x128xi32>
    %slice3A_3876 = vector.extract_strided_slice %select_n3A_3851 {offsets = [0, 0], sizes = [496, 128], strides = [1, 1]} : vector<512x128xi32> to vector<496x128xi32>
    %concatenate3A_3877 = tpu.concatenate %slice3A_3875, %slice3A_3876 in 0 : vector<16x128xi32>, vector<496x128xi32> -> vector<512x128xi32>
    %iota3A_3878 = tpu.iota {dimensions = array<i32: 0>} : vector<512x128xi32>
    %and3A_3879 = arith.constant 16 : i32
    %and3A_3880 = vector.broadcast %and3A_3879 : i32 to vector<512x128xi32>
    %and3A_3881 = arith.andi %iota3A_3878, %and3A_3880 : vector<512x128xi32>
    %eq3A_3882 = arith.constant 0 : i32
    %eq3A_3883 = vector.broadcast %eq3A_3882 : i32 to vector<512x128xi32>
    %eq3A_3884 = arith.cmpi eq, %and3A_3881, %eq3A_3883 : vector<512x128xi32>
    %select_n3A_3885 = arith.select %eq3A_3884, %concatenate3A_3874, %concatenate3A_3877 : vector<512x128xi1>, vector<512x128xi32>
    %gt3A_3886 = arith.cmpi sgt, %select_n3A_3850, %select_n3A_3865 : vector<512x128xi32>
    %eq3A_3887 = arith.cmpi eq, %select_n3A_3850, %select_n3A_3865 : vector<512x128xi32>
    %lt3A_3888 = arith.cmpi slt, %select_n3A_3851, %select_n3A_3885 : vector<512x128xi32>
    %and3A_3889 = arith.andi %eq3A_3887, %lt3A_3888 : vector<512x128xi1>
    %or3A_3890 = arith.ori %gt3A_3886, %and3A_3889 : vector<512x128xi1>
    %eq3A_3891 = arith.xori %eq3A_3871, %eq3A_3804 : vector<512x128xi1>
    %eq3A_3892 = arith.constant dense<true> : vector<512x128xi1>
    %eq3A_3893 = arith.xori %eq3A_3891, %eq3A_3892 : vector<512x128xi1>
    %eq3A_3894 = arith.xori %or3A_3890, %eq3A_3893 : vector<512x128xi1>
    %eq3A_3895 = arith.constant dense<true> : vector<512x128xi1>
    %eq3A_3896 = arith.xori %eq3A_3894, %eq3A_3895 : vector<512x128xi1>
    %select_n3A_3897 = arith.select %eq3A_3896, %select_n3A_3850, %select_n3A_3865 : vector<512x128xi1>, vector<512x128xi32>
    %select_n3A_3898 = arith.select %eq3A_3896, %select_n3A_3851, %select_n3A_3885 : vector<512x128xi1>, vector<512x128xi32>
    %slice3A_3899 = vector.extract_strided_slice %select_n3A_3897 {offsets = [8, 0], sizes = [504, 128], strides = [1, 1]} : vector<512x128xi32> to vector<504x128xi32>
    %slice3A_3900 = vector.extract_strided_slice %select_n3A_3897 {offsets = [0, 0], sizes = [8, 128], strides = [1, 1]} : vector<512x128xi32> to vector<8x128xi32>
    %concatenate3A_3901 = tpu.concatenate %slice3A_3899, %slice3A_3900 in 0 : vector<504x128xi32>, vector<8x128xi32> -> vector<512x128xi32>
    %slice3A_3902 = vector.extract_strided_slice %select_n3A_3897 {offsets = [504, 0], sizes = [8, 128], strides = [1, 1]} : vector<512x128xi32> to vector<8x128xi32>
    %slice3A_3903 = vector.extract_strided_slice %select_n3A_3897 {offsets = [0, 0], sizes = [504, 128], strides = [1, 1]} : vector<512x128xi32> to vector<504x128xi32>
    %concatenate3A_3904 = tpu.concatenate %slice3A_3902, %slice3A_3903 in 0 : vector<8x128xi32>, vector<504x128xi32> -> vector<512x128xi32>
    %iota3A_3905 = tpu.iota {dimensions = array<i32: 0>} : vector<512x128xi32>
    %and3A_3906 = arith.constant 8 : i32
    %and3A_3907 = vector.broadcast %and3A_3906 : i32 to vector<512x128xi32>
    %and3A_3908 = arith.andi %iota3A_3905, %and3A_3907 : vector<512x128xi32>
    %eq3A_3909 = arith.constant 0 : i32
    %eq3A_3910 = vector.broadcast %eq3A_3909 : i32 to vector<512x128xi32>
    %eq3A_3911 = arith.cmpi eq, %and3A_3908, %eq3A_3910 : vector<512x128xi32>
    %select_n3A_3912 = arith.select %eq3A_3911, %concatenate3A_3901, %concatenate3A_3904 : vector<512x128xi1>, vector<512x128xi32>
    %and3A_3913 = arith.constant 8 : i32
    %and3A_3914 = vector.broadcast %and3A_3913 : i32 to vector<512x128xi32>
    %and3A_3915 = arith.andi %iota3A_3905, %and3A_3914 : vector<512x128xi32>
    %eq3A_3916 = arith.constant 0 : i32
    %eq3A_3917 = vector.broadcast %eq3A_3916 : i32 to vector<512x128xi32>
    %eq3A_3918 = arith.cmpi eq, %and3A_3915, %eq3A_3917 : vector<512x128xi32>
    %slice3A_3919 = vector.extract_strided_slice %select_n3A_3898 {offsets = [8, 0], sizes = [504, 128], strides = [1, 1]} : vector<512x128xi32> to vector<504x128xi32>
    %slice3A_3920 = vector.extract_strided_slice %select_n3A_3898 {offsets = [0, 0], sizes = [8, 128], strides = [1, 1]} : vector<512x128xi32> to vector<8x128xi32>
    %concatenate3A_3921 = tpu.concatenate %slice3A_3919, %slice3A_3920 in 0 : vector<504x128xi32>, vector<8x128xi32> -> vector<512x128xi32>
    %slice3A_3922 = vector.extract_strided_slice %select_n3A_3898 {offsets = [504, 0], sizes = [8, 128], strides = [1, 1]} : vector<512x128xi32> to vector<8x128xi32>
    %slice3A_3923 = vector.extract_strided_slice %select_n3A_3898 {offsets = [0, 0], sizes = [504, 128], strides = [1, 1]} : vector<512x128xi32> to vector<504x128xi32>
    %concatenate3A_3924 = tpu.concatenate %slice3A_3922, %slice3A_3923 in 0 : vector<8x128xi32>, vector<504x128xi32> -> vector<512x128xi32>
    %iota3A_3925 = tpu.iota {dimensions = array<i32: 0>} : vector<512x128xi32>
    %and3A_3926 = arith.constant 8 : i32
    %and3A_3927 = vector.broadcast %and3A_3926 : i32 to vector<512x128xi32>
    %and3A_3928 = arith.andi %iota3A_3925, %and3A_3927 : vector<512x128xi32>
    %eq3A_3929 = arith.constant 0 : i32
    %eq3A_3930 = vector.broadcast %eq3A_3929 : i32 to vector<512x128xi32>
    %eq3A_3931 = arith.cmpi eq, %and3A_3928, %eq3A_3930 : vector<512x128xi32>
    %select_n3A_3932 = arith.select %eq3A_3931, %concatenate3A_3921, %concatenate3A_3924 : vector<512x128xi1>, vector<512x128xi32>
    %gt3A_3933 = arith.cmpi sgt, %select_n3A_3897, %select_n3A_3912 : vector<512x128xi32>
    %eq3A_3934 = arith.cmpi eq, %select_n3A_3897, %select_n3A_3912 : vector<512x128xi32>
    %lt3A_3935 = arith.cmpi slt, %select_n3A_3898, %select_n3A_3932 : vector<512x128xi32>
    %and3A_3936 = arith.andi %eq3A_3934, %lt3A_3935 : vector<512x128xi1>
    %or3A_3937 = arith.ori %gt3A_3933, %and3A_3936 : vector<512x128xi1>
    %eq3A_3938 = arith.xori %eq3A_3918, %eq3A_3804 : vector<512x128xi1>
    %eq3A_3939 = arith.constant dense<true> : vector<512x128xi1>
    %eq3A_3940 = arith.xori %eq3A_3938, %eq3A_3939 : vector<512x128xi1>
    %eq3A_3941 = arith.xori %or3A_3937, %eq3A_3940 : vector<512x128xi1>
    %eq3A_3942 = arith.constant dense<true> : vector<512x128xi1>
    %eq3A_3943 = arith.xori %eq3A_3941, %eq3A_3942 : vector<512x128xi1>
    %select_n3A_3944 = arith.select %eq3A_3943, %select_n3A_3897, %select_n3A_3912 : vector<512x128xi1>, vector<512x128xi32>
    %select_n3A_3945 = arith.select %eq3A_3943, %select_n3A_3898, %select_n3A_3932 : vector<512x128xi1>, vector<512x128xi32>
    %slice3A_3946 = vector.extract_strided_slice %select_n3A_3944 {offsets = [4, 0], sizes = [508, 128], strides = [1, 1]} : vector<512x128xi32> to vector<508x128xi32>
    %slice3A_3947 = vector.extract_strided_slice %select_n3A_3944 {offsets = [0, 0], sizes = [4, 128], strides = [1, 1]} : vector<512x128xi32> to vector<4x128xi32>
    %concatenate3A_3948 = tpu.concatenate %slice3A_3946, %slice3A_3947 in 0 : vector<508x128xi32>, vector<4x128xi32> -> vector<512x128xi32>
    %slice3A_3949 = vector.extract_strided_slice %select_n3A_3944 {offsets = [508, 0], sizes = [4, 128], strides = [1, 1]} : vector<512x128xi32> to vector<4x128xi32>
    %slice3A_3950 = vector.extract_strided_slice %select_n3A_3944 {offsets = [0, 0], sizes = [508, 128], strides = [1, 1]} : vector<512x128xi32> to vector<508x128xi32>
    %concatenate3A_3951 = tpu.concatenate %slice3A_3949, %slice3A_3950 in 0 : vector<4x128xi32>, vector<508x128xi32> -> vector<512x128xi32>
    %iota3A_3952 = tpu.iota {dimensions = array<i32: 0>} : vector<512x128xi32>
    %and3A_3953 = arith.constant 4 : i32
    %and3A_3954 = vector.broadcast %and3A_3953 : i32 to vector<512x128xi32>
    %and3A_3955 = arith.andi %iota3A_3952, %and3A_3954 : vector<512x128xi32>
    %eq3A_3956 = arith.constant 0 : i32
    %eq3A_3957 = vector.broadcast %eq3A_3956 : i32 to vector<512x128xi32>
    %eq3A_3958 = arith.cmpi eq, %and3A_3955, %eq3A_3957 : vector<512x128xi32>
    %select_n3A_3959 = arith.select %eq3A_3958, %concatenate3A_3948, %concatenate3A_3951 : vector<512x128xi1>, vector<512x128xi32>
    %and3A_3960 = arith.constant 4 : i32
    %and3A_3961 = vector.broadcast %and3A_3960 : i32 to vector<512x128xi32>
    %and3A_3962 = arith.andi %iota3A_3952, %and3A_3961 : vector<512x128xi32>
    %eq3A_3963 = arith.constant 0 : i32
    %eq3A_3964 = vector.broadcast %eq3A_3963 : i32 to vector<512x128xi32>
    %eq3A_3965 = arith.cmpi eq, %and3A_3962, %eq3A_3964 : vector<512x128xi32>
    %slice3A_3966 = vector.extract_strided_slice %select_n3A_3945 {offsets = [4, 0], sizes = [508, 128], strides = [1, 1]} : vector<512x128xi32> to vector<508x128xi32>
    %slice3A_3967 = vector.extract_strided_slice %select_n3A_3945 {offsets = [0, 0], sizes = [4, 128], strides = [1, 1]} : vector<512x128xi32> to vector<4x128xi32>
    %concatenate3A_3968 = tpu.concatenate %slice3A_3966, %slice3A_3967 in 0 : vector<508x128xi32>, vector<4x128xi32> -> vector<512x128xi32>
    %slice3A_3969 = vector.extract_strided_slice %select_n3A_3945 {offsets = [508, 0], sizes = [4, 128], strides = [1, 1]} : vector<512x128xi32> to vector<4x128xi32>
    %slice3A_3970 = vector.extract_strided_slice %select_n3A_3945 {offsets = [0, 0], sizes = [508, 128], strides = [1, 1]} : vector<512x128xi32> to vector<508x128xi32>
    %concatenate3A_3971 = tpu.concatenate %slice3A_3969, %slice3A_3970 in 0 : vector<4x128xi32>, vector<508x128xi32> -> vector<512x128xi32>
    %iota3A_3972 = tpu.iota {dimensions = array<i32: 0>} : vector<512x128xi32>
    %and3A_3973 = arith.constant 4 : i32
    %and3A_3974 = vector.broadcast %and3A_3973 : i32 to vector<512x128xi32>
    %and3A_3975 = arith.andi %iota3A_3972, %and3A_3974 : vector<512x128xi32>
    %eq3A_3976 = arith.constant 0 : i32
    %eq3A_3977 = vector.broadcast %eq3A_3976 : i32 to vector<512x128xi32>
    %eq3A_3978 = arith.cmpi eq, %and3A_3975, %eq3A_3977 : vector<512x128xi32>
    %select_n3A_3979 = arith.select %eq3A_3978, %concatenate3A_3968, %concatenate3A_3971 : vector<512x128xi1>, vector<512x128xi32>
    %gt3A_3980 = arith.cmpi sgt, %select_n3A_3944, %select_n3A_3959 : vector<512x128xi32>
    %eq3A_3981 = arith.cmpi eq, %select_n3A_3944, %select_n3A_3959 : vector<512x128xi32>
    %lt3A_3982 = arith.cmpi slt, %select_n3A_3945, %select_n3A_3979 : vector<512x128xi32>
    %and3A_3983 = arith.andi %eq3A_3981, %lt3A_3982 : vector<512x128xi1>
    %or3A_3984 = arith.ori %gt3A_3980, %and3A_3983 : vector<512x128xi1>
    %eq3A_3985 = arith.xori %eq3A_3965, %eq3A_3804 : vector<512x128xi1>
    %eq3A_3986 = arith.constant dense<true> : vector<512x128xi1>
    %eq3A_3987 = arith.xori %eq3A_3985, %eq3A_3986 : vector<512x128xi1>
    %eq3A_3988 = arith.xori %or3A_3984, %eq3A_3987 : vector<512x128xi1>
    %eq3A_3989 = arith.constant dense<true> : vector<512x128xi1>
    %eq3A_3990 = arith.xori %eq3A_3988, %eq3A_3989 : vector<512x128xi1>
    %select_n3A_3991 = arith.select %eq3A_3990, %select_n3A_3944, %select_n3A_3959 : vector<512x128xi1>, vector<512x128xi32>
    %select_n3A_3992 = arith.select %eq3A_3990, %select_n3A_3945, %select_n3A_3979 : vector<512x128xi1>, vector<512x128xi32>
    %slice3A_3993 = vector.extract_strided_slice %select_n3A_3991 {offsets = [2, 0], sizes = [510, 128], strides = [1, 1]} : vector<512x128xi32> to vector<510x128xi32>
    %slice3A_3994 = vector.extract_strided_slice %select_n3A_3991 {offsets = [0, 0], sizes = [2, 128], strides = [1, 1]} : vector<512x128xi32> to vector<2x128xi32>
    %concatenate3A_3995 = tpu.concatenate %slice3A_3993, %slice3A_3994 in 0 : vector<510x128xi32>, vector<2x128xi32> -> vector<512x128xi32>
    %slice3A_3996 = vector.extract_strided_slice %select_n3A_3991 {offsets = [510, 0], sizes = [2, 128], strides = [1, 1]} : vector<512x128xi32> to vector<2x128xi32>
    %slice3A_3997 = vector.extract_strided_slice %select_n3A_3991 {offsets = [0, 0], sizes = [510, 128], strides = [1, 1]} : vector<512x128xi32> to vector<510x128xi32>
    %concatenate3A_3998 = tpu.concatenate %slice3A_3996, %slice3A_3997 in 0 : vector<2x128xi32>, vector<510x128xi32> -> vector<512x128xi32>
    %iota3A_3999 = tpu.iota {dimensions = array<i32: 0>} : vector<512x128xi32>
    %and3A_4000 = arith.constant 2 : i32
    %and3A_4001 = vector.broadcast %and3A_4000 : i32 to vector<512x128xi32>
    %and3A_4002 = arith.andi %iota3A_3999, %and3A_4001 : vector<512x128xi32>
    %eq3A_4003 = arith.constant 0 : i32
    %eq3A_4004 = vector.broadcast %eq3A_4003 : i32 to vector<512x128xi32>
    %eq3A_4005 = arith.cmpi eq, %and3A_4002, %eq3A_4004 : vector<512x128xi32>
    %select_n3A_4006 = arith.select %eq3A_4005, %concatenate3A_3995, %concatenate3A_3998 : vector<512x128xi1>, vector<512x128xi32>
    %and3A_4007 = arith.constant 2 : i32
    %and3A_4008 = vector.broadcast %and3A_4007 : i32 to vector<512x128xi32>
    %and3A_4009 = arith.andi %iota3A_3999, %and3A_4008 : vector<512x128xi32>
    %eq3A_4010 = arith.constant 0 : i32
    %eq3A_4011 = vector.broadcast %eq3A_4010 : i32 to vector<512x128xi32>
    %eq3A_4012 = arith.cmpi eq, %and3A_4009, %eq3A_4011 : vector<512x128xi32>
    %slice3A_4013 = vector.extract_strided_slice %select_n3A_3992 {offsets = [2, 0], sizes = [510, 128], strides = [1, 1]} : vector<512x128xi32> to vector<510x128xi32>
    %slice3A_4014 = vector.extract_strided_slice %select_n3A_3992 {offsets = [0, 0], sizes = [2, 128], strides = [1, 1]} : vector<512x128xi32> to vector<2x128xi32>
    %concatenate3A_4015 = tpu.concatenate %slice3A_4013, %slice3A_4014 in 0 : vector<510x128xi32>, vector<2x128xi32> -> vector<512x128xi32>
    %slice3A_4016 = vector.extract_strided_slice %select_n3A_3992 {offsets = [510, 0], sizes = [2, 128], strides = [1, 1]} : vector<512x128xi32> to vector<2x128xi32>
    %slice3A_4017 = vector.extract_strided_slice %select_n3A_3992 {offsets = [0, 0], sizes = [510, 128], strides = [1, 1]} : vector<512x128xi32> to vector<510x128xi32>
    %concatenate3A_4018 = tpu.concatenate %slice3A_4016, %slice3A_4017 in 0 : vector<2x128xi32>, vector<510x128xi32> -> vector<512x128xi32>
    %iota3A_4019 = tpu.iota {dimensions = array<i32: 0>} : vector<512x128xi32>
    %and3A_4020 = arith.constant 2 : i32
    %and3A_4021 = vector.broadcast %and3A_4020 : i32 to vector<512x128xi32>
    %and3A_4022 = arith.andi %iota3A_4019, %and3A_4021 : vector<512x128xi32>
    %eq3A_4023 = arith.constant 0 : i32
    %eq3A_4024 = vector.broadcast %eq3A_4023 : i32 to vector<512x128xi32>
    %eq3A_4025 = arith.cmpi eq, %and3A_4022, %eq3A_4024 : vector<512x128xi32>
    %select_n3A_4026 = arith.select %eq3A_4025, %concatenate3A_4015, %concatenate3A_4018 : vector<512x128xi1>, vector<512x128xi32>
    %gt3A_4027 = arith.cmpi sgt, %select_n3A_3991, %select_n3A_4006 : vector<512x128xi32>
    %eq3A_4028 = arith.cmpi eq, %select_n3A_3991, %select_n3A_4006 : vector<512x128xi32>
    %lt3A_4029 = arith.cmpi slt, %select_n3A_3992, %select_n3A_4026 : vector<512x128xi32>
    %and3A_4030 = arith.andi %eq3A_4028, %lt3A_4029 : vector<512x128xi1>
    %or3A_4031 = arith.ori %gt3A_4027, %and3A_4030 : vector<512x128xi1>
    %eq3A_4032 = arith.xori %eq3A_4012, %eq3A_3804 : vector<512x128xi1>
    %eq3A_4033 = arith.constant dense<true> : vector<512x128xi1>
    %eq3A_4034 = arith.xori %eq3A_4032, %eq3A_4033 : vector<512x128xi1>
    %eq3A_4035 = arith.xori %or3A_4031, %eq3A_4034 : vector<512x128xi1>
    %eq3A_4036 = arith.constant dense<true> : vector<512x128xi1>
    %eq3A_4037 = arith.xori %eq3A_4035, %eq3A_4036 : vector<512x128xi1>
    %select_n3A_4038 = arith.select %eq3A_4037, %select_n3A_3991, %select_n3A_4006 : vector<512x128xi1>, vector<512x128xi32>
    %select_n3A_4039 = arith.select %eq3A_4037, %select_n3A_3992, %select_n3A_4026 : vector<512x128xi1>, vector<512x128xi32>
    %slice3A_4040 = vector.extract_strided_slice %select_n3A_4038 {offsets = [1, 0], sizes = [511, 128], strides = [1, 1]} : vector<512x128xi32> to vector<511x128xi32>
    %slice3A_4041 = vector.extract_strided_slice %select_n3A_4038 {offsets = [0, 0], sizes = [1, 128], strides = [1, 1]} : vector<512x128xi32> to vector<1x128xi32>
    %concatenate3A_4042 = tpu.concatenate %slice3A_4040, %slice3A_4041 in 0 : vector<511x128xi32>, vector<1x128xi32> -> vector<512x128xi32>
    %slice3A_4043 = vector.extract_strided_slice %select_n3A_4038 {offsets = [511, 0], sizes = [1, 128], strides = [1, 1]} : vector<512x128xi32> to vector<1x128xi32>
    %slice3A_4044 = vector.extract_strided_slice %select_n3A_4038 {offsets = [0, 0], sizes = [511, 128], strides = [1, 1]} : vector<512x128xi32> to vector<511x128xi32>
    %concatenate3A_4045 = tpu.concatenate %slice3A_4043, %slice3A_4044 in 0 : vector<1x128xi32>, vector<511x128xi32> -> vector<512x128xi32>
    %iota3A_4046 = tpu.iota {dimensions = array<i32: 0>} : vector<512x128xi32>
    %and3A_4047 = arith.constant 1 : i32
    %and3A_4048 = vector.broadcast %and3A_4047 : i32 to vector<512x128xi32>
    %and3A_4049 = arith.andi %iota3A_4046, %and3A_4048 : vector<512x128xi32>
    %eq3A_4050 = arith.constant 0 : i32
    %eq3A_4051 = vector.broadcast %eq3A_4050 : i32 to vector<512x128xi32>
    %eq3A_4052 = arith.cmpi eq, %and3A_4049, %eq3A_4051 : vector<512x128xi32>
    %select_n3A_4053 = arith.select %eq3A_4052, %concatenate3A_4042, %concatenate3A_4045 : vector<512x128xi1>, vector<512x128xi32>
    %and3A_4054 = arith.constant 1 : i32
    %and3A_4055 = vector.broadcast %and3A_4054 : i32 to vector<512x128xi32>
    %and3A_4056 = arith.andi %iota3A_4046, %and3A_4055 : vector<512x128xi32>
    %eq3A_4057 = arith.constant 0 : i32
    %eq3A_4058 = vector.broadcast %eq3A_4057 : i32 to vector<512x128xi32>
    %eq3A_4059 = arith.cmpi eq, %and3A_4056, %eq3A_4058 : vector<512x128xi32>
    %slice3A_4060 = vector.extract_strided_slice %select_n3A_4039 {offsets = [1, 0], sizes = [511, 128], strides = [1, 1]} : vector<512x128xi32> to vector<511x128xi32>
    %slice3A_4061 = vector.extract_strided_slice %select_n3A_4039 {offsets = [0, 0], sizes = [1, 128], strides = [1, 1]} : vector<512x128xi32> to vector<1x128xi32>
    %concatenate3A_4062 = tpu.concatenate %slice3A_4060, %slice3A_4061 in 0 : vector<511x128xi32>, vector<1x128xi32> -> vector<512x128xi32>
    %slice3A_4063 = vector.extract_strided_slice %select_n3A_4039 {offsets = [511, 0], sizes = [1, 128], strides = [1, 1]} : vector<512x128xi32> to vector<1x128xi32>
    %slice3A_4064 = vector.extract_strided_slice %select_n3A_4039 {offsets = [0, 0], sizes = [511, 128], strides = [1, 1]} : vector<512x128xi32> to vector<511x128xi32>
    %concatenate3A_4065 = tpu.concatenate %slice3A_4063, %slice3A_4064 in 0 : vector<1x128xi32>, vector<511x128xi32> -> vector<512x128xi32>
    %iota3A_4066 = tpu.iota {dimensions = array<i32: 0>} : vector<512x128xi32>
    %and3A_4067 = arith.constant 1 : i32
    %and3A_4068 = vector.broadcast %and3A_4067 : i32 to vector<512x128xi32>
    %and3A_4069 = arith.andi %iota3A_4066, %and3A_4068 : vector<512x128xi32>
    %eq3A_4070 = arith.constant 0 : i32
    %eq3A_4071 = vector.broadcast %eq3A_4070 : i32 to vector<512x128xi32>
    %eq3A_4072 = arith.cmpi eq, %and3A_4069, %eq3A_4071 : vector<512x128xi32>
    %select_n3A_4073 = arith.select %eq3A_4072, %concatenate3A_4062, %concatenate3A_4065 : vector<512x128xi1>, vector<512x128xi32>
    %gt3A_4074 = arith.cmpi sgt, %select_n3A_4038, %select_n3A_4053 : vector<512x128xi32>
    %eq3A_4075 = arith.cmpi eq, %select_n3A_4038, %select_n3A_4053 : vector<512x128xi32>
    %lt3A_4076 = arith.cmpi slt, %select_n3A_4039, %select_n3A_4073 : vector<512x128xi32>
    %and3A_4077 = arith.andi %eq3A_4075, %lt3A_4076 : vector<512x128xi1>
    %or3A_4078 = arith.ori %gt3A_4074, %and3A_4077 : vector<512x128xi1>
    %eq3A_4079 = arith.xori %eq3A_4059, %eq3A_3804 : vector<512x128xi1>
    %eq3A_4080 = arith.constant dense<true> : vector<512x128xi1>
    %eq3A_4081 = arith.xori %eq3A_4079, %eq3A_4080 : vector<512x128xi1>
    %eq3A_4082 = arith.xori %or3A_4078, %eq3A_4081 : vector<512x128xi1>
    %eq3A_4083 = arith.constant dense<true> : vector<512x128xi1>
    %eq3A_4084 = arith.xori %eq3A_4082, %eq3A_4083 : vector<512x128xi1>
    %select_n3A_4085 = arith.select %eq3A_4084, %select_n3A_4038, %select_n3A_4053 : vector<512x128xi1>, vector<512x128xi32>
    %select_n3A_4086 = arith.select %eq3A_4084, %select_n3A_4039, %select_n3A_4073 : vector<512x128xi1>, vector<512x128xi32>
    %slice3A_4087 = vector.extract_strided_slice %select_n3A_4085 {offsets = [0, 64], sizes = [512, 64], strides = [1, 1]} : vector<512x128xi32> to vector<512x64xi32>
    %slice3A_4088 = vector.extract_strided_slice %select_n3A_4085 {offsets = [0, 0], sizes = [512, 64], strides = [1, 1]} : vector<512x128xi32> to vector<512x64xi32>
    %concatenate3A_4089 = tpu.concatenate %slice3A_4087, %slice3A_4088 in 1 : vector<512x64xi32>, vector<512x64xi32> -> vector<512x128xi32>
    %slice3A_4090 = vector.extract_strided_slice %select_n3A_4085 {offsets = [0, 64], sizes = [512, 64], strides = [1, 1]} : vector<512x128xi32> to vector<512x64xi32>
    %slice3A_4091 = vector.extract_strided_slice %select_n3A_4085 {offsets = [0, 0], sizes = [512, 64], strides = [1, 1]} : vector<512x128xi32> to vector<512x64xi32>
    %concatenate3A_4092 = tpu.concatenate %slice3A_4090, %slice3A_4091 in 1 : vector<512x64xi32>, vector<512x64xi32> -> vector<512x128xi32>
    %iota3A_4093 = tpu.iota {dimensions = array<i32: 1>} : vector<512x128xi32>
    %and3A_4094 = arith.constant 64 : i32
    %and3A_4095 = vector.broadcast %and3A_4094 : i32 to vector<512x128xi32>
    %and3A_4096 = arith.andi %iota3A_4093, %and3A_4095 : vector<512x128xi32>
    %eq3A_4097 = arith.constant 0 : i32
    %eq3A_4098 = vector.broadcast %eq3A_4097 : i32 to vector<512x128xi32>
    %eq3A_4099 = arith.cmpi eq, %and3A_4096, %eq3A_4098 : vector<512x128xi32>
    %select_n3A_4100 = arith.select %eq3A_4099, %concatenate3A_4089, %concatenate3A_4092 : vector<512x128xi1>, vector<512x128xi32>
    %and3A_4101 = arith.constant 64 : i32
    %and3A_4102 = vector.broadcast %and3A_4101 : i32 to vector<512x128xi32>
    %and3A_4103 = arith.andi %iota3A_4093, %and3A_4102 : vector<512x128xi32>
    %eq3A_4104 = arith.constant 0 : i32
    %eq3A_4105 = vector.broadcast %eq3A_4104 : i32 to vector<512x128xi32>
    %eq3A_4106 = arith.cmpi eq, %and3A_4103, %eq3A_4105 : vector<512x128xi32>
    %slice3A_4107 = vector.extract_strided_slice %select_n3A_4086 {offsets = [0, 64], sizes = [512, 64], strides = [1, 1]} : vector<512x128xi32> to vector<512x64xi32>
    %slice3A_4108 = vector.extract_strided_slice %select_n3A_4086 {offsets = [0, 0], sizes = [512, 64], strides = [1, 1]} : vector<512x128xi32> to vector<512x64xi32>
    %concatenate3A_4109 = tpu.concatenate %slice3A_4107, %slice3A_4108 in 1 : vector<512x64xi32>, vector<512x64xi32> -> vector<512x128xi32>
    %slice3A_4110 = vector.extract_strided_slice %select_n3A_4086 {offsets = [0, 64], sizes = [512, 64], strides = [1, 1]} : vector<512x128xi32> to vector<512x64xi32>
    %slice3A_4111 = vector.extract_strided_slice %select_n3A_4086 {offsets = [0, 0], sizes = [512, 64], strides = [1, 1]} : vector<512x128xi32> to vector<512x64xi32>
    %concatenate3A_4112 = tpu.concatenate %slice3A_4110, %slice3A_4111 in 1 : vector<512x64xi32>, vector<512x64xi32> -> vector<512x128xi32>
    %iota3A_4113 = tpu.iota {dimensions = array<i32: 1>} : vector<512x128xi32>
    %and3A_4114 = arith.constant 64 : i32
    %and3A_4115 = vector.broadcast %and3A_4114 : i32 to vector<512x128xi32>
    %and3A_4116 = arith.andi %iota3A_4113, %and3A_4115 : vector<512x128xi32>
    %eq3A_4117 = arith.constant 0 : i32
    %eq3A_4118 = vector.broadcast %eq3A_4117 : i32 to vector<512x128xi32>
    %eq3A_4119 = arith.cmpi eq, %and3A_4116, %eq3A_4118 : vector<512x128xi32>
    %select_n3A_4120 = arith.select %eq3A_4119, %concatenate3A_4109, %concatenate3A_4112 : vector<512x128xi1>, vector<512x128xi32>
    %gt3A_4121 = arith.cmpi sgt, %select_n3A_4085, %select_n3A_4100 : vector<512x128xi32>
    %eq3A_4122 = arith.cmpi eq, %select_n3A_4085, %select_n3A_4100 : vector<512x128xi32>
    %lt3A_4123 = arith.cmpi slt, %select_n3A_4086, %select_n3A_4120 : vector<512x128xi32>
    %and3A_4124 = arith.andi %eq3A_4122, %lt3A_4123 : vector<512x128xi1>
    %or3A_4125 = arith.ori %gt3A_4121, %and3A_4124 : vector<512x128xi1>
    %eq3A_4126 = arith.xori %eq3A_4106, %eq3A_3804 : vector<512x128xi1>
    %eq3A_4127 = arith.constant dense<true> : vector<512x128xi1>
    %eq3A_4128 = arith.xori %eq3A_4126, %eq3A_4127 : vector<512x128xi1>
    %eq3A_4129 = arith.xori %or3A_4125, %eq3A_4128 : vector<512x128xi1>
    %eq3A_4130 = arith.constant dense<true> : vector<512x128xi1>
    %eq3A_4131 = arith.xori %eq3A_4129, %eq3A_4130 : vector<512x128xi1>
    %select_n3A_4132 = arith.select %eq3A_4131, %select_n3A_4085, %select_n3A_4100 : vector<512x128xi1>, vector<512x128xi32>
    %select_n3A_4133 = arith.select %eq3A_4131, %select_n3A_4086, %select_n3A_4120 : vector<512x128xi1>, vector<512x128xi32>
    %slice3A_4134 = vector.extract_strided_slice %select_n3A_4132 {offsets = [0, 32], sizes = [512, 96], strides = [1, 1]} : vector<512x128xi32> to vector<512x96xi32>
    %slice3A_4135 = vector.extract_strided_slice %select_n3A_4132 {offsets = [0, 0], sizes = [512, 32], strides = [1, 1]} : vector<512x128xi32> to vector<512x32xi32>
    %concatenate3A_4136 = tpu.concatenate %slice3A_4134, %slice3A_4135 in 1 : vector<512x96xi32>, vector<512x32xi32> -> vector<512x128xi32>
    %slice3A_4137 = vector.extract_strided_slice %select_n3A_4132 {offsets = [0, 96], sizes = [512, 32], strides = [1, 1]} : vector<512x128xi32> to vector<512x32xi32>
    %slice3A_4138 = vector.extract_strided_slice %select_n3A_4132 {offsets = [0, 0], sizes = [512, 96], strides = [1, 1]} : vector<512x128xi32> to vector<512x96xi32>
    %concatenate3A_4139 = tpu.concatenate %slice3A_4137, %slice3A_4138 in 1 : vector<512x32xi32>, vector<512x96xi32> -> vector<512x128xi32>
    %iota3A_4140 = tpu.iota {dimensions = array<i32: 1>} : vector<512x128xi32>
    %and3A_4141 = arith.constant 32 : i32
    %and3A_4142 = vector.broadcast %and3A_4141 : i32 to vector<512x128xi32>
    %and3A_4143 = arith.andi %iota3A_4140, %and3A_4142 : vector<512x128xi32>
    %eq3A_4144 = arith.constant 0 : i32
    %eq3A_4145 = vector.broadcast %eq3A_4144 : i32 to vector<512x128xi32>
    %eq3A_4146 = arith.cmpi eq, %and3A_4143, %eq3A_4145 : vector<512x128xi32>
    %select_n3A_4147 = arith.select %eq3A_4146, %concatenate3A_4136, %concatenate3A_4139 : vector<512x128xi1>, vector<512x128xi32>
    %and3A_4148 = arith.constant 32 : i32
    %and3A_4149 = vector.broadcast %and3A_4148 : i32 to vector<512x128xi32>
    %and3A_4150 = arith.andi %iota3A_4140, %and3A_4149 : vector<512x128xi32>
    %eq3A_4151 = arith.constant 0 : i32
    %eq3A_4152 = vector.broadcast %eq3A_4151 : i32 to vector<512x128xi32>
    %eq3A_4153 = arith.cmpi eq, %and3A_4150, %eq3A_4152 : vector<512x128xi32>
    %slice3A_4154 = vector.extract_strided_slice %select_n3A_4133 {offsets = [0, 32], sizes = [512, 96], strides = [1, 1]} : vector<512x128xi32> to vector<512x96xi32>
    %slice3A_4155 = vector.extract_strided_slice %select_n3A_4133 {offsets = [0, 0], sizes = [512, 32], strides = [1, 1]} : vector<512x128xi32> to vector<512x32xi32>
    %concatenate3A_4156 = tpu.concatenate %slice3A_4154, %slice3A_4155 in 1 : vector<512x96xi32>, vector<512x32xi32> -> vector<512x128xi32>
    %slice3A_4157 = vector.extract_strided_slice %select_n3A_4133 {offsets = [0, 96], sizes = [512, 32], strides = [1, 1]} : vector<512x128xi32> to vector<512x32xi32>
    %slice3A_4158 = vector.extract_strided_slice %select_n3A_4133 {offsets = [0, 0], sizes = [512, 96], strides = [1, 1]} : vector<512x128xi32> to vector<512x96xi32>
    %concatenate3A_4159 = tpu.concatenate %slice3A_4157, %slice3A_4158 in 1 : vector<512x32xi32>, vector<512x96xi32> -> vector<512x128xi32>
    %iota3A_4160 = tpu.iota {dimensions = array<i32: 1>} : vector<512x128xi32>
    %and3A_4161 = arith.constant 32 : i32
    %and3A_4162 = vector.broadcast %and3A_4161 : i32 to vector<512x128xi32>
    %and3A_4163 = arith.andi %iota3A_4160, %and3A_4162 : vector<512x128xi32>
    %eq3A_4164 = arith.constant 0 : i32
    %eq3A_4165 = vector.broadcast %eq3A_4164 : i32 to vector<512x128xi32>
    %eq3A_4166 = arith.cmpi eq, %and3A_4163, %eq3A_4165 : vector<512x128xi32>
    %select_n3A_4167 = arith.select %eq3A_4166, %concatenate3A_4156, %concatenate3A_4159 : vector<512x128xi1>, vector<512x128xi32>
    %gt3A_4168 = arith.cmpi sgt, %select_n3A_4132, %select_n3A_4147 : vector<512x128xi32>
    %eq3A_4169 = arith.cmpi eq, %select_n3A_4132, %select_n3A_4147 : vector<512x128xi32>
    %lt3A_4170 = arith.cmpi slt, %select_n3A_4133, %select_n3A_4167 : vector<512x128xi32>
    %and3A_4171 = arith.andi %eq3A_4169, %lt3A_4170 : vector<512x128xi1>
    %or3A_4172 = arith.ori %gt3A_4168, %and3A_4171 : vector<512x128xi1>
    %eq3A_4173 = arith.xori %eq3A_4153, %eq3A_3804 : vector<512x128xi1>
    %eq3A_4174 = arith.constant dense<true> : vector<512x128xi1>
    %eq3A_4175 = arith.xori %eq3A_4173, %eq3A_4174 : vector<512x128xi1>
    %eq3A_4176 = arith.xori %or3A_4172, %eq3A_4175 : vector<512x128xi1>
    %eq3A_4177 = arith.constant dense<true> : vector<512x128xi1>
    %eq3A_4178 = arith.xori %eq3A_4176, %eq3A_4177 : vector<512x128xi1>
    %select_n3A_4179 = arith.select %eq3A_4178, %select_n3A_4132, %select_n3A_4147 : vector<512x128xi1>, vector<512x128xi32>
    %select_n3A_4180 = arith.select %eq3A_4178, %select_n3A_4133, %select_n3A_4167 : vector<512x128xi1>, vector<512x128xi32>
    %slice3A_4181 = vector.extract_strided_slice %select_n3A_4179 {offsets = [0, 16], sizes = [512, 112], strides = [1, 1]} : vector<512x128xi32> to vector<512x112xi32>
    %slice3A_4182 = vector.extract_strided_slice %select_n3A_4179 {offsets = [0, 0], sizes = [512, 16], strides = [1, 1]} : vector<512x128xi32> to vector<512x16xi32>
    %concatenate3A_4183 = tpu.concatenate %slice3A_4181, %slice3A_4182 in 1 : vector<512x112xi32>, vector<512x16xi32> -> vector<512x128xi32>
    %slice3A_4184 = vector.extract_strided_slice %select_n3A_4179 {offsets = [0, 112], sizes = [512, 16], strides = [1, 1]} : vector<512x128xi32> to vector<512x16xi32>
    %slice3A_4185 = vector.extract_strided_slice %select_n3A_4179 {offsets = [0, 0], sizes = [512, 112], strides = [1, 1]} : vector<512x128xi32> to vector<512x112xi32>
    %concatenate3A_4186 = tpu.concatenate %slice3A_4184, %slice3A_4185 in 1 : vector<512x16xi32>, vector<512x112xi32> -> vector<512x128xi32>
    %iota3A_4187 = tpu.iota {dimensions = array<i32: 1>} : vector<512x128xi32>
    %and3A_4188 = arith.constant 16 : i32
    %and3A_4189 = vector.broadcast %and3A_4188 : i32 to vector<512x128xi32>
    %and3A_4190 = arith.andi %iota3A_4187, %and3A_4189 : vector<512x128xi32>
    %eq3A_4191 = arith.constant 0 : i32
    %eq3A_4192 = vector.broadcast %eq3A_4191 : i32 to vector<512x128xi32>
    %eq3A_4193 = arith.cmpi eq, %and3A_4190, %eq3A_4192 : vector<512x128xi32>
    %select_n3A_4194 = arith.select %eq3A_4193, %concatenate3A_4183, %concatenate3A_4186 : vector<512x128xi1>, vector<512x128xi32>
    %and3A_4195 = arith.constant 16 : i32
    %and3A_4196 = vector.broadcast %and3A_4195 : i32 to vector<512x128xi32>
    %and3A_4197 = arith.andi %iota3A_4187, %and3A_4196 : vector<512x128xi32>
    %eq3A_4198 = arith.constant 0 : i32
    %eq3A_4199 = vector.broadcast %eq3A_4198 : i32 to vector<512x128xi32>
    %eq3A_4200 = arith.cmpi eq, %and3A_4197, %eq3A_4199 : vector<512x128xi32>
    %slice3A_4201 = vector.extract_strided_slice %select_n3A_4180 {offsets = [0, 16], sizes = [512, 112], strides = [1, 1]} : vector<512x128xi32> to vector<512x112xi32>
    %slice3A_4202 = vector.extract_strided_slice %select_n3A_4180 {offsets = [0, 0], sizes = [512, 16], strides = [1, 1]} : vector<512x128xi32> to vector<512x16xi32>
    %concatenate3A_4203 = tpu.concatenate %slice3A_4201, %slice3A_4202 in 1 : vector<512x112xi32>, vector<512x16xi32> -> vector<512x128xi32>
    %slice3A_4204 = vector.extract_strided_slice %select_n3A_4180 {offsets = [0, 112], sizes = [512, 16], strides = [1, 1]} : vector<512x128xi32> to vector<512x16xi32>
    %slice3A_4205 = vector.extract_strided_slice %select_n3A_4180 {offsets = [0, 0], sizes = [512, 112], strides = [1, 1]} : vector<512x128xi32> to vector<512x112xi32>
    %concatenate3A_4206 = tpu.concatenate %slice3A_4204, %slice3A_4205 in 1 : vector<512x16xi32>, vector<512x112xi32> -> vector<512x128xi32>
    %iota3A_4207 = tpu.iota {dimensions = array<i32: 1>} : vector<512x128xi32>
    %and3A_4208 = arith.constant 16 : i32
    %and3A_4209 = vector.broadcast %and3A_4208 : i32 to vector<512x128xi32>
    %and3A_4210 = arith.andi %iota3A_4207, %and3A_4209 : vector<512x128xi32>
    %eq3A_4211 = arith.constant 0 : i32
    %eq3A_4212 = vector.broadcast %eq3A_4211 : i32 to vector<512x128xi32>
    %eq3A_4213 = arith.cmpi eq, %and3A_4210, %eq3A_4212 : vector<512x128xi32>
    %select_n3A_4214 = arith.select %eq3A_4213, %concatenate3A_4203, %concatenate3A_4206 : vector<512x128xi1>, vector<512x128xi32>
    %gt3A_4215 = arith.cmpi sgt, %select_n3A_4179, %select_n3A_4194 : vector<512x128xi32>
    %eq3A_4216 = arith.cmpi eq, %select_n3A_4179, %select_n3A_4194 : vector<512x128xi32>
    %lt3A_4217 = arith.cmpi slt, %select_n3A_4180, %select_n3A_4214 : vector<512x128xi32>
    %and3A_4218 = arith.andi %eq3A_4216, %lt3A_4217 : vector<512x128xi1>
    %or3A_4219 = arith.ori %gt3A_4215, %and3A_4218 : vector<512x128xi1>
    %eq3A_4220 = arith.xori %eq3A_4200, %eq3A_3804 : vector<512x128xi1>
    %eq3A_4221 = arith.constant dense<true> : vector<512x128xi1>
    %eq3A_4222 = arith.xori %eq3A_4220, %eq3A_4221 : vector<512x128xi1>
    %eq3A_4223 = arith.xori %or3A_4219, %eq3A_4222 : vector<512x128xi1>
    %eq3A_4224 = arith.constant dense<true> : vector<512x128xi1>
    %eq3A_4225 = arith.xori %eq3A_4223, %eq3A_4224 : vector<512x128xi1>
    %select_n3A_4226 = arith.select %eq3A_4225, %select_n3A_4179, %select_n3A_4194 : vector<512x128xi1>, vector<512x128xi32>
    %select_n3A_4227 = arith.select %eq3A_4225, %select_n3A_4180, %select_n3A_4214 : vector<512x128xi1>, vector<512x128xi32>
    %slice3A_4228 = vector.extract_strided_slice %select_n3A_4226 {offsets = [0, 8], sizes = [512, 120], strides = [1, 1]} : vector<512x128xi32> to vector<512x120xi32>
    %slice3A_4229 = vector.extract_strided_slice %select_n3A_4226 {offsets = [0, 0], sizes = [512, 8], strides = [1, 1]} : vector<512x128xi32> to vector<512x8xi32>
    %concatenate3A_4230 = tpu.concatenate %slice3A_4228, %slice3A_4229 in 1 : vector<512x120xi32>, vector<512x8xi32> -> vector<512x128xi32>
    %slice3A_4231 = vector.extract_strided_slice %select_n3A_4226 {offsets = [0, 120], sizes = [512, 8], strides = [1, 1]} : vector<512x128xi32> to vector<512x8xi32>
    %slice3A_4232 = vector.extract_strided_slice %select_n3A_4226 {offsets = [0, 0], sizes = [512, 120], strides = [1, 1]} : vector<512x128xi32> to vector<512x120xi32>
    %concatenate3A_4233 = tpu.concatenate %slice3A_4231, %slice3A_4232 in 1 : vector<512x8xi32>, vector<512x120xi32> -> vector<512x128xi32>
    %iota3A_4234 = tpu.iota {dimensions = array<i32: 1>} : vector<512x128xi32>
    %and3A_4235 = arith.constant 8 : i32
    %and3A_4236 = vector.broadcast %and3A_4235 : i32 to vector<512x128xi32>
    %and3A_4237 = arith.andi %iota3A_4234, %and3A_4236 : vector<512x128xi32>
    %eq3A_4238 = arith.constant 0 : i32
    %eq3A_4239 = vector.broadcast %eq3A_4238 : i32 to vector<512x128xi32>
    %eq3A_4240 = arith.cmpi eq, %and3A_4237, %eq3A_4239 : vector<512x128xi32>
    %select_n3A_4241 = arith.select %eq3A_4240, %concatenate3A_4230, %concatenate3A_4233 : vector<512x128xi1>, vector<512x128xi32>
    %and3A_4242 = arith.constant 8 : i32
    %and3A_4243 = vector.broadcast %and3A_4242 : i32 to vector<512x128xi32>
    %and3A_4244 = arith.andi %iota3A_4234, %and3A_4243 : vector<512x128xi32>
    %eq3A_4245 = arith.constant 0 : i32
    %eq3A_4246 = vector.broadcast %eq3A_4245 : i32 to vector<512x128xi32>
    %eq3A_4247 = arith.cmpi eq, %and3A_4244, %eq3A_4246 : vector<512x128xi32>
    %slice3A_4248 = vector.extract_strided_slice %select_n3A_4227 {offsets = [0, 8], sizes = [512, 120], strides = [1, 1]} : vector<512x128xi32> to vector<512x120xi32>
    %slice3A_4249 = vector.extract_strided_slice %select_n3A_4227 {offsets = [0, 0], sizes = [512, 8], strides = [1, 1]} : vector<512x128xi32> to vector<512x8xi32>
    %concatenate3A_4250 = tpu.concatenate %slice3A_4248, %slice3A_4249 in 1 : vector<512x120xi32>, vector<512x8xi32> -> vector<512x128xi32>
    %slice3A_4251 = vector.extract_strided_slice %select_n3A_4227 {offsets = [0, 120], sizes = [512, 8], strides = [1, 1]} : vector<512x128xi32> to vector<512x8xi32>
    %slice3A_4252 = vector.extract_strided_slice %select_n3A_4227 {offsets = [0, 0], sizes = [512, 120], strides = [1, 1]} : vector<512x128xi32> to vector<512x120xi32>
    %concatenate3A_4253 = tpu.concatenate %slice3A_4251, %slice3A_4252 in 1 : vector<512x8xi32>, vector<512x120xi32> -> vector<512x128xi32>
    %iota3A_4254 = tpu.iota {dimensions = array<i32: 1>} : vector<512x128xi32>
    %and3A_4255 = arith.constant 8 : i32
    %and3A_4256 = vector.broadcast %and3A_4255 : i32 to vector<512x128xi32>
    %and3A_4257 = arith.andi %iota3A_4254, %and3A_4256 : vector<512x128xi32>
    %eq3A_4258 = arith.constant 0 : i32
    %eq3A_4259 = vector.broadcast %eq3A_4258 : i32 to vector<512x128xi32>
    %eq3A_4260 = arith.cmpi eq, %and3A_4257, %eq3A_4259 : vector<512x128xi32>
    %select_n3A_4261 = arith.select %eq3A_4260, %concatenate3A_4250, %concatenate3A_4253 : vector<512x128xi1>, vector<512x128xi32>
    %gt3A_4262 = arith.cmpi sgt, %select_n3A_4226, %select_n3A_4241 : vector<512x128xi32>
    %eq3A_4263 = arith.cmpi eq, %select_n3A_4226, %select_n3A_4241 : vector<512x128xi32>
    %lt3A_4264 = arith.cmpi slt, %select_n3A_4227, %select_n3A_4261 : vector<512x128xi32>
    %and3A_4265 = arith.andi %eq3A_4263, %lt3A_4264 : vector<512x128xi1>
    %or3A_4266 = arith.ori %gt3A_4262, %and3A_4265 : vector<512x128xi1>
    %eq3A_4267 = arith.xori %eq3A_4247, %eq3A_3804 : vector<512x128xi1>
    %eq3A_4268 = arith.constant dense<true> : vector<512x128xi1>
    %eq3A_4269 = arith.xori %eq3A_4267, %eq3A_4268 : vector<512x128xi1>
    %eq3A_4270 = arith.xori %or3A_4266, %eq3A_4269 : vector<512x128xi1>
    %eq3A_4271 = arith.constant dense<true> : vector<512x128xi1>
    %eq3A_4272 = arith.xori %eq3A_4270, %eq3A_4271 : vector<512x128xi1>
    %select_n3A_4273 = arith.select %eq3A_4272, %select_n3A_4226, %select_n3A_4241 : vector<512x128xi1>, vector<512x128xi32>
    %select_n3A_4274 = arith.select %eq3A_4272, %select_n3A_4227, %select_n3A_4261 : vector<512x128xi1>, vector<512x128xi32>
    %slice3A_4275 = vector.extract_strided_slice %select_n3A_4273 {offsets = [0, 4], sizes = [512, 124], strides = [1, 1]} : vector<512x128xi32> to vector<512x124xi32>
    %slice3A_4276 = vector.extract_strided_slice %select_n3A_4273 {offsets = [0, 0], sizes = [512, 4], strides = [1, 1]} : vector<512x128xi32> to vector<512x4xi32>
    %concatenate3A_4277 = tpu.concatenate %slice3A_4275, %slice3A_4276 in 1 : vector<512x124xi32>, vector<512x4xi32> -> vector<512x128xi32>
    %slice3A_4278 = vector.extract_strided_slice %select_n3A_4273 {offsets = [0, 124], sizes = [512, 4], strides = [1, 1]} : vector<512x128xi32> to vector<512x4xi32>
    %slice3A_4279 = vector.extract_strided_slice %select_n3A_4273 {offsets = [0, 0], sizes = [512, 124], strides = [1, 1]} : vector<512x128xi32> to vector<512x124xi32>
    %concatenate3A_4280 = tpu.concatenate %slice3A_4278, %slice3A_4279 in 1 : vector<512x4xi32>, vector<512x124xi32> -> vector<512x128xi32>
    %iota3A_4281 = tpu.iota {dimensions = array<i32: 1>} : vector<512x128xi32>
    %and3A_4282 = arith.constant 4 : i32
    %and3A_4283 = vector.broadcast %and3A_4282 : i32 to vector<512x128xi32>
    %and3A_4284 = arith.andi %iota3A_4281, %and3A_4283 : vector<512x128xi32>
    %eq3A_4285 = arith.constant 0 : i32
    %eq3A_4286 = vector.broadcast %eq3A_4285 : i32 to vector<512x128xi32>
    %eq3A_4287 = arith.cmpi eq, %and3A_4284, %eq3A_4286 : vector<512x128xi32>
    %select_n3A_4288 = arith.select %eq3A_4287, %concatenate3A_4277, %concatenate3A_4280 : vector<512x128xi1>, vector<512x128xi32>
    %and3A_4289 = arith.constant 4 : i32
    %and3A_4290 = vector.broadcast %and3A_4289 : i32 to vector<512x128xi32>
    %and3A_4291 = arith.andi %iota3A_4281, %and3A_4290 : vector<512x128xi32>
    %eq3A_4292 = arith.constant 0 : i32
    %eq3A_4293 = vector.broadcast %eq3A_4292 : i32 to vector<512x128xi32>
    %eq3A_4294 = arith.cmpi eq, %and3A_4291, %eq3A_4293 : vector<512x128xi32>
    %slice3A_4295 = vector.extract_strided_slice %select_n3A_4274 {offsets = [0, 4], sizes = [512, 124], strides = [1, 1]} : vector<512x128xi32> to vector<512x124xi32>
    %slice3A_4296 = vector.extract_strided_slice %select_n3A_4274 {offsets = [0, 0], sizes = [512, 4], strides = [1, 1]} : vector<512x128xi32> to vector<512x4xi32>
    %concatenate3A_4297 = tpu.concatenate %slice3A_4295, %slice3A_4296 in 1 : vector<512x124xi32>, vector<512x4xi32> -> vector<512x128xi32>
    %slice3A_4298 = vector.extract_strided_slice %select_n3A_4274 {offsets = [0, 124], sizes = [512, 4], strides = [1, 1]} : vector<512x128xi32> to vector<512x4xi32>
    %slice3A_4299 = vector.extract_strided_slice %select_n3A_4274 {offsets = [0, 0], sizes = [512, 124], strides = [1, 1]} : vector<512x128xi32> to vector<512x124xi32>
    %concatenate3A_4300 = tpu.concatenate %slice3A_4298, %slice3A_4299 in 1 : vector<512x4xi32>, vector<512x124xi32> -> vector<512x128xi32>
    %iota3A_4301 = tpu.iota {dimensions = array<i32: 1>} : vector<512x128xi32>
    %and3A_4302 = arith.constant 4 : i32
    %and3A_4303 = vector.broadcast %and3A_4302 : i32 to vector<512x128xi32>
    %and3A_4304 = arith.andi %iota3A_4301, %and3A_4303 : vector<512x128xi32>
    %eq3A_4305 = arith.constant 0 : i32
    %eq3A_4306 = vector.broadcast %eq3A_4305 : i32 to vector<512x128xi32>
    %eq3A_4307 = arith.cmpi eq, %and3A_4304, %eq3A_4306 : vector<512x128xi32>
    %select_n3A_4308 = arith.select %eq3A_4307, %concatenate3A_4297, %concatenate3A_4300 : vector<512x128xi1>, vector<512x128xi32>
    %gt3A_4309 = arith.cmpi sgt, %select_n3A_4273, %select_n3A_4288 : vector<512x128xi32>
    %eq3A_4310 = arith.cmpi eq, %select_n3A_4273, %select_n3A_4288 : vector<512x128xi32>
    %lt3A_4311 = arith.cmpi slt, %select_n3A_4274, %select_n3A_4308 : vector<512x128xi32>
    %and3A_4312 = arith.andi %eq3A_4310, %lt3A_4311 : vector<512x128xi1>
    %or3A_4313 = arith.ori %gt3A_4309, %and3A_4312 : vector<512x128xi1>
    %eq3A_4314 = arith.xori %eq3A_4294, %eq3A_3804 : vector<512x128xi1>
    %eq3A_4315 = arith.constant dense<true> : vector<512x128xi1>
    %eq3A_4316 = arith.xori %eq3A_4314, %eq3A_4315 : vector<512x128xi1>
    %eq3A_4317 = arith.xori %or3A_4313, %eq3A_4316 : vector<512x128xi1>
    %eq3A_4318 = arith.constant dense<true> : vector<512x128xi1>
    %eq3A_4319 = arith.xori %eq3A_4317, %eq3A_4318 : vector<512x128xi1>
    %select_n3A_4320 = arith.select %eq3A_4319, %select_n3A_4273, %select_n3A_4288 : vector<512x128xi1>, vector<512x128xi32>
    %select_n3A_4321 = arith.select %eq3A_4319, %select_n3A_4274, %select_n3A_4308 : vector<512x128xi1>, vector<512x128xi32>
    %slice3A_4322 = vector.extract_strided_slice %select_n3A_4320 {offsets = [0, 2], sizes = [512, 126], strides = [1, 1]} : vector<512x128xi32> to vector<512x126xi32>
    %slice3A_4323 = vector.extract_strided_slice %select_n3A_4320 {offsets = [0, 0], sizes = [512, 2], strides = [1, 1]} : vector<512x128xi32> to vector<512x2xi32>
    %concatenate3A_4324 = tpu.concatenate %slice3A_4322, %slice3A_4323 in 1 : vector<512x126xi32>, vector<512x2xi32> -> vector<512x128xi32>
    %slice3A_4325 = vector.extract_strided_slice %select_n3A_4320 {offsets = [0, 126], sizes = [512, 2], strides = [1, 1]} : vector<512x128xi32> to vector<512x2xi32>
    %slice3A_4326 = vector.extract_strided_slice %select_n3A_4320 {offsets = [0, 0], sizes = [512, 126], strides = [1, 1]} : vector<512x128xi32> to vector<512x126xi32>
    %concatenate3A_4327 = tpu.concatenate %slice3A_4325, %slice3A_4326 in 1 : vector<512x2xi32>, vector<512x126xi32> -> vector<512x128xi32>
    %iota3A_4328 = tpu.iota {dimensions = array<i32: 1>} : vector<512x128xi32>
    %and3A_4329 = arith.constant 2 : i32
    %and3A_4330 = vector.broadcast %and3A_4329 : i32 to vector<512x128xi32>
    %and3A_4331 = arith.andi %iota3A_4328, %and3A_4330 : vector<512x128xi32>
    %eq3A_4332 = arith.constant 0 : i32
    %eq3A_4333 = vector.broadcast %eq3A_4332 : i32 to vector<512x128xi32>
    %eq3A_4334 = arith.cmpi eq, %and3A_4331, %eq3A_4333 : vector<512x128xi32>
    %select_n3A_4335 = arith.select %eq3A_4334, %concatenate3A_4324, %concatenate3A_4327 : vector<512x128xi1>, vector<512x128xi32>
    %and3A_4336 = arith.constant 2 : i32
    %and3A_4337 = vector.broadcast %and3A_4336 : i32 to vector<512x128xi32>
    %and3A_4338 = arith.andi %iota3A_4328, %and3A_4337 : vector<512x128xi32>
    %eq3A_4339 = arith.constant 0 : i32
    %eq3A_4340 = vector.broadcast %eq3A_4339 : i32 to vector<512x128xi32>
    %eq3A_4341 = arith.cmpi eq, %and3A_4338, %eq3A_4340 : vector<512x128xi32>
    %slice3A_4342 = vector.extract_strided_slice %select_n3A_4321 {offsets = [0, 2], sizes = [512, 126], strides = [1, 1]} : vector<512x128xi32> to vector<512x126xi32>
    %slice3A_4343 = vector.extract_strided_slice %select_n3A_4321 {offsets = [0, 0], sizes = [512, 2], strides = [1, 1]} : vector<512x128xi32> to vector<512x2xi32>
    %concatenate3A_4344 = tpu.concatenate %slice3A_4342, %slice3A_4343 in 1 : vector<512x126xi32>, vector<512x2xi32> -> vector<512x128xi32>
    %slice3A_4345 = vector.extract_strided_slice %select_n3A_4321 {offsets = [0, 126], sizes = [512, 2], strides = [1, 1]} : vector<512x128xi32> to vector<512x2xi32>
    %slice3A_4346 = vector.extract_strided_slice %select_n3A_4321 {offsets = [0, 0], sizes = [512, 126], strides = [1, 1]} : vector<512x128xi32> to vector<512x126xi32>
    %concatenate3A_4347 = tpu.concatenate %slice3A_4345, %slice3A_4346 in 1 : vector<512x2xi32>, vector<512x126xi32> -> vector<512x128xi32>
    %iota3A_4348 = tpu.iota {dimensions = array<i32: 1>} : vector<512x128xi32>
    %and3A_4349 = arith.constant 2 : i32
    %and3A_4350 = vector.broadcast %and3A_4349 : i32 to vector<512x128xi32>
    %and3A_4351 = arith.andi %iota3A_4348, %and3A_4350 : vector<512x128xi32>
    %eq3A_4352 = arith.constant 0 : i32
    %eq3A_4353 = vector.broadcast %eq3A_4352 : i32 to vector<512x128xi32>
    %eq3A_4354 = arith.cmpi eq, %and3A_4351, %eq3A_4353 : vector<512x128xi32>
    %select_n3A_4355 = arith.select %eq3A_4354, %concatenate3A_4344, %concatenate3A_4347 : vector<512x128xi1>, vector<512x128xi32>
    %gt3A_4356 = arith.cmpi sgt, %select_n3A_4320, %select_n3A_4335 : vector<512x128xi32>
    %eq3A_4357 = arith.cmpi eq, %select_n3A_4320, %select_n3A_4335 : vector<512x128xi32>
    %lt3A_4358 = arith.cmpi slt, %select_n3A_4321, %select_n3A_4355 : vector<512x128xi32>
    %and3A_4359 = arith.andi %eq3A_4357, %lt3A_4358 : vector<512x128xi1>
    %or3A_4360 = arith.ori %gt3A_4356, %and3A_4359 : vector<512x128xi1>
    %eq3A_4361 = arith.xori %eq3A_4341, %eq3A_3804 : vector<512x128xi1>
    %eq3A_4362 = arith.constant dense<true> : vector<512x128xi1>
    %eq3A_4363 = arith.xori %eq3A_4361, %eq3A_4362 : vector<512x128xi1>
    %eq3A_4364 = arith.xori %or3A_4360, %eq3A_4363 : vector<512x128xi1>
    %eq3A_4365 = arith.constant dense<true> : vector<512x128xi1>
    %eq3A_4366 = arith.xori %eq3A_4364, %eq3A_4365 : vector<512x128xi1>
    %select_n3A_4367 = arith.select %eq3A_4366, %select_n3A_4320, %select_n3A_4335 : vector<512x128xi1>, vector<512x128xi32>
    %select_n3A_4368 = arith.select %eq3A_4366, %select_n3A_4321, %select_n3A_4355 : vector<512x128xi1>, vector<512x128xi32>
    %slice3A_4369 = vector.extract_strided_slice %select_n3A_4367 {offsets = [0, 1], sizes = [512, 127], strides = [1, 1]} : vector<512x128xi32> to vector<512x127xi32>
    %slice3A_4370 = vector.extract_strided_slice %select_n3A_4367 {offsets = [0, 0], sizes = [512, 1], strides = [1, 1]} : vector<512x128xi32> to vector<512x1xi32>
    %concatenate3A_4371 = tpu.concatenate %slice3A_4369, %slice3A_4370 in 1 : vector<512x127xi32>, vector<512x1xi32> -> vector<512x128xi32>
    %slice3A_4372 = vector.extract_strided_slice %select_n3A_4367 {offsets = [0, 127], sizes = [512, 1], strides = [1, 1]} : vector<512x128xi32> to vector<512x1xi32>
    %slice3A_4373 = vector.extract_strided_slice %select_n3A_4367 {offsets = [0, 0], sizes = [512, 127], strides = [1, 1]} : vector<512x128xi32> to vector<512x127xi32>
    %concatenate3A_4374 = tpu.concatenate %slice3A_4372, %slice3A_4373 in 1 : vector<512x1xi32>, vector<512x127xi32> -> vector<512x128xi32>
    %iota3A_4375 = tpu.iota {dimensions = array<i32: 1>} : vector<512x128xi32>
    %and3A_4376 = arith.constant 1 : i32
    %and3A_4377 = vector.broadcast %and3A_4376 : i32 to vector<512x128xi32>
    %and3A_4378 = arith.andi %iota3A_4375, %and3A_4377 : vector<512x128xi32>
    %eq3A_4379 = arith.constant 0 : i32
    %eq3A_4380 = vector.broadcast %eq3A_4379 : i32 to vector<512x128xi32>
    %eq3A_4381 = arith.cmpi eq, %and3A_4378, %eq3A_4380 : vector<512x128xi32>
    %select_n3A_4382 = arith.select %eq3A_4381, %concatenate3A_4371, %concatenate3A_4374 : vector<512x128xi1>, vector<512x128xi32>
    %and3A_4383 = arith.constant 1 : i32
    %and3A_4384 = vector.broadcast %and3A_4383 : i32 to vector<512x128xi32>
    %and3A_4385 = arith.andi %iota3A_4375, %and3A_4384 : vector<512x128xi32>
    %eq3A_4386 = arith.constant 0 : i32
    %eq3A_4387 = vector.broadcast %eq3A_4386 : i32 to vector<512x128xi32>
    %eq3A_4388 = arith.cmpi eq, %and3A_4385, %eq3A_4387 : vector<512x128xi32>
    %slice3A_4389 = vector.extract_strided_slice %select_n3A_4368 {offsets = [0, 1], sizes = [512, 127], strides = [1, 1]} : vector<512x128xi32> to vector<512x127xi32>
    %slice3A_4390 = vector.extract_strided_slice %select_n3A_4368 {offsets = [0, 0], sizes = [512, 1], strides = [1, 1]} : vector<512x128xi32> to vector<512x1xi32>
    %concatenate3A_4391 = tpu.concatenate %slice3A_4389, %slice3A_4390 in 1 : vector<512x127xi32>, vector<512x1xi32> -> vector<512x128xi32>
    %slice3A_4392 = vector.extract_strided_slice %select_n3A_4368 {offsets = [0, 127], sizes = [512, 1], strides = [1, 1]} : vector<512x128xi32> to vector<512x1xi32>
    %slice3A_4393 = vector.extract_strided_slice %select_n3A_4368 {offsets = [0, 0], sizes = [512, 127], strides = [1, 1]} : vector<512x128xi32> to vector<512x127xi32>
    %concatenate3A_4394 = tpu.concatenate %slice3A_4392, %slice3A_4393 in 1 : vector<512x1xi32>, vector<512x127xi32> -> vector<512x128xi32>
    %iota3A_4395 = tpu.iota {dimensions = array<i32: 1>} : vector<512x128xi32>
    %and3A_4396 = arith.constant 1 : i32
    %and3A_4397 = vector.broadcast %and3A_4396 : i32 to vector<512x128xi32>
    %and3A_4398 = arith.andi %iota3A_4395, %and3A_4397 : vector<512x128xi32>
    %eq3A_4399 = arith.constant 0 : i32
    %eq3A_4400 = vector.broadcast %eq3A_4399 : i32 to vector<512x128xi32>
    %eq3A_4401 = arith.cmpi eq, %and3A_4398, %eq3A_4400 : vector<512x128xi32>
    %select_n3A_4402 = arith.select %eq3A_4401, %concatenate3A_4391, %concatenate3A_4394 : vector<512x128xi1>, vector<512x128xi32>
    %gt3A_4403 = arith.cmpi sgt, %select_n3A_4367, %select_n3A_4382 : vector<512x128xi32>
    %eq3A_4404 = arith.cmpi eq, %select_n3A_4367, %select_n3A_4382 : vector<512x128xi32>
    %lt3A_4405 = arith.cmpi slt, %select_n3A_4368, %select_n3A_4402 : vector<512x128xi32>
    %and3A_4406 = arith.andi %eq3A_4404, %lt3A_4405 : vector<512x128xi1>
    %or3A_4407 = arith.ori %gt3A_4403, %and3A_4406 : vector<512x128xi1>
    %eq3A_4408 = arith.xori %eq3A_4388, %eq3A_3804 : vector<512x128xi1>
    %eq3A_4409 = arith.constant dense<true> : vector<512x128xi1>
    %eq3A_4410 = arith.xori %eq3A_4408, %eq3A_4409 : vector<512x128xi1>
    %eq3A_4411 = arith.xori %or3A_4407, %eq3A_4410 : vector<512x128xi1>
    %eq3A_4412 = arith.constant dense<true> : vector<512x128xi1>
    %eq3A_4413 = arith.xori %eq3A_4411, %eq3A_4412 : vector<512x128xi1>
    %select_n3A_4414 = arith.select %eq3A_4413, %select_n3A_4367, %select_n3A_4382 : vector<512x128xi1>, vector<512x128xi32>
    %select_n3A_4415 = arith.select %eq3A_4413, %select_n3A_4368, %select_n3A_4402 : vector<512x128xi1>, vector<512x128xi32>
    %bitcast_convert_type3A_4416 = tpu.bitcast %select_n3A_4414 : vector<512x128xi32> -> vector<512x128xf32>
    %swap3A = arith.constant 0 : index
    %swap3A_4417 = arith.constant 0 : index
    %swap3A_4418 = vector.load %arg1[%swap3A, %swap3A_4417] : memref<512x128xf32, #tpu.memory_space<vmem>>, vector<512x128xf32>
    tpu.vector_store %arg1[%swap3A, %swap3A_4417], %bitcast_convert_type3A_4416 {strides = array<i32>} : memref<512x128xf32, #tpu.memory_space<vmem>>, vector<512x128xf32>,
    %swap3A_4419 = arith.constant 0 : index
    %swap3A_4420 = arith.constant 0 : index
    %swap3A_4421 = vector.load %arg2[%swap3A_4419, %swap3A_4420] : memref<512x128xi32, #tpu.memory_space<vmem>>, vector<512x128xi32>
    tpu.vector_store %arg2[%swap3A_4419, %swap3A_4420], %select_n3A_4415 {strides = array<i32>} : memref<512x128xi32, #tpu.memory_space<vmem>>, vector<512x128xi32>,
    return
  }
}

</mosaic_0001>

<sc_bundles>
// kernel: kernel.5.cloned.1.call-start
scs
__scs_entry_jumppad:
0x0: {  	(pc) =	sbr.rel $0x88, $3  }
0x1: {  	(tag) =	ssettag $0x0;
	lr =	simm.s32 $0x1  }
0x2: {  	[smem:$0x3F9E] =	sst lr;
	_ =	strace $0xD0000000  }
0x3: {  	_ = 	snop  }
0x4: {  	_ = 	snop  }
0x5: {  	_ = 	snop  }
0x6: {  	_ = 	snop  }
0x7: {  	_ = 	snop  }
__scs_overlays_trampoline_lowered:
0x8: {  	[smem:$0x3FAD] =	sst s0  }
0x9: {  	[smem:$0x3FAE] =	sst s1  }
0xa: {  	[smem:$0x3FAF] =	sst s2  }
0xb: {  	[smem:$0x3FB0] =	sst s3  }
0xc: {  	[smem:$0x3FB1] =	sst s4  }
0xd: {  	[smem:$0x3FB2] =	sst s5  }
0xe: {  	[smem:$0x3FB3] =	sst s6  }
0xf: {  	[smem:$0x3FB4] =	sst s7  }
0x10: {  	[smem:$0x3FB5] =	sst s8  }
0x11: {  	[smem:$0x3FB6] =	sst s9;
	s0 =	simm.s32 @!p0 $0x0  }
0x12: {  	s1 =	sld [smem:$0x3F9C];
	s0 =	simm.s32 @p0 $0x1  }
0x13: {  	[smem:$0x3FB7] =	sst s0;
	s0 =	simm.s32 @!p1 $0x0  }
0x14: {  	s2 =	sld [smem:$0x3F9B];
	s0 =	simm.s32 @p1 $0x1  }
0x15: {  	[smem:$0x3FB8] =	sst s0;
	s0 =	simm.s32 @!p2 $0x0  }
0x16: {  	s3 =	sld [smem:$0x3FDB];
	s0 =	simm.s32 @p2 $0x1  }
0x17: {  	s4 =	simm.s32 $0x1BF5;
	[smem:$0x3FBA] =	sst s0  }
0x18: {  	s0 =	sld [smem:$0x3F9D];
	_ =	swait.ge [sflag:s4], $0x0  }
0x19: {  	s7 =	sld [smem:$0x3F9E]  }
0x1a: {  	s8 =	sadd.s32 $0xFFFFE003, lr  }
0x1b: {  	s9 =	sadd.s32 $0xFFFFFEF7, lr;
	s5 =	simm.s32 $0xFFFFFFFF;
	p2 =	slt.u32 s8, $0xFFFFF086  }
0x1c: {  	p1 =	slt.u32 s9, $0xF7A;
	s5 =	simm.s32 @!p2 $0x0  }
0x1d: {  	s5 =	simm.s32 @p1 $0x1;
	p0 =	seq.s32 s7, s2  }
0x1e: {  	s7 =	smul.u32 @!p0 $0xF7A, s2;
	p2 =	seq.s32 @!p0 s5, $0x0  }
0x1f: {  	s9 =	smul.u32 $0xF7A, s1;
	s8 =	simm.s32 @!p0 $0x1BF5;
	p2 =	por !p2, p0  }
0x20: {  	[sflag:s8] =	ssyncset.s32 @!p0 $0xFFFFF086;
	s6 =	sadd.s32 @!p0 s3, s7;
	s7 =	simm.s32 @!p0 $0x108  }
0x21: {  	s3 =	sadd.s32 s3, s9;
	s6 =	sadd.s32 @!p0 $0x88, s6;
	s7 =	simm.s32 @p2 $0x1082  }
0x22: {  	[simem:s7], [sflag:s8] =	dma.local @!p0 [hbm:s6], $0xF7A  }
0x23: {  	s9 =	sor.u32 $0xD0000000, s2;
	s6 =	simm.s32 $0x108;
	_ =	swait.ge @!p0 [sflag:s8], $0x0  }
0x24: {  	s3 =	sadd.s32 $0x88, s3;
	s6 =	simm.s32 @!p1 $0x1082;
	[sflag:s4] =	ssyncset.s32 $0xFFFFF086  }
0x25: {  	[simem:s6], [sflag:s4] =	dma.local [hbm:s3], $0xF7A  }
0x26: {  	[smem:$0x3F9E] =	sst s1;
	(tag) =	ssettag s2;
	_ =	strace s9  }
0x27: {  	s1 =	sld [smem:$0x3FAE]  }
0x28: {  	s2 =	sld [smem:$0x3FAF]  }
0x29: {  	s4 =	sld [smem:$0x3FB1]  }
0x2a: {  	p0 =	seq.s32 s5, $0x0;
	s5 =	sld [smem:$0x3FB2]  }
0x2b: {  	s6 =	sld [smem:$0x3FB3]  }
0x2c: {  	s7 =	sld [smem:$0x3FB4]  }
0x2d: {  	s3 =	simm.s32 $0x108;
	s8 =	sld [smem:$0x3FB5]  }
0x2e: {  	s3 =	simm.s32 @!p0 $0x1082;
	s9 =	sld [smem:$0x3FB6]  }
0x2f: {  	lr =	sadd.s32 s0, s3;
	s0 =	sld [smem:$0x3FAD]  }
0x30: {  	s3 =	sld [smem:$0x3FB0]  }
0x31: {  	[smem:$0x3FB9] =	sst s10  }
0x32: {  	s10 =	sld [smem:$0x3FB7];
	_ =	sdelay $0x3  }
0x33: {  	p0 =	seq.s32 s10, $0x1;
	s10 =	sld [smem:$0x3FB9];
	_ =	sdelay $0x3  }
0x34: {  	[smem:$0x3FB9] =	sst s10  }
0x35: {  	s10 =	sld [smem:$0x3FB8];
	_ =	sdelay $0x3  }
0x36: {  	p1 =	seq.s32 s10, $0x1;
	s10 =	sld [smem:$0x3FB9];
	_ =	sdelay $0x3  }
0x37: {  	[smem:$0x3FB9] =	sst s10  }
0x38: {  	s10 =	sld [smem:$0x3FBA]  }
0x39: {  	_ = 	snop;
	(pc) =	sbr.ind lr, $3  }
0x3a: {  	_ = 	snop  }
0x3b: {  	_ = 	snop  }
0x3c: {  	p2 =	seq.s32 s10, $0x1;
	s10 =	sld [smem:$0x3FB9]  }
0x3d: {  	_ =	shalt  }
0x3e: {  	_ =	shalt  }
0x3f: {  	_ =	shalt  }
0x40: {  	_ =	shalt  }
0x41: {  	_ =	shalt  }
0x42: {  	_ =	shalt  }
0x43: {  	_ =	shalt  }
0x44: {  	_ =	shalt  }
0x45: {  	_ =	shalt  }
0x46: {  	_ =	shalt  }
0x47: {  	_ =	shalt  }
0x48: {  	_ =	shalt  }
0x49: {  	_ =	shalt  }
0x4a: {  	_ =	shalt  }
0x4b: {  	_ =	shalt  }
0x4c: {  	_ =	shalt  }
0x4d: {  	_ =	shalt  }
0x4e: {  	_ =	shalt  }
0x4f: {  	_ =	shalt  }
0x50: {  	_ =	shalt  }
0x51: {  	_ =	shalt  }
0x52: {  	_ =	shalt  }
0x53: {  	_ =	shalt  }
0x54: {  	_ =	shalt  }
0x55: {  	_ =	shalt  }
0x56: {  	_ =	shalt  }
0x57: {  	_ =	shalt  }
0x58: {  	_ =	shalt  }
0x59: {  	_ =	shalt  }
0x5a: {  	_ =	shalt  }
0x5b: {  	_ =	shalt  }
0x5c: {  	_ =	shalt  }
0x5d: {  	_ =	shalt  }
0x5e: {  	_ =	shalt  }
0x5f: {  	_ =	shalt  }
0x60: {  	_ =	shalt  }
0x61: {  	_ =	shalt  }
0x62: {  	_ =	shalt  }
0x63: {  	_ =	shalt  }
0x64: {  	_ =	shalt  }
0x65: {  	_ =	shalt  }
0x66: {  	_ =	shalt  }
0x67: {  	_ =	shalt  }
0x68: {  	_ =	shalt  }
0x69: {  	_ =	shalt  }
0x6a: {  	_ =	shalt  }
0x6b: {  	_ =	shalt  }
0x6c: {  	_ =	shalt  }
0x6d: {  	_ =	shalt  }
0x6e: {  	_ =	shalt  }
0x6f: {  	_ =	shalt  }
0x70: {  	_ =	shalt  }
0x71: {  	_ =	shalt  }
0x72: {  	_ =	shalt  }
0x73: {  	_ =	shalt  }
0x74: {  	_ =	shalt  }
0x75: {  	_ =	shalt  }
0x76: {  	_ =	shalt  }
0x77: {  	_ =	shalt  }
0x78: {  	_ =	shalt  }
0x79: {  	_ =	shalt  }
0x7a: {  	_ =	shalt  }
0x7b: {  	_ =	shalt  }
0x7c: {  	_ =	shalt  }
0x7d: {  	_ =	shalt  }
0x7e: {  	_ =	shalt  }
0x7f: {  	_ =	shalt  }
0x80: {  	_ =	shalt  }
0x81: {  	_ =	shalt  }
0x82: {  	_ =	shalt  }
0x83: {  	_ =	shalt  }
0x84: {  	_ =	shalt  }
0x85: {  	_ =	shalt  }
0x86: {  	_ =	shalt  }
0x87: {  	_ =	shalt  }
.Lfunc_end0:
.L_simem_size_0:
called_computation_lowered:
.L_overlay_start_0:
0x88: {  	s2 =	sld [smem:$0x3FD9]  }
0x89: {  	s3 =	sld [smem:$0x3FFE];
	_ =	sdelay $0x1  }
0x8a: {  	s1 =	srdreg.scid  }
0x8b: {  	s0 =	sand.u32 $0x1, s1  }
0x8c: {  	s14 =	sshll.u32 s0, $0xA;
	s2 =	sadd.s32 s3, s2  }
0x8d: {  	s2 =	sadd.s32 s2, s14  }
0x8e: {  	[smem:$0x3FC5] =	sst s2  }
0x8f: {  	_ = 	snop  }
0x90: {  	s2 =	sld [smem:$0x3FD0];
	_ =	sdelay $0x2  }
0x91: {  	s15 =	simm.s32 $0xA;
	s4 =	simm.s32 $0x10  }
0x92: {  	[smem:s4], [sflag:s15] =	dma.local [hbm:s2], $0x1  }
0x93: {  	_ =	swait.eq [sflag:s15], $0x1  }
0x94: {  	[sflag:s15] =	ssyncset.done $0x0  }
0x95: {  	s16 =	sld [smem:$0x10];
	[sflag:s15] =	ssyncadd.s32 $0xFFFFFFFF  }
0x96: {  	s17 =	sld [smem:$0x12];
	(tm) =	ssettm $0x1  }
0x97: {  	s18 =	sld [smem:$0x3FFB];
	_ =	sdelay $0x3  }
0x98: {  	_ =	strace s18  }
0x99: {  	s4 =	sld [smem:$0x3FFC];
	_ =	sdelay $0x3  }
0x9a: {  	_ =	strace s4  }
0x9b: {  	s4 =	sld [smem:$0x3FFD];
	_ =	sdelay $0x3  }
0x9c: {  	_ =	strace s4  }
0x9d: {  	_ =	strace $0x8FFFFFFF  }
0x9e: {  	s19 =	sld [smem:$0x3FDB];
	_ =	sdelay $0x1  }
0x9f: {  	s5 =	simm.s32 $_scs_section_size  }
0xa0: {  	s6 =	simm.s32 $_size__tile_overlayer_lowered;
	s7 =	simm.s32 $_tile_overlayer_lowered  }
0xa1: {  	s22 =	simm.s32 $0x1BFF;
	s21 =	sshll.u32 s7, $0x1;
	s4 =	sadd.s32 s5, s19  }
0xa2: {  	s8 =	simm.s32 $0x0;
	s20 =	sshll.u32 s6, $0x1;
	s6 =	sadd.s32 s21, s4  }
0xa3: {  	[timem:s8], [sflag:s22] =	dma.local [hbm:s6], s20  }
0xa4: {  	_ =	swait.ge [sflag:s22], s20  }
0xa5: {  	s5 =	ssub.s32 $0x0, s20;
	[sflag:s22] =	ssyncset.done $0x0  }
0xa6: {  	[sflag:s22] =	ssyncadd.s32 s5;
	_ =	sdelay $0x1  }
0xa7: {  	s23 =	simm.s32 $0x1B8B  }
0xa8: {  	_ =	swait.ge [sflag:s23], $0x1  }
0xa9: {  	[sflag:s23] =	ssyncset.done $0x0  }
0xaa: {  	s25 =	simm.s32 $0x1B8E;
	s24 =	sld [smem:$0x3FFE];
	[sflag:s23] =	ssyncadd.s32 $0xFFFFFFFF  }
0xab: {  	s26 =	simm.s32 $execute0_lowered;
	[smem:$0x3FD2] =	sst s25  }
0xac: {  	s6 =	sshll.u32 s26, $0x1;
	_ =	strace $0x80000046;
	[dreg:$0x1] =	wrdreg $0xFFFFFFFF  }
0xad: {  	s28 =	simm.s32 $_size_execute0_lowered;
	s4 =	sadd.s32 s4, s6;
	[dreg:$0x0] =	wrdreg $0x0  }
0xae: {  	s6 =	sshll.u32 s28, $0x1;
	[dreg:$0x2] =	wrdreg s4  }
0xaf: {  	[dreg:$0x3] =	wrdreg s6  }
0xb0: {  	[dreg:$0x4] =	wrdreg $0xC0  }
0xb1: {  	_ =	task [dreg:s8], $0x5FFFF  }
0xb2: {  	[dreg:$0x1] =	wrdreg $0xFFFFFFFF  }
0xb3: {  	[dreg:$0x0] =	wrdreg $0x60  }
0xb4: {  	[dreg:$0x2] =	wrdreg s24  }
0xb5: {  	[dreg:$0x3] =	wrdreg s16  }
0xb6: {  	[dreg:$0x4] =	wrdreg s17  }
0xb7: {  	[dreg:$0x5] =	wrdreg $0x9  }
0xb8: {  	_ =	task.clear_ibuf [dreg:s8], $0x6FFFF;
	_ =	strace $0x90000046  }
0xb9: {  	s29 =	simm.s32 $0x9;
	_ =	strace $0x80000048  }
0xba: {  	_ =	swait.ge [sflag:s29], $0x1  }
0xbb: {  	[sflag:s29] =	ssyncadd.s32 $0xFFFFFFFF  }
0xbc: {  	_ =	strace $0x90000048  }
0xbd: {  	_ =	sfence  }
0xbe: {  	s30 =	sld [smem:$0x0];
	_ =	sdelay $0x2  }
0xbf: {  	s31 =	sshll.u32 s1, $0xD;
	s1 =	sshrl.u32 s1, $0x2  }
0xc0: {  	s3 =	sand.u32 $0x4000, s31;
	s1 =	sadd.s32 s1, s30  }
0xc1: {  	s0 =	sor.u32 s3, s0;
	s1 =	sshll.u32 s1, $0x11  }
0xc2: {  	s0 =	sor.u32 s1, s0  }
0xc3: {  	s0 =	sadd.s32 $0x8F2B, s0  }
0xc4: {  	[sflag:s0] =	ssyncadd.remote.s32 $0x1  }
0xc5: {  	_ =	sfence.sel $0xFFFF  }
0xc6: {  	[dreg:$0x0] =	wrdreg $0xFFFFFFFF;
	(pc) =	sbr.abs _section_cstart, $3  }
0xc7: {  	[dreg:$0x1] =	wrdreg $0xFFFFFFFF  }
0xc8: {  	_ =	task.clear_ibuf [dreg:s8], $0x2FFFF;
	_ =	strace $0x9FFFFFFF  }
0xc9: {  	(tm) =	ssettm $0x7FFFFFFF  }
tec
execute0_lowered:
.L_overlay_start_1:
0x0: {  	(tag) =	ssettag $0x1  }
0x1: {  	s1 =	stileid.u32  }
0x2: {  	p0 =	sgt.u32 s1, $0x3  }
.Ltmp0:
0x3: {  	s3 =	rddreg [dreg:$0x0];
	(pc) =	sbr.rel @p0 .LBB2_24-.Ltmp0, $4  }
0x4: {  	s6 =	rddreg [dreg:$0x1]  }
0x5: {  	s7 =	rddreg [dreg:$0x2];
	s2 =	simm.s32 $0x0  }
0x6: {  	[smem:$0x7FF] =	sst s2  }
0x7: {  	s0 =	rddreg [dreg:$0x3];
	_ =	strace $0x80000047  }
0x8: {  	s4 =	srdreg.scid  }
0x9: {  	s28 =	sshll.u32 s1, $0x1;
	s8 =	sand.u32 $0x1, s4  }
0xa: {  	s4 =	sor.u32 s8, s28  }
0xb: {  	s10 =	sadd.s32 $0x2600, s3;
	s15 =	simm.s32 $0x10500;
	s5 =	smul.u32 $0x271, s4  }
0xc: {  	s16 =	simm.s32 $0x10A00;
	s17 =	simm.s32 $0x10B40;
	s9 =	smul.u32 $0x9C8, s4  }
0xd: {  	s18 =	simm.s32 $0x0;
	s30 =	ssub.s32 $0x2, s8;
	s12 =	smul.u32 $0x28, s4  }
0xe: {  	s11 =	sshll.u32 s4, $0xA;
	s29 =	smul.u32 $0xA0, s4;
	s31 =	sshrl.u32 s30, $0x1  }
0xf: {  	s13 =	sadd.s32 s11, s3;
	s5 =	sadd.s32 s5, s3;
	s9 =	sadd.s32 s9, s3  }
.Ltmp1:
0x10: {  	s14 =	sadd.s32 s12, s3;
	s3 =	sadd.s32 $0x4600, s13;
	(pc) =	sbr.rel .LBB2_2-.Ltmp1, $4  }
0x11: {  	s6 =	sadd.s32 s6, s29;
	s7 =	sadd.s32 s7, s12;
	s12 =	ssub.s32 s30, s31  }
0x12: {  	s13 =	simm.s32 $0x1390;
	s4 =	sadd.s32 $0x1200, s5;
	s5 =	sadd.s32 $0x6600, s9  }
0x13: {  	v0 =	vimm.f32 $-1.000000000e+00;
	s8 =	sadd.s32 $0xB600, s14;
	s9 =	sadd.s32 s10, s11;
	s10 =	smax.u32 s12, $0x1  }
0x14: {  	v1 =	vimm.f32 $0.0e+00;
	v2 =	vimm.s32 $0xFFFFFFFF;
	vm0 =	vmxor vm0, vm0;
	s11 =	simm.s32 $0x7560;
	s12 =	simm.s32 $0x1;
	s14 =	simm.s32 $0x2720  }
.LBB2_23:
0x15: {  	[hbm4b:s6+s2] =	stream.linear.scatter [tilespmem:s15], [sflag:$0x1], $0x500, $0x38;
	[tilespmem:$0x10C80] =	vst v63  }
0x16: {  	_ =	swait.ge [sflag:s12], $0x500  }
0x17: {  	[sflag:s12] =	ssyncset.done $0x0  }
0x18: {  	[sflag:s12] =	ssyncadd.s32 $0xFFFFFB00  }
0x19: {  	[hbm4b:s7+s2] =	stream.linear.scatter [tilespmem:s16], [sflag:$0x1], $0x140, $0x38;
	[tilespmem:$0x10C80] =	vst v63  }
0x1a: {  	s18 =	sadd.s32 $0x1, s18;
	_ =	swait.ge [sflag:s12], $0x140  }
0x1b: {  	p0 =	sne.s32 s18, s10;
	[sflag:s12] =	ssyncset.done $0x0  }
.Ltmp2:
0x1c: {  	[sflag:s12] =	ssyncadd.s32 $0xFFFFFEC0;
	(pc) =	sbr.rel @!p0 .LBB2_24-.Ltmp2, $4  }
0x1d: {  	[hbm4b:s8+s2] =	stream.linear.scatter [tilespmem:s17], [sflag:$0x1], $0x140, $0x38;
	[tilespmem:$0x10C80] =	vst v63  }
0x1e: {  	_ =	swait.ge [sflag:s12], $0x140  }
0x1f: {  	[sflag:s12] =	ssyncset.done $0x0  }
0x20: {  	[sflag:s12] =	ssyncadd.s32 $0xFFFFFEC0  }
.LBB2_2:
0x21: {  	s19 =	simm.s32 $0x0  }
0x22: {  	[tilespmem:s11], [sflag:$0x1] =	stream.linear.gather [hbm4b:s9+s19], $0x13A0, $0x38;
	[tilespmem:$0x10C80] =	vst v63  }
0x23: {  	_ =	swait.ge [sflag:s12], $0x13A0  }
0x24: {  	[sflag:s12] =	ssyncset.done $0x0  }
0x25: {  	[sflag:s12] =	ssyncadd.s32 $0xFFFFEC60  }
0x26: {  	[tilespmem:s19], [sflag:$0x1] =	stream.linear.gather [hbm4b:s3+s19], $0x1390, $0x38;
	[tilespmem:$0x10C80] =	vst v63  }
0x27: {  	_ =	swait.ge [sflag:s12], $0x1390  }
0x28: {  	[sflag:s12] =	ssyncset.done $0x0  }
0x29: {  	[sflag:s12] =	ssyncadd.s32 $0xFFFFEC70  }
0x2a: {  	[tilespmem:s13], [sflag:$0x1] =	stream.linear.gather [hbm4b:s4+s19], $0x1388, $0x38;
	[tilespmem:$0x10C80] =	vst v63  }
0x2b: {  	_ =	swait.ge [sflag:s12], $0x1388  }
0x2c: {  	[sflag:s12] =	ssyncset.done $0x0  }
0x2d: {  	[sflag:s12] =	ssyncadd.s32 $0xFFFFEC78  }
0x2e: {  	[tilespmem:s14], [sflag:$0x1] =	stream.linear.gather [hbm4b:s5+s19], $0x4E40, $0x38;
	[tilespmem:$0x10C80] =	vst v63  }
0x2f: {  	_ =	swait.ge [sflag:s12], $0x4E40  }
0x30: {  	[sflag:s12] =	ssyncset.done $0x0  }
0x31: {  	s20 =	simm.s32 $0x40;
	s19 =	simm.s32 $0x0;
	[sflag:s12] =	ssyncadd.s32 $0xFFFFB1C0  }
.LBB2_3:
0x32: {  	p0 =	sne.s32 s20, $0x4C0;
	[tilespmem:s19+$0x103C0] =	vst v1;
	s21 =	smov.u32 s20;
	s20 =	sadd.s32 $0x40, s20  }
.Ltmp3:
0x33: {  	[tilespmem:s19+$0x10280] =	vst v0;
	(pc) =	sbr.rel @p0 .LBB2_3-.Ltmp3, $4  }
0x34: {  	[tilespmem:s19+$0x10140] =	vst v0  }
0x35: {  	[tilespmem:s19+$0xFEC0] =	vst v0  }
0x36: {  	[tilespmem:s19+$0x10000] =	vst v0  }
0x37: {  	s19 =	sshra.s32 s21, $0x2  }
0x38: {  	[tilespmem:s19+$0x103C0] =	vst v1  }
0x39: {  	[tilespmem:s19+$0x10280] =	vst v0  }
0x3a: {  	[tilespmem:s19+$0x10140] =	vst v0  }
0x3b: {  	[tilespmem:s19+$0xFEC0] =	vst v0  }
0x3c: {  	[tilespmem:s19+$0x10000] =	vst v0  }
0x3d: {  	[tilespmem:$0x10A00] =	vst v0  }
0x3e: {  	[tilespmem:$0x10B40] =	vst v2  }
0x3f: {  	[tilespmem:$0x10A10] =	vst v0  }
0x40: {  	[tilespmem:$0x10B50] =	vst v2  }
0x41: {  	[tilespmem:$0x10A20] =	vst v0  }
0x42: {  	[tilespmem:$0x10B60] =	vst v2  }
0x43: {  	[tilespmem:$0x10A30] =	vst v0  }
0x44: {  	[tilespmem:$0x10B70] =	vst v2  }
0x45: {  	[tilespmem:$0x10A40] =	vst v0  }
0x46: {  	[tilespmem:$0x10B80] =	vst v2  }
0x47: {  	[tilespmem:$0x10A50] =	vst v0  }
0x48: {  	[tilespmem:$0x10B90] =	vst v2  }
0x49: {  	[tilespmem:$0x10A60] =	vst v0  }
0x4a: {  	[tilespmem:$0x10BA0] =	vst v2  }
0x4b: {  	[tilespmem:$0x10A70] =	vst v0  }
0x4c: {  	[tilespmem:$0x10BB0] =	vst v2  }
0x4d: {  	[tilespmem:$0x10A80] =	vst v0  }
0x4e: {  	[tilespmem:$0x10BC0] =	vst v2  }
0x4f: {  	[tilespmem:$0x10A90] =	vst v0  }
0x50: {  	[tilespmem:$0x10BD0] =	vst v2  }
0x51: {  	[tilespmem:$0x10AA0] =	vst v0  }
0x52: {  	[tilespmem:$0x10BE0] =	vst v2  }
0x53: {  	[tilespmem:$0x10AB0] =	vst v0  }
0x54: {  	[tilespmem:$0x10BF0] =	vst v2  }
0x55: {  	[tilespmem:$0x10AC0] =	vst v0  }
0x56: {  	[tilespmem:$0x10C00] =	vst v2  }
0x57: {  	[tilespmem:$0x10AD0] =	vst v0  }
0x58: {  	[tilespmem:$0x10C10] =	vst v2  }
0x59: {  	[tilespmem:$0x10AE0] =	vst v0  }
0x5a: {  	[tilespmem:$0x10C20] =	vst v2  }
0x5b: {  	[tilespmem:$0x10AF0] =	vst v0  }
0x5c: {  	[tilespmem:$0x10C30] =	vst v2  }
0x5d: {  	[tilespmem:$0x10B00] =	vst v0  }
0x5e: {  	[tilespmem:$0x10C40] =	vst v2  }
0x5f: {  	[tilespmem:$0x10B10] =	vst v0  }
0x60: {  	[tilespmem:$0x10C50] =	vst v2  }
0x61: {  	[tilespmem:$0x10B20] =	vst v0  }
0x62: {  	[tilespmem:$0x10C60] =	vst v2  }
0x63: {  	[tilespmem:$0x10B30] =	vst v0  }
0x64: {  	s19 =	simm.s32 $0x40;
	s20 =	simm.s32 $0x0;
	[tilespmem:$0x10C70] =	vst v2  }
.LBB2_5:
0x65: {  	p0 =	sne.s32 s19, $0x13C0;
	[tilespmem:s20+$0x10500] =	vst v0;
	s20 =	smov.u32 s19;
	s19 =	sadd.s32 $0x40, s19  }
.Ltmp4:
0x66: {  	(pc) =	sbr.rel @p0 .LBB2_5-.Ltmp4, $2  }
0x67: {  	_ =	sdelay $0x2  }
0x68: {  	s20 =	sshra.s32 s20, $0x2  }
0x69: {  	[tilespmem:s20+$0x10500] =	vst v0;
	s19 =	simm.s32 $0x0  }
0x6a: {  	v3 =	vld [tilespmem:s19+$0x0];
	_ =	sdelay $0x7  }
0x6b: {  	v4 =	vld.idx.msk [tilespmem:v3+s13+$0x0], $0xffff  }
0x6c: {  	v5 =	vadd.s32 $0x3AB0, v3  }
0x6d: {  	v6 =	vadd.s32 $0x2720, v3;
	_ =	sdelay $0x1  }
0x6e: {  	v7 =	vadd.s32 $0x1390, v3  }
0x6f: {  	[tilespmem:s19+$0x8900] =	vst v4  }
0x70: {  	v5 =	vld.idx.msk [tilespmem:v5+s14+$0x0], $0xffff  }
0x71: {  	v4 =	vld.idx.msk [tilespmem:v6+s14+$0x0], $0xffff  }
0x72: {  	v6 =	vld.idx.msk [tilespmem:v3+s14+$0x0], $0xffff  }
0x73: {  	v7 =	vld.idx.msk [tilespmem:v7+s14+$0x0], $0xffff  }
0x74: {  	s20 =	simm.s32 $0x10  }
0x75: {  	v3 =	vld [tilespmem:s20+$0x0];
	[tilespmem:s19+$0xD780] =	vst v5  }
0x76: {  	[tilespmem:s19+$0xC3E0] =	vst v4  }
0x77: {  	[tilespmem:s19+$0x9CA0] =	vst v6  }
0x78: {  	s21 =	simm.s32 $0x80;
	v4 =	vsub.f32 v4, v6;
	[tilespmem:s19+$0xB040] =	vst v7;
	v5 =	vsub.f32 v5, v7  }
.LBB2_7:
0x79: {  	p0 =	sne.s32 s21, $0x4E00;
	s22 =	smov.u32 s21;
	s21 =	sadd.s32 $0x40, s21  }
0x7a: {  	v4 =	vmul.f32 v5, v4;
	_ =	sdelay $0x1  }
0x7b: {  	[tilespmem:s19+$0xEB20] =	vst v4;
	s19 =	smov.u32 s20  }
0x7c: {  	v4 =	vld.idx.msk [tilespmem:v3+s13+$0x0], $0xffff;
	_ =	sdelay $0x1  }
0x7d: {  	v5 =	vadd.s32 $0x3AB0, v3  }
0x7e: {  	v6 =	vadd.s32 $0x2720, v3  }
0x7f: {  	v7 =	vadd.s32 $0x1390, v3;
	_ =	sdelay $0x1  }
0x80: {  	[tilespmem:s19+$0x8900] =	vst v4  }
0x81: {  	v5 =	vld.idx.msk [tilespmem:v5+s14+$0x0], $0xffff  }
0x82: {  	v4 =	vld.idx.msk [tilespmem:v6+s14+$0x0], $0xffff  }
0x83: {  	v6 =	vld.idx.msk [tilespmem:v3+s14+$0x0], $0xffff  }
0x84: {  	v7 =	vld.idx.msk [tilespmem:v7+s14+$0x0], $0xffff;
	_ =	sdelay $0x1  }
.Ltmp5:
0x85: {  	s20 =	sshra.s32 s22, $0x2;
	(pc) =	sbr.rel @p0 .LBB2_7-.Ltmp5, $4  }
0x86: {  	v3 =	vld [tilespmem:s20+$0x0];
	[tilespmem:s19+$0xD780] =	vst v5  }
0x87: {  	[tilespmem:s19+$0xC3E0] =	vst v4  }
0x88: {  	v4 =	vsub.f32 v4, v6;
	[tilespmem:s19+$0x9CA0] =	vst v6  }
0x89: {  	v5 =	vsub.f32 v5, v7;
	[tilespmem:s19+$0xB040] =	vst v7  }
0x8a: {  	_ =	sdelay $0x1  }
0x8b: {  	v4 =	vmul.f32 v5, v4;
	_ =	sdelay $0x1  }
0x8c: {  	[tilespmem:s19+$0xEB20] =	vst v4  }
0x8d: {  	v4 =	vld.idx.msk [tilespmem:v3+s13+$0x0], $0xffff  }
0x8e: {  	v5 =	vadd.s32 $0x3AB0, v3  }
0x8f: {  	v6 =	vadd.s32 $0x2720, v3;
	_ =	sdelay $0x1  }
0x90: {  	v7 =	vadd.s32 $0x1390, v3  }
0x91: {  	[tilespmem:s20+$0x8900] =	vst v4  }
0x92: {  	v4 =	vld.idx.msk [tilespmem:v5+s14+$0x0], $0xffff  }
0x93: {  	v5 =	vld.idx.msk [tilespmem:v6+s14+$0x0], $0xffff  }
0x94: {  	v3 =	vld.idx.msk [tilespmem:v3+s14+$0x0], $0xffff  }
0x95: {  	v62 =	vld.idx.msk [tilespmem:v7+s14+$0x0], $0xffff;
	_ =	sdelay $0x4  }
0x96: {  	[tilespmem:s20+$0xD780] =	vst v4;
	v63 =	vsub.f32 v5, v3;
	v4 =	vsub.f32 v4, v62  }
0x97: {  	[tilespmem:s20+$0xC3E0] =	vst v5  }
0x98: {  	[tilespmem:s20+$0x9CA0] =	vst v3;
	v3 =	vmul.f32 v4, v63  }
0x99: {  	[tilespmem:s20+$0xB040] =	vst v62  }
0x9a: {  	[tilespmem:s20+$0xEB20] =	vst v3  }
0x9b: {  	v3 =	vld [tilespmem:$0x7560];
	_ =	sdelay $0x4  }
0x9c: {  	(v2sf) =	vpush v3, $0x0;
	_ =	sdelay $0xe  }
0x9d: {  	s31 =	spop (v2sf)  }
0x9e: {  	p0 =	slt.f32 s31, $-Inf;
	p1 =	sgt.f32 s31, $-Inf  }
0x9f: {  	_ = 	snop  }
0xa0: {  	p0 =	por p1, p0  }
0xa1: {  	p0 =	por !p0, !p0  }
.Ltmp6:
0xa2: {  	_ = 	snop;
	(pc) =	sbr.rel @!p0 .LBB2_9-.Ltmp6, $4  }
.Ltmp7:
0xa3: {  	_ = 	snop;
	(pc) =	sbr.rel @p0 .LBB2_23-.Ltmp7, $4  }
0xa4: {  	_ = 	snop  }
0xa5: {  	_ = 	snop  }
0xa6: {  	s19 =	simm.s32 $0x0;
	s20 =	simm.s32 $0x0  }
0xa7: {  	_ = 	snop  }
.LBB2_10:
0xa8: {  	v9 =	vimm.f32 $0.0e+00  }
.LBB2_22:
0xa9: {  	(xrf0) =	vmax.scan.msk.f32 $0xffff, v9;
	_ =	sdelay $0x5  }
0xaa: {  	v9, _, _ =	vpop (xrf0)  }
0xab: {  	(v2sf) =	vpush v9, $0xF;
	_ =	sdelay $0xe  }
0xac: {  	s21 =	spop (v2sf)  }
0xad: {  	p0 =	sgt.f32 s21, $0.0e+00;
	_ =	sdelay $0x1  }
0xae: {  	v9 =	vmov @!p0 s19;
	_ =	sdelay $0x2  }
0xaf: {  	v10 =	vbroadcast @!p0 v4, $0x0  }
0xb0: {  	v11 =	vld [tilespmem:s20+$0x8900];
	s21 =	simm.s32 @!p0 $0xFEC0;
	v8 =	vbroadcast @!p0 v8, $0x0  }
0xb1: {  	v7 =	vbroadcast @!p0 v7, $0x0;
	[tilespmem:v9+s21+$0x0] =	vst.idx.msk @!p0 $0x1, v10;
	s21 =	simm.s32 @!p0 $0x10000  }
0xb2: {  	v6 =	vbroadcast @!p0 v6, $0x0;
	s22 =	sshll.u32 @!p0 s19, $0x2;
	v10 =	vlaneseq.u32 @!p0;
	[tilespmem:v9+s21+$0x0] =	vst.idx.msk @!p0 $0x1, v8;
	s21 =	simm.s32 @!p0 $0x10140  }
0xb3: {  	v5 =	vbroadcast @!p0 v5, $0x0;
	v10 =	vadd.s32 @!p0 s22, v10;
	[tilespmem:v9+s21+$0x0] =	vst.idx.msk @!p0 $0x1, v7;
	s21 =	simm.s32 @!p0 $0x10280  }
0xb4: {  	v3 =	vbroadcast @!p0 v3, $0x0;
	vm1 =	vcmask @!p0 $0x3F0C;
	[tilespmem:v9+s21+$0x0] =	vst.idx.msk @!p0 $0x1, v6;
	s21 =	simm.s32 @!p0 $0x103C0  }
0xb5: {  	v6 =	vsel @!p0 vm1, v6, v7;
	vm1 =	vcmask @!p0 $0x3F08;
	[tilespmem:v9+s21+$0x0] =	vst.idx.msk @!p0 $0x1, v5;
	s21 =	simm.s32 @!p0 $0x10A00;
	v5 =	vbroadcast @!p0 v11, $0x0  }
0xb6: {  	vm2 =	vmmov @!p0 $0x1;
	[tilespmem:v9+s21+$0x0] =	vst.idx.msk @!p0 $0x1, v3;
	s21 =	simm.s32 @!p0 $0x10B40;
	v3 =	vsel @!p0 vm1, v6, v8  }
0xb7: {  	[tilespmem:v9+s21+$0x0] =	vst.idx.msk @!p0 $0x1, v5;
	v3 =	vsel @!p0 vm2, v4, v3;
	s21 =	simm.s32 @!p0 $0x10500  }
0xb8: {  	[tilespmem:v10+s21+$0x0] =	vst.idx.msk @!p0 $0xf, v3  }
0xb9: {  	v3 =	vld [tilespmem:s20+$0x7561];
	_ =	sdelay $0x4  }
0xba: {  	(v2sf) =	vpush v3, $0x0;
	_ =	sdelay $0xa  }
0xbb: {  	p0 =	por !p0, !p0;
	s21 =	simm.s32 $0x1  }
0xbc: {  	s21 =	simm.s32 @!p0 $0x0  }
0xbd: {  	p0 =	sgt.u32 s20, $0x1386;
	s19 =	sadd.s32 s21, s19  }
0xbe: {  	p1 =	sgt.u32 @!p0 s19, $0x12B  }
0xbf: {  	p0 =	por p0, p1;
	s21 =	spop (v2sf)  }
0xc0: {  	p1 =	sgt.f32 @!p0 s21, $-Inf;
	_ =	sdelay $0x1  }
0xc1: {  	p0 =	por p0, !p1  }
.Ltmp8:
0xc2: {  	_ = 	snop;
	(pc) =	sbr.rel @p0 .LBB2_23-.Ltmp8, $2  }
0xc3: {  	_ =	sdelay $0x2  }
0xc4: {  	s20 =	sadd.s32 $0x1, s20  }
.LBB2_9:
0xc5: {  	s21 =	sadd.s32 $0x1F, s19  }
0xc6: {  	s21 =	sshrl.u32 s21, $0x5  }
0xc7: {  	p0 =	seq.s32 s21, $0x0  }
.Ltmp9:
0xc8: {  	v4 =	vld [tilespmem:s20+$0x9CA0];
	(pc) =	sbr.rel @p0 .LBB2_10-.Ltmp9, $4  }
0xc9: {  	v8 =	vld [tilespmem:s20+$0xB040]  }
0xca: {  	v7 =	vld [tilespmem:s20+$0xC3E0]  }
0xcb: {  	v6 =	vld [tilespmem:s20+$0xD780]  }
0xcc: {  	v5 =	vld [tilespmem:s20+$0xEB20]  }
0xcd: {  	s22 =	simm.s32 $0xFED0  }
0xce: {  	s23 =	simm.s32 $0x10290;
	v31 =	vld [tilespmem:s22+$0x0]  }
0xcf: {  	s24 =	simm.s32 $0x10150;
	v14 =	vld [tilespmem:s23+$0x0]  }
0xd0: {  	s25 =	simm.s32 $0x10010;
	v15 =	vld [tilespmem:s24+$0x0]  }
0xd1: {  	v16 =	vld [tilespmem:s25+$0xFFFFFFF0]  }
0xd2: {  	p3 =	sne.s32 s21, $0x1;
	v18 =	vld [tilespmem:s25+$0x0]  }
.Ltmp10:
0xd3: {  	v13 =	vld [tilespmem:s22+$0xFFFFFFF0];
	(pc) =	sbr.rel @!p3 .LBB2_12-.Ltmp10, $4  }
0xd4: {  	v10 =	vbroadcast v4, $0x0;
	s31 =	simm.s32 $0x103D0;
	v21 =	vld [tilespmem:s24+$0xFFFFFFF0]  }
0xd5: {  	v17 =	vbroadcast v8, $0x0;
	v20 =	vld [tilespmem:s31+$0x0];
	v11 =	vbroadcast v6, $0x0  }
0xd6: {  	s21 =	sadd.s32 $0xFFFFFFFF, s21;
	p0 =	por $0x0, $0x0;
	v26 =	vld [tilespmem:s23+$0xFFFFFFF0];
	v12 =	vbroadcast v7, $0x0;
	v9 =	vbroadcast v5, $0x0  }
0xd7: {  	p1 =	por $0x0, $0x0;
	p2 =	por $0x0, $0x0;
	s22 =	simm.s32 $0xFEF0;
	v22 =	vld [tilespmem:s31+$0xFFFFFFF0];
	v14 =	vmin.f32 v14, v11;
	v23 =	vmax.f32 v16, v17;
	v18 =	vmax.f32 v18, v17  }
0xd8: {  	v19 =	vld [tilespmem:s22+$0x0];
	s23 =	simm.s32 $0x102B0  }
0xd9: {  	s24 =	simm.s32 $0x10170;
	v28 =	vld [tilespmem:s23+$0x0]  }
0xda: {  	v16 =	vmin.f32 v15, v12;
	s25 =	simm.s32 $0x10030;
	v15 =	vld [tilespmem:s24+$0x0]  }
0xdb: {  	v24 =	vmax.f32 v31, v10;
	v29 =	vld [tilespmem:s25+$0xFFFFFFF0]  }
0xdc: {  	v18 =	vsub.f32 v14, v18;
	p3 =	sne.s32 s21, $0x1;
	v16 =	vsub.f32 v16, v24;
	v30 =	vld [tilespmem:s25+$0x0];
	v21 =	vmin.f32 v21, v12  }
.Ltmp11:
0xdd: {  	v24 =	vadd.f32 v20, v9;
	v25 =	vmin.f32 v26, v11;
	v26 =	vmax.f32 v13, v10;
	v13 =	vld [tilespmem:s22+$0xFFFFFFF0];
	(pc) =	sbr.rel @!p3 .LBB2_14-.Ltmp11, $4  }
0xde: {  	v20 =	vsub.f32 v25, v23;
	v23 =	vsub.f32 v21, v26;
	v21 =	vld [tilespmem:s24+$0xFFFFFFF0]  }
0xdf: {  	s31 =	simm.s32 $0x103F0;
	v33 =	vmax.f32 v18, $0.0e+00;
	v27 =	vmax.f32 v16, $0.0e+00;
	v25 =	vadd.f32 v22, v9;
	v26 =	vld [tilespmem:s23+$0xFFFFFFF0]  }
0xe0: {  	v22 =	vld [tilespmem:s31+$0xFFFFFFF0];
	v16 =	vmax.f32 v20, $0.0e+00;
	v14 =	vmin.f32 v28, v11;
	v28 =	vmax.f32 v23, $0.0e+00  }
0xe1: {  	s21 =	sadd.s32 $0xFFFFFFFF, s21;
	p0 =	por $0x1, $0x1;
	s22 =	simm.s32 $0xFF10;
	v20 =	vld [tilespmem:s31+$0x0];
	v23 =	vmax.f32 v29, v17;
	v18 =	vmax.f32 v30, v17;
	v16 =	vmul.f32 v16, v28  }
0xe2: {  	v31 =	vld [tilespmem:s22+$0x0];
	s23 =	simm.s32 $0x102D0  }
0xe3: {  	v28 =	vmin.f32 v15, v12;
	s24 =	simm.s32 $0x10190;
	v29 =	vld [tilespmem:s23+$0x0]  }
0xe4: {  	v30 =	vmax.f32 v19, v10;
	s25 =	simm.s32 $0x10050;
	v19 =	vmul.f32 v33, v27;
	v15 =	vld [tilespmem:s24+$0x0];
	v25 =	vsub.f32 v25, v16  }
0xe5: {  	v18 =	vsub.f32 v14, v18;
	v21 =	vmin.f32 v21, v12;
	v27 =	vsub.f32 v28, v30;
	v28 =	vld [tilespmem:s25+$0xFFFFFFF0]  }
0xe6: {  	s31 =	simm.s32 $0x10410;
	p3 =	sne.s32 s21, $0x1;
	v30 =	vld [tilespmem:s25+$0x0];
	v24 =	vsub.f32 v24, v19;
	(erf) = vrcp.f32 v25;
	v25 =	vadd.f32 v22, v9  }
.Ltmp12:
0xe7: {  	v22 =	vld [tilespmem:s31+$0xFFFFFFF0];
	v34 =	vadd.f32 v20, v9;
	v20 =	vmin.f32 v26, v11;
	v26 =	vmax.f32 v13, v10;
	(pc) =	sbr.rel @!p3 .LBB2_16-.Ltmp12, $4  }
0xe8: {  	v13 =	vld [tilespmem:s22+$0xFFFFFFF0];
	v20 =	vsub.f32 v20, v23;
	v23 =	vsub.f32 v21, v26  }
0xe9: {  	v33 =	vmax.f32 v18, $0.0e+00;
	v27 =	vmax.f32 v27, $0.0e+00;
	(erf) = vrcp.f32 v24;
	v21 =	vld [tilespmem:s24+$0xFFFFFFF0]  }
0xea: {  	v26 =	vld [tilespmem:s23+$0xFFFFFFF0];
	v14 =	vmin.f32 v29, v11;
	v32 =	vmax.f32 v20, $0.0e+00;
	v24 =	vmax.f32 v23, $0.0e+00  }
0xeb: {  	p1 =	por $0x1, $0x1;
	s25 =	sadd.s32 $0xFFFFFFFF, s21;
	s24 =	simm.s32 $0xFF30;
	v18 =	vmax.f32 v30, v17;
	v20 =	vld [tilespmem:s31+$0x0];
	v23 =	vmax.f32 v28, v17;
	v28 =	vmul.f32 v32, v24  }
0xec: {  	_ = 	snop  }
0xed: {  	v32 =	vld [tilespmem:s24+$0x0];
	v24 =	vmax.f32 v31, v10;
	s21 =	simm.s32 $0x102F0;
	v30 =	vmin.f32 v15, v12  }
0xee: {  	v29 =	vmul.f32 v33, v27;
	s23 =	simm.s32 $0x10070;
	v18 =	vsub.f32 v14, v18;
	v31 =	vld [tilespmem:s21+$0x0];
	v25 =	vsub.f32 v25, v28  }
0xef: {  	vm1 =	vmmov vm0;
	v27 =	vsub.f32 v30, v24;
	v30 =	vld [tilespmem:s23+$0xFFFFFFF0];
	v21 =	vmin.f32 v21, v12  }
0xf0: {  	s22 =	simm.s32 $0x101B0;
	v63 =	vld [tilespmem:s23+$0x0];
	v26 =	vmin.f32 v26, v11;
	v24 =	vadd.f32 v20, v9;
	v20 =	vpop (erf);
	(erf) = vrcp.f32 v25  }
0xf1: {  	p3 =	sne.s32 s25, $0x1;
	v15 =	vld [tilespmem:s22+$0x0];
	v33 =	vsub.f32 v34, v29;
	v25 =	vmax.f32 v13, v10;
	v23 =	vsub.f32 v26, v23  }
.Ltmp13:
0xf2: {  	v27 =	vmax.f32 v27, $0.0e+00;
	v13 =	vld [tilespmem:s24+$0xFFFFFFF0];
	v35 =	vmul.f32 v20, v16;
	v26 =	vsub.f32 v21, v25;
	(pc) =	sbr.rel @!p3 .LBB2_18-.Ltmp13, $4  }
0xf3: {  	s24 =	simm.s32 $0x10430;
	v25 =	vadd.f32 v22, v9;
	v21 =	vld [tilespmem:s22+$0xFFFFFFF0];
	v22 =	vpop (erf);
	v36 =	vmax.f32 v23, $0.0e+00;
	(erf) = vrcp.f32 v33  }
0xf4: {  	v20 =	vld [tilespmem:s24+$0x0];
	v14 =	vmin.f32 v31, v11;
	v23 =	vmax.f32 v30, v17;
	v37 =	vmul.f32 v22, v19  }
0xf5: {  	v33 =	vmax.f32 v18, $0.0e+00;
	v18 =	vmax.f32 v63, v17;
	v31 =	vmax.f32 v26, $0.0e+00;
	v26 =	vld [tilespmem:s21+$0xFFFFFFF0]  }
0xf6: {  	s25 =	sadd.s32 $0xFFFFFFFF, s25;
	s26 =	simm.s32 $0xFF50;
	p2 =	por $0x1, $0x1;
	vm2 =	vgt.f32 v35, $5.000000000e-01;
	v22 =	vld [tilespmem:s24+$0xFFFFFFF0];
	v30 =	vmul.f32 v36, v31;
	vm3 =	vgt.f32 v37, $5.000000000e-01  }
.LBB2_19:
0xf7: {  	v36 =	vmax.f32 v32, v10;
	v32 =	vld [tilespmem:s26+$0x0];
	v34 =	vmin.f32 v15, v12;
	s23 =	sadd.s32 $0x20, s23;
	s22 =	sadd.s32 $0x20, s22;
	s21 =	sadd.s32 $0x20, s21;
	vm2 =	vmor vm2, vm3  }
0xf8: {  	p3 =	sne.s32 s25, $0x1;
	s25 =	sadd.s32 $0xFFFFFFFF, s25;
	v33 =	vmul.f32 v33, v27;
	v35 =	vld [tilespmem:s21+$0x0];
	v21 =	vmin.f32 v21, v12;
	v25 =	vsub.f32 v25, v30  }
0xf9: {  	v27 =	vsub.f32 v34, v36;
	vm1 =	vmor vm1, vm2;
	v15 =	vld [tilespmem:s22+$0x0];
	v20 =	vadd.f32 v20, v9;
	v31 =	vpop (erf)  }
0xfa: {  	v36 =	vsub.f32 v24, v33;
	v34 =	vld [tilespmem:s23+$0xFFFFFFF0];
	v26 =	vmin.f32 v26, v11;
	(erf) = vrcp.f32 v25  }
0xfb: {  	v25 =	vmax.f32 v13, v10;
	v31 =	vmul.f32 v31, v28;
	v37 =	vld [tilespmem:s23+$0x0];
	v23 =	vsub.f32 v26, v23;
	v24 =	vmovc v20  }
.Ltmp14:
0xfc: {  	v27 =	vmax.f32 v27, $0.0e+00;
	v26 =	vsub.f32 v21, v25;
	v25 =	vadd.f32 v22, v9;
	v13 =	vld [tilespmem:s26+$0xFFFFFFF0];
	v22 =	vpop (erf);
	(pc) =	sbr.rel @p3 .LBB2_19-.Ltmp14, $4  }
0xfd: {  	v18 =	vsub.f32 v14, v18;
	s24 =	sadd.s32 $0x20, s24;
	v28 =	vmovc v30;
	v21 =	vld [tilespmem:s22+$0xFFFFFFF0];
	v38 =	vmax.f32 v23, $0.0e+00;
	(erf) = vrcp.f32 v36  }
0xfe: {  	v14 =	vmin.f32 v35, v11;
	v30 =	vmax.f32 v26, $0.0e+00;
	v35 =	vmul.f32 v22, v29;
	v29 =	vmovc v33;
	v20 =	vld [tilespmem:s24+$0x0]  }
0xff: {  	vm2 =	vgt.f32 v31, $5.000000000e-01;
	v33 =	vmax.f32 v18, $0.0e+00;
	v23 =	vmax.f32 v34, v17;
	v26 =	vld [tilespmem:s21+$0xFFFFFFF0]  }
0x100: {  	s26 =	sadd.s32 $0x20, s26;
	v30 =	vmul.f32 v38, v30;
	vm3 =	vgt.f32 v35, $5.000000000e-01;
	v22 =	vld [tilespmem:s24+$0xFFFFFFF0];
	v18 =	vmax.f32 v37, v17  }
0x101: {  	v31 =	vmov v32  }
.LBB2_21:
0x102: {  	v17 =	vmax.f32 v31, v10  }
0x103: {  	v15 =	vmin.f32 v15, v12;
	v59 =	vmin.f32 v21, v12;
	v21 =	vsub.f32 @p0 v25, v30  }
0x104: {  	v25 =	vmul.f32 @p0 v33, v27;
	v10 =	vmax.f32 v13, v10;
	v60 =	vsub.f32 v14, v18  }
0x105: {  	v15 =	vsub.f32 v15, v17;
	v10 =	vsub.f32 v59, v10;
	v11 =	vmin.f32 v26, v11  }
0x106: {  	v12 =	vsub.f32 @p0 v24, v25;
	v11 =	vsub.f32 v11, v23  }
0x107: {  	(erf) = vrcp.f32 @p0 v21;
	v13 =	vmax.f32 v60, $0.0e+00;
	v61 =	vadd.f32 v22, v9  }
0x108: {  	v10 =	vmax.f32 v10, $0.0e+00;
	v15 =	vmax.f32 v15, $0.0e+00;
	v11 =	vmax.f32 v11, $0.0e+00  }
0x109: {  	v9 =	vadd.f32 v20, v9;
	v10 =	vmul.f32 v11, v10;
	v11 =	vmul.f32 v13, v15;
	_ =	sdelay $0x1  }
0x10a: {  	(erf) = vrcp.f32 @p0 v12;
	v9 =	vsub.f32 v9, v11  }
0x10b: {  	v62 =	vsub.f32 v61, v10;
	_ =	sdelay $0x1  }
0x10c: {  	(erf) = vrcp.f32 v62  }
0x10d: {  	(erf) = vrcp.f32 v9;
	v9 =	vpop @p1 (erf)  }
0x10e: {  	vm2 =	vmor @p2 vm2, vm3;
	v9 =	vmul.f32 @p1 v9, v28  }
0x10f: {  	v14 =	vmov @p0 v30;
	vm1 =	vmor @p2 vm1, vm2;
	v12 =	vpop @p1 (erf)  }
0x110: {  	v13 =	vpop @p0 (erf);
	v12 =	vmul.f32 @p1 v12, v29;
	vm2 =	vgt.f32 @p1 v9, $5.000000000e-01;
	v9 =	vpsel p0, v14, v16  }
0x111: {  	v15 =	vmov @p0 v25;
	v9 =	vmul.f32 @p0 v13, v9  }
0x112: {  	vm4 =	vmmov vm0;
	v14 =	vpop @p0 (erf);
	vm3 =	vgt.f32 @p1 v12, $5.000000000e-01;
	v12 =	vpsel p0, v15, v19  }
0x113: {  	vm2 =	vmmov @p1 vm2;
	vm3 =	vmmov @p1 vm3;
	v12 =	vmul.f32 @p0 v14, v12  }
0x114: {  	vm4 =	vmmov @p2 vm1;
	vm1 =	vmor @p1 vm2, vm3;
	vm2 =	vgt.f32 @p0 v9, $5.000000000e-01  }
0x115: {  	vm1 =	vmor @p1 vm4, vm1;
	vm3 =	vgt.f32 @p0 v12, $5.000000000e-01;
	vm4 =	vmmov vm0;
	v9 =	vpop (erf)  }
0x116: {  	vm2 =	vmmov @p0 vm2;
	vm3 =	vmmov @p0 vm3;
	vm4 =	vmmov @p1 vm1;
	v63 =	vpop (erf)  }
0x117: {  	v9 =	vmul.f32 v9, v10;
	vm1 =	vmor @p0 vm2, vm3;
	v10 =	vmul.f32 v63, v11  }
.Ltmp15:
0x118: {  	vm1 =	vmor @p0 vm4, vm1;
	(pc) =	sbr.rel .LBB2_22-.Ltmp15, $4  }
0x119: {  	vm4 =	vmmov vm0;
	vm2 =	vgt.f32 v9, $5.000000000e-01;
	vm3 =	vgt.f32 v10, $5.000000000e-01  }
0x11a: {  	vm4 =	vmmov @p0 vm1;
	vm1 =	vmor vm2, vm3  }
0x11b: {  	vm1 =	vmor vm4, vm1  }
0x11c: {  	v9 =	vsel vm1, $0x3F800000, v1  }
.LBB2_12:
.Ltmp16:
0x11d: {  	(pc) =	sbr.rel .LBB2_21-.Ltmp16, $2  }
0x11e: {  	_ =	sdelay $0x2  }
0x11f: {  	vm1 =	vmmov vm0  }
.LBB2_14:
.Ltmp17:
0x120: {  	(pc) =	sbr.rel .LBB2_21-.Ltmp17, $2  }
0x121: {  	_ =	sdelay $0x2  }
0x122: {  	v31 =	vmov v19;
	vm1 =	vmmov vm0;
	v30 =	vmov v16  }
.LBB2_16:
.Ltmp18:
0x123: {  	(pc) =	sbr.rel .LBB2_21-.Ltmp18, $2  }
0x124: {  	_ =	sdelay $0x2  }
0x125: {  	vm1 =	vmmov vm0;
	v24 =	vmovc v34;
	v29 =	vmovc v19;
	v30 =	vmov v28;
	v28 =	vmov v16  }
.LBB2_18:
.Ltmp19:
0x126: {  	(pc) =	sbr.rel .LBB2_21-.Ltmp19, $2  }
0x127: {  	_ =	sdelay $0x2  }
0x128: {  	v31 =	vmov v32;
	vm1 =	vmmov vm0  }
.LBB2_24:
0x129: {  	_ =	sfence.sel $0x180000  }
0x12a: {  	[bflag:$0x0] =	sbarrier.arrive $0xFFFF  }
0x12b: {  	p0 =	sne.s32 s1, $0x0;
	_ =	strace $0x90000047  }
0x12c: {  	s0 =	sadd.s32 @!p0 $0x100000, s0;
	[bflag:$0x2] =	sbarrier.arrive $0xFFFF  }
0x12d: {  	[sflag:s0] =	ssyncadd.tile.s32 @!p0 $0x1;
	_ =	shalt  }
.Lfunc_end2:
_tile_overlayer_lowered:
.L_overlay_start_2:
0x12e: {  	(tag) =	ssettag $0x2  }
0x12f: {  	s0 =	rddreg [dreg:$0x0];
	s2 =	stileid.u32  }
0x130: {  	s1 =	rddreg [dreg:$0x1];
	p0 =	sne.s32 s2, $0x0  }
0x131: {  	s3 =	rddreg [dreg:$0x2];
	[bflag:$0x3] =	sbarrier.arrive $0xFFFF;
	s2 =	simm.s32 @!p0 $0x1C01  }
0x132: {  	[timem:s3], [sflag:s2] =	dma.local @!p0 [hbm:s0], s1  }
0x133: {  	s0 =	simm.s32 @!p0 $0x1  }
0x134: {  	_ =	swait.ge @!p0 [sflag:s0], s1  }
0x135: {  	s1 =	ssub.s32 @!p0 $0x0, s1;
	[sflag:s0] =	ssyncset.done @!p0 $0x0  }
0x136: {  	[sflag:s0] =	ssyncadd.s32 @!p0 s1  }
0x137: {  	[bflag:$0x3] =	sbarrier.arrive $0xFFFF  }
0x138: {  	_ =	shalt  }

</sc_bundles>
